<compile_context>
chip_gen: v7x
topology: tpu7x:2x2x1
jax: 0.10.2.dev20260603
libtpu: 0.0.44.dev20260713+nightly
codegen_flags: <defaults>
</compile_context>

<pallas_src>
import functools

import jax
import jax.numpy as jnp
from jax import lax
from jax.experimental import pallas as pl
from jax.experimental.pallas import tpu as pltpu
from jax.experimental.pallas import tpu_sc as plsc

N = 10000
D = 128
E = 320000
K = 30

NC = 2
NS = 16
EPC = E // NC
EPW = EPC // NS
CH = 80
NIT = EPW // CH
NP = 10240
RPT = NP // NS
ZCH = 64
DegW = 16


def _leaky(x):
    return jnp.where(x >= 0, x, 0.01 * x)



def _seg_body(with_deg, *refs):
    if with_deg:
        (y_hbm, src_hbm, dst_hbm, z_hbm, zd_hbm, ones_hbm, out_hbm, deg_hbm,
         srcb, dstb, rows, stage, ones_v, dstage, acc_sh, dacc_sh,
         sem_g, sem_si, sem_di, sem_s, sem_sd) = refs
    else:
        (y_hbm, src_hbm, dst_hbm, z_hbm, out_hbm,
         srcb, dstb, rows, stage, acc_sh,
         sem_g, sem_si, sem_di, sem_s, sem_sd) = refs

    cid = lax.axis_index("c")
    sid = lax.axis_index("s")

    pltpu.sync_copy(z_hbm, stage)
    if with_deg:
        pltpu.sync_copy(zd_hbm, dstage)
        pltpu.sync_copy(ones_hbm, ones_v)
    for c in range(RPT // ZCH):
        pltpu.sync_copy(stage, acc_sh.at[pl.ds(sid * RPT + c * ZCH, ZCH)])
        if with_deg:
            pltpu.sync_copy(dstage,
                            dacc_sh.at[pl.ds(sid * RPT + c * ZCH, ZCH)])
    plsc.subcore_barrier()

    base0 = cid * EPC + sid * EPW

    pltpu.sync_copy(src_hbm.at[pl.ds(base0, CH)], srcb.at[0])
    pltpu.async_copy(dst_hbm.at[pl.ds(base0, CH)], dstb.at[0], sem_di.at[0])
    pltpu.async_copy(y_hbm.at[srcb.at[0]], rows.at[0], sem_g.at[0])
    pltpu.async_copy(src_hbm.at[pl.ds(base0 + CH, CH)], srcb.at[1],
                     sem_si.at[1])

    def body(it, carry):
        p = jnp.bitwise_and(it, 1)
        q = 1 - p

        @pl.when(it + 1 < NIT)
        def _():
            pltpu.make_async_copy(src_hbm.at[pl.ds(base0, CH)],
                                  srcb.at[q], sem_si.at[q]).wait()
            pltpu.async_copy(y_hbm.at[srcb.at[q]], rows.at[q], sem_g.at[q])
            pltpu.async_copy(dst_hbm.at[pl.ds(base0 + (it + 1) * CH, CH)],
                             dstb.at[q], sem_di.at[q])

        @pl.when(it + 2 < NIT)
        def _():
            pltpu.async_copy(src_hbm.at[pl.ds(base0 + (it + 2) * CH, CH)],
                             srcb.at[p], sem_si.at[p])

        pltpu.make_async_copy(y_hbm.at[srcb.at[p]], rows.at[p],
                              sem_g.at[p]).wait()
        pltpu.make_async_copy(dst_hbm.at[pl.ds(base0, CH)],
                              dstb.at[p], sem_di.at[p]).wait()
        pltpu.sync_copy(rows.at[p], acc_sh.at[dstb.at[p]], add=True)
        if with_deg:
            pltpu.sync_copy(ones_v, dacc_sh.at[dstb.at[p]], add=True)
        return carry

    lax.fori_loop(0, NIT, body, 0)
    plsc.subcore_barrier()

    for c in range(RPT // ZCH):
        o = sid * RPT + c * ZCH
        pltpu.sync_copy(acc_sh.at[pl.ds(o, ZCH)], stage)
        pltpu.sync_copy(stage, out_hbm.at[cid].at[pl.ds(o, ZCH)])
        if with_deg:
            pltpu.sync_copy(dacc_sh.at[pl.ds(o, ZCH)], dstage)
            pltpu.sync_copy(dstage, deg_hbm.at[cid].at[pl.ds(o, ZCH)])


def _make_seg_agg(with_deg):
    mesh = plsc.VectorSubcoreMesh(core_axis_name="c", subcore_axis_name="s",
                                  num_cores=NC, num_subcores=NS)
    out_type = [jax.ShapeDtypeStruct((NC, NP, D), jnp.float32)]
    scratch = [
        pltpu.VMEM((2, CH), jnp.int32),
        pltpu.VMEM((2, CH), jnp.int32),
        pltpu.VMEM((2, CH, D), jnp.float32),
        pltpu.VMEM((ZCH, D), jnp.float32),
    ]
    if with_deg:
        out_type.append(jax.ShapeDtypeStruct((NC, NP, DegW), jnp.float32))
        scratch += [
            pltpu.VMEM((CH, DegW), jnp.float32),
            pltpu.VMEM((ZCH, DegW), jnp.float32),
        ]
    scratch.append(pltpu.VMEM_SHARED((NP, D), jnp.float32))
    if with_deg:
        scratch.append(pltpu.VMEM_SHARED((NP, DegW), jnp.float32))
    scratch += [pltpu.SemaphoreType.DMA((2,))] * 5
    return pl.kernel(
        functools.partial(_seg_body, with_deg),
        out_type=out_type,
        mesh=mesh,
        scratch_types=scratch,
        compiler_params=pltpu.CompilerParams(use_tc_tiling_on_sc=False),
    )



_RB = 1000


def _dense_body(y_ref, a_ref, dp_ref, ws_ref, wn_ref, b_ref, o_ref):
    deg = dp_ref[0, :, 0:1] + dp_ref[1, :, 0:1]
    inv = 1.0 / jnp.maximum(deg, 1.0)
    mean = (a_ref[0] + a_ref[1]) * inv
    acc = jnp.dot(y_ref[...], ws_ref[...], preferred_element_type=jnp.float32)
    acc += jnp.dot(mean, wn_ref[...], preferred_element_type=jnp.float32)
    o_ref[...] = _leaky(acc + b_ref[...])


def _dense_layer(y, agg, degp, Ws, Wn, b):
    return pl.pallas_call(
        _dense_body,
        grid=(N // _RB,),
        in_specs=[
            pl.BlockSpec((_RB, D), lambda i: (i, 0)),
            pl.BlockSpec((NC, _RB, D), lambda i: (0, i, 0)),
            pl.BlockSpec((NC, _RB, DegW), lambda i: (0, i, 0)),
            pl.BlockSpec((D, D), lambda i: (0, 0)),
            pl.BlockSpec((D, D), lambda i: (0, 0)),
            pl.BlockSpec((1, D), lambda i: (0, 0)),
        ],
        out_specs=pl.BlockSpec((_RB, D), lambda i: (i, 0)),
        out_shape=jax.ShapeDtypeStruct((N, D), jnp.float32),
    )(y, agg, degp, Ws, Wn, b.reshape(1, D))



def _pool_body(y_ref, o_ref):
    ri = lax.broadcasted_iota(jnp.int32, (D, D), 0)
    ci = lax.broadcasted_iota(jnp.int32, (D, D), 1)
    eye = (ri == ci).astype(jnp.float32)
    cif = ci.astype(jnp.float32)
    keys0 = jnp.max(y_ref[...], axis=1, keepdims=True)
    node_iota = lax.broadcasted_iota(jnp.int32, (N, 1), 0)

    def body(i, keys):
        m = jnp.max(keys)
        sel = keys == m
        j = jnp.min(jnp.where(sel, node_iota, N))
        row = y_ref[pl.ds(j, 1), :]
        vcol = lax.dot_general(eye, row, (((1,), (1,)), ((), ())),
                               preferred_element_type=jnp.float32)
        less = (row < vcol).astype(jnp.float32)
        ties = ((row == vcol) & (ci < ri)).astype(jnp.float32)
        rank = jnp.sum(less + ties, axis=1, keepdims=True)
        onehot = (rank == cif).astype(jnp.float32)
        o_ref[pl.ds(i, 1), :] = jnp.sum(vcol * onehot, axis=0, keepdims=True)
        return jnp.where(node_iota == j, -jnp.inf, keys)

    lax.fori_loop(0, K, body, keys0)


def _sort_pool(y):
    return pl.pallas_call(
        _pool_body,
        out_shape=jax.ShapeDtypeStruct((K, D), jnp.float32),
    )(y)



_CL = K * D - 4
_CP = K * D


def _head_body(p5_ref, w1_ref, cw_ref, cb_ref, b1_ref, w2_ref, b2_ref, o_ref,
               acc_ref):
    o = pl.program_id(0)

    @pl.when(o == 0)
    def _():
        acc_ref[...] = b1_ref[...]

    p5 = p5_ref[...][:, :_CL]
    blk = w1_ref[0]
    part = jnp.dot(p5, blk, preferred_element_type=jnp.float32)
    sel8 = (lax.broadcasted_iota(jnp.int32, (8, 1), 0) == o).astype(jnp.float32)
    wrow = jnp.sum(cw_ref[...] * sel8, axis=0, keepdims=True)
    cb = jnp.sum(cb_ref[...] * sel8, axis=0, keepdims=True)
    acc_ref[...] += jnp.dot(wrow, part, preferred_element_type=jnp.float32)
    acc_ref[...] += cb * jnp.sum(blk, axis=0, keepdims=True)

    @pl.when(o == 7)
    def _():
        h = _leaky(acc_ref[...])
        o_ref[...] = (jnp.dot(h, w2_ref[...], preferred_element_type=jnp.float32)
                      + b2_ref[...])


def _head(p5, w1r, cw, cb, b1, w2p, b2p):
    return pl.pallas_call(
        _head_body,
        grid=(8,),
        in_specs=[
            pl.BlockSpec((5, _CP), lambda o: (0, 0)),
            pl.BlockSpec((1, _CL, D), lambda o: (o, 0, 0)),
            pl.BlockSpec((8, 5), lambda o: (0, 0)),
            pl.BlockSpec((8, 1), lambda o: (0, 0)),
            pl.BlockSpec((1, D), lambda o: (0, 0)),
            pl.BlockSpec((D, D), lambda o: (0, 0)),
            pl.BlockSpec((1, D), lambda o: (0, 0)),
        ],
        out_specs=pl.BlockSpec((1, D), lambda o: (0, 0)),
        out_shape=jax.ShapeDtypeStruct((1, D), jnp.float32),
        scratch_shapes=[pltpu.VMEM((1, D), jnp.float32)],
    )(p5, w1r, cw, cb, b1, w2p, b2p)



def kernel(x, edge_index, W_self_0, W_neigh_0, b_0, W_self_1, W_neigh_1, b_1,
           W_self_2, W_neigh_2, b_2, conv_w, conv_b, W_fc1, b_fc1, W_fc2, b_fc2):
    src = edge_index[0]
    dst = edge_index[1]
    z = jnp.zeros((ZCH, D), jnp.float32)
    zd = jnp.zeros((ZCH, DegW), jnp.float32)
    ones = jnp.ones((CH, DegW), jnp.float32)

    agg0, degp = _make_seg_agg(True)(x, src, dst, z, zd, ones)
    y = _dense_layer(x, agg0, degp, W_self_0, W_neigh_0, b_0)
    agg1, = _make_seg_agg(False)(y, src, dst, z)
    y = _dense_layer(y, agg1, degp, W_self_1, W_neigh_1, b_1)
    agg2, = _make_seg_agg(False)(y, src, dst, z)
    y = _dense_layer(y, agg2, degp, W_self_2, W_neigh_2, b_2)

    pooled = _sort_pool(y)

    flat = pooled.reshape(-1)
    flatp = jnp.concatenate([flat, jnp.zeros((4,), jnp.float32)])
    p5 = jnp.stack([lax.slice(flatp, (k,), (k + _CP,)) for k in range(5)])
    w1r = W_fc1.reshape(8, _CL, D)
    w2p = jnp.pad(W_fc2, ((0, 0), (0, D - 10)))
    b2p = jnp.pad(b_fc2, (0, D - 10)).reshape(1, D)
    out = _head(p5, w1r, conv_w[:, 0, :], conv_b.reshape(8, 1),
                b_fc1.reshape(1, D), w2p, b2p)
    return out[:, :10]

# --- scband reference (transcript-rebuilt; emitter-appended) ---
"""Pipeline reference for scband-dgcnn-51900384805423 (READ-ONLY COPY).

The authoritative reference and input builder live on the scoring server;
editing this copy changes nothing except your own understanding.
"""

import jax, jax.numpy as jnp
import numpy as np

N = 10000
D = 128
DIM1 = 128
R = 3
K = 30
NUM_CLASSES = 10
E = 320000


def leaky_relu(x):
    return jnp.where(x >= 0, x, 0.01 * x)


def sage_conv(x, src, dst, W_self, W_neigh, b, n_nodes):
    # DGL SAGEConv with 'mean' aggregator: fc_self(h) + fc_neigh(mean_{u in N(v)} h_u) + bias
    msg = x[src]
    agg = jax.ops.segment_sum(msg, dst, num_segments=n_nodes)
    deg = jax.ops.segment_sum(jnp.ones((src.shape[0],), dtype=x.dtype), dst, num_segments=n_nodes)
    mean = agg / jnp.maximum(deg, 1.0)[:, None]
    return x @ W_self + mean @ W_neigh + b


def sort_pool(y, k):
    # DGL SortPooling: sort each node's features ascending along feature dim,
    # rank nodes by their largest (last) channel, take top-k, flatten.
    feat = jnp.sort(y, axis=-1)
    keys = feat[:, -1]
    _, idx = jax.lax.top_k(keys, k)
    topk = feat[idx]
    return topk.reshape(1, -1)


def setup_inputs(seed: int = 0) -> dict:
    key = jax.random.key(seed)
    ks = jax.random.split(key, 16)
    x = jax.random.normal(ks[0], (N, D), dtype=jnp.float32)
    edge_index = jax.random.randint(ks[1], (2, E), 0, N)
    inp = {"x": x, "edge_index": edge_index}
    inp["W_self_0"] = jax.random.normal(ks[2], (D, DIM1), dtype=jnp.float32) * 0.05
    inp["W_neigh_0"] = jax.random.normal(ks[3], (D, DIM1), dtype=jnp.float32) * 0.05
    inp["b_0"] = jnp.zeros((DIM1,), dtype=jnp.float32)
    inp["W_self_1"] = jax.random.normal(ks[4], (DIM1, DIM1), dtype=jnp.float32) * 0.05
    inp["W_neigh_1"] = jax.random.normal(ks[5], (DIM1, DIM1), dtype=jnp.float32) * 0.05
    inp["b_1"] = jnp.zeros((DIM1,), dtype=jnp.float32)
    inp["W_self_2"] = jax.random.normal(ks[6], (DIM1, DIM1), dtype=jnp.float32) * 0.05
    inp["W_neigh_2"] = jax.random.normal(ks[7], (DIM1, DIM1), dtype=jnp.float32) * 0.05
    inp["b_2"] = jnp.zeros((DIM1,), dtype=jnp.float32)
    inp["conv_w"] = jax.random.normal(ks[8], (8, 1, 5), dtype=jnp.float32) * 0.05
    inp["conv_b"] = jnp.zeros((8,), dtype=jnp.float32)
    inp["W_fc1"] = jax.random.normal(ks[9], (8 * (K * DIM1 - 4), DIM1), dtype=jnp.float32) * 0.05
    inp["b_fc1"] = jnp.zeros((DIM1,), dtype=jnp.float32)
    inp["W_fc2"] = jax.random.normal(ks[10], (DIM1, NUM_CLASSES), dtype=jnp.float32) * 0.05
    inp["b_fc2"] = jnp.zeros((NUM_CLASSES,), dtype=jnp.float32)
    return inp


def reference(x, edge_index, W_self_0, W_neigh_0, b_0, W_self_1, W_neigh_1, b_1,
              W_self_2, W_neigh_2, b_2, conv_w, conv_b, W_fc1, b_fc1, W_fc2, b_fc2):
    src = edge_index[0]
    dst = edge_index[1]
    y = leaky_relu(sage_conv(x, src, dst, W_self_0, W_neigh_0, b_0, N))
    y = leaky_relu(sage_conv(y, src, dst, W_self_1, W_neigh_1, b_1, N))
    y = leaky_relu(sage_conv(y, src, dst, W_self_2, W_neigh_2, b_2, N))
    pooled = sort_pool(y, K)
    c = jax.lax.conv_general_dilated(pooled[:, None, :], conv_w, (1,), 'VALID',
                                     dimension_numbers=('NCH', 'OIH', 'NCH'))
    c = c + conv_b[None, :, None]
    em = c.reshape(1, -1)
    h = leaky_relu(em @ W_fc1 + b_fc1)
    return h @ W_fc2 + b_fc2

if __name__ == "__main__":
    import jax
    _d = setup_inputs()
    print(jax.jit(kernel)(*tuple(_d.values())))

</pallas_src>

<mosaic_0001>
#map = affine_map<(d0, d1) -> (0, 0)>
#map1 = affine_map<(d0, d1) -> (0)>
#map2 = affine_map<(d0, d1) -> (0, 0, 0)>
module attributes {stable_mosaic.version = 14 : i64} {
  func.func @_seg_body(%arg0: i32, %arg1: i32, %arg2: memref<10000x128xf32, #tpu.memory_space<hbm>>, %arg3: memref<320000xi32, #tpu.memory_space<hbm>>, %arg4: memref<320000xi32, #tpu.memory_space<hbm>>, %arg5: memref<64x128xf32, #tpu.memory_space<hbm>>, %arg6: memref<2x10240x128xf32, #tpu.memory_space<hbm>>, %arg7: memref<2x80xi32, #tpu.memory_space<vmem>>, %arg8: memref<2x80xi32, #tpu.memory_space<vmem>>, %arg9: memref<2x80x128xf32, #tpu.memory_space<vmem>>, %arg10: memref<64x128xf32, #tpu.memory_space<vmem>>, %arg11: memref<10240x128xf32, #tpu.memory_space<vmem_shared>>, %arg12: memref<2x!tpu.dma_semaphore, #tpu.memory_space<semaphore_mem>>, %arg13: memref<2x!tpu.dma_semaphore, #tpu.memory_space<semaphore_mem>>, %arg14: memref<2x!tpu.dma_semaphore, #tpu.memory_space<semaphore_mem>>, %arg15: memref<2x!tpu.dma_semaphore, #tpu.memory_space<semaphore_mem>>, %arg16: memref<2x!tpu.dma_semaphore, #tpu.memory_space<semaphore_mem>>) attributes {dimension_semantics = [#tpu.dimension_semantics<core_parallel>, #tpu.dimension_semantics<subcore_parallel>], iteration_bounds = array<i64: 2, 16>, scalar_prefetch = 0 : i64, scratch_operands = 10 : i64, tpu.core_type = #tpu.core_type<sc_vector_subcore>, window_params = [{transform_indices = #map}, {transform_indices = #map1}, {transform_indices = #map1}, {transform_indices = #map}, {transform_indices = #map2}]} {
    "tpu.region"() ({
      %run_scoped3A_129 = tpu.sem_alloc : memref<!tpu.dma_semaphore, #tpu.memory_space<semaphore_mem>>
      tpu.enqueue_dma source(%arg5 : memref<64x128xf32, #tpu.memory_space<hbm>>) target(%arg10 : memref<64x128xf32, #tpu.memory_space<vmem>>) target_semaphore(%run_scoped3A_129 : memref<!tpu.dma_semaphore, #tpu.memory_space<semaphore_mem>>)
      tpu.wait_dma2 semaphore(%run_scoped3A_129 : memref<!tpu.dma_semaphore, #tpu.memory_space<semaphore_mem>>) src(%arg5 : memref<64x128xf32, #tpu.memory_space<hbm>>) dst(%arg10 : memref<64x128xf32, #tpu.memory_space<vmem>>)
      tpu.yield
    }) : () -> ()
    %mul3A = arith.constant 640 : i32
    %mul3A_0 = arith.muli %arg1, %mul3A : i32
    %add3A = arith.constant 0 : i32
    %add3A_1 = arith.addi %mul3A_0, %add3A : i32
    "tpu.region"() ({
      %run_scoped3A_129 = tpu.sem_alloc : memref<!tpu.dma_semaphore, #tpu.memory_space<semaphore_mem>>
      %dma_start3A_130 = arith.constant 0 : i32
      %dma_start3A_131 = tpu.memref_slice %arg11[%add3A_1, %dma_start3A_130] : memref<10240x128xf32, #tpu.memory_space<vmem_shared>> -> memref<64x128xf32, #tpu.memory_space<vmem_shared>>
      %dma_start3A_132 = arith.constant 0 : i32
      %dma_start3A_133 = tpu.memref_slice %arg11[%add3A_1, %dma_start3A_132] : memref<10240x128xf32, #tpu.memory_space<vmem_shared>> -> memref<64x128xf32, #tpu.memory_space<vmem_shared>>
      tpu.enqueue_dma source(%arg10 : memref<64x128xf32, #tpu.memory_space<vmem>>) target(%dma_start3A_133 : memref<64x128xf32, #tpu.memory_space<vmem_shared>>) target_semaphore(%run_scoped3A_129 : memref<!tpu.dma_semaphore, #tpu.memory_space<semaphore_mem>>)
      %dma_wait3A = arith.constant 0 : i32
      %dma_wait3A_134 = tpu.memref_slice %arg11[%add3A_1, %dma_wait3A] : memref<10240x128xf32, #tpu.memory_space<vmem_shared>> -> memref<64x128xf32, #tpu.memory_space<vmem_shared>>
      %dma_wait3A_135 = arith.constant 0 : i32
      %dma_wait3A_136 = tpu.memref_slice %arg11[%add3A_1, %dma_wait3A_135] : memref<10240x128xf32, #tpu.memory_space<vmem_shared>> -> memref<64x128xf32, #tpu.memory_space<vmem_shared>>
      tpu.wait_dma2 semaphore(%run_scoped3A_129 : memref<!tpu.dma_semaphore, #tpu.memory_space<semaphore_mem>>) src(%arg10 : memref<64x128xf32, #tpu.memory_space<vmem>>) dst(%dma_wait3A_136 : memref<64x128xf32, #tpu.memory_space<vmem_shared>>)
      tpu.yield
    }) : () -> ()
    %mul3A_2 = arith.constant 640 : i32
    %mul3A_3 = arith.muli %arg1, %mul3A_2 : i32
    %add3A_4 = arith.constant 64 : i32
    %add3A_5 = arith.addi %mul3A_3, %add3A_4 : i32
    "tpu.region"() ({
      %run_scoped3A_129 = tpu.sem_alloc : memref<!tpu.dma_semaphore, #tpu.memory_space<semaphore_mem>>
      %dma_start3A_130 = arith.constant 0 : i32
      %dma_start3A_131 = tpu.memref_slice %arg11[%add3A_5, %dma_start3A_130] : memref<10240x128xf32, #tpu.memory_space<vmem_shared>> -> memref<64x128xf32, #tpu.memory_space<vmem_shared>>
      %dma_start3A_132 = arith.constant 0 : i32
      %dma_start3A_133 = tpu.memref_slice %arg11[%add3A_5, %dma_start3A_132] : memref<10240x128xf32, #tpu.memory_space<vmem_shared>> -> memref<64x128xf32, #tpu.memory_space<vmem_shared>>
      tpu.enqueue_dma source(%arg10 : memref<64x128xf32, #tpu.memory_space<vmem>>) target(%dma_start3A_133 : memref<64x128xf32, #tpu.memory_space<vmem_shared>>) target_semaphore(%run_scoped3A_129 : memref<!tpu.dma_semaphore, #tpu.memory_space<semaphore_mem>>)
      %dma_wait3A = arith.constant 0 : i32
      %dma_wait3A_134 = tpu.memref_slice %arg11[%add3A_5, %dma_wait3A] : memref<10240x128xf32, #tpu.memory_space<vmem_shared>> -> memref<64x128xf32, #tpu.memory_space<vmem_shared>>
      %dma_wait3A_135 = arith.constant 0 : i32
      %dma_wait3A_136 = tpu.memref_slice %arg11[%add3A_5, %dma_wait3A_135] : memref<10240x128xf32, #tpu.memory_space<vmem_shared>> -> memref<64x128xf32, #tpu.memory_space<vmem_shared>>
      tpu.wait_dma2 semaphore(%run_scoped3A_129 : memref<!tpu.dma_semaphore, #tpu.memory_space<semaphore_mem>>) src(%arg10 : memref<64x128xf32, #tpu.memory_space<vmem>>) dst(%dma_wait3A_136 : memref<64x128xf32, #tpu.memory_space<vmem_shared>>)
      tpu.yield
    }) : () -> ()
    %mul3A_6 = arith.constant 640 : i32
    %mul3A_7 = arith.muli %arg1, %mul3A_6 : i32
    %add3A_8 = arith.constant 128 : i32
    %add3A_9 = arith.addi %mul3A_7, %add3A_8 : i32
    "tpu.region"() ({
      %run_scoped3A_129 = tpu.sem_alloc : memref<!tpu.dma_semaphore, #tpu.memory_space<semaphore_mem>>
      %dma_start3A_130 = arith.constant 0 : i32
      %dma_start3A_131 = tpu.memref_slice %arg11[%add3A_9, %dma_start3A_130] : memref<10240x128xf32, #tpu.memory_space<vmem_shared>> -> memref<64x128xf32, #tpu.memory_space<vmem_shared>>
      %dma_start3A_132 = arith.constant 0 : i32
      %dma_start3A_133 = tpu.memref_slice %arg11[%add3A_9, %dma_start3A_132] : memref<10240x128xf32, #tpu.memory_space<vmem_shared>> -> memref<64x128xf32, #tpu.memory_space<vmem_shared>>
      tpu.enqueue_dma source(%arg10 : memref<64x128xf32, #tpu.memory_space<vmem>>) target(%dma_start3A_133 : memref<64x128xf32, #tpu.memory_space<vmem_shared>>) target_semaphore(%run_scoped3A_129 : memref<!tpu.dma_semaphore, #tpu.memory_space<semaphore_mem>>)
      %dma_wait3A = arith.constant 0 : i32
      %dma_wait3A_134 = tpu.memref_slice %arg11[%add3A_9, %dma_wait3A] : memref<10240x128xf32, #tpu.memory_space<vmem_shared>> -> memref<64x128xf32, #tpu.memory_space<vmem_shared>>
      %dma_wait3A_135 = arith.constant 0 : i32
      %dma_wait3A_136 = tpu.memref_slice %arg11[%add3A_9, %dma_wait3A_135] : memref<10240x128xf32, #tpu.memory_space<vmem_shared>> -> memref<64x128xf32, #tpu.memory_space<vmem_shared>>
      tpu.wait_dma2 semaphore(%run_scoped3A_129 : memref<!tpu.dma_semaphore, #tpu.memory_space<semaphore_mem>>) src(%arg10 : memref<64x128xf32, #tpu.memory_space<vmem>>) dst(%dma_wait3A_136 : memref<64x128xf32, #tpu.memory_space<vmem_shared>>)
      tpu.yield
    }) : () -> ()
    %mul3A_10 = arith.constant 640 : i32
    %mul3A_11 = arith.muli %arg1, %mul3A_10 : i32
    %add3A_12 = arith.constant 192 : i32
    %add3A_13 = arith.addi %mul3A_11, %add3A_12 : i32
    "tpu.region"() ({
      %run_scoped3A_129 = tpu.sem_alloc : memref<!tpu.dma_semaphore, #tpu.memory_space<semaphore_mem>>
      %dma_start3A_130 = arith.constant 0 : i32
      %dma_start3A_131 = tpu.memref_slice %arg11[%add3A_13, %dma_start3A_130] : memref<10240x128xf32, #tpu.memory_space<vmem_shared>> -> memref<64x128xf32, #tpu.memory_space<vmem_shared>>
      %dma_start3A_132 = arith.constant 0 : i32
      %dma_start3A_133 = tpu.memref_slice %arg11[%add3A_13, %dma_start3A_132] : memref<10240x128xf32, #tpu.memory_space<vmem_shared>> -> memref<64x128xf32, #tpu.memory_space<vmem_shared>>
      tpu.enqueue_dma source(%arg10 : memref<64x128xf32, #tpu.memory_space<vmem>>) target(%dma_start3A_133 : memref<64x128xf32, #tpu.memory_space<vmem_shared>>) target_semaphore(%run_scoped3A_129 : memref<!tpu.dma_semaphore, #tpu.memory_space<semaphore_mem>>)
      %dma_wait3A = arith.constant 0 : i32
      %dma_wait3A_134 = tpu.memref_slice %arg11[%add3A_13, %dma_wait3A] : memref<10240x128xf32, #tpu.memory_space<vmem_shared>> -> memref<64x128xf32, #tpu.memory_space<vmem_shared>>
      %dma_wait3A_135 = arith.constant 0 : i32
      %dma_wait3A_136 = tpu.memref_slice %arg11[%add3A_13, %dma_wait3A_135] : memref<10240x128xf32, #tpu.memory_space<vmem_shared>> -> memref<64x128xf32, #tpu.memory_space<vmem_shared>>
      tpu.wait_dma2 semaphore(%run_scoped3A_129 : memref<!tpu.dma_semaphore, #tpu.memory_space<semaphore_mem>>) src(%arg10 : memref<64x128xf32, #tpu.memory_space<vmem>>) dst(%dma_wait3A_136 : memref<64x128xf32, #tpu.memory_space<vmem_shared>>)
      tpu.yield
    }) : () -> ()
    %mul3A_14 = arith.constant 640 : i32
    %mul3A_15 = arith.muli %arg1, %mul3A_14 : i32
    %add3A_16 = arith.constant 256 : i32
    %add3A_17 = arith.addi %mul3A_15, %add3A_16 : i32
    "tpu.region"() ({
      %run_scoped3A_129 = tpu.sem_alloc : memref<!tpu.dma_semaphore, #tpu.memory_space<semaphore_mem>>
      %dma_start3A_130 = arith.constant 0 : i32
      %dma_start3A_131 = tpu.memref_slice %arg11[%add3A_17, %dma_start3A_130] : memref<10240x128xf32, #tpu.memory_space<vmem_shared>> -> memref<64x128xf32, #tpu.memory_space<vmem_shared>>
      %dma_start3A_132 = arith.constant 0 : i32
      %dma_start3A_133 = tpu.memref_slice %arg11[%add3A_17, %dma_start3A_132] : memref<10240x128xf32, #tpu.memory_space<vmem_shared>> -> memref<64x128xf32, #tpu.memory_space<vmem_shared>>
      tpu.enqueue_dma source(%arg10 : memref<64x128xf32, #tpu.memory_space<vmem>>) target(%dma_start3A_133 : memref<64x128xf32, #tpu.memory_space<vmem_shared>>) target_semaphore(%run_scoped3A_129 : memref<!tpu.dma_semaphore, #tpu.memory_space<semaphore_mem>>)
      %dma_wait3A = arith.constant 0 : i32
      %dma_wait3A_134 = tpu.memref_slice %arg11[%add3A_17, %dma_wait3A] : memref<10240x128xf32, #tpu.memory_space<vmem_shared>> -> memref<64x128xf32, #tpu.memory_space<vmem_shared>>
      %dma_wait3A_135 = arith.constant 0 : i32
      %dma_wait3A_136 = tpu.memref_slice %arg11[%add3A_17, %dma_wait3A_135] : memref<10240x128xf32, #tpu.memory_space<vmem_shared>> -> memref<64x128xf32, #tpu.memory_space<vmem_shared>>
      tpu.wait_dma2 semaphore(%run_scoped3A_129 : memref<!tpu.dma_semaphore, #tpu.memory_space<semaphore_mem>>) src(%arg10 : memref<64x128xf32, #tpu.memory_space<vmem>>) dst(%dma_wait3A_136 : memref<64x128xf32, #tpu.memory_space<vmem_shared>>)
      tpu.yield
    }) : () -> ()
    %mul3A_18 = arith.constant 640 : i32
    %mul3A_19 = arith.muli %arg1, %mul3A_18 : i32
    %add3A_20 = arith.constant 320 : i32
    %add3A_21 = arith.addi %mul3A_19, %add3A_20 : i32
    "tpu.region"() ({
      %run_scoped3A_129 = tpu.sem_alloc : memref<!tpu.dma_semaphore, #tpu.memory_space<semaphore_mem>>
      %dma_start3A_130 = arith.constant 0 : i32
      %dma_start3A_131 = tpu.memref_slice %arg11[%add3A_21, %dma_start3A_130] : memref<10240x128xf32, #tpu.memory_space<vmem_shared>> -> memref<64x128xf32, #tpu.memory_space<vmem_shared>>
      %dma_start3A_132 = arith.constant 0 : i32
      %dma_start3A_133 = tpu.memref_slice %arg11[%add3A_21, %dma_start3A_132] : memref<10240x128xf32, #tpu.memory_space<vmem_shared>> -> memref<64x128xf32, #tpu.memory_space<vmem_shared>>
      tpu.enqueue_dma source(%arg10 : memref<64x128xf32, #tpu.memory_space<vmem>>) target(%dma_start3A_133 : memref<64x128xf32, #tpu.memory_space<vmem_shared>>) target_semaphore(%run_scoped3A_129 : memref<!tpu.dma_semaphore, #tpu.memory_space<semaphore_mem>>)
      %dma_wait3A = arith.constant 0 : i32
      %dma_wait3A_134 = tpu.memref_slice %arg11[%add3A_21, %dma_wait3A] : memref<10240x128xf32, #tpu.memory_space<vmem_shared>> -> memref<64x128xf32, #tpu.memory_space<vmem_shared>>
      %dma_wait3A_135 = arith.constant 0 : i32
      %dma_wait3A_136 = tpu.memref_slice %arg11[%add3A_21, %dma_wait3A_135] : memref<10240x128xf32, #tpu.memory_space<vmem_shared>> -> memref<64x128xf32, #tpu.memory_space<vmem_shared>>
      tpu.wait_dma2 semaphore(%run_scoped3A_129 : memref<!tpu.dma_semaphore, #tpu.memory_space<semaphore_mem>>) src(%arg10 : memref<64x128xf32, #tpu.memory_space<vmem>>) dst(%dma_wait3A_136 : memref<64x128xf32, #tpu.memory_space<vmem_shared>>)
      tpu.yield
    }) : () -> ()
    %mul3A_22 = arith.constant 640 : i32
    %mul3A_23 = arith.muli %arg1, %mul3A_22 : i32
    %add3A_24 = arith.constant 384 : i32
    %add3A_25 = arith.addi %mul3A_23, %add3A_24 : i32
    "tpu.region"() ({
      %run_scoped3A_129 = tpu.sem_alloc : memref<!tpu.dma_semaphore, #tpu.memory_space<semaphore_mem>>
      %dma_start3A_130 = arith.constant 0 : i32
      %dma_start3A_131 = tpu.memref_slice %arg11[%add3A_25, %dma_start3A_130] : memref<10240x128xf32, #tpu.memory_space<vmem_shared>> -> memref<64x128xf32, #tpu.memory_space<vmem_shared>>
      %dma_start3A_132 = arith.constant 0 : i32
      %dma_start3A_133 = tpu.memref_slice %arg11[%add3A_25, %dma_start3A_132] : memref<10240x128xf32, #tpu.memory_space<vmem_shared>> -> memref<64x128xf32, #tpu.memory_space<vmem_shared>>
      tpu.enqueue_dma source(%arg10 : memref<64x128xf32, #tpu.memory_space<vmem>>) target(%dma_start3A_133 : memref<64x128xf32, #tpu.memory_space<vmem_shared>>) target_semaphore(%run_scoped3A_129 : memref<!tpu.dma_semaphore, #tpu.memory_space<semaphore_mem>>)
      %dma_wait3A = arith.constant 0 : i32
      %dma_wait3A_134 = tpu.memref_slice %arg11[%add3A_25, %dma_wait3A] : memref<10240x128xf32, #tpu.memory_space<vmem_shared>> -> memref<64x128xf32, #tpu.memory_space<vmem_shared>>
      %dma_wait3A_135 = arith.constant 0 : i32
      %dma_wait3A_136 = tpu.memref_slice %arg11[%add3A_25, %dma_wait3A_135] : memref<10240x128xf32, #tpu.memory_space<vmem_shared>> -> memref<64x128xf32, #tpu.memory_space<vmem_shared>>
      tpu.wait_dma2 semaphore(%run_scoped3A_129 : memref<!tpu.dma_semaphore, #tpu.memory_space<semaphore_mem>>) src(%arg10 : memref<64x128xf32, #tpu.memory_space<vmem>>) dst(%dma_wait3A_136 : memref<64x128xf32, #tpu.memory_space<vmem_shared>>)
      tpu.yield
    }) : () -> ()
    %mul3A_26 = arith.constant 640 : i32
    %mul3A_27 = arith.muli %arg1, %mul3A_26 : i32
    %add3A_28 = arith.constant 448 : i32
    %add3A_29 = arith.addi %mul3A_27, %add3A_28 : i32
    "tpu.region"() ({
      %run_scoped3A_129 = tpu.sem_alloc : memref<!tpu.dma_semaphore, #tpu.memory_space<semaphore_mem>>
      %dma_start3A_130 = arith.constant 0 : i32
      %dma_start3A_131 = tpu.memref_slice %arg11[%add3A_29, %dma_start3A_130] : memref<10240x128xf32, #tpu.memory_space<vmem_shared>> -> memref<64x128xf32, #tpu.memory_space<vmem_shared>>
      %dma_start3A_132 = arith.constant 0 : i32
      %dma_start3A_133 = tpu.memref_slice %arg11[%add3A_29, %dma_start3A_132] : memref<10240x128xf32, #tpu.memory_space<vmem_shared>> -> memref<64x128xf32, #tpu.memory_space<vmem_shared>>
      tpu.enqueue_dma source(%arg10 : memref<64x128xf32, #tpu.memory_space<vmem>>) target(%dma_start3A_133 : memref<64x128xf32, #tpu.memory_space<vmem_shared>>) target_semaphore(%run_scoped3A_129 : memref<!tpu.dma_semaphore, #tpu.memory_space<semaphore_mem>>)
      %dma_wait3A = arith.constant 0 : i32
      %dma_wait3A_134 = tpu.memref_slice %arg11[%add3A_29, %dma_wait3A] : memref<10240x128xf32, #tpu.memory_space<vmem_shared>> -> memref<64x128xf32, #tpu.memory_space<vmem_shared>>
      %dma_wait3A_135 = arith.constant 0 : i32
      %dma_wait3A_136 = tpu.memref_slice %arg11[%add3A_29, %dma_wait3A_135] : memref<10240x128xf32, #tpu.memory_space<vmem_shared>> -> memref<64x128xf32, #tpu.memory_space<vmem_shared>>
      tpu.wait_dma2 semaphore(%run_scoped3A_129 : memref<!tpu.dma_semaphore, #tpu.memory_space<semaphore_mem>>) src(%arg10 : memref<64x128xf32, #tpu.memory_space<vmem>>) dst(%dma_wait3A_136 : memref<64x128xf32, #tpu.memory_space<vmem_shared>>)
      tpu.yield
    }) : () -> ()
    %mul3A_30 = arith.constant 640 : i32
    %mul3A_31 = arith.muli %arg1, %mul3A_30 : i32
    %add3A_32 = arith.constant 512 : i32
    %add3A_33 = arith.addi %mul3A_31, %add3A_32 : i32
    "tpu.region"() ({
      %run_scoped3A_129 = tpu.sem_alloc : memref<!tpu.dma_semaphore, #tpu.memory_space<semaphore_mem>>
      %dma_start3A_130 = arith.constant 0 : i32
      %dma_start3A_131 = tpu.memref_slice %arg11[%add3A_33, %dma_start3A_130] : memref<10240x128xf32, #tpu.memory_space<vmem_shared>> -> memref<64x128xf32, #tpu.memory_space<vmem_shared>>
      %dma_start3A_132 = arith.constant 0 : i32
      %dma_start3A_133 = tpu.memref_slice %arg11[%add3A_33, %dma_start3A_132] : memref<10240x128xf32, #tpu.memory_space<vmem_shared>> -> memref<64x128xf32, #tpu.memory_space<vmem_shared>>
      tpu.enqueue_dma source(%arg10 : memref<64x128xf32, #tpu.memory_space<vmem>>) target(%dma_start3A_133 : memref<64x128xf32, #tpu.memory_space<vmem_shared>>) target_semaphore(%run_scoped3A_129 : memref<!tpu.dma_semaphore, #tpu.memory_space<semaphore_mem>>)
      %dma_wait3A = arith.constant 0 : i32
      %dma_wait3A_134 = tpu.memref_slice %arg11[%add3A_33, %dma_wait3A] : memref<10240x128xf32, #tpu.memory_space<vmem_shared>> -> memref<64x128xf32, #tpu.memory_space<vmem_shared>>
      %dma_wait3A_135 = arith.constant 0 : i32
      %dma_wait3A_136 = tpu.memref_slice %arg11[%add3A_33, %dma_wait3A_135] : memref<10240x128xf32, #tpu.memory_space<vmem_shared>> -> memref<64x128xf32, #tpu.memory_space<vmem_shared>>
      tpu.wait_dma2 semaphore(%run_scoped3A_129 : memref<!tpu.dma_semaphore, #tpu.memory_space<semaphore_mem>>) src(%arg10 : memref<64x128xf32, #tpu.memory_space<vmem>>) dst(%dma_wait3A_136 : memref<64x128xf32, #tpu.memory_space<vmem_shared>>)
      tpu.yield
    }) : () -> ()
    %mul3A_34 = arith.constant 640 : i32
    %mul3A_35 = arith.muli %arg1, %mul3A_34 : i32
    %add3A_36 = arith.constant 576 : i32
    %add3A_37 = arith.addi %mul3A_35, %add3A_36 : i32
    "tpu.region"() ({
      %run_scoped3A_129 = tpu.sem_alloc : memref<!tpu.dma_semaphore, #tpu.memory_space<semaphore_mem>>
      %dma_start3A_130 = arith.constant 0 : i32
      %dma_start3A_131 = tpu.memref_slice %arg11[%add3A_37, %dma_start3A_130] : memref<10240x128xf32, #tpu.memory_space<vmem_shared>> -> memref<64x128xf32, #tpu.memory_space<vmem_shared>>
      %dma_start3A_132 = arith.constant 0 : i32
      %dma_start3A_133 = tpu.memref_slice %arg11[%add3A_37, %dma_start3A_132] : memref<10240x128xf32, #tpu.memory_space<vmem_shared>> -> memref<64x128xf32, #tpu.memory_space<vmem_shared>>
      tpu.enqueue_dma source(%arg10 : memref<64x128xf32, #tpu.memory_space<vmem>>) target(%dma_start3A_133 : memref<64x128xf32, #tpu.memory_space<vmem_shared>>) target_semaphore(%run_scoped3A_129 : memref<!tpu.dma_semaphore, #tpu.memory_space<semaphore_mem>>)
      %dma_wait3A = arith.constant 0 : i32
      %dma_wait3A_134 = tpu.memref_slice %arg11[%add3A_37, %dma_wait3A] : memref<10240x128xf32, #tpu.memory_space<vmem_shared>> -> memref<64x128xf32, #tpu.memory_space<vmem_shared>>
      %dma_wait3A_135 = arith.constant 0 : i32
      %dma_wait3A_136 = tpu.memref_slice %arg11[%add3A_37, %dma_wait3A_135] : memref<10240x128xf32, #tpu.memory_space<vmem_shared>> -> memref<64x128xf32, #tpu.memory_space<vmem_shared>>
      tpu.wait_dma2 semaphore(%run_scoped3A_129 : memref<!tpu.dma_semaphore, #tpu.memory_space<semaphore_mem>>) src(%arg10 : memref<64x128xf32, #tpu.memory_space<vmem>>) dst(%dma_wait3A_136 : memref<64x128xf32, #tpu.memory_space<vmem_shared>>)
      tpu.yield
    }) : () -> ()
    %barrier3A = arith.constant 0 : index
    tpu.barrier barrier_id(%barrier3A)
    %mul3A_38 = arith.constant 160000 : i32
    %mul3A_39 = arith.muli %arg0, %mul3A_38 : i32
    %mul3A_40 = arith.constant 10000 : i32
    %mul3A_41 = arith.muli %arg1, %mul3A_40 : i32
    %add3A_42 = arith.addi %mul3A_39, %mul3A_41 : i32
    %run_scoped3A = arith.constant 0 : i32
    "tpu.region"() ({
      %run_scoped3A_129 = tpu.sem_alloc : memref<!tpu.dma_semaphore, #tpu.memory_space<semaphore_mem>>
      %dma_start3A_130 = arith.constant 0 : i32
      %dma_start3A_131 = tpu.memref_slice %arg7[%run_scoped3A, %dma_start3A_130] : memref<2x80xi32, #tpu.memory_space<vmem>> -> memref<1x80xi32, #tpu.memory_space<vmem>>
      %dma_start3A_132 = tpu.memref_squeeze %dma_start3A_131 : memref<1x80xi32, #tpu.memory_space<vmem>> -> memref<80xi32, #tpu.memory_space<vmem>>
      %dma_start3A_133 = tpu.memref_slice %arg3[%add3A_42] : memref<320000xi32, #tpu.memory_space<hbm>> -> memref<80xi32, #tpu.memory_space<hbm>>
      %dma_start3A_134 = arith.constant 0 : i32
      %dma_start3A_135 = tpu.memref_slice %arg7[%run_scoped3A, %dma_start3A_134] : memref<2x80xi32, #tpu.memory_space<vmem>> -> memref<1x80xi32, #tpu.memory_space<vmem>>
      %dma_start3A_136 = tpu.memref_squeeze %dma_start3A_135 : memref<1x80xi32, #tpu.memory_space<vmem>> -> memref<80xi32, #tpu.memory_space<vmem>>
      %dma_start3A_137 = tpu.memref_slice %arg3[%add3A_42] : memref<320000xi32, #tpu.memory_space<hbm>> -> memref<80xi32, #tpu.memory_space<hbm>>
      tpu.enqueue_dma source(%dma_start3A_137 : memref<80xi32, #tpu.memory_space<hbm>>) target(%dma_start3A_136 : memref<80xi32, #tpu.memory_space<vmem>>) target_semaphore(%run_scoped3A_129 : memref<!tpu.dma_semaphore, #tpu.memory_space<semaphore_mem>>)
      %dma_wait3A = arith.constant 0 : i32
      %dma_wait3A_138 = tpu.memref_slice %arg7[%run_scoped3A, %dma_wait3A] : memref<2x80xi32, #tpu.memory_space<vmem>> -> memref<1x80xi32, #tpu.memory_space<vmem>>
      %dma_wait3A_139 = tpu.memref_squeeze %dma_wait3A_138 : memref<1x80xi32, #tpu.memory_space<vmem>> -> memref<80xi32, #tpu.memory_space<vmem>>
      %dma_wait3A_140 = tpu.memref_slice %arg3[%add3A_42] : memref<320000xi32, #tpu.memory_space<hbm>> -> memref<80xi32, #tpu.memory_space<hbm>>
      %dma_wait3A_141 = arith.constant 0 : i32
      %dma_wait3A_142 = tpu.memref_slice %arg7[%run_scoped3A, %dma_wait3A_141] : memref<2x80xi32, #tpu.memory_space<vmem>> -> memref<1x80xi32, #tpu.memory_space<vmem>>
      %dma_wait3A_143 = tpu.memref_squeeze %dma_wait3A_142 : memref<1x80xi32, #tpu.memory_space<vmem>> -> memref<80xi32, #tpu.memory_space<vmem>>
      %dma_wait3A_144 = tpu.memref_slice %arg3[%add3A_42] : memref<320000xi32, #tpu.memory_space<hbm>> -> memref<80xi32, #tpu.memory_space<hbm>>
      tpu.wait_dma2 semaphore(%run_scoped3A_129 : memref<!tpu.dma_semaphore, #tpu.memory_space<semaphore_mem>>) src(%dma_wait3A_144 : memref<80xi32, #tpu.memory_space<hbm>>) dst(%dma_wait3A_143 : memref<80xi32, #tpu.memory_space<vmem>>)
      tpu.yield
    }) : () -> ()
    %dma_start3A = arith.constant 0 : i32
    %dma_start3A_43 = arith.constant 0 : i32
    %dma_start3A_44 = arith.constant 0 : i32
    %dma_start3A_45 = tpu.memref_slice %arg8[%dma_start3A, %dma_start3A_44] : memref<2x80xi32, #tpu.memory_space<vmem>> -> memref<1x80xi32, #tpu.memory_space<vmem>>
    %dma_start3A_46 = tpu.memref_squeeze %dma_start3A_45 : memref<1x80xi32, #tpu.memory_space<vmem>> -> memref<80xi32, #tpu.memory_space<vmem>>
    %dma_start3A_47 = tpu.memref_slice %arg4[%add3A_42] : memref<320000xi32, #tpu.memory_space<hbm>> -> memref<80xi32, #tpu.memory_space<hbm>>
    %dma_start3A_48 = tpu.memref_slice %arg14[%dma_start3A_43] : memref<2x!tpu.dma_semaphore, #tpu.memory_space<semaphore_mem>> -> memref<1x!tpu.dma_semaphore, #tpu.memory_space<semaphore_mem>>
    %dma_start3A_49 = tpu.memref_squeeze %dma_start3A_48 : memref<1x!tpu.dma_semaphore, #tpu.memory_space<semaphore_mem>> -> memref<!tpu.dma_semaphore, #tpu.memory_space<semaphore_mem>>
    %dma_start3A_50 = arith.constant 0 : i32
    %dma_start3A_51 = tpu.memref_slice %arg8[%dma_start3A, %dma_start3A_50] : memref<2x80xi32, #tpu.memory_space<vmem>> -> memref<1x80xi32, #tpu.memory_space<vmem>>
    %dma_start3A_52 = tpu.memref_squeeze %dma_start3A_51 : memref<1x80xi32, #tpu.memory_space<vmem>> -> memref<80xi32, #tpu.memory_space<vmem>>
    %dma_start3A_53 = tpu.memref_slice %arg4[%add3A_42] : memref<320000xi32, #tpu.memory_space<hbm>> -> memref<80xi32, #tpu.memory_space<hbm>>
    tpu.enqueue_dma source(%dma_start3A_53 : memref<80xi32, #tpu.memory_space<hbm>>) target(%dma_start3A_52 : memref<80xi32, #tpu.memory_space<vmem>>) target_semaphore(%dma_start3A_49 : memref<!tpu.dma_semaphore, #tpu.memory_space<semaphore_mem>>)
    %dma_start3A_54 = arith.constant 0 : i32
    %dma_start3A_55 = arith.constant 0 : i32
    %dma_start3A_56 = arith.constant 0 : i32
    %dma_start3A_57 = arith.constant 0 : i32
    %dma_start3A_58 = arith.constant 0 : i32
    %dma_start3A_59 = tpu.memref_slice %arg9[%dma_start3A_55, %dma_start3A_57, %dma_start3A_58] : memref<2x80x128xf32, #tpu.memory_space<vmem>> -> memref<1x80x128xf32, #tpu.memory_space<vmem>>
    %dma_start3A_60 = tpu.memref_squeeze %dma_start3A_59 : memref<1x80x128xf32, #tpu.memory_space<vmem>> -> memref<80x128xf32, #tpu.memory_space<vmem>>
    %dma_start3A_61 = arith.constant 0 : i32
    %dma_start3A_62 = tpu.memref_slice %arg7[%dma_start3A_54, %dma_start3A_61] : memref<2x80xi32, #tpu.memory_space<vmem>> -> memref<1x80xi32, #tpu.memory_space<vmem>>
    %dma_start3A_63 = tpu.memref_squeeze %dma_start3A_62 : memref<1x80xi32, #tpu.memory_space<vmem>> -> memref<80xi32, #tpu.memory_space<vmem>>
    %dma_start3A_64 = arith.constant 0 : i32
    %dma_start3A_65 = arith.constant 0 : i32
    %dma_start3A_66 = tpu.memref_slice %arg2[%dma_start3A_64, %dma_start3A_65] : memref<10000x128xf32, #tpu.memory_space<hbm>> -> memref<10000x128xf32, #tpu.memory_space<hbm>>
    %dma_start3A_67 = tpu.memref_slice %arg12[%dma_start3A_56] : memref<2x!tpu.dma_semaphore, #tpu.memory_space<semaphore_mem>> -> memref<1x!tpu.dma_semaphore, #tpu.memory_space<semaphore_mem>>
    %dma_start3A_68 = tpu.memref_squeeze %dma_start3A_67 : memref<1x!tpu.dma_semaphore, #tpu.memory_space<semaphore_mem>> -> memref<!tpu.dma_semaphore, #tpu.memory_space<semaphore_mem>>
    tpu.enqueue_indirect_dma source(%dma_start3A_66 : memref<10000x128xf32, #tpu.memory_space<hbm>>) target(%dma_start3A_60 : memref<80x128xf32, #tpu.memory_space<vmem>>) offsets(%dma_start3A_63 : memref<80xi32, #tpu.memory_space<vmem>>) semaphore(%dma_start3A_68 : memref<!tpu.dma_semaphore, #tpu.memory_space<semaphore_mem>>)
    %add3A_69 = arith.constant 80 : i32
    %add3A_70 = arith.addi %add3A_42, %add3A_69 : i32
    %dma_start3A_71 = arith.constant 1 : i32
    %dma_start3A_72 = arith.constant 1 : i32
    %dma_start3A_73 = arith.constant 0 : i32
    %dma_start3A_74 = tpu.memref_slice %arg7[%dma_start3A_71, %dma_start3A_73] : memref<2x80xi32, #tpu.memory_space<vmem>> -> memref<1x80xi32, #tpu.memory_space<vmem>>
    %dma_start3A_75 = tpu.memref_squeeze %dma_start3A_74 : memref<1x80xi32, #tpu.memory_space<vmem>> -> memref<80xi32, #tpu.memory_space<vmem>>
    %dma_start3A_76 = tpu.memref_slice %arg3[%add3A_70] : memref<320000xi32, #tpu.memory_space<hbm>> -> memref<80xi32, #tpu.memory_space<hbm>>
    %dma_start3A_77 = tpu.memref_slice %arg13[%dma_start3A_72] : memref<2x!tpu.dma_semaphore, #tpu.memory_space<semaphore_mem>> -> memref<1x!tpu.dma_semaphore, #tpu.memory_space<semaphore_mem>>
    %dma_start3A_78 = tpu.memref_squeeze %dma_start3A_77 : memref<1x!tpu.dma_semaphore, #tpu.memory_space<semaphore_mem>> -> memref<!tpu.dma_semaphore, #tpu.memory_space<semaphore_mem>>
    %dma_start3A_79 = arith.constant 0 : i32
    %dma_start3A_80 = tpu.memref_slice %arg7[%dma_start3A_71, %dma_start3A_79] : memref<2x80xi32, #tpu.memory_space<vmem>> -> memref<1x80xi32, #tpu.memory_space<vmem>>
    %dma_start3A_81 = tpu.memref_squeeze %dma_start3A_80 : memref<1x80xi32, #tpu.memory_space<vmem>> -> memref<80xi32, #tpu.memory_space<vmem>>
    %dma_start3A_82 = tpu.memref_slice %arg3[%add3A_70] : memref<320000xi32, #tpu.memory_space<hbm>> -> memref<80xi32, #tpu.memory_space<hbm>>
    tpu.enqueue_dma source(%dma_start3A_82 : memref<80xi32, #tpu.memory_space<hbm>>) target(%dma_start3A_81 : memref<80xi32, #tpu.memory_space<vmem>>) target_semaphore(%dma_start3A_78 : memref<!tpu.dma_semaphore, #tpu.memory_space<semaphore_mem>>)
    %scan3A = arith.constant 0 : i32
    %scan3A_83 = arith.constant 0 : i32
    %scan3A_84 = arith.constant 125 : i32
    %scan3A_85 = arith.addi %scan3A_83, %scan3A_84 : i32
    %scan3A_86 = arith.constant 1 : i32
    scf.for %scan3A_129 = %scan3A_83 to %scan3A_85 step %scan3A_86  : i32 {
      %and3A = arith.constant 1 : i32
      %and3A_130 = arith.andi %scan3A_129, %and3A : i32
      %sub3A = arith.constant 1 : i32
      %sub3A_131 = arith.subi %sub3A, %and3A_130 : i32
      %add3A_132 = arith.constant 1 : i32
      %add3A_133 = arith.addi %scan3A_129, %add3A_132 : i32
      %lt3A = arith.constant 125 : i32
      %lt3A_134 = arith.cmpi slt, %add3A_133, %lt3A : i32
      %convert_element_type3A = arith.extui %lt3A_134 : i1 to i32
      %cond3A = arith.constant 0 : i32
      %cond3A_135 = arith.cmpi ne, %convert_element_type3A, %cond3A : i32
      scf.if %cond3A_135 {
        %dma_wait3A_164 = arith.constant 0 : i32
        %dma_wait3A_165 = tpu.memref_slice %arg7[%sub3A_131, %dma_wait3A_164] : memref<2x80xi32, #tpu.memory_space<vmem>> -> memref<1x80xi32, #tpu.memory_space<vmem>>
        %dma_wait3A_166 = tpu.memref_squeeze %dma_wait3A_165 : memref<1x80xi32, #tpu.memory_space<vmem>> -> memref<80xi32, #tpu.memory_space<vmem>>
        %dma_wait3A_167 = tpu.memref_slice %arg3[%add3A_42] : memref<320000xi32, #tpu.memory_space<hbm>> -> memref<80xi32, #tpu.memory_space<hbm>>
        %dma_wait3A_168 = tpu.memref_slice %arg13[%sub3A_131] : memref<2x!tpu.dma_semaphore, #tpu.memory_space<semaphore_mem>> -> memref<1x!tpu.dma_semaphore, #tpu.memory_space<semaphore_mem>>
        %dma_wait3A_169 = tpu.memref_squeeze %dma_wait3A_168 : memref<1x!tpu.dma_semaphore, #tpu.memory_space<semaphore_mem>> -> memref<!tpu.dma_semaphore, #tpu.memory_space<semaphore_mem>>
        %dma_wait3A_170 = arith.constant 0 : i32
        %dma_wait3A_171 = tpu.memref_slice %arg7[%sub3A_131, %dma_wait3A_170] : memref<2x80xi32, #tpu.memory_space<vmem>> -> memref<1x80xi32, #tpu.memory_space<vmem>>
        %dma_wait3A_172 = tpu.memref_squeeze %dma_wait3A_171 : memref<1x80xi32, #tpu.memory_space<vmem>> -> memref<80xi32, #tpu.memory_space<vmem>>
        %dma_wait3A_173 = tpu.memref_slice %arg3[%add3A_42] : memref<320000xi32, #tpu.memory_space<hbm>> -> memref<80xi32, #tpu.memory_space<hbm>>
        tpu.wait_dma2 semaphore(%dma_wait3A_169 : memref<!tpu.dma_semaphore, #tpu.memory_space<semaphore_mem>>) src(%dma_wait3A_173 : memref<80xi32, #tpu.memory_space<hbm>>) dst(%dma_wait3A_172 : memref<80xi32, #tpu.memory_space<vmem>>)
        %dma_start3A_174 = arith.constant 0 : i32
        %dma_start3A_175 = arith.constant 0 : i32
        %dma_start3A_176 = tpu.memref_slice %arg9[%sub3A_131, %dma_start3A_174, %dma_start3A_175] : memref<2x80x128xf32, #tpu.memory_space<vmem>> -> memref<1x80x128xf32, #tpu.memory_space<vmem>>
        %dma_start3A_177 = tpu.memref_squeeze %dma_start3A_176 : memref<1x80x128xf32, #tpu.memory_space<vmem>> -> memref<80x128xf32, #tpu.memory_space<vmem>>
        %dma_start3A_178 = arith.constant 0 : i32
        %dma_start3A_179 = tpu.memref_slice %arg7[%sub3A_131, %dma_start3A_178] : memref<2x80xi32, #tpu.memory_space<vmem>> -> memref<1x80xi32, #tpu.memory_space<vmem>>
        %dma_start3A_180 = tpu.memref_squeeze %dma_start3A_179 : memref<1x80xi32, #tpu.memory_space<vmem>> -> memref<80xi32, #tpu.memory_space<vmem>>
        %dma_start3A_181 = arith.constant 0 : i32
        %dma_start3A_182 = arith.constant 0 : i32
        %dma_start3A_183 = tpu.memref_slice %arg2[%dma_start3A_181, %dma_start3A_182] : memref<10000x128xf32, #tpu.memory_space<hbm>> -> memref<10000x128xf32, #tpu.memory_space<hbm>>
        %dma_start3A_184 = tpu.memref_slice %arg12[%sub3A_131] : memref<2x!tpu.dma_semaphore, #tpu.memory_space<semaphore_mem>> -> memref<1x!tpu.dma_semaphore, #tpu.memory_space<semaphore_mem>>
        %dma_start3A_185 = tpu.memref_squeeze %dma_start3A_184 : memref<1x!tpu.dma_semaphore, #tpu.memory_space<semaphore_mem>> -> memref<!tpu.dma_semaphore, #tpu.memory_space<semaphore_mem>>
        tpu.enqueue_indirect_dma source(%dma_start3A_183 : memref<10000x128xf32, #tpu.memory_space<hbm>>) target(%dma_start3A_177 : memref<80x128xf32, #tpu.memory_space<vmem>>) offsets(%dma_start3A_180 : memref<80xi32, #tpu.memory_space<vmem>>) semaphore(%dma_start3A_185 : memref<!tpu.dma_semaphore, #tpu.memory_space<semaphore_mem>>)
        %add3A_186 = arith.constant 1 : i32
        %add3A_187 = arith.addi %scan3A_129, %add3A_186 : i32
        %mul3A_188 = arith.constant 80 : i32
        %mul3A_189 = arith.muli %add3A_187, %mul3A_188 : i32
        %add3A_190 = arith.addi %add3A_42, %mul3A_189 : i32
        %dma_start3A_191 = arith.constant 0 : i32
        %dma_start3A_192 = tpu.memref_slice %arg8[%sub3A_131, %dma_start3A_191] : memref<2x80xi32, #tpu.memory_space<vmem>> -> memref<1x80xi32, #tpu.memory_space<vmem>>
        %dma_start3A_193 = tpu.memref_squeeze %dma_start3A_192 : memref<1x80xi32, #tpu.memory_space<vmem>> -> memref<80xi32, #tpu.memory_space<vmem>>
        %dma_start3A_194 = tpu.memref_slice %arg4[%add3A_190] : memref<320000xi32, #tpu.memory_space<hbm>> -> memref<80xi32, #tpu.memory_space<hbm>>
        %dma_start3A_195 = tpu.memref_slice %arg14[%sub3A_131] : memref<2x!tpu.dma_semaphore, #tpu.memory_space<semaphore_mem>> -> memref<1x!tpu.dma_semaphore, #tpu.memory_space<semaphore_mem>>
        %dma_start3A_196 = tpu.memref_squeeze %dma_start3A_195 : memref<1x!tpu.dma_semaphore, #tpu.memory_space<semaphore_mem>> -> memref<!tpu.dma_semaphore, #tpu.memory_space<semaphore_mem>>
        %dma_start3A_197 = arith.constant 0 : i32
        %dma_start3A_198 = tpu.memref_slice %arg8[%sub3A_131, %dma_start3A_197] : memref<2x80xi32, #tpu.memory_space<vmem>> -> memref<1x80xi32, #tpu.memory_space<vmem>>
        %dma_start3A_199 = tpu.memref_squeeze %dma_start3A_198 : memref<1x80xi32, #tpu.memory_space<vmem>> -> memref<80xi32, #tpu.memory_space<vmem>>
        %dma_start3A_200 = tpu.memref_slice %arg4[%add3A_190] : memref<320000xi32, #tpu.memory_space<hbm>> -> memref<80xi32, #tpu.memory_space<hbm>>
        tpu.enqueue_dma source(%dma_start3A_200 : memref<80xi32, #tpu.memory_space<hbm>>) target(%dma_start3A_199 : memref<80xi32, #tpu.memory_space<vmem>>) target_semaphore(%dma_start3A_196 : memref<!tpu.dma_semaphore, #tpu.memory_space<semaphore_mem>>)
      } else {
      }
      %add3A_136 = arith.constant 2 : i32
      %add3A_137 = arith.addi %scan3A_129, %add3A_136 : i32
      %lt3A_138 = arith.constant 125 : i32
      %lt3A_139 = arith.cmpi slt, %add3A_137, %lt3A_138 : i32
      %convert_element_type3A_140 = arith.extui %lt3A_139 : i1 to i32
      %cond3A_141 = arith.constant 0 : i32
      %cond3A_142 = arith.cmpi ne, %convert_element_type3A_140, %cond3A_141 : i32
      scf.if %cond3A_142 {
        %add3A_164 = arith.constant 2 : i32
        %add3A_165 = arith.addi %scan3A_129, %add3A_164 : i32
        %mul3A_166 = arith.constant 80 : i32
        %mul3A_167 = arith.muli %add3A_165, %mul3A_166 : i32
        %add3A_168 = arith.addi %add3A_42, %mul3A_167 : i32
        %dma_start3A_169 = arith.constant 0 : i32
        %dma_start3A_170 = tpu.memref_slice %arg7[%and3A_130, %dma_start3A_169] : memref<2x80xi32, #tpu.memory_space<vmem>> -> memref<1x80xi32, #tpu.memory_space<vmem>>
        %dma_start3A_171 = tpu.memref_squeeze %dma_start3A_170 : memref<1x80xi32, #tpu.memory_space<vmem>> -> memref<80xi32, #tpu.memory_space<vmem>>
        %dma_start3A_172 = tpu.memref_slice %arg3[%add3A_168] : memref<320000xi32, #tpu.memory_space<hbm>> -> memref<80xi32, #tpu.memory_space<hbm>>
        %dma_start3A_173 = tpu.memref_slice %arg13[%and3A_130] : memref<2x!tpu.dma_semaphore, #tpu.memory_space<semaphore_mem>> -> memref<1x!tpu.dma_semaphore, #tpu.memory_space<semaphore_mem>>
        %dma_start3A_174 = tpu.memref_squeeze %dma_start3A_173 : memref<1x!tpu.dma_semaphore, #tpu.memory_space<semaphore_mem>> -> memref<!tpu.dma_semaphore, #tpu.memory_space<semaphore_mem>>
        %dma_start3A_175 = arith.constant 0 : i32
        %dma_start3A_176 = tpu.memref_slice %arg7[%and3A_130, %dma_start3A_175] : memref<2x80xi32, #tpu.memory_space<vmem>> -> memref<1x80xi32, #tpu.memory_space<vmem>>
        %dma_start3A_177 = tpu.memref_squeeze %dma_start3A_176 : memref<1x80xi32, #tpu.memory_space<vmem>> -> memref<80xi32, #tpu.memory_space<vmem>>
        %dma_start3A_178 = tpu.memref_slice %arg3[%add3A_168] : memref<320000xi32, #tpu.memory_space<hbm>> -> memref<80xi32, #tpu.memory_space<hbm>>
        tpu.enqueue_dma source(%dma_start3A_178 : memref<80xi32, #tpu.memory_space<hbm>>) target(%dma_start3A_177 : memref<80xi32, #tpu.memory_space<vmem>>) target_semaphore(%dma_start3A_174 : memref<!tpu.dma_semaphore, #tpu.memory_space<semaphore_mem>>)
      } else {
      }
      %dma_wait3A = arith.constant 0 : i32
      %dma_wait3A_143 = arith.constant 0 : i32
      %dma_wait3A_144 = tpu.memref_slice %arg9[%and3A_130, %dma_wait3A, %dma_wait3A_143] : memref<2x80x128xf32, #tpu.memory_space<vmem>> -> memref<1x80x128xf32, #tpu.memory_space<vmem>>
      %dma_wait3A_145 = tpu.memref_squeeze %dma_wait3A_144 : memref<1x80x128xf32, #tpu.memory_space<vmem>> -> memref<80x128xf32, #tpu.memory_space<vmem>>
      %dma_wait3A_146 = arith.constant 0 : i32
      %dma_wait3A_147 = tpu.memref_slice %arg7[%and3A_130, %dma_wait3A_146] : memref<2x80xi32, #tpu.memory_space<vmem>> -> memref<1x80xi32, #tpu.memory_space<vmem>>
      %dma_wait3A_148 = tpu.memref_squeeze %dma_wait3A_147 : memref<1x80xi32, #tpu.memory_space<vmem>> -> memref<80xi32, #tpu.memory_space<vmem>>
      %dma_wait3A_149 = arith.constant 0 : i32
      %dma_wait3A_150 = arith.constant 0 : i32
      %dma_wait3A_151 = tpu.memref_slice %arg2[%dma_wait3A_149, %dma_wait3A_150] : memref<10000x128xf32, #tpu.memory_space<hbm>> -> memref<10000x128xf32, #tpu.memory_space<hbm>>
      %dma_wait3A_152 = tpu.memref_slice %arg12[%and3A_130] : memref<2x!tpu.dma_semaphore, #tpu.memory_space<semaphore_mem>> -> memref<1x!tpu.dma_semaphore, #tpu.memory_space<semaphore_mem>>
      %dma_wait3A_153 = tpu.memref_squeeze %dma_wait3A_152 : memref<1x!tpu.dma_semaphore, #tpu.memory_space<semaphore_mem>> -> memref<!tpu.dma_semaphore, #tpu.memory_space<semaphore_mem>>
      tpu.wait_indirect_dma semaphore(%dma_wait3A_153 : memref<!tpu.dma_semaphore, #tpu.memory_space<semaphore_mem>>) src(%dma_wait3A_151 : memref<10000x128xf32, #tpu.memory_space<hbm>>) dst(%dma_wait3A_145 : memref<80x128xf32, #tpu.memory_space<vmem>>)
      %dma_wait3A_154 = arith.constant 0 : i32
      %dma_wait3A_155 = tpu.memref_slice %arg8[%and3A_130, %dma_wait3A_154] : memref<2x80xi32, #tpu.memory_space<vmem>> -> memref<1x80xi32, #tpu.memory_space<vmem>>
      %dma_wait3A_156 = tpu.memref_squeeze %dma_wait3A_155 : memref<1x80xi32, #tpu.memory_space<vmem>> -> memref<80xi32, #tpu.memory_space<vmem>>
      %dma_wait3A_157 = tpu.memref_slice %arg4[%add3A_42] : memref<320000xi32, #tpu.memory_space<hbm>> -> memref<80xi32, #tpu.memory_space<hbm>>
      %dma_wait3A_158 = tpu.memref_slice %arg14[%and3A_130] : memref<2x!tpu.dma_semaphore, #tpu.memory_space<semaphore_mem>> -> memref<1x!tpu.dma_semaphore, #tpu.memory_space<semaphore_mem>>
      %dma_wait3A_159 = tpu.memref_squeeze %dma_wait3A_158 : memref<1x!tpu.dma_semaphore, #tpu.memory_space<semaphore_mem>> -> memref<!tpu.dma_semaphore, #tpu.memory_space<semaphore_mem>>
      %dma_wait3A_160 = arith.constant 0 : i32
      %dma_wait3A_161 = tpu.memref_slice %arg8[%and3A_130, %dma_wait3A_160] : memref<2x80xi32, #tpu.memory_space<vmem>> -> memref<1x80xi32, #tpu.memory_space<vmem>>
      %dma_wait3A_162 = tpu.memref_squeeze %dma_wait3A_161 : memref<1x80xi32, #tpu.memory_space<vmem>> -> memref<80xi32, #tpu.memory_space<vmem>>
      %dma_wait3A_163 = tpu.memref_slice %arg4[%add3A_42] : memref<320000xi32, #tpu.memory_space<hbm>> -> memref<80xi32, #tpu.memory_space<hbm>>
      tpu.wait_dma2 semaphore(%dma_wait3A_159 : memref<!tpu.dma_semaphore, #tpu.memory_space<semaphore_mem>>) src(%dma_wait3A_163 : memref<80xi32, #tpu.memory_space<hbm>>) dst(%dma_wait3A_162 : memref<80xi32, #tpu.memory_space<vmem>>)
      "tpu.region"() ({
        %run_scoped3A_164 = tpu.sem_alloc : memref<!tpu.dma_semaphore, #tpu.memory_space<semaphore_mem>>
        %dma_start3A_165 = arith.constant 0 : i32
        %dma_start3A_166 = arith.constant 0 : i32
        %dma_start3A_167 = tpu.memref_slice %arg9[%and3A_130, %dma_start3A_165, %dma_start3A_166] : memref<2x80x128xf32, #tpu.memory_space<vmem>> -> memref<1x80x128xf32, #tpu.memory_space<vmem>>
        %dma_start3A_168 = tpu.memref_squeeze %dma_start3A_167 : memref<1x80x128xf32, #tpu.memory_space<vmem>> -> memref<80x128xf32, #tpu.memory_space<vmem>>
        %dma_start3A_169 = arith.constant 0 : i32
        %dma_start3A_170 = tpu.memref_slice %arg8[%and3A_130, %dma_start3A_169] : memref<2x80xi32, #tpu.memory_space<vmem>> -> memref<1x80xi32, #tpu.memory_space<vmem>>
        %dma_start3A_171 = tpu.memref_squeeze %dma_start3A_170 : memref<1x80xi32, #tpu.memory_space<vmem>> -> memref<80xi32, #tpu.memory_space<vmem>>
        %dma_start3A_172 = arith.constant 0 : i32
        %dma_start3A_173 = arith.constant 0 : i32
        %dma_start3A_174 = tpu.memref_slice %arg11[%dma_start3A_172, %dma_start3A_173] : memref<10240x128xf32, #tpu.memory_space<vmem_shared>> -> memref<10240x128xf32, #tpu.memory_space<vmem_shared>>
        tpu.enqueue_indirect_dma source(%dma_start3A_168 : memref<80x128xf32, #tpu.memory_space<vmem>>) target(%dma_start3A_174 : memref<10240x128xf32, #tpu.memory_space<vmem_shared>>) offsets(%dma_start3A_171 : memref<80xi32, #tpu.memory_space<vmem>>) semaphore(%run_scoped3A_164 : memref<!tpu.dma_semaphore, #tpu.memory_space<semaphore_mem>>) {add = true}
        %dma_wait3A_175 = arith.constant 0 : i32
        %dma_wait3A_176 = arith.constant 0 : i32
        %dma_wait3A_177 = tpu.memref_slice %arg9[%and3A_130, %dma_wait3A_175, %dma_wait3A_176] : memref<2x80x128xf32, #tpu.memory_space<vmem>> -> memref<1x80x128xf32, #tpu.memory_space<vmem>>
        %dma_wait3A_178 = tpu.memref_squeeze %dma_wait3A_177 : memref<1x80x128xf32, #tpu.memory_space<vmem>> -> memref<80x128xf32, #tpu.memory_space<vmem>>
        %dma_wait3A_179 = arith.constant 0 : i32
        %dma_wait3A_180 = tpu.memref_slice %arg8[%and3A_130, %dma_wait3A_179] : memref<2x80xi32, #tpu.memory_space<vmem>> -> memref<1x80xi32, #tpu.memory_space<vmem>>
        %dma_wait3A_181 = tpu.memref_squeeze %dma_wait3A_180 : memref<1x80xi32, #tpu.memory_space<vmem>> -> memref<80xi32, #tpu.memory_space<vmem>>
        %dma_wait3A_182 = arith.constant 0 : i32
        %dma_wait3A_183 = arith.constant 0 : i32
        %dma_wait3A_184 = tpu.memref_slice %arg11[%dma_wait3A_182, %dma_wait3A_183] : memref<10240x128xf32, #tpu.memory_space<vmem_shared>> -> memref<10240x128xf32, #tpu.memory_space<vmem_shared>>
        tpu.wait_indirect_dma semaphore(%run_scoped3A_164 : memref<!tpu.dma_semaphore, #tpu.memory_space<semaphore_mem>>) src(%dma_wait3A_178 : memref<80x128xf32, #tpu.memory_space<vmem>>) dst(%dma_wait3A_184 : memref<10240x128xf32, #tpu.memory_space<vmem_shared>>)
        tpu.yield
      }) : () -> ()
    }
    %scan3A_87 = arith.constant 125 : i32
    %barrier3A_88 = arith.constant 0 : index
    tpu.barrier barrier_id(%barrier3A_88)
    %mul3A_89 = arith.constant 640 : i32
    %mul3A_90 = arith.muli %arg1, %mul3A_89 : i32
    %add3A_91 = arith.constant 0 : i32
    %add3A_92 = arith.addi %mul3A_90, %add3A_91 : i32
    "tpu.region"() ({
      %run_scoped3A_129 = tpu.sem_alloc : memref<!tpu.dma_semaphore, #tpu.memory_space<semaphore_mem>>
      %dma_start3A_130 = arith.constant 0 : i32
      %dma_start3A_131 = tpu.memref_slice %arg11[%add3A_92, %dma_start3A_130] : memref<10240x128xf32, #tpu.memory_space<vmem_shared>> -> memref<64x128xf32, #tpu.memory_space<vmem_shared>>
      %dma_start3A_132 = arith.constant 0 : i32
      %dma_start3A_133 = tpu.memref_slice %arg11[%add3A_92, %dma_start3A_132] : memref<10240x128xf32, #tpu.memory_space<vmem_shared>> -> memref<64x128xf32, #tpu.memory_space<vmem_shared>>
      tpu.enqueue_dma source(%dma_start3A_133 : memref<64x128xf32, #tpu.memory_space<vmem_shared>>) target(%arg10 : memref<64x128xf32, #tpu.memory_space<vmem>>) target_semaphore(%run_scoped3A_129 : memref<!tpu.dma_semaphore, #tpu.memory_space<semaphore_mem>>)
      %dma_wait3A = arith.constant 0 : i32
      %dma_wait3A_134 = tpu.memref_slice %arg11[%add3A_92, %dma_wait3A] : memref<10240x128xf32, #tpu.memory_space<vmem_shared>> -> memref<64x128xf32, #tpu.memory_space<vmem_shared>>
      %dma_wait3A_135 = arith.constant 0 : i32
      %dma_wait3A_136 = tpu.memref_slice %arg11[%add3A_92, %dma_wait3A_135] : memref<10240x128xf32, #tpu.memory_space<vmem_shared>> -> memref<64x128xf32, #tpu.memory_space<vmem_shared>>
      tpu.wait_dma2 semaphore(%run_scoped3A_129 : memref<!tpu.dma_semaphore, #tpu.memory_space<semaphore_mem>>) src(%dma_wait3A_136 : memref<64x128xf32, #tpu.memory_space<vmem_shared>>) dst(%arg10 : memref<64x128xf32, #tpu.memory_space<vmem>>)
      tpu.yield
    }) : () -> ()
    "tpu.region"() ({
      %run_scoped3A_129 = tpu.sem_alloc : memref<!tpu.dma_semaphore, #tpu.memory_space<semaphore_mem>>
      %dma_start3A_130 = arith.constant 0 : i32
      %dma_start3A_131 = arith.constant 0 : i32
      %dma_start3A_132 = tpu.memref_slice %arg6[%arg0, %dma_start3A_130, %dma_start3A_131] : memref<2x10240x128xf32, #tpu.memory_space<hbm>> -> memref<1x10240x128xf32, #tpu.memory_space<hbm>>
      %dma_start3A_133 = tpu.memref_squeeze %dma_start3A_132 : memref<1x10240x128xf32, #tpu.memory_space<hbm>> -> memref<10240x128xf32, #tpu.memory_space<hbm>>
      %dma_start3A_134 = arith.constant 0 : i32
      %dma_start3A_135 = tpu.memref_slice %dma_start3A_133[%add3A_92, %dma_start3A_134] : memref<10240x128xf32, #tpu.memory_space<hbm>> -> memref<64x128xf32, #tpu.memory_space<hbm>>
      %dma_start3A_136 = arith.constant 0 : i32
      %dma_start3A_137 = arith.constant 0 : i32
      %dma_start3A_138 = tpu.memref_slice %arg6[%arg0, %dma_start3A_136, %dma_start3A_137] : memref<2x10240x128xf32, #tpu.memory_space<hbm>> -> memref<1x10240x128xf32, #tpu.memory_space<hbm>>
      %dma_start3A_139 = tpu.memref_squeeze %dma_start3A_138 : memref<1x10240x128xf32, #tpu.memory_space<hbm>> -> memref<10240x128xf32, #tpu.memory_space<hbm>>
      %dma_start3A_140 = arith.constant 0 : i32
      %dma_start3A_141 = tpu.memref_slice %dma_start3A_139[%add3A_92, %dma_start3A_140] : memref<10240x128xf32, #tpu.memory_space<hbm>> -> memref<64x128xf32, #tpu.memory_space<hbm>>
      tpu.enqueue_dma source(%arg10 : memref<64x128xf32, #tpu.memory_space<vmem>>) target(%dma_start3A_141 : memref<64x128xf32, #tpu.memory_space<hbm>>) target_semaphore(%run_scoped3A_129 : memref<!tpu.dma_semaphore, #tpu.memory_space<semaphore_mem>>)
      %dma_wait3A = arith.constant 0 : i32
      %dma_wait3A_142 = arith.constant 0 : i32
      %dma_wait3A_143 = tpu.memref_slice %arg6[%arg0, %dma_wait3A, %dma_wait3A_142] : memref<2x10240x128xf32, #tpu.memory_space<hbm>> -> memref<1x10240x128xf32, #tpu.memory_space<hbm>>
      %dma_wait3A_144 = tpu.memref_squeeze %dma_wait3A_143 : memref<1x10240x128xf32, #tpu.memory_space<hbm>> -> memref<10240x128xf32, #tpu.memory_space<hbm>>
      %dma_wait3A_145 = arith.constant 0 : i32
      %dma_wait3A_146 = tpu.memref_slice %dma_wait3A_144[%add3A_92, %dma_wait3A_145] : memref<10240x128xf32, #tpu.memory_space<hbm>> -> memref<64x128xf32, #tpu.memory_space<hbm>>
      %dma_wait3A_147 = arith.constant 0 : i32
      %dma_wait3A_148 = arith.constant 0 : i32
      %dma_wait3A_149 = tpu.memref_slice %arg6[%arg0, %dma_wait3A_147, %dma_wait3A_148] : memref<2x10240x128xf32, #tpu.memory_space<hbm>> -> memref<1x10240x128xf32, #tpu.memory_space<hbm>>
      %dma_wait3A_150 = tpu.memref_squeeze %dma_wait3A_149 : memref<1x10240x128xf32, #tpu.memory_space<hbm>> -> memref<10240x128xf32, #tpu.memory_space<hbm>>
      %dma_wait3A_151 = arith.constant 0 : i32
      %dma_wait3A_152 = tpu.memref_slice %dma_wait3A_150[%add3A_92, %dma_wait3A_151] : memref<10240x128xf32, #tpu.memory_space<hbm>> -> memref<64x128xf32, #tpu.memory_space<hbm>>
      tpu.wait_dma2 semaphore(%run_scoped3A_129 : memref<!tpu.dma_semaphore, #tpu.memory_space<semaphore_mem>>) src(%arg10 : memref<64x128xf32, #tpu.memory_space<vmem>>) dst(%dma_wait3A_152 : memref<64x128xf32, #tpu.memory_space<hbm>>)
      tpu.yield
    }) : () -> ()
    %mul3A_93 = arith.constant 640 : i32
    %mul3A_94 = arith.muli %arg1, %mul3A_93 : i32
    %add3A_95 = arith.constant 64 : i32
    %add3A_96 = arith.addi %mul3A_94, %add3A_95 : i32
    "tpu.region"() ({
      %run_scoped3A_129 = tpu.sem_alloc : memref<!tpu.dma_semaphore, #tpu.memory_space<semaphore_mem>>
      %dma_start3A_130 = arith.constant 0 : i32
      %dma_start3A_131 = tpu.memref_slice %arg11[%add3A_96, %dma_start3A_130] : memref<10240x128xf32, #tpu.memory_space<vmem_shared>> -> memref<64x128xf32, #tpu.memory_space<vmem_shared>>
      %dma_start3A_132 = arith.constant 0 : i32
      %dma_start3A_133 = tpu.memref_slice %arg11[%add3A_96, %dma_start3A_132] : memref<10240x128xf32, #tpu.memory_space<vmem_shared>> -> memref<64x128xf32, #tpu.memory_space<vmem_shared>>
      tpu.enqueue_dma source(%dma_start3A_133 : memref<64x128xf32, #tpu.memory_space<vmem_shared>>) target(%arg10 : memref<64x128xf32, #tpu.memory_space<vmem>>) target_semaphore(%run_scoped3A_129 : memref<!tpu.dma_semaphore, #tpu.memory_space<semaphore_mem>>)
      %dma_wait3A = arith.constant 0 : i32
      %dma_wait3A_134 = tpu.memref_slice %arg11[%add3A_96, %dma_wait3A] : memref<10240x128xf32, #tpu.memory_space<vmem_shared>> -> memref<64x128xf32, #tpu.memory_space<vmem_shared>>
      %dma_wait3A_135 = arith.constant 0 : i32
      %dma_wait3A_136 = tpu.memref_slice %arg11[%add3A_96, %dma_wait3A_135] : memref<10240x128xf32, #tpu.memory_space<vmem_shared>> -> memref<64x128xf32, #tpu.memory_space<vmem_shared>>
      tpu.wait_dma2 semaphore(%run_scoped3A_129 : memref<!tpu.dma_semaphore, #tpu.memory_space<semaphore_mem>>) src(%dma_wait3A_136 : memref<64x128xf32, #tpu.memory_space<vmem_shared>>) dst(%arg10 : memref<64x128xf32, #tpu.memory_space<vmem>>)
      tpu.yield
    }) : () -> ()
    "tpu.region"() ({
      %run_scoped3A_129 = tpu.sem_alloc : memref<!tpu.dma_semaphore, #tpu.memory_space<semaphore_mem>>
      %dma_start3A_130 = arith.constant 0 : i32
      %dma_start3A_131 = arith.constant 0 : i32
      %dma_start3A_132 = tpu.memref_slice %arg6[%arg0, %dma_start3A_130, %dma_start3A_131] : memref<2x10240x128xf32, #tpu.memory_space<hbm>> -> memref<1x10240x128xf32, #tpu.memory_space<hbm>>
      %dma_start3A_133 = tpu.memref_squeeze %dma_start3A_132 : memref<1x10240x128xf32, #tpu.memory_space<hbm>> -> memref<10240x128xf32, #tpu.memory_space<hbm>>
      %dma_start3A_134 = arith.constant 0 : i32
      %dma_start3A_135 = tpu.memref_slice %dma_start3A_133[%add3A_96, %dma_start3A_134] : memref<10240x128xf32, #tpu.memory_space<hbm>> -> memref<64x128xf32, #tpu.memory_space<hbm>>
      %dma_start3A_136 = arith.constant 0 : i32
      %dma_start3A_137 = arith.constant 0 : i32
      %dma_start3A_138 = tpu.memref_slice %arg6[%arg0, %dma_start3A_136, %dma_start3A_137] : memref<2x10240x128xf32, #tpu.memory_space<hbm>> -> memref<1x10240x128xf32, #tpu.memory_space<hbm>>
      %dma_start3A_139 = tpu.memref_squeeze %dma_start3A_138 : memref<1x10240x128xf32, #tpu.memory_space<hbm>> -> memref<10240x128xf32, #tpu.memory_space<hbm>>
      %dma_start3A_140 = arith.constant 0 : i32
      %dma_start3A_141 = tpu.memref_slice %dma_start3A_139[%add3A_96, %dma_start3A_140] : memref<10240x128xf32, #tpu.memory_space<hbm>> -> memref<64x128xf32, #tpu.memory_space<hbm>>
      tpu.enqueue_dma source(%arg10 : memref<64x128xf32, #tpu.memory_space<vmem>>) target(%dma_start3A_141 : memref<64x128xf32, #tpu.memory_space<hbm>>) target_semaphore(%run_scoped3A_129 : memref<!tpu.dma_semaphore, #tpu.memory_space<semaphore_mem>>)
      %dma_wait3A = arith.constant 0 : i32
      %dma_wait3A_142 = arith.constant 0 : i32
      %dma_wait3A_143 = tpu.memref_slice %arg6[%arg0, %dma_wait3A, %dma_wait3A_142] : memref<2x10240x128xf32, #tpu.memory_space<hbm>> -> memref<1x10240x128xf32, #tpu.memory_space<hbm>>
      %dma_wait3A_144 = tpu.memref_squeeze %dma_wait3A_143 : memref<1x10240x128xf32, #tpu.memory_space<hbm>> -> memref<10240x128xf32, #tpu.memory_space<hbm>>
      %dma_wait3A_145 = arith.constant 0 : i32
      %dma_wait3A_146 = tpu.memref_slice %dma_wait3A_144[%add3A_96, %dma_wait3A_145] : memref<10240x128xf32, #tpu.memory_space<hbm>> -> memref<64x128xf32, #tpu.memory_space<hbm>>
      %dma_wait3A_147 = arith.constant 0 : i32
      %dma_wait3A_148 = arith.constant 0 : i32
      %dma_wait3A_149 = tpu.memref_slice %arg6[%arg0, %dma_wait3A_147, %dma_wait3A_148] : memref<2x10240x128xf32, #tpu.memory_space<hbm>> -> memref<1x10240x128xf32, #tpu.memory_space<hbm>>
      %dma_wait3A_150 = tpu.memref_squeeze %dma_wait3A_149 : memref<1x10240x128xf32, #tpu.memory_space<hbm>> -> memref<10240x128xf32, #tpu.memory_space<hbm>>
      %dma_wait3A_151 = arith.constant 0 : i32
      %dma_wait3A_152 = tpu.memref_slice %dma_wait3A_150[%add3A_96, %dma_wait3A_151] : memref<10240x128xf32, #tpu.memory_space<hbm>> -> memref<64x128xf32, #tpu.memory_space<hbm>>
      tpu.wait_dma2 semaphore(%run_scoped3A_129 : memref<!tpu.dma_semaphore, #tpu.memory_space<semaphore_mem>>) src(%arg10 : memref<64x128xf32, #tpu.memory_space<vmem>>) dst(%dma_wait3A_152 : memref<64x128xf32, #tpu.memory_space<hbm>>)
      tpu.yield
    }) : () -> ()
    %mul3A_97 = arith.constant 640 : i32
    %mul3A_98 = arith.muli %arg1, %mul3A_97 : i32
    %add3A_99 = arith.constant 128 : i32
    %add3A_100 = arith.addi %mul3A_98, %add3A_99 : i32
    "tpu.region"() ({
      %run_scoped3A_129 = tpu.sem_alloc : memref<!tpu.dma_semaphore, #tpu.memory_space<semaphore_mem>>
      %dma_start3A_130 = arith.constant 0 : i32
      %dma_start3A_131 = tpu.memref_slice %arg11[%add3A_100, %dma_start3A_130] : memref<10240x128xf32, #tpu.memory_space<vmem_shared>> -> memref<64x128xf32, #tpu.memory_space<vmem_shared>>
      %dma_start3A_132 = arith.constant 0 : i32
      %dma_start3A_133 = tpu.memref_slice %arg11[%add3A_100, %dma_start3A_132] : memref<10240x128xf32, #tpu.memory_space<vmem_shared>> -> memref<64x128xf32, #tpu.memory_space<vmem_shared>>
      tpu.enqueue_dma source(%dma_start3A_133 : memref<64x128xf32, #tpu.memory_space<vmem_shared>>) target(%arg10 : memref<64x128xf32, #tpu.memory_space<vmem>>) target_semaphore(%run_scoped3A_129 : memref<!tpu.dma_semaphore, #tpu.memory_space<semaphore_mem>>)
      %dma_wait3A = arith.constant 0 : i32
      %dma_wait3A_134 = tpu.memref_slice %arg11[%add3A_100, %dma_wait3A] : memref<10240x128xf32, #tpu.memory_space<vmem_shared>> -> memref<64x128xf32, #tpu.memory_space<vmem_shared>>
      %dma_wait3A_135 = arith.constant 0 : i32
      %dma_wait3A_136 = tpu.memref_slice %arg11[%add3A_100, %dma_wait3A_135] : memref<10240x128xf32, #tpu.memory_space<vmem_shared>> -> memref<64x128xf32, #tpu.memory_space<vmem_shared>>
      tpu.wait_dma2 semaphore(%run_scoped3A_129 : memref<!tpu.dma_semaphore, #tpu.memory_space<semaphore_mem>>) src(%dma_wait3A_136 : memref<64x128xf32, #tpu.memory_space<vmem_shared>>) dst(%arg10 : memref<64x128xf32, #tpu.memory_space<vmem>>)
      tpu.yield
    }) : () -> ()
    "tpu.region"() ({
      %run_scoped3A_129 = tpu.sem_alloc : memref<!tpu.dma_semaphore, #tpu.memory_space<semaphore_mem>>
      %dma_start3A_130 = arith.constant 0 : i32
      %dma_start3A_131 = arith.constant 0 : i32
      %dma_start3A_132 = tpu.memref_slice %arg6[%arg0, %dma_start3A_130, %dma_start3A_131] : memref<2x10240x128xf32, #tpu.memory_space<hbm>> -> memref<1x10240x128xf32, #tpu.memory_space<hbm>>
      %dma_start3A_133 = tpu.memref_squeeze %dma_start3A_132 : memref<1x10240x128xf32, #tpu.memory_space<hbm>> -> memref<10240x128xf32, #tpu.memory_space<hbm>>
      %dma_start3A_134 = arith.constant 0 : i32
      %dma_start3A_135 = tpu.memref_slice %dma_start3A_133[%add3A_100, %dma_start3A_134] : memref<10240x128xf32, #tpu.memory_space<hbm>> -> memref<64x128xf32, #tpu.memory_space<hbm>>
      %dma_start3A_136 = arith.constant 0 : i32
      %dma_start3A_137 = arith.constant 0 : i32
      %dma_start3A_138 = tpu.memref_slice %arg6[%arg0, %dma_start3A_136, %dma_start3A_137] : memref<2x10240x128xf32, #tpu.memory_space<hbm>> -> memref<1x10240x128xf32, #tpu.memory_space<hbm>>
      %dma_start3A_139 = tpu.memref_squeeze %dma_start3A_138 : memref<1x10240x128xf32, #tpu.memory_space<hbm>> -> memref<10240x128xf32, #tpu.memory_space<hbm>>
      %dma_start3A_140 = arith.constant 0 : i32
      %dma_start3A_141 = tpu.memref_slice %dma_start3A_139[%add3A_100, %dma_start3A_140] : memref<10240x128xf32, #tpu.memory_space<hbm>> -> memref<64x128xf32, #tpu.memory_space<hbm>>
      tpu.enqueue_dma source(%arg10 : memref<64x128xf32, #tpu.memory_space<vmem>>) target(%dma_start3A_141 : memref<64x128xf32, #tpu.memory_space<hbm>>) target_semaphore(%run_scoped3A_129 : memref<!tpu.dma_semaphore, #tpu.memory_space<semaphore_mem>>)
      %dma_wait3A = arith.constant 0 : i32
      %dma_wait3A_142 = arith.constant 0 : i32
      %dma_wait3A_143 = tpu.memref_slice %arg6[%arg0, %dma_wait3A, %dma_wait3A_142] : memref<2x10240x128xf32, #tpu.memory_space<hbm>> -> memref<1x10240x128xf32, #tpu.memory_space<hbm>>
      %dma_wait3A_144 = tpu.memref_squeeze %dma_wait3A_143 : memref<1x10240x128xf32, #tpu.memory_space<hbm>> -> memref<10240x128xf32, #tpu.memory_space<hbm>>
      %dma_wait3A_145 = arith.constant 0 : i32
      %dma_wait3A_146 = tpu.memref_slice %dma_wait3A_144[%add3A_100, %dma_wait3A_145] : memref<10240x128xf32, #tpu.memory_space<hbm>> -> memref<64x128xf32, #tpu.memory_space<hbm>>
      %dma_wait3A_147 = arith.constant 0 : i32
      %dma_wait3A_148 = arith.constant 0 : i32
      %dma_wait3A_149 = tpu.memref_slice %arg6[%arg0, %dma_wait3A_147, %dma_wait3A_148] : memref<2x10240x128xf32, #tpu.memory_space<hbm>> -> memref<1x10240x128xf32, #tpu.memory_space<hbm>>
      %dma_wait3A_150 = tpu.memref_squeeze %dma_wait3A_149 : memref<1x10240x128xf32, #tpu.memory_space<hbm>> -> memref<10240x128xf32, #tpu.memory_space<hbm>>
      %dma_wait3A_151 = arith.constant 0 : i32
      %dma_wait3A_152 = tpu.memref_slice %dma_wait3A_150[%add3A_100, %dma_wait3A_151] : memref<10240x128xf32, #tpu.memory_space<hbm>> -> memref<64x128xf32, #tpu.memory_space<hbm>>
      tpu.wait_dma2 semaphore(%run_scoped3A_129 : memref<!tpu.dma_semaphore, #tpu.memory_space<semaphore_mem>>) src(%arg10 : memref<64x128xf32, #tpu.memory_space<vmem>>) dst(%dma_wait3A_152 : memref<64x128xf32, #tpu.memory_space<hbm>>)
      tpu.yield
    }) : () -> ()
    %mul3A_101 = arith.constant 640 : i32
    %mul3A_102 = arith.muli %arg1, %mul3A_101 : i32
    %add3A_103 = arith.constant 192 : i32
    %add3A_104 = arith.addi %mul3A_102, %add3A_103 : i32
    "tpu.region"() ({
      %run_scoped3A_129 = tpu.sem_alloc : memref<!tpu.dma_semaphore, #tpu.memory_space<semaphore_mem>>
      %dma_start3A_130 = arith.constant 0 : i32
      %dma_start3A_131 = tpu.memref_slice %arg11[%add3A_104, %dma_start3A_130] : memref<10240x128xf32, #tpu.memory_space<vmem_shared>> -> memref<64x128xf32, #tpu.memory_space<vmem_shared>>
      %dma_start3A_132 = arith.constant 0 : i32
      %dma_start3A_133 = tpu.memref_slice %arg11[%add3A_104, %dma_start3A_132] : memref<10240x128xf32, #tpu.memory_space<vmem_shared>> -> memref<64x128xf32, #tpu.memory_space<vmem_shared>>
      tpu.enqueue_dma source(%dma_start3A_133 : memref<64x128xf32, #tpu.memory_space<vmem_shared>>) target(%arg10 : memref<64x128xf32, #tpu.memory_space<vmem>>) target_semaphore(%run_scoped3A_129 : memref<!tpu.dma_semaphore, #tpu.memory_space<semaphore_mem>>)
      %dma_wait3A = arith.constant 0 : i32
      %dma_wait3A_134 = tpu.memref_slice %arg11[%add3A_104, %dma_wait3A] : memref<10240x128xf32, #tpu.memory_space<vmem_shared>> -> memref<64x128xf32, #tpu.memory_space<vmem_shared>>
      %dma_wait3A_135 = arith.constant 0 : i32
      %dma_wait3A_136 = tpu.memref_slice %arg11[%add3A_104, %dma_wait3A_135] : memref<10240x128xf32, #tpu.memory_space<vmem_shared>> -> memref<64x128xf32, #tpu.memory_space<vmem_shared>>
      tpu.wait_dma2 semaphore(%run_scoped3A_129 : memref<!tpu.dma_semaphore, #tpu.memory_space<semaphore_mem>>) src(%dma_wait3A_136 : memref<64x128xf32, #tpu.memory_space<vmem_shared>>) dst(%arg10 : memref<64x128xf32, #tpu.memory_space<vmem>>)
      tpu.yield
    }) : () -> ()
    "tpu.region"() ({
      %run_scoped3A_129 = tpu.sem_alloc : memref<!tpu.dma_semaphore, #tpu.memory_space<semaphore_mem>>
      %dma_start3A_130 = arith.constant 0 : i32
      %dma_start3A_131 = arith.constant 0 : i32
      %dma_start3A_132 = tpu.memref_slice %arg6[%arg0, %dma_start3A_130, %dma_start3A_131] : memref<2x10240x128xf32, #tpu.memory_space<hbm>> -> memref<1x10240x128xf32, #tpu.memory_space<hbm>>
      %dma_start3A_133 = tpu.memref_squeeze %dma_start3A_132 : memref<1x10240x128xf32, #tpu.memory_space<hbm>> -> memref<10240x128xf32, #tpu.memory_space<hbm>>
      %dma_start3A_134 = arith.constant 0 : i32
      %dma_start3A_135 = tpu.memref_slice %dma_start3A_133[%add3A_104, %dma_start3A_134] : memref<10240x128xf32, #tpu.memory_space<hbm>> -> memref<64x128xf32, #tpu.memory_space<hbm>>
      %dma_start3A_136 = arith.constant 0 : i32
      %dma_start3A_137 = arith.constant 0 : i32
      %dma_start3A_138 = tpu.memref_slice %arg6[%arg0, %dma_start3A_136, %dma_start3A_137] : memref<2x10240x128xf32, #tpu.memory_space<hbm>> -> memref<1x10240x128xf32, #tpu.memory_space<hbm>>
      %dma_start3A_139 = tpu.memref_squeeze %dma_start3A_138 : memref<1x10240x128xf32, #tpu.memory_space<hbm>> -> memref<10240x128xf32, #tpu.memory_space<hbm>>
      %dma_start3A_140 = arith.constant 0 : i32
      %dma_start3A_141 = tpu.memref_slice %dma_start3A_139[%add3A_104, %dma_start3A_140] : memref<10240x128xf32, #tpu.memory_space<hbm>> -> memref<64x128xf32, #tpu.memory_space<hbm>>
      tpu.enqueue_dma source(%arg10 : memref<64x128xf32, #tpu.memory_space<vmem>>) target(%dma_start3A_141 : memref<64x128xf32, #tpu.memory_space<hbm>>) target_semaphore(%run_scoped3A_129 : memref<!tpu.dma_semaphore, #tpu.memory_space<semaphore_mem>>)
      %dma_wait3A = arith.constant 0 : i32
      %dma_wait3A_142 = arith.constant 0 : i32
      %dma_wait3A_143 = tpu.memref_slice %arg6[%arg0, %dma_wait3A, %dma_wait3A_142] : memref<2x10240x128xf32, #tpu.memory_space<hbm>> -> memref<1x10240x128xf32, #tpu.memory_space<hbm>>
      %dma_wait3A_144 = tpu.memref_squeeze %dma_wait3A_143 : memref<1x10240x128xf32, #tpu.memory_space<hbm>> -> memref<10240x128xf32, #tpu.memory_space<hbm>>
      %dma_wait3A_145 = arith.constant 0 : i32
      %dma_wait3A_146 = tpu.memref_slice %dma_wait3A_144[%add3A_104, %dma_wait3A_145] : memref<10240x128xf32, #tpu.memory_space<hbm>> -> memref<64x128xf32, #tpu.memory_space<hbm>>
      %dma_wait3A_147 = arith.constant 0 : i32
      %dma_wait3A_148 = arith.constant 0 : i32
      %dma_wait3A_149 = tpu.memref_slice %arg6[%arg0, %dma_wait3A_147, %dma_wait3A_148] : memref<2x10240x128xf32, #tpu.memory_space<hbm>> -> memref<1x10240x128xf32, #tpu.memory_space<hbm>>
      %dma_wait3A_150 = tpu.memref_squeeze %dma_wait3A_149 : memref<1x10240x128xf32, #tpu.memory_space<hbm>> -> memref<10240x128xf32, #tpu.memory_space<hbm>>
      %dma_wait3A_151 = arith.constant 0 : i32
      %dma_wait3A_152 = tpu.memref_slice %dma_wait3A_150[%add3A_104, %dma_wait3A_151] : memref<10240x128xf32, #tpu.memory_space<hbm>> -> memref<64x128xf32, #tpu.memory_space<hbm>>
      tpu.wait_dma2 semaphore(%run_scoped3A_129 : memref<!tpu.dma_semaphore, #tpu.memory_space<semaphore_mem>>) src(%arg10 : memref<64x128xf32, #tpu.memory_space<vmem>>) dst(%dma_wait3A_152 : memref<64x128xf32, #tpu.memory_space<hbm>>)
      tpu.yield
    }) : () -> ()
    %mul3A_105 = arith.constant 640 : i32
    %mul3A_106 = arith.muli %arg1, %mul3A_105 : i32
    %add3A_107 = arith.constant 256 : i32
    %add3A_108 = arith.addi %mul3A_106, %add3A_107 : i32
    "tpu.region"() ({
      %run_scoped3A_129 = tpu.sem_alloc : memref<!tpu.dma_semaphore, #tpu.memory_space<semaphore_mem>>
      %dma_start3A_130 = arith.constant 0 : i32
      %dma_start3A_131 = tpu.memref_slice %arg11[%add3A_108, %dma_start3A_130] : memref<10240x128xf32, #tpu.memory_space<vmem_shared>> -> memref<64x128xf32, #tpu.memory_space<vmem_shared>>
      %dma_start3A_132 = arith.constant 0 : i32
      %dma_start3A_133 = tpu.memref_slice %arg11[%add3A_108, %dma_start3A_132] : memref<10240x128xf32, #tpu.memory_space<vmem_shared>> -> memref<64x128xf32, #tpu.memory_space<vmem_shared>>
      tpu.enqueue_dma source(%dma_start3A_133 : memref<64x128xf32, #tpu.memory_space<vmem_shared>>) target(%arg10 : memref<64x128xf32, #tpu.memory_space<vmem>>) target_semaphore(%run_scoped3A_129 : memref<!tpu.dma_semaphore, #tpu.memory_space<semaphore_mem>>)
      %dma_wait3A = arith.constant 0 : i32
      %dma_wait3A_134 = tpu.memref_slice %arg11[%add3A_108, %dma_wait3A] : memref<10240x128xf32, #tpu.memory_space<vmem_shared>> -> memref<64x128xf32, #tpu.memory_space<vmem_shared>>
      %dma_wait3A_135 = arith.constant 0 : i32
      %dma_wait3A_136 = tpu.memref_slice %arg11[%add3A_108, %dma_wait3A_135] : memref<10240x128xf32, #tpu.memory_space<vmem_shared>> -> memref<64x128xf32, #tpu.memory_space<vmem_shared>>
      tpu.wait_dma2 semaphore(%run_scoped3A_129 : memref<!tpu.dma_semaphore, #tpu.memory_space<semaphore_mem>>) src(%dma_wait3A_136 : memref<64x128xf32, #tpu.memory_space<vmem_shared>>) dst(%arg10 : memref<64x128xf32, #tpu.memory_space<vmem>>)
      tpu.yield
    }) : () -> ()
    "tpu.region"() ({
      %run_scoped3A_129 = tpu.sem_alloc : memref<!tpu.dma_semaphore, #tpu.memory_space<semaphore_mem>>
      %dma_start3A_130 = arith.constant 0 : i32
      %dma_start3A_131 = arith.constant 0 : i32
      %dma_start3A_132 = tpu.memref_slice %arg6[%arg0, %dma_start3A_130, %dma_start3A_131] : memref<2x10240x128xf32, #tpu.memory_space<hbm>> -> memref<1x10240x128xf32, #tpu.memory_space<hbm>>
      %dma_start3A_133 = tpu.memref_squeeze %dma_start3A_132 : memref<1x10240x128xf32, #tpu.memory_space<hbm>> -> memref<10240x128xf32, #tpu.memory_space<hbm>>
      %dma_start3A_134 = arith.constant 0 : i32
      %dma_start3A_135 = tpu.memref_slice %dma_start3A_133[%add3A_108, %dma_start3A_134] : memref<10240x128xf32, #tpu.memory_space<hbm>> -> memref<64x128xf32, #tpu.memory_space<hbm>>
      %dma_start3A_136 = arith.constant 0 : i32
      %dma_start3A_137 = arith.constant 0 : i32
      %dma_start3A_138 = tpu.memref_slice %arg6[%arg0, %dma_start3A_136, %dma_start3A_137] : memref<2x10240x128xf32, #tpu.memory_space<hbm>> -> memref<1x10240x128xf32, #tpu.memory_space<hbm>>
      %dma_start3A_139 = tpu.memref_squeeze %dma_start3A_138 : memref<1x10240x128xf32, #tpu.memory_space<hbm>> -> memref<10240x128xf32, #tpu.memory_space<hbm>>
      %dma_start3A_140 = arith.constant 0 : i32
      %dma_start3A_141 = tpu.memref_slice %dma_start3A_139[%add3A_108, %dma_start3A_140] : memref<10240x128xf32, #tpu.memory_space<hbm>> -> memref<64x128xf32, #tpu.memory_space<hbm>>
      tpu.enqueue_dma source(%arg10 : memref<64x128xf32, #tpu.memory_space<vmem>>) target(%dma_start3A_141 : memref<64x128xf32, #tpu.memory_space<hbm>>) target_semaphore(%run_scoped3A_129 : memref<!tpu.dma_semaphore, #tpu.memory_space<semaphore_mem>>)
      %dma_wait3A = arith.constant 0 : i32
      %dma_wait3A_142 = arith.constant 0 : i32
      %dma_wait3A_143 = tpu.memref_slice %arg6[%arg0, %dma_wait3A, %dma_wait3A_142] : memref<2x10240x128xf32, #tpu.memory_space<hbm>> -> memref<1x10240x128xf32, #tpu.memory_space<hbm>>
      %dma_wait3A_144 = tpu.memref_squeeze %dma_wait3A_143 : memref<1x10240x128xf32, #tpu.memory_space<hbm>> -> memref<10240x128xf32, #tpu.memory_space<hbm>>
      %dma_wait3A_145 = arith.constant 0 : i32
      %dma_wait3A_146 = tpu.memref_slice %dma_wait3A_144[%add3A_108, %dma_wait3A_145] : memref<10240x128xf32, #tpu.memory_space<hbm>> -> memref<64x128xf32, #tpu.memory_space<hbm>>
      %dma_wait3A_147 = arith.constant 0 : i32
      %dma_wait3A_148 = arith.constant 0 : i32
      %dma_wait3A_149 = tpu.memref_slice %arg6[%arg0, %dma_wait3A_147, %dma_wait3A_148] : memref<2x10240x128xf32, #tpu.memory_space<hbm>> -> memref<1x10240x128xf32, #tpu.memory_space<hbm>>
      %dma_wait3A_150 = tpu.memref_squeeze %dma_wait3A_149 : memref<1x10240x128xf32, #tpu.memory_space<hbm>> -> memref<10240x128xf32, #tpu.memory_space<hbm>>
      %dma_wait3A_151 = arith.constant 0 : i32
      %dma_wait3A_152 = tpu.memref_slice %dma_wait3A_150[%add3A_108, %dma_wait3A_151] : memref<10240x128xf32, #tpu.memory_space<hbm>> -> memref<64x128xf32, #tpu.memory_space<hbm>>
      tpu.wait_dma2 semaphore(%run_scoped3A_129 : memref<!tpu.dma_semaphore, #tpu.memory_space<semaphore_mem>>) src(%arg10 : memref<64x128xf32, #tpu.memory_space<vmem>>) dst(%dma_wait3A_152 : memref<64x128xf32, #tpu.memory_space<hbm>>)
      tpu.yield
    }) : () -> ()
    %mul3A_109 = arith.constant 640 : i32
    %mul3A_110 = arith.muli %arg1, %mul3A_109 : i32
    %add3A_111 = arith.constant 320 : i32
    %add3A_112 = arith.addi %mul3A_110, %add3A_111 : i32
    "tpu.region"() ({
      %run_scoped3A_129 = tpu.sem_alloc : memref<!tpu.dma_semaphore, #tpu.memory_space<semaphore_mem>>
      %dma_start3A_130 = arith.constant 0 : i32
      %dma_start3A_131 = tpu.memref_slice %arg11[%add3A_112, %dma_start3A_130] : memref<10240x128xf32, #tpu.memory_space<vmem_shared>> -> memref<64x128xf32, #tpu.memory_space<vmem_shared>>
      %dma_start3A_132 = arith.constant 0 : i32
      %dma_start3A_133 = tpu.memref_slice %arg11[%add3A_112, %dma_start3A_132] : memref<10240x128xf32, #tpu.memory_space<vmem_shared>> -> memref<64x128xf32, #tpu.memory_space<vmem_shared>>
      tpu.enqueue_dma source(%dma_start3A_133 : memref<64x128xf32, #tpu.memory_space<vmem_shared>>) target(%arg10 : memref<64x128xf32, #tpu.memory_space<vmem>>) target_semaphore(%run_scoped3A_129 : memref<!tpu.dma_semaphore, #tpu.memory_space<semaphore_mem>>)
      %dma_wait3A = arith.constant 0 : i32
      %dma_wait3A_134 = tpu.memref_slice %arg11[%add3A_112, %dma_wait3A] : memref<10240x128xf32, #tpu.memory_space<vmem_shared>> -> memref<64x128xf32, #tpu.memory_space<vmem_shared>>
      %dma_wait3A_135 = arith.constant 0 : i32
      %dma_wait3A_136 = tpu.memref_slice %arg11[%add3A_112, %dma_wait3A_135] : memref<10240x128xf32, #tpu.memory_space<vmem_shared>> -> memref<64x128xf32, #tpu.memory_space<vmem_shared>>
      tpu.wait_dma2 semaphore(%run_scoped3A_129 : memref<!tpu.dma_semaphore, #tpu.memory_space<semaphore_mem>>) src(%dma_wait3A_136 : memref<64x128xf32, #tpu.memory_space<vmem_shared>>) dst(%arg10 : memref<64x128xf32, #tpu.memory_space<vmem>>)
      tpu.yield
    }) : () -> ()
    "tpu.region"() ({
      %run_scoped3A_129 = tpu.sem_alloc : memref<!tpu.dma_semaphore, #tpu.memory_space<semaphore_mem>>
      %dma_start3A_130 = arith.constant 0 : i32
      %dma_start3A_131 = arith.constant 0 : i32
      %dma_start3A_132 = tpu.memref_slice %arg6[%arg0, %dma_start3A_130, %dma_start3A_131] : memref<2x10240x128xf32, #tpu.memory_space<hbm>> -> memref<1x10240x128xf32, #tpu.memory_space<hbm>>
      %dma_start3A_133 = tpu.memref_squeeze %dma_start3A_132 : memref<1x10240x128xf32, #tpu.memory_space<hbm>> -> memref<10240x128xf32, #tpu.memory_space<hbm>>
      %dma_start3A_134 = arith.constant 0 : i32
      %dma_start3A_135 = tpu.memref_slice %dma_start3A_133[%add3A_112, %dma_start3A_134] : memref<10240x128xf32, #tpu.memory_space<hbm>> -> memref<64x128xf32, #tpu.memory_space<hbm>>
      %dma_start3A_136 = arith.constant 0 : i32
      %dma_start3A_137 = arith.constant 0 : i32
      %dma_start3A_138 = tpu.memref_slice %arg6[%arg0, %dma_start3A_136, %dma_start3A_137] : memref<2x10240x128xf32, #tpu.memory_space<hbm>> -> memref<1x10240x128xf32, #tpu.memory_space<hbm>>
      %dma_start3A_139 = tpu.memref_squeeze %dma_start3A_138 : memref<1x10240x128xf32, #tpu.memory_space<hbm>> -> memref<10240x128xf32, #tpu.memory_space<hbm>>
      %dma_start3A_140 = arith.constant 0 : i32
      %dma_start3A_141 = tpu.memref_slice %dma_start3A_139[%add3A_112, %dma_start3A_140] : memref<10240x128xf32, #tpu.memory_space<hbm>> -> memref<64x128xf32, #tpu.memory_space<hbm>>
      tpu.enqueue_dma source(%arg10 : memref<64x128xf32, #tpu.memory_space<vmem>>) target(%dma_start3A_141 : memref<64x128xf32, #tpu.memory_space<hbm>>) target_semaphore(%run_scoped3A_129 : memref<!tpu.dma_semaphore, #tpu.memory_space<semaphore_mem>>)
      %dma_wait3A = arith.constant 0 : i32
      %dma_wait3A_142 = arith.constant 0 : i32
      %dma_wait3A_143 = tpu.memref_slice %arg6[%arg0, %dma_wait3A, %dma_wait3A_142] : memref<2x10240x128xf32, #tpu.memory_space<hbm>> -> memref<1x10240x128xf32, #tpu.memory_space<hbm>>
      %dma_wait3A_144 = tpu.memref_squeeze %dma_wait3A_143 : memref<1x10240x128xf32, #tpu.memory_space<hbm>> -> memref<10240x128xf32, #tpu.memory_space<hbm>>
      %dma_wait3A_145 = arith.constant 0 : i32
      %dma_wait3A_146 = tpu.memref_slice %dma_wait3A_144[%add3A_112, %dma_wait3A_145] : memref<10240x128xf32, #tpu.memory_space<hbm>> -> memref<64x128xf32, #tpu.memory_space<hbm>>
      %dma_wait3A_147 = arith.constant 0 : i32
      %dma_wait3A_148 = arith.constant 0 : i32
      %dma_wait3A_149 = tpu.memref_slice %arg6[%arg0, %dma_wait3A_147, %dma_wait3A_148] : memref<2x10240x128xf32, #tpu.memory_space<hbm>> -> memref<1x10240x128xf32, #tpu.memory_space<hbm>>
      %dma_wait3A_150 = tpu.memref_squeeze %dma_wait3A_149 : memref<1x10240x128xf32, #tpu.memory_space<hbm>> -> memref<10240x128xf32, #tpu.memory_space<hbm>>
      %dma_wait3A_151 = arith.constant 0 : i32
      %dma_wait3A_152 = tpu.memref_slice %dma_wait3A_150[%add3A_112, %dma_wait3A_151] : memref<10240x128xf32, #tpu.memory_space<hbm>> -> memref<64x128xf32, #tpu.memory_space<hbm>>
      tpu.wait_dma2 semaphore(%run_scoped3A_129 : memref<!tpu.dma_semaphore, #tpu.memory_space<semaphore_mem>>) src(%arg10 : memref<64x128xf32, #tpu.memory_space<vmem>>) dst(%dma_wait3A_152 : memref<64x128xf32, #tpu.memory_space<hbm>>)
      tpu.yield
    }) : () -> ()
    %mul3A_113 = arith.constant 640 : i32
    %mul3A_114 = arith.muli %arg1, %mul3A_113 : i32
    %add3A_115 = arith.constant 384 : i32
    %add3A_116 = arith.addi %mul3A_114, %add3A_115 : i32
    "tpu.region"() ({
      %run_scoped3A_129 = tpu.sem_alloc : memref<!tpu.dma_semaphore, #tpu.memory_space<semaphore_mem>>
      %dma_start3A_130 = arith.constant 0 : i32
      %dma_start3A_131 = tpu.memref_slice %arg11[%add3A_116, %dma_start3A_130] : memref<10240x128xf32, #tpu.memory_space<vmem_shared>> -> memref<64x128xf32, #tpu.memory_space<vmem_shared>>
      %dma_start3A_132 = arith.constant 0 : i32
      %dma_start3A_133 = tpu.memref_slice %arg11[%add3A_116, %dma_start3A_132] : memref<10240x128xf32, #tpu.memory_space<vmem_shared>> -> memref<64x128xf32, #tpu.memory_space<vmem_shared>>
      tpu.enqueue_dma source(%dma_start3A_133 : memref<64x128xf32, #tpu.memory_space<vmem_shared>>) target(%arg10 : memref<64x128xf32, #tpu.memory_space<vmem>>) target_semaphore(%run_scoped3A_129 : memref<!tpu.dma_semaphore, #tpu.memory_space<semaphore_mem>>)
      %dma_wait3A = arith.constant 0 : i32
      %dma_wait3A_134 = tpu.memref_slice %arg11[%add3A_116, %dma_wait3A] : memref<10240x128xf32, #tpu.memory_space<vmem_shared>> -> memref<64x128xf32, #tpu.memory_space<vmem_shared>>
      %dma_wait3A_135 = arith.constant 0 : i32
      %dma_wait3A_136 = tpu.memref_slice %arg11[%add3A_116, %dma_wait3A_135] : memref<10240x128xf32, #tpu.memory_space<vmem_shared>> -> memref<64x128xf32, #tpu.memory_space<vmem_shared>>
      tpu.wait_dma2 semaphore(%run_scoped3A_129 : memref<!tpu.dma_semaphore, #tpu.memory_space<semaphore_mem>>) src(%dma_wait3A_136 : memref<64x128xf32, #tpu.memory_space<vmem_shared>>) dst(%arg10 : memref<64x128xf32, #tpu.memory_space<vmem>>)
      tpu.yield
    }) : () -> ()
    "tpu.region"() ({
      %run_scoped3A_129 = tpu.sem_alloc : memref<!tpu.dma_semaphore, #tpu.memory_space<semaphore_mem>>
      %dma_start3A_130 = arith.constant 0 : i32
      %dma_start3A_131 = arith.constant 0 : i32
      %dma_start3A_132 = tpu.memref_slice %arg6[%arg0, %dma_start3A_130, %dma_start3A_131] : memref<2x10240x128xf32, #tpu.memory_space<hbm>> -> memref<1x10240x128xf32, #tpu.memory_space<hbm>>
      %dma_start3A_133 = tpu.memref_squeeze %dma_start3A_132 : memref<1x10240x128xf32, #tpu.memory_space<hbm>> -> memref<10240x128xf32, #tpu.memory_space<hbm>>
      %dma_start3A_134 = arith.constant 0 : i32
      %dma_start3A_135 = tpu.memref_slice %dma_start3A_133[%add3A_116, %dma_start3A_134] : memref<10240x128xf32, #tpu.memory_space<hbm>> -> memref<64x128xf32, #tpu.memory_space<hbm>>
      %dma_start3A_136 = arith.constant 0 : i32
      %dma_start3A_137 = arith.constant 0 : i32
      %dma_start3A_138 = tpu.memref_slice %arg6[%arg0, %dma_start3A_136, %dma_start3A_137] : memref<2x10240x128xf32, #tpu.memory_space<hbm>> -> memref<1x10240x128xf32, #tpu.memory_space<hbm>>
      %dma_start3A_139 = tpu.memref_squeeze %dma_start3A_138 : memref<1x10240x128xf32, #tpu.memory_space<hbm>> -> memref<10240x128xf32, #tpu.memory_space<hbm>>
      %dma_start3A_140 = arith.constant 0 : i32
      %dma_start3A_141 = tpu.memref_slice %dma_start3A_139[%add3A_116, %dma_start3A_140] : memref<10240x128xf32, #tpu.memory_space<hbm>> -> memref<64x128xf32, #tpu.memory_space<hbm>>
      tpu.enqueue_dma source(%arg10 : memref<64x128xf32, #tpu.memory_space<vmem>>) target(%dma_start3A_141 : memref<64x128xf32, #tpu.memory_space<hbm>>) target_semaphore(%run_scoped3A_129 : memref<!tpu.dma_semaphore, #tpu.memory_space<semaphore_mem>>)
      %dma_wait3A = arith.constant 0 : i32
      %dma_wait3A_142 = arith.constant 0 : i32
      %dma_wait3A_143 = tpu.memref_slice %arg6[%arg0, %dma_wait3A, %dma_wait3A_142] : memref<2x10240x128xf32, #tpu.memory_space<hbm>> -> memref<1x10240x128xf32, #tpu.memory_space<hbm>>
      %dma_wait3A_144 = tpu.memref_squeeze %dma_wait3A_143 : memref<1x10240x128xf32, #tpu.memory_space<hbm>> -> memref<10240x128xf32, #tpu.memory_space<hbm>>
      %dma_wait3A_145 = arith.constant 0 : i32
      %dma_wait3A_146 = tpu.memref_slice %dma_wait3A_144[%add3A_116, %dma_wait3A_145] : memref<10240x128xf32, #tpu.memory_space<hbm>> -> memref<64x128xf32, #tpu.memory_space<hbm>>
      %dma_wait3A_147 = arith.constant 0 : i32
      %dma_wait3A_148 = arith.constant 0 : i32
      %dma_wait3A_149 = tpu.memref_slice %arg6[%arg0, %dma_wait3A_147, %dma_wait3A_148] : memref<2x10240x128xf32, #tpu.memory_space<hbm>> -> memref<1x10240x128xf32, #tpu.memory_space<hbm>>
      %dma_wait3A_150 = tpu.memref_squeeze %dma_wait3A_149 : memref<1x10240x128xf32, #tpu.memory_space<hbm>> -> memref<10240x128xf32, #tpu.memory_space<hbm>>
      %dma_wait3A_151 = arith.constant 0 : i32
      %dma_wait3A_152 = tpu.memref_slice %dma_wait3A_150[%add3A_116, %dma_wait3A_151] : memref<10240x128xf32, #tpu.memory_space<hbm>> -> memref<64x128xf32, #tpu.memory_space<hbm>>
      tpu.wait_dma2 semaphore(%run_scoped3A_129 : memref<!tpu.dma_semaphore, #tpu.memory_space<semaphore_mem>>) src(%arg10 : memref<64x128xf32, #tpu.memory_space<vmem>>) dst(%dma_wait3A_152 : memref<64x128xf32, #tpu.memory_space<hbm>>)
      tpu.yield
    }) : () -> ()
    %mul3A_117 = arith.constant 640 : i32
    %mul3A_118 = arith.muli %arg1, %mul3A_117 : i32
    %add3A_119 = arith.constant 448 : i32
    %add3A_120 = arith.addi %mul3A_118, %add3A_119 : i32
    "tpu.region"() ({
      %run_scoped3A_129 = tpu.sem_alloc : memref<!tpu.dma_semaphore, #tpu.memory_space<semaphore_mem>>
      %dma_start3A_130 = arith.constant 0 : i32
      %dma_start3A_131 = tpu.memref_slice %arg11[%add3A_120, %dma_start3A_130] : memref<10240x128xf32, #tpu.memory_space<vmem_shared>> -> memref<64x128xf32, #tpu.memory_space<vmem_shared>>
      %dma_start3A_132 = arith.constant 0 : i32
      %dma_start3A_133 = tpu.memref_slice %arg11[%add3A_120, %dma_start3A_132] : memref<10240x128xf32, #tpu.memory_space<vmem_shared>> -> memref<64x128xf32, #tpu.memory_space<vmem_shared>>
      tpu.enqueue_dma source(%dma_start3A_133 : memref<64x128xf32, #tpu.memory_space<vmem_shared>>) target(%arg10 : memref<64x128xf32, #tpu.memory_space<vmem>>) target_semaphore(%run_scoped3A_129 : memref<!tpu.dma_semaphore, #tpu.memory_space<semaphore_mem>>)
      %dma_wait3A = arith.constant 0 : i32
      %dma_wait3A_134 = tpu.memref_slice %arg11[%add3A_120, %dma_wait3A] : memref<10240x128xf32, #tpu.memory_space<vmem_shared>> -> memref<64x128xf32, #tpu.memory_space<vmem_shared>>
      %dma_wait3A_135 = arith.constant 0 : i32
      %dma_wait3A_136 = tpu.memref_slice %arg11[%add3A_120, %dma_wait3A_135] : memref<10240x128xf32, #tpu.memory_space<vmem_shared>> -> memref<64x128xf32, #tpu.memory_space<vmem_shared>>
      tpu.wait_dma2 semaphore(%run_scoped3A_129 : memref<!tpu.dma_semaphore, #tpu.memory_space<semaphore_mem>>) src(%dma_wait3A_136 : memref<64x128xf32, #tpu.memory_space<vmem_shared>>) dst(%arg10 : memref<64x128xf32, #tpu.memory_space<vmem>>)
      tpu.yield
    }) : () -> ()
    "tpu.region"() ({
      %run_scoped3A_129 = tpu.sem_alloc : memref<!tpu.dma_semaphore, #tpu.memory_space<semaphore_mem>>
      %dma_start3A_130 = arith.constant 0 : i32
      %dma_start3A_131 = arith.constant 0 : i32
      %dma_start3A_132 = tpu.memref_slice %arg6[%arg0, %dma_start3A_130, %dma_start3A_131] : memref<2x10240x128xf32, #tpu.memory_space<hbm>> -> memref<1x10240x128xf32, #tpu.memory_space<hbm>>
      %dma_start3A_133 = tpu.memref_squeeze %dma_start3A_132 : memref<1x10240x128xf32, #tpu.memory_space<hbm>> -> memref<10240x128xf32, #tpu.memory_space<hbm>>
      %dma_start3A_134 = arith.constant 0 : i32
      %dma_start3A_135 = tpu.memref_slice %dma_start3A_133[%add3A_120, %dma_start3A_134] : memref<10240x128xf32, #tpu.memory_space<hbm>> -> memref<64x128xf32, #tpu.memory_space<hbm>>
      %dma_start3A_136 = arith.constant 0 : i32
      %dma_start3A_137 = arith.constant 0 : i32
      %dma_start3A_138 = tpu.memref_slice %arg6[%arg0, %dma_start3A_136, %dma_start3A_137] : memref<2x10240x128xf32, #tpu.memory_space<hbm>> -> memref<1x10240x128xf32, #tpu.memory_space<hbm>>
      %dma_start3A_139 = tpu.memref_squeeze %dma_start3A_138 : memref<1x10240x128xf32, #tpu.memory_space<hbm>> -> memref<10240x128xf32, #tpu.memory_space<hbm>>
      %dma_start3A_140 = arith.constant 0 : i32
      %dma_start3A_141 = tpu.memref_slice %dma_start3A_139[%add3A_120, %dma_start3A_140] : memref<10240x128xf32, #tpu.memory_space<hbm>> -> memref<64x128xf32, #tpu.memory_space<hbm>>
      tpu.enqueue_dma source(%arg10 : memref<64x128xf32, #tpu.memory_space<vmem>>) target(%dma_start3A_141 : memref<64x128xf32, #tpu.memory_space<hbm>>) target_semaphore(%run_scoped3A_129 : memref<!tpu.dma_semaphore, #tpu.memory_space<semaphore_mem>>)
      %dma_wait3A = arith.constant 0 : i32
      %dma_wait3A_142 = arith.constant 0 : i32
      %dma_wait3A_143 = tpu.memref_slice %arg6[%arg0, %dma_wait3A, %dma_wait3A_142] : memref<2x10240x128xf32, #tpu.memory_space<hbm>> -> memref<1x10240x128xf32, #tpu.memory_space<hbm>>
      %dma_wait3A_144 = tpu.memref_squeeze %dma_wait3A_143 : memref<1x10240x128xf32, #tpu.memory_space<hbm>> -> memref<10240x128xf32, #tpu.memory_space<hbm>>
      %dma_wait3A_145 = arith.constant 0 : i32
      %dma_wait3A_146 = tpu.memref_slice %dma_wait3A_144[%add3A_120, %dma_wait3A_145] : memref<10240x128xf32, #tpu.memory_space<hbm>> -> memref<64x128xf32, #tpu.memory_space<hbm>>
      %dma_wait3A_147 = arith.constant 0 : i32
      %dma_wait3A_148 = arith.constant 0 : i32
      %dma_wait3A_149 = tpu.memref_slice %arg6[%arg0, %dma_wait3A_147, %dma_wait3A_148] : memref<2x10240x128xf32, #tpu.memory_space<hbm>> -> memref<1x10240x128xf32, #tpu.memory_space<hbm>>
      %dma_wait3A_150 = tpu.memref_squeeze %dma_wait3A_149 : memref<1x10240x128xf32, #tpu.memory_space<hbm>> -> memref<10240x128xf32, #tpu.memory_space<hbm>>
      %dma_wait3A_151 = arith.constant 0 : i32
      %dma_wait3A_152 = tpu.memref_slice %dma_wait3A_150[%add3A_120, %dma_wait3A_151] : memref<10240x128xf32, #tpu.memory_space<hbm>> -> memref<64x128xf32, #tpu.memory_space<hbm>>
      tpu.wait_dma2 semaphore(%run_scoped3A_129 : memref<!tpu.dma_semaphore, #tpu.memory_space<semaphore_mem>>) src(%arg10 : memref<64x128xf32, #tpu.memory_space<vmem>>) dst(%dma_wait3A_152 : memref<64x128xf32, #tpu.memory_space<hbm>>)
      tpu.yield
    }) : () -> ()
    %mul3A_121 = arith.constant 640 : i32
    %mul3A_122 = arith.muli %arg1, %mul3A_121 : i32
    %add3A_123 = arith.constant 512 : i32
    %add3A_124 = arith.addi %mul3A_122, %add3A_123 : i32
    "tpu.region"() ({
      %run_scoped3A_129 = tpu.sem_alloc : memref<!tpu.dma_semaphore, #tpu.memory_space<semaphore_mem>>
      %dma_start3A_130 = arith.constant 0 : i32
      %dma_start3A_131 = tpu.memref_slice %arg11[%add3A_124, %dma_start3A_130] : memref<10240x128xf32, #tpu.memory_space<vmem_shared>> -> memref<64x128xf32, #tpu.memory_space<vmem_shared>>
      %dma_start3A_132 = arith.constant 0 : i32
      %dma_start3A_133 = tpu.memref_slice %arg11[%add3A_124, %dma_start3A_132] : memref<10240x128xf32, #tpu.memory_space<vmem_shared>> -> memref<64x128xf32, #tpu.memory_space<vmem_shared>>
      tpu.enqueue_dma source(%dma_start3A_133 : memref<64x128xf32, #tpu.memory_space<vmem_shared>>) target(%arg10 : memref<64x128xf32, #tpu.memory_space<vmem>>) target_semaphore(%run_scoped3A_129 : memref<!tpu.dma_semaphore, #tpu.memory_space<semaphore_mem>>)
      %dma_wait3A = arith.constant 0 : i32
      %dma_wait3A_134 = tpu.memref_slice %arg11[%add3A_124, %dma_wait3A] : memref<10240x128xf32, #tpu.memory_space<vmem_shared>> -> memref<64x128xf32, #tpu.memory_space<vmem_shared>>
      %dma_wait3A_135 = arith.constant 0 : i32
      %dma_wait3A_136 = tpu.memref_slice %arg11[%add3A_124, %dma_wait3A_135] : memref<10240x128xf32, #tpu.memory_space<vmem_shared>> -> memref<64x128xf32, #tpu.memory_space<vmem_shared>>
      tpu.wait_dma2 semaphore(%run_scoped3A_129 : memref<!tpu.dma_semaphore, #tpu.memory_space<semaphore_mem>>) src(%dma_wait3A_136 : memref<64x128xf32, #tpu.memory_space<vmem_shared>>) dst(%arg10 : memref<64x128xf32, #tpu.memory_space<vmem>>)
      tpu.yield
    }) : () -> ()
    "tpu.region"() ({
      %run_scoped3A_129 = tpu.sem_alloc : memref<!tpu.dma_semaphore, #tpu.memory_space<semaphore_mem>>
      %dma_start3A_130 = arith.constant 0 : i32
      %dma_start3A_131 = arith.constant 0 : i32
      %dma_start3A_132 = tpu.memref_slice %arg6[%arg0, %dma_start3A_130, %dma_start3A_131] : memref<2x10240x128xf32, #tpu.memory_space<hbm>> -> memref<1x10240x128xf32, #tpu.memory_space<hbm>>
      %dma_start3A_133 = tpu.memref_squeeze %dma_start3A_132 : memref<1x10240x128xf32, #tpu.memory_space<hbm>> -> memref<10240x128xf32, #tpu.memory_space<hbm>>
      %dma_start3A_134 = arith.constant 0 : i32
      %dma_start3A_135 = tpu.memref_slice %dma_start3A_133[%add3A_124, %dma_start3A_134] : memref<10240x128xf32, #tpu.memory_space<hbm>> -> memref<64x128xf32, #tpu.memory_space<hbm>>
      %dma_start3A_136 = arith.constant 0 : i32
      %dma_start3A_137 = arith.constant 0 : i32
      %dma_start3A_138 = tpu.memref_slice %arg6[%arg0, %dma_start3A_136, %dma_start3A_137] : memref<2x10240x128xf32, #tpu.memory_space<hbm>> -> memref<1x10240x128xf32, #tpu.memory_space<hbm>>
      %dma_start3A_139 = tpu.memref_squeeze %dma_start3A_138 : memref<1x10240x128xf32, #tpu.memory_space<hbm>> -> memref<10240x128xf32, #tpu.memory_space<hbm>>
      %dma_start3A_140 = arith.constant 0 : i32
      %dma_start3A_141 = tpu.memref_slice %dma_start3A_139[%add3A_124, %dma_start3A_140] : memref<10240x128xf32, #tpu.memory_space<hbm>> -> memref<64x128xf32, #tpu.memory_space<hbm>>
      tpu.enqueue_dma source(%arg10 : memref<64x128xf32, #tpu.memory_space<vmem>>) target(%dma_start3A_141 : memref<64x128xf32, #tpu.memory_space<hbm>>) target_semaphore(%run_scoped3A_129 : memref<!tpu.dma_semaphore, #tpu.memory_space<semaphore_mem>>)
      %dma_wait3A = arith.constant 0 : i32
      %dma_wait3A_142 = arith.constant 0 : i32
      %dma_wait3A_143 = tpu.memref_slice %arg6[%arg0, %dma_wait3A, %dma_wait3A_142] : memref<2x10240x128xf32, #tpu.memory_space<hbm>> -> memref<1x10240x128xf32, #tpu.memory_space<hbm>>
      %dma_wait3A_144 = tpu.memref_squeeze %dma_wait3A_143 : memref<1x10240x128xf32, #tpu.memory_space<hbm>> -> memref<10240x128xf32, #tpu.memory_space<hbm>>
      %dma_wait3A_145 = arith.constant 0 : i32
      %dma_wait3A_146 = tpu.memref_slice %dma_wait3A_144[%add3A_124, %dma_wait3A_145] : memref<10240x128xf32, #tpu.memory_space<hbm>> -> memref<64x128xf32, #tpu.memory_space<hbm>>
      %dma_wait3A_147 = arith.constant 0 : i32
      %dma_wait3A_148 = arith.constant 0 : i32
      %dma_wait3A_149 = tpu.memref_slice %arg6[%arg0, %dma_wait3A_147, %dma_wait3A_148] : memref<2x10240x128xf32, #tpu.memory_space<hbm>> -> memref<1x10240x128xf32, #tpu.memory_space<hbm>>
      %dma_wait3A_150 = tpu.memref_squeeze %dma_wait3A_149 : memref<1x10240x128xf32, #tpu.memory_space<hbm>> -> memref<10240x128xf32, #tpu.memory_space<hbm>>
      %dma_wait3A_151 = arith.constant 0 : i32
      %dma_wait3A_152 = tpu.memref_slice %dma_wait3A_150[%add3A_124, %dma_wait3A_151] : memref<10240x128xf32, #tpu.memory_space<hbm>> -> memref<64x128xf32, #tpu.memory_space<hbm>>
      tpu.wait_dma2 semaphore(%run_scoped3A_129 : memref<!tpu.dma_semaphore, #tpu.memory_space<semaphore_mem>>) src(%arg10 : memref<64x128xf32, #tpu.memory_space<vmem>>) dst(%dma_wait3A_152 : memref<64x128xf32, #tpu.memory_space<hbm>>)
      tpu.yield
    }) : () -> ()
    %mul3A_125 = arith.constant 640 : i32
    %mul3A_126 = arith.muli %arg1, %mul3A_125 : i32
    %add3A_127 = arith.constant 576 : i32
    %add3A_128 = arith.addi %mul3A_126, %add3A_127 : i32
    "tpu.region"() ({
      %run_scoped3A_129 = tpu.sem_alloc : memref<!tpu.dma_semaphore, #tpu.memory_space<semaphore_mem>>
      %dma_start3A_130 = arith.constant 0 : i32
      %dma_start3A_131 = tpu.memref_slice %arg11[%add3A_128, %dma_start3A_130] : memref<10240x128xf32, #tpu.memory_space<vmem_shared>> -> memref<64x128xf32, #tpu.memory_space<vmem_shared>>
      %dma_start3A_132 = arith.constant 0 : i32
      %dma_start3A_133 = tpu.memref_slice %arg11[%add3A_128, %dma_start3A_132] : memref<10240x128xf32, #tpu.memory_space<vmem_shared>> -> memref<64x128xf32, #tpu.memory_space<vmem_shared>>
      tpu.enqueue_dma source(%dma_start3A_133 : memref<64x128xf32, #tpu.memory_space<vmem_shared>>) target(%arg10 : memref<64x128xf32, #tpu.memory_space<vmem>>) target_semaphore(%run_scoped3A_129 : memref<!tpu.dma_semaphore, #tpu.memory_space<semaphore_mem>>)
      %dma_wait3A = arith.constant 0 : i32
      %dma_wait3A_134 = tpu.memref_slice %arg11[%add3A_128, %dma_wait3A] : memref<10240x128xf32, #tpu.memory_space<vmem_shared>> -> memref<64x128xf32, #tpu.memory_space<vmem_shared>>
      %dma_wait3A_135 = arith.constant 0 : i32
      %dma_wait3A_136 = tpu.memref_slice %arg11[%add3A_128, %dma_wait3A_135] : memref<10240x128xf32, #tpu.memory_space<vmem_shared>> -> memref<64x128xf32, #tpu.memory_space<vmem_shared>>
      tpu.wait_dma2 semaphore(%run_scoped3A_129 : memref<!tpu.dma_semaphore, #tpu.memory_space<semaphore_mem>>) src(%dma_wait3A_136 : memref<64x128xf32, #tpu.memory_space<vmem_shared>>) dst(%arg10 : memref<64x128xf32, #tpu.memory_space<vmem>>)
      tpu.yield
    }) : () -> ()
    "tpu.region"() ({
      %run_scoped3A_129 = tpu.sem_alloc : memref<!tpu.dma_semaphore, #tpu.memory_space<semaphore_mem>>
      %dma_start3A_130 = arith.constant 0 : i32
      %dma_start3A_131 = arith.constant 0 : i32
      %dma_start3A_132 = tpu.memref_slice %arg6[%arg0, %dma_start3A_130, %dma_start3A_131] : memref<2x10240x128xf32, #tpu.memory_space<hbm>> -> memref<1x10240x128xf32, #tpu.memory_space<hbm>>
      %dma_start3A_133 = tpu.memref_squeeze %dma_start3A_132 : memref<1x10240x128xf32, #tpu.memory_space<hbm>> -> memref<10240x128xf32, #tpu.memory_space<hbm>>
      %dma_start3A_134 = arith.constant 0 : i32
      %dma_start3A_135 = tpu.memref_slice %dma_start3A_133[%add3A_128, %dma_start3A_134] : memref<10240x128xf32, #tpu.memory_space<hbm>> -> memref<64x128xf32, #tpu.memory_space<hbm>>
      %dma_start3A_136 = arith.constant 0 : i32
      %dma_start3A_137 = arith.constant 0 : i32
      %dma_start3A_138 = tpu.memref_slice %arg6[%arg0, %dma_start3A_136, %dma_start3A_137] : memref<2x10240x128xf32, #tpu.memory_space<hbm>> -> memref<1x10240x128xf32, #tpu.memory_space<hbm>>
      %dma_start3A_139 = tpu.memref_squeeze %dma_start3A_138 : memref<1x10240x128xf32, #tpu.memory_space<hbm>> -> memref<10240x128xf32, #tpu.memory_space<hbm>>
      %dma_start3A_140 = arith.constant 0 : i32
      %dma_start3A_141 = tpu.memref_slice %dma_start3A_139[%add3A_128, %dma_start3A_140] : memref<10240x128xf32, #tpu.memory_space<hbm>> -> memref<64x128xf32, #tpu.memory_space<hbm>>
      tpu.enqueue_dma source(%arg10 : memref<64x128xf32, #tpu.memory_space<vmem>>) target(%dma_start3A_141 : memref<64x128xf32, #tpu.memory_space<hbm>>) target_semaphore(%run_scoped3A_129 : memref<!tpu.dma_semaphore, #tpu.memory_space<semaphore_mem>>)
      %dma_wait3A = arith.constant 0 : i32
      %dma_wait3A_142 = arith.constant 0 : i32
      %dma_wait3A_143 = tpu.memref_slice %arg6[%arg0, %dma_wait3A, %dma_wait3A_142] : memref<2x10240x128xf32, #tpu.memory_space<hbm>> -> memref<1x10240x128xf32, #tpu.memory_space<hbm>>
      %dma_wait3A_144 = tpu.memref_squeeze %dma_wait3A_143 : memref<1x10240x128xf32, #tpu.memory_space<hbm>> -> memref<10240x128xf32, #tpu.memory_space<hbm>>
      %dma_wait3A_145 = arith.constant 0 : i32
      %dma_wait3A_146 = tpu.memref_slice %dma_wait3A_144[%add3A_128, %dma_wait3A_145] : memref<10240x128xf32, #tpu.memory_space<hbm>> -> memref<64x128xf32, #tpu.memory_space<hbm>>
      %dma_wait3A_147 = arith.constant 0 : i32
      %dma_wait3A_148 = arith.constant 0 : i32
      %dma_wait3A_149 = tpu.memref_slice %arg6[%arg0, %dma_wait3A_147, %dma_wait3A_148] : memref<2x10240x128xf32, #tpu.memory_space<hbm>> -> memref<1x10240x128xf32, #tpu.memory_space<hbm>>
      %dma_wait3A_150 = tpu.memref_squeeze %dma_wait3A_149 : memref<1x10240x128xf32, #tpu.memory_space<hbm>> -> memref<10240x128xf32, #tpu.memory_space<hbm>>
      %dma_wait3A_151 = arith.constant 0 : i32
      %dma_wait3A_152 = tpu.memref_slice %dma_wait3A_150[%add3A_128, %dma_wait3A_151] : memref<10240x128xf32, #tpu.memory_space<hbm>> -> memref<64x128xf32, #tpu.memory_space<hbm>>
      tpu.wait_dma2 semaphore(%run_scoped3A_129 : memref<!tpu.dma_semaphore, #tpu.memory_space<semaphore_mem>>) src(%arg10 : memref<64x128xf32, #tpu.memory_space<vmem>>) dst(%dma_wait3A_152 : memref<64x128xf32, #tpu.memory_space<hbm>>)
      tpu.yield
    }) : () -> ()
    return
  }
}

#map = affine_map<(d0, d1) -> (0, 0)>
#map1 = affine_map<(d0, d1) -> (0)>
#map2 = affine_map<(d0, d1) -> (0, 0, 0)>
module attributes {stable_mosaic.version = 14 : i64} {
  func.func @_seg_body(%arg0: i32, %arg1: i32, %arg2: memref<10000x128xf32, #tpu.memory_space<hbm>>, %arg3: memref<320000xi32, #tpu.memory_space<hbm>>, %arg4: memref<320000xi32, #tpu.memory_space<hbm>>, %arg5: memref<64x128xf32, #tpu.memory_space<hbm>>, %arg6: memref<2x10240x128xf32, #tpu.memory_space<hbm>>, %arg7: memref<2x80xi32, #tpu.memory_space<vmem>>, %arg8: memref<2x80xi32, #tpu.memory_space<vmem>>, %arg9: memref<2x80x128xf32, #tpu.memory_space<vmem>>, %arg10: memref<64x128xf32, #tpu.memory_space<vmem>>, %arg11: memref<10240x128xf32, #tpu.memory_space<vmem_shared>>, %arg12: memref<2x!tpu.dma_semaphore, #tpu.memory_space<semaphore_mem>>, %arg13: memref<2x!tpu.dma_semaphore, #tpu.memory_space<semaphore_mem>>, %arg14: memref<2x!tpu.dma_semaphore, #tpu.memory_space<semaphore_mem>>, %arg15: memref<2x!tpu.dma_semaphore, #tpu.memory_space<semaphore_mem>>, %arg16: memref<2x!tpu.dma_semaphore, #tpu.memory_space<semaphore_mem>>) attributes {dimension_semantics = [#tpu.dimension_semantics<core_parallel>, #tpu.dimension_semantics<subcore_parallel>], iteration_bounds = array<i64: 2, 16>, scalar_prefetch = 0 : i64, scratch_operands = 10 : i64, tpu.core_type = #tpu.core_type<sc_vector_subcore>, window_params = [{transform_indices = #map}, {transform_indices = #map1}, {transform_indices = #map1}, {transform_indices = #map}, {transform_indices = #map2}]} {
    "tpu.region"() ({
      %run_scoped3A_129 = tpu.sem_alloc : memref<!tpu.dma_semaphore, #tpu.memory_space<semaphore_mem>>
      tpu.enqueue_dma source(%arg5 : memref<64x128xf32, #tpu.memory_space<hbm>>) target(%arg10 : memref<64x128xf32, #tpu.memory_space<vmem>>) target_semaphore(%run_scoped3A_129 : memref<!tpu.dma_semaphore, #tpu.memory_space<semaphore_mem>>)
      tpu.wait_dma2 semaphore(%run_scoped3A_129 : memref<!tpu.dma_semaphore, #tpu.memory_space<semaphore_mem>>) src(%arg5 : memref<64x128xf32, #tpu.memory_space<hbm>>) dst(%arg10 : memref<64x128xf32, #tpu.memory_space<vmem>>)
      tpu.yield
    }) : () -> ()
    %mul3A = arith.constant 640 : i32
    %mul3A_0 = arith.muli %arg1, %mul3A : i32
    %add3A = arith.constant 0 : i32
    %add3A_1 = arith.addi %mul3A_0, %add3A : i32
    "tpu.region"() ({
      %run_scoped3A_129 = tpu.sem_alloc : memref<!tpu.dma_semaphore, #tpu.memory_space<semaphore_mem>>
      %dma_start3A_130 = arith.constant 0 : i32
      %dma_start3A_131 = tpu.memref_slice %arg11[%add3A_1, %dma_start3A_130] : memref<10240x128xf32, #tpu.memory_space<vmem_shared>> -> memref<64x128xf32, #tpu.memory_space<vmem_shared>>
      %dma_start3A_132 = arith.constant 0 : i32
      %dma_start3A_133 = tpu.memref_slice %arg11[%add3A_1, %dma_start3A_132] : memref<10240x128xf32, #tpu.memory_space<vmem_shared>> -> memref<64x128xf32, #tpu.memory_space<vmem_shared>>
      tpu.enqueue_dma source(%arg10 : memref<64x128xf32, #tpu.memory_space<vmem>>) target(%dma_start3A_133 : memref<64x128xf32, #tpu.memory_space<vmem_shared>>) target_semaphore(%run_scoped3A_129 : memref<!tpu.dma_semaphore, #tpu.memory_space<semaphore_mem>>)
      %dma_wait3A = arith.constant 0 : i32
      %dma_wait3A_134 = tpu.memref_slice %arg11[%add3A_1, %dma_wait3A] : memref<10240x128xf32, #tpu.memory_space<vmem_shared>> -> memref<64x128xf32, #tpu.memory_space<vmem_shared>>
      %dma_wait3A_135 = arith.constant 0 : i32
      %dma_wait3A_136 = tpu.memref_slice %arg11[%add3A_1, %dma_wait3A_135] : memref<10240x128xf32, #tpu.memory_space<vmem_shared>> -> memref<64x128xf32, #tpu.memory_space<vmem_shared>>
      tpu.wait_dma2 semaphore(%run_scoped3A_129 : memref<!tpu.dma_semaphore, #tpu.memory_space<semaphore_mem>>) src(%arg10 : memref<64x128xf32, #tpu.memory_space<vmem>>) dst(%dma_wait3A_136 : memref<64x128xf32, #tpu.memory_space<vmem_shared>>)
      tpu.yield
    }) : () -> ()
    %mul3A_2 = arith.constant 640 : i32
    %mul3A_3 = arith.muli %arg1, %mul3A_2 : i32
    %add3A_4 = arith.constant 64 : i32
    %add3A_5 = arith.addi %mul3A_3, %add3A_4 : i32
    "tpu.region"() ({
      %run_scoped3A_129 = tpu.sem_alloc : memref<!tpu.dma_semaphore, #tpu.memory_space<semaphore_mem>>
      %dma_start3A_130 = arith.constant 0 : i32
      %dma_start3A_131 = tpu.memref_slice %arg11[%add3A_5, %dma_start3A_130] : memref<10240x128xf32, #tpu.memory_space<vmem_shared>> -> memref<64x128xf32, #tpu.memory_space<vmem_shared>>
      %dma_start3A_132 = arith.constant 0 : i32
      %dma_start3A_133 = tpu.memref_slice %arg11[%add3A_5, %dma_start3A_132] : memref<10240x128xf32, #tpu.memory_space<vmem_shared>> -> memref<64x128xf32, #tpu.memory_space<vmem_shared>>
      tpu.enqueue_dma source(%arg10 : memref<64x128xf32, #tpu.memory_space<vmem>>) target(%dma_start3A_133 : memref<64x128xf32, #tpu.memory_space<vmem_shared>>) target_semaphore(%run_scoped3A_129 : memref<!tpu.dma_semaphore, #tpu.memory_space<semaphore_mem>>)
      %dma_wait3A = arith.constant 0 : i32
      %dma_wait3A_134 = tpu.memref_slice %arg11[%add3A_5, %dma_wait3A] : memref<10240x128xf32, #tpu.memory_space<vmem_shared>> -> memref<64x128xf32, #tpu.memory_space<vmem_shared>>
      %dma_wait3A_135 = arith.constant 0 : i32
      %dma_wait3A_136 = tpu.memref_slice %arg11[%add3A_5, %dma_wait3A_135] : memref<10240x128xf32, #tpu.memory_space<vmem_shared>> -> memref<64x128xf32, #tpu.memory_space<vmem_shared>>
      tpu.wait_dma2 semaphore(%run_scoped3A_129 : memref<!tpu.dma_semaphore, #tpu.memory_space<semaphore_mem>>) src(%arg10 : memref<64x128xf32, #tpu.memory_space<vmem>>) dst(%dma_wait3A_136 : memref<64x128xf32, #tpu.memory_space<vmem_shared>>)
      tpu.yield
    }) : () -> ()
    %mul3A_6 = arith.constant 640 : i32
    %mul3A_7 = arith.muli %arg1, %mul3A_6 : i32
    %add3A_8 = arith.constant 128 : i32
    %add3A_9 = arith.addi %mul3A_7, %add3A_8 : i32
    "tpu.region"() ({
      %run_scoped3A_129 = tpu.sem_alloc : memref<!tpu.dma_semaphore, #tpu.memory_space<semaphore_mem>>
      %dma_start3A_130 = arith.constant 0 : i32
      %dma_start3A_131 = tpu.memref_slice %arg11[%add3A_9, %dma_start3A_130] : memref<10240x128xf32, #tpu.memory_space<vmem_shared>> -> memref<64x128xf32, #tpu.memory_space<vmem_shared>>
      %dma_start3A_132 = arith.constant 0 : i32
      %dma_start3A_133 = tpu.memref_slice %arg11[%add3A_9, %dma_start3A_132] : memref<10240x128xf32, #tpu.memory_space<vmem_shared>> -> memref<64x128xf32, #tpu.memory_space<vmem_shared>>
      tpu.enqueue_dma source(%arg10 : memref<64x128xf32, #tpu.memory_space<vmem>>) target(%dma_start3A_133 : memref<64x128xf32, #tpu.memory_space<vmem_shared>>) target_semaphore(%run_scoped3A_129 : memref<!tpu.dma_semaphore, #tpu.memory_space<semaphore_mem>>)
      %dma_wait3A = arith.constant 0 : i32
      %dma_wait3A_134 = tpu.memref_slice %arg11[%add3A_9, %dma_wait3A] : memref<10240x128xf32, #tpu.memory_space<vmem_shared>> -> memref<64x128xf32, #tpu.memory_space<vmem_shared>>
      %dma_wait3A_135 = arith.constant 0 : i32
      %dma_wait3A_136 = tpu.memref_slice %arg11[%add3A_9, %dma_wait3A_135] : memref<10240x128xf32, #tpu.memory_space<vmem_shared>> -> memref<64x128xf32, #tpu.memory_space<vmem_shared>>
      tpu.wait_dma2 semaphore(%run_scoped3A_129 : memref<!tpu.dma_semaphore, #tpu.memory_space<semaphore_mem>>) src(%arg10 : memref<64x128xf32, #tpu.memory_space<vmem>>) dst(%dma_wait3A_136 : memref<64x128xf32, #tpu.memory_space<vmem_shared>>)
      tpu.yield
    }) : () -> ()
    %mul3A_10 = arith.constant 640 : i32
    %mul3A_11 = arith.muli %arg1, %mul3A_10 : i32
    %add3A_12 = arith.constant 192 : i32
    %add3A_13 = arith.addi %mul3A_11, %add3A_12 : i32
    "tpu.region"() ({
      %run_scoped3A_129 = tpu.sem_alloc : memref<!tpu.dma_semaphore, #tpu.memory_space<semaphore_mem>>
      %dma_start3A_130 = arith.constant 0 : i32
      %dma_start3A_131 = tpu.memref_slice %arg11[%add3A_13, %dma_start3A_130] : memref<10240x128xf32, #tpu.memory_space<vmem_shared>> -> memref<64x128xf32, #tpu.memory_space<vmem_shared>>
      %dma_start3A_132 = arith.constant 0 : i32
      %dma_start3A_133 = tpu.memref_slice %arg11[%add3A_13, %dma_start3A_132] : memref<10240x128xf32, #tpu.memory_space<vmem_shared>> -> memref<64x128xf32, #tpu.memory_space<vmem_shared>>
      tpu.enqueue_dma source(%arg10 : memref<64x128xf32, #tpu.memory_space<vmem>>) target(%dma_start3A_133 : memref<64x128xf32, #tpu.memory_space<vmem_shared>>) target_semaphore(%run_scoped3A_129 : memref<!tpu.dma_semaphore, #tpu.memory_space<semaphore_mem>>)
      %dma_wait3A = arith.constant 0 : i32
      %dma_wait3A_134 = tpu.memref_slice %arg11[%add3A_13, %dma_wait3A] : memref<10240x128xf32, #tpu.memory_space<vmem_shared>> -> memref<64x128xf32, #tpu.memory_space<vmem_shared>>
      %dma_wait3A_135 = arith.constant 0 : i32
      %dma_wait3A_136 = tpu.memref_slice %arg11[%add3A_13, %dma_wait3A_135] : memref<10240x128xf32, #tpu.memory_space<vmem_shared>> -> memref<64x128xf32, #tpu.memory_space<vmem_shared>>
      tpu.wait_dma2 semaphore(%run_scoped3A_129 : memref<!tpu.dma_semaphore, #tpu.memory_space<semaphore_mem>>) src(%arg10 : memref<64x128xf32, #tpu.memory_space<vmem>>) dst(%dma_wait3A_136 : memref<64x128xf32, #tpu.memory_space<vmem_shared>>)
      tpu.yield
    }) : () -> ()
    %mul3A_14 = arith.constant 640 : i32
    %mul3A_15 = arith.muli %arg1, %mul3A_14 : i32
    %add3A_16 = arith.constant 256 : i32
    %add3A_17 = arith.addi %mul3A_15, %add3A_16 : i32
    "tpu.region"() ({
      %run_scoped3A_129 = tpu.sem_alloc : memref<!tpu.dma_semaphore, #tpu.memory_space<semaphore_mem>>
      %dma_start3A_130 = arith.constant 0 : i32
      %dma_start3A_131 = tpu.memref_slice %arg11[%add3A_17, %dma_start3A_130] : memref<10240x128xf32, #tpu.memory_space<vmem_shared>> -> memref<64x128xf32, #tpu.memory_space<vmem_shared>>
      %dma_start3A_132 = arith.constant 0 : i32
      %dma_start3A_133 = tpu.memref_slice %arg11[%add3A_17, %dma_start3A_132] : memref<10240x128xf32, #tpu.memory_space<vmem_shared>> -> memref<64x128xf32, #tpu.memory_space<vmem_shared>>
      tpu.enqueue_dma source(%arg10 : memref<64x128xf32, #tpu.memory_space<vmem>>) target(%dma_start3A_133 : memref<64x128xf32, #tpu.memory_space<vmem_shared>>) target_semaphore(%run_scoped3A_129 : memref<!tpu.dma_semaphore, #tpu.memory_space<semaphore_mem>>)
      %dma_wait3A = arith.constant 0 : i32
      %dma_wait3A_134 = tpu.memref_slice %arg11[%add3A_17, %dma_wait3A] : memref<10240x128xf32, #tpu.memory_space<vmem_shared>> -> memref<64x128xf32, #tpu.memory_space<vmem_shared>>
      %dma_wait3A_135 = arith.constant 0 : i32
      %dma_wait3A_136 = tpu.memref_slice %arg11[%add3A_17, %dma_wait3A_135] : memref<10240x128xf32, #tpu.memory_space<vmem_shared>> -> memref<64x128xf32, #tpu.memory_space<vmem_shared>>
      tpu.wait_dma2 semaphore(%run_scoped3A_129 : memref<!tpu.dma_semaphore, #tpu.memory_space<semaphore_mem>>) src(%arg10 : memref<64x128xf32, #tpu.memory_space<vmem>>) dst(%dma_wait3A_136 : memref<64x128xf32, #tpu.memory_space<vmem_shared>>)
      tpu.yield
    }) : () -> ()
    %mul3A_18 = arith.constant 640 : i32
    %mul3A_19 = arith.muli %arg1, %mul3A_18 : i32
    %add3A_20 = arith.constant 320 : i32
    %add3A_21 = arith.addi %mul3A_19, %add3A_20 : i32
    "tpu.region"() ({
      %run_scoped3A_129 = tpu.sem_alloc : memref<!tpu.dma_semaphore, #tpu.memory_space<semaphore_mem>>
      %dma_start3A_130 = arith.constant 0 : i32
      %dma_start3A_131 = tpu.memref_slice %arg11[%add3A_21, %dma_start3A_130] : memref<10240x128xf32, #tpu.memory_space<vmem_shared>> -> memref<64x128xf32, #tpu.memory_space<vmem_shared>>
      %dma_start3A_132 = arith.constant 0 : i32
      %dma_start3A_133 = tpu.memref_slice %arg11[%add3A_21, %dma_start3A_132] : memref<10240x128xf32, #tpu.memory_space<vmem_shared>> -> memref<64x128xf32, #tpu.memory_space<vmem_shared>>
      tpu.enqueue_dma source(%arg10 : memref<64x128xf32, #tpu.memory_space<vmem>>) target(%dma_start3A_133 : memref<64x128xf32, #tpu.memory_space<vmem_shared>>) target_semaphore(%run_scoped3A_129 : memref<!tpu.dma_semaphore, #tpu.memory_space<semaphore_mem>>)
      %dma_wait3A = arith.constant 0 : i32
      %dma_wait3A_134 = tpu.memref_slice %arg11[%add3A_21, %dma_wait3A] : memref<10240x128xf32, #tpu.memory_space<vmem_shared>> -> memref<64x128xf32, #tpu.memory_space<vmem_shared>>
      %dma_wait3A_135 = arith.constant 0 : i32
      %dma_wait3A_136 = tpu.memref_slice %arg11[%add3A_21, %dma_wait3A_135] : memref<10240x128xf32, #tpu.memory_space<vmem_shared>> -> memref<64x128xf32, #tpu.memory_space<vmem_shared>>
      tpu.wait_dma2 semaphore(%run_scoped3A_129 : memref<!tpu.dma_semaphore, #tpu.memory_space<semaphore_mem>>) src(%arg10 : memref<64x128xf32, #tpu.memory_space<vmem>>) dst(%dma_wait3A_136 : memref<64x128xf32, #tpu.memory_space<vmem_shared>>)
      tpu.yield
    }) : () -> ()
    %mul3A_22 = arith.constant 640 : i32
    %mul3A_23 = arith.muli %arg1, %mul3A_22 : i32
    %add3A_24 = arith.constant 384 : i32
    %add3A_25 = arith.addi %mul3A_23, %add3A_24 : i32
    "tpu.region"() ({
      %run_scoped3A_129 = tpu.sem_alloc : memref<!tpu.dma_semaphore, #tpu.memory_space<semaphore_mem>>
      %dma_start3A_130 = arith.constant 0 : i32
      %dma_start3A_131 = tpu.memref_slice %arg11[%add3A_25, %dma_start3A_130] : memref<10240x128xf32, #tpu.memory_space<vmem_shared>> -> memref<64x128xf32, #tpu.memory_space<vmem_shared>>
      %dma_start3A_132 = arith.constant 0 : i32
      %dma_start3A_133 = tpu.memref_slice %arg11[%add3A_25, %dma_start3A_132] : memref<10240x128xf32, #tpu.memory_space<vmem_shared>> -> memref<64x128xf32, #tpu.memory_space<vmem_shared>>
      tpu.enqueue_dma source(%arg10 : memref<64x128xf32, #tpu.memory_space<vmem>>) target(%dma_start3A_133 : memref<64x128xf32, #tpu.memory_space<vmem_shared>>) target_semaphore(%run_scoped3A_129 : memref<!tpu.dma_semaphore, #tpu.memory_space<semaphore_mem>>)
      %dma_wait3A = arith.constant 0 : i32
      %dma_wait3A_134 = tpu.memref_slice %arg11[%add3A_25, %dma_wait3A] : memref<10240x128xf32, #tpu.memory_space<vmem_shared>> -> memref<64x128xf32, #tpu.memory_space<vmem_shared>>
      %dma_wait3A_135 = arith.constant 0 : i32
      %dma_wait3A_136 = tpu.memref_slice %arg11[%add3A_25, %dma_wait3A_135] : memref<10240x128xf32, #tpu.memory_space<vmem_shared>> -> memref<64x128xf32, #tpu.memory_space<vmem_shared>>
      tpu.wait_dma2 semaphore(%run_scoped3A_129 : memref<!tpu.dma_semaphore, #tpu.memory_space<semaphore_mem>>) src(%arg10 : memref<64x128xf32, #tpu.memory_space<vmem>>) dst(%dma_wait3A_136 : memref<64x128xf32, #tpu.memory_space<vmem_shared>>)
      tpu.yield
    }) : () -> ()
    %mul3A_26 = arith.constant 640 : i32
    %mul3A_27 = arith.muli %arg1, %mul3A_26 : i32
    %add3A_28 = arith.constant 448 : i32
    %add3A_29 = arith.addi %mul3A_27, %add3A_28 : i32
    "tpu.region"() ({
      %run_scoped3A_129 = tpu.sem_alloc : memref<!tpu.dma_semaphore, #tpu.memory_space<semaphore_mem>>
      %dma_start3A_130 = arith.constant 0 : i32
      %dma_start3A_131 = tpu.memref_slice %arg11[%add3A_29, %dma_start3A_130] : memref<10240x128xf32, #tpu.memory_space<vmem_shared>> -> memref<64x128xf32, #tpu.memory_space<vmem_shared>>
      %dma_start3A_132 = arith.constant 0 : i32
      %dma_start3A_133 = tpu.memref_slice %arg11[%add3A_29, %dma_start3A_132] : memref<10240x128xf32, #tpu.memory_space<vmem_shared>> -> memref<64x128xf32, #tpu.memory_space<vmem_shared>>
      tpu.enqueue_dma source(%arg10 : memref<64x128xf32, #tpu.memory_space<vmem>>) target(%dma_start3A_133 : memref<64x128xf32, #tpu.memory_space<vmem_shared>>) target_semaphore(%run_scoped3A_129 : memref<!tpu.dma_semaphore, #tpu.memory_space<semaphore_mem>>)
      %dma_wait3A = arith.constant 0 : i32
      %dma_wait3A_134 = tpu.memref_slice %arg11[%add3A_29, %dma_wait3A] : memref<10240x128xf32, #tpu.memory_space<vmem_shared>> -> memref<64x128xf32, #tpu.memory_space<vmem_shared>>
      %dma_wait3A_135 = arith.constant 0 : i32
      %dma_wait3A_136 = tpu.memref_slice %arg11[%add3A_29, %dma_wait3A_135] : memref<10240x128xf32, #tpu.memory_space<vmem_shared>> -> memref<64x128xf32, #tpu.memory_space<vmem_shared>>
      tpu.wait_dma2 semaphore(%run_scoped3A_129 : memref<!tpu.dma_semaphore, #tpu.memory_space<semaphore_mem>>) src(%arg10 : memref<64x128xf32, #tpu.memory_space<vmem>>) dst(%dma_wait3A_136 : memref<64x128xf32, #tpu.memory_space<vmem_shared>>)
      tpu.yield
    }) : () -> ()
    %mul3A_30 = arith.constant 640 : i32
    %mul3A_31 = arith.muli %arg1, %mul3A_30 : i32
    %add3A_32 = arith.constant 512 : i32
    %add3A_33 = arith.addi %mul3A_31, %add3A_32 : i32
    "tpu.region"() ({
      %run_scoped3A_129 = tpu.sem_alloc : memref<!tpu.dma_semaphore, #tpu.memory_space<semaphore_mem>>
      %dma_start3A_130 = arith.constant 0 : i32
      %dma_start3A_131 = tpu.memref_slice %arg11[%add3A_33, %dma_start3A_130] : memref<10240x128xf32, #tpu.memory_space<vmem_shared>> -> memref<64x128xf32, #tpu.memory_space<vmem_shared>>
      %dma_start3A_132 = arith.constant 0 : i32
      %dma_start3A_133 = tpu.memref_slice %arg11[%add3A_33, %dma_start3A_132] : memref<10240x128xf32, #tpu.memory_space<vmem_shared>> -> memref<64x128xf32, #tpu.memory_space<vmem_shared>>
      tpu.enqueue_dma source(%arg10 : memref<64x128xf32, #tpu.memory_space<vmem>>) target(%dma_start3A_133 : memref<64x128xf32, #tpu.memory_space<vmem_shared>>) target_semaphore(%run_scoped3A_129 : memref<!tpu.dma_semaphore, #tpu.memory_space<semaphore_mem>>)
      %dma_wait3A = arith.constant 0 : i32
      %dma_wait3A_134 = tpu.memref_slice %arg11[%add3A_33, %dma_wait3A] : memref<10240x128xf32, #tpu.memory_space<vmem_shared>> -> memref<64x128xf32, #tpu.memory_space<vmem_shared>>
      %dma_wait3A_135 = arith.constant 0 : i32
      %dma_wait3A_136 = tpu.memref_slice %arg11[%add3A_33, %dma_wait3A_135] : memref<10240x128xf32, #tpu.memory_space<vmem_shared>> -> memref<64x128xf32, #tpu.memory_space<vmem_shared>>
      tpu.wait_dma2 semaphore(%run_scoped3A_129 : memref<!tpu.dma_semaphore, #tpu.memory_space<semaphore_mem>>) src(%arg10 : memref<64x128xf32, #tpu.memory_space<vmem>>) dst(%dma_wait3A_136 : memref<64x128xf32, #tpu.memory_space<vmem_shared>>)
      tpu.yield
    }) : () -> ()
    %mul3A_34 = arith.constant 640 : i32
    %mul3A_35 = arith.muli %arg1, %mul3A_34 : i32
    %add3A_36 = arith.constant 576 : i32
    %add3A_37 = arith.addi %mul3A_35, %add3A_36 : i32
    "tpu.region"() ({
      %run_scoped3A_129 = tpu.sem_alloc : memref<!tpu.dma_semaphore, #tpu.memory_space<semaphore_mem>>
      %dma_start3A_130 = arith.constant 0 : i32
      %dma_start3A_131 = tpu.memref_slice %arg11[%add3A_37, %dma_start3A_130] : memref<10240x128xf32, #tpu.memory_space<vmem_shared>> -> memref<64x128xf32, #tpu.memory_space<vmem_shared>>
      %dma_start3A_132 = arith.constant 0 : i32
      %dma_start3A_133 = tpu.memref_slice %arg11[%add3A_37, %dma_start3A_132] : memref<10240x128xf32, #tpu.memory_space<vmem_shared>> -> memref<64x128xf32, #tpu.memory_space<vmem_shared>>
      tpu.enqueue_dma source(%arg10 : memref<64x128xf32, #tpu.memory_space<vmem>>) target(%dma_start3A_133 : memref<64x128xf32, #tpu.memory_space<vmem_shared>>) target_semaphore(%run_scoped3A_129 : memref<!tpu.dma_semaphore, #tpu.memory_space<semaphore_mem>>)
      %dma_wait3A = arith.constant 0 : i32
      %dma_wait3A_134 = tpu.memref_slice %arg11[%add3A_37, %dma_wait3A] : memref<10240x128xf32, #tpu.memory_space<vmem_shared>> -> memref<64x128xf32, #tpu.memory_space<vmem_shared>>
      %dma_wait3A_135 = arith.constant 0 : i32
      %dma_wait3A_136 = tpu.memref_slice %arg11[%add3A_37, %dma_wait3A_135] : memref<10240x128xf32, #tpu.memory_space<vmem_shared>> -> memref<64x128xf32, #tpu.memory_space<vmem_shared>>
      tpu.wait_dma2 semaphore(%run_scoped3A_129 : memref<!tpu.dma_semaphore, #tpu.memory_space<semaphore_mem>>) src(%arg10 : memref<64x128xf32, #tpu.memory_space<vmem>>) dst(%dma_wait3A_136 : memref<64x128xf32, #tpu.memory_space<vmem_shared>>)
      tpu.yield
    }) : () -> ()
    %barrier3A = arith.constant 0 : index
    tpu.barrier barrier_id(%barrier3A)
    %mul3A_38 = arith.constant 160000 : i32
    %mul3A_39 = arith.muli %arg0, %mul3A_38 : i32
    %mul3A_40 = arith.constant 10000 : i32
    %mul3A_41 = arith.muli %arg1, %mul3A_40 : i32
    %add3A_42 = arith.addi %mul3A_39, %mul3A_41 : i32
    %run_scoped3A = arith.constant 0 : i32
    "tpu.region"() ({
      %run_scoped3A_129 = tpu.sem_alloc : memref<!tpu.dma_semaphore, #tpu.memory_space<semaphore_mem>>
      %dma_start3A_130 = arith.constant 0 : i32
      %dma_start3A_131 = tpu.memref_slice %arg7[%run_scoped3A, %dma_start3A_130] : memref<2x80xi32, #tpu.memory_space<vmem>> -> memref<1x80xi32, #tpu.memory_space<vmem>>
      %dma_start3A_132 = tpu.memref_squeeze %dma_start3A_131 : memref<1x80xi32, #tpu.memory_space<vmem>> -> memref<80xi32, #tpu.memory_space<vmem>>
      %dma_start3A_133 = tpu.memref_slice %arg3[%add3A_42] : memref<320000xi32, #tpu.memory_space<hbm>> -> memref<80xi32, #tpu.memory_space<hbm>>
      %dma_start3A_134 = arith.constant 0 : i32
      %dma_start3A_135 = tpu.memref_slice %arg7[%run_scoped3A, %dma_start3A_134] : memref<2x80xi32, #tpu.memory_space<vmem>> -> memref<1x80xi32, #tpu.memory_space<vmem>>
      %dma_start3A_136 = tpu.memref_squeeze %dma_start3A_135 : memref<1x80xi32, #tpu.memory_space<vmem>> -> memref<80xi32, #tpu.memory_space<vmem>>
      %dma_start3A_137 = tpu.memref_slice %arg3[%add3A_42] : memref<320000xi32, #tpu.memory_space<hbm>> -> memref<80xi32, #tpu.memory_space<hbm>>
      tpu.enqueue_dma source(%dma_start3A_137 : memref<80xi32, #tpu.memory_space<hbm>>) target(%dma_start3A_136 : memref<80xi32, #tpu.memory_space<vmem>>) target_semaphore(%run_scoped3A_129 : memref<!tpu.dma_semaphore, #tpu.memory_space<semaphore_mem>>)
      %dma_wait3A = arith.constant 0 : i32
      %dma_wait3A_138 = tpu.memref_slice %arg7[%run_scoped3A, %dma_wait3A] : memref<2x80xi32, #tpu.memory_space<vmem>> -> memref<1x80xi32, #tpu.memory_space<vmem>>
      %dma_wait3A_139 = tpu.memref_squeeze %dma_wait3A_138 : memref<1x80xi32, #tpu.memory_space<vmem>> -> memref<80xi32, #tpu.memory_space<vmem>>
      %dma_wait3A_140 = tpu.memref_slice %arg3[%add3A_42] : memref<320000xi32, #tpu.memory_space<hbm>> -> memref<80xi32, #tpu.memory_space<hbm>>
      %dma_wait3A_141 = arith.constant 0 : i32
      %dma_wait3A_142 = tpu.memref_slice %arg7[%run_scoped3A, %dma_wait3A_141] : memref<2x80xi32, #tpu.memory_space<vmem>> -> memref<1x80xi32, #tpu.memory_space<vmem>>
      %dma_wait3A_143 = tpu.memref_squeeze %dma_wait3A_142 : memref<1x80xi32, #tpu.memory_space<vmem>> -> memref<80xi32, #tpu.memory_space<vmem>>
      %dma_wait3A_144 = tpu.memref_slice %arg3[%add3A_42] : memref<320000xi32, #tpu.memory_space<hbm>> -> memref<80xi32, #tpu.memory_space<hbm>>
      tpu.wait_dma2 semaphore(%run_scoped3A_129 : memref<!tpu.dma_semaphore, #tpu.memory_space<semaphore_mem>>) src(%dma_wait3A_144 : memref<80xi32, #tpu.memory_space<hbm>>) dst(%dma_wait3A_143 : memref<80xi32, #tpu.memory_space<vmem>>)
      tpu.yield
    }) : () -> ()
    %dma_start3A = arith.constant 0 : i32
    %dma_start3A_43 = arith.constant 0 : i32
    %dma_start3A_44 = arith.constant 0 : i32
    %dma_start3A_45 = tpu.memref_slice %arg8[%dma_start3A, %dma_start3A_44] : memref<2x80xi32, #tpu.memory_space<vmem>> -> memref<1x80xi32, #tpu.memory_space<vmem>>
    %dma_start3A_46 = tpu.memref_squeeze %dma_start3A_45 : memref<1x80xi32, #tpu.memory_space<vmem>> -> memref<80xi32, #tpu.memory_space<vmem>>
    %dma_start3A_47 = tpu.memref_slice %arg4[%add3A_42] : memref<320000xi32, #tpu.memory_space<hbm>> -> memref<80xi32, #tpu.memory_space<hbm>>
    %dma_start3A_48 = tpu.memref_slice %arg14[%dma_start3A_43] : memref<2x!tpu.dma_semaphore, #tpu.memory_space<semaphore_mem>> -> memref<1x!tpu.dma_semaphore, #tpu.memory_space<semaphore_mem>>
    %dma_start3A_49 = tpu.memref_squeeze %dma_start3A_48 : memref<1x!tpu.dma_semaphore, #tpu.memory_space<semaphore_mem>> -> memref<!tpu.dma_semaphore, #tpu.memory_space<semaphore_mem>>
    %dma_start3A_50 = arith.constant 0 : i32
    %dma_start3A_51 = tpu.memref_slice %arg8[%dma_start3A, %dma_start3A_50] : memref<2x80xi32, #tpu.memory_space<vmem>> -> memref<1x80xi32, #tpu.memory_space<vmem>>
    %dma_start3A_52 = tpu.memref_squeeze %dma_start3A_51 : memref<1x80xi32, #tpu.memory_space<vmem>> -> memref<80xi32, #tpu.memory_space<vmem>>
    %dma_start3A_53 = tpu.memref_slice %arg4[%add3A_42] : memref<320000xi32, #tpu.memory_space<hbm>> -> memref<80xi32, #tpu.memory_space<hbm>>
    tpu.enqueue_dma source(%dma_start3A_53 : memref<80xi32, #tpu.memory_space<hbm>>) target(%dma_start3A_52 : memref<80xi32, #tpu.memory_space<vmem>>) target_semaphore(%dma_start3A_49 : memref<!tpu.dma_semaphore, #tpu.memory_space<semaphore_mem>>)
    %dma_start3A_54 = arith.constant 0 : i32
    %dma_start3A_55 = arith.constant 0 : i32
    %dma_start3A_56 = arith.constant 0 : i32
    %dma_start3A_57 = arith.constant 0 : i32
    %dma_start3A_58 = arith.constant 0 : i32
    %dma_start3A_59 = tpu.memref_slice %arg9[%dma_start3A_55, %dma_start3A_57, %dma_start3A_58] : memref<2x80x128xf32, #tpu.memory_space<vmem>> -> memref<1x80x128xf32, #tpu.memory_space<vmem>>
    %dma_start3A_60 = tpu.memref_squeeze %dma_start3A_59 : memref<1x80x128xf32, #tpu.memory_space<vmem>> -> memref<80x128xf32, #tpu.memory_space<vmem>>
    %dma_start3A_61 = arith.constant 0 : i32
    %dma_start3A_62 = tpu.memref_slice %arg7[%dma_start3A_54, %dma_start3A_61] : memref<2x80xi32, #tpu.memory_space<vmem>> -> memref<1x80xi32, #tpu.memory_space<vmem>>
    %dma_start3A_63 = tpu.memref_squeeze %dma_start3A_62 : memref<1x80xi32, #tpu.memory_space<vmem>> -> memref<80xi32, #tpu.memory_space<vmem>>
    %dma_start3A_64 = arith.constant 0 : i32
    %dma_start3A_65 = arith.constant 0 : i32
    %dma_start3A_66 = tpu.memref_slice %arg2[%dma_start3A_64, %dma_start3A_65] : memref<10000x128xf32, #tpu.memory_space<hbm>> -> memref<10000x128xf32, #tpu.memory_space<hbm>>
    %dma_start3A_67 = tpu.memref_slice %arg12[%dma_start3A_56] : memref<2x!tpu.dma_semaphore, #tpu.memory_space<semaphore_mem>> -> memref<1x!tpu.dma_semaphore, #tpu.memory_space<semaphore_mem>>
    %dma_start3A_68 = tpu.memref_squeeze %dma_start3A_67 : memref<1x!tpu.dma_semaphore, #tpu.memory_space<semaphore_mem>> -> memref<!tpu.dma_semaphore, #tpu.memory_space<semaphore_mem>>
    tpu.enqueue_indirect_dma source(%dma_start3A_66 : memref<10000x128xf32, #tpu.memory_space<hbm>>) target(%dma_start3A_60 : memref<80x128xf32, #tpu.memory_space<vmem>>) offsets(%dma_start3A_63 : memref<80xi32, #tpu.memory_space<vmem>>) semaphore(%dma_start3A_68 : memref<!tpu.dma_semaphore, #tpu.memory_space<semaphore_mem>>)
    %add3A_69 = arith.constant 80 : i32
    %add3A_70 = arith.addi %add3A_42, %add3A_69 : i32
    %dma_start3A_71 = arith.constant 1 : i32
    %dma_start3A_72 = arith.constant 1 : i32
    %dma_start3A_73 = arith.constant 0 : i32
    %dma_start3A_74 = tpu.memref_slice %arg7[%dma_start3A_71, %dma_start3A_73] : memref<2x80xi32, #tpu.memory_space<vmem>> -> memref<1x80xi32, #tpu.memory_space<vmem>>
    %dma_start3A_75 = tpu.memref_squeeze %dma_start3A_74 : memref<1x80xi32, #tpu.memory_space<vmem>> -> memref<80xi32, #tpu.memory_space<vmem>>
    %dma_start3A_76 = tpu.memref_slice %arg3[%add3A_70] : memref<320000xi32, #tpu.memory_space<hbm>> -> memref<80xi32, #tpu.memory_space<hbm>>
    %dma_start3A_77 = tpu.memref_slice %arg13[%dma_start3A_72] : memref<2x!tpu.dma_semaphore, #tpu.memory_space<semaphore_mem>> -> memref<1x!tpu.dma_semaphore, #tpu.memory_space<semaphore_mem>>
    %dma_start3A_78 = tpu.memref_squeeze %dma_start3A_77 : memref<1x!tpu.dma_semaphore, #tpu.memory_space<semaphore_mem>> -> memref<!tpu.dma_semaphore, #tpu.memory_space<semaphore_mem>>
    %dma_start3A_79 = arith.constant 0 : i32
    %dma_start3A_80 = tpu.memref_slice %arg7[%dma_start3A_71, %dma_start3A_79] : memref<2x80xi32, #tpu.memory_space<vmem>> -> memref<1x80xi32, #tpu.memory_space<vmem>>
    %dma_start3A_81 = tpu.memref_squeeze %dma_start3A_80 : memref<1x80xi32, #tpu.memory_space<vmem>> -> memref<80xi32, #tpu.memory_space<vmem>>
    %dma_start3A_82 = tpu.memref_slice %arg3[%add3A_70] : memref<320000xi32, #tpu.memory_space<hbm>> -> memref<80xi32, #tpu.memory_space<hbm>>
    tpu.enqueue_dma source(%dma_start3A_82 : memref<80xi32, #tpu.memory_space<hbm>>) target(%dma_start3A_81 : memref<80xi32, #tpu.memory_space<vmem>>) target_semaphore(%dma_start3A_78 : memref<!tpu.dma_semaphore, #tpu.memory_space<semaphore_mem>>)
    %scan3A = arith.constant 0 : i32
    %scan3A_83 = arith.constant 0 : i32
    %scan3A_84 = arith.constant 125 : i32
    %scan3A_85 = arith.addi %scan3A_83, %scan3A_84 : i32
    %scan3A_86 = arith.constant 1 : i32
    scf.for %scan3A_129 = %scan3A_83 to %scan3A_85 step %scan3A_86  : i32 {
      %and3A = arith.constant 1 : i32
      %and3A_130 = arith.andi %scan3A_129, %and3A : i32
      %sub3A = arith.constant 1 : i32
      %sub3A_131 = arith.subi %sub3A, %and3A_130 : i32
      %add3A_132 = arith.constant 1 : i32
      %add3A_133 = arith.addi %scan3A_129, %add3A_132 : i32
      %lt3A = arith.constant 125 : i32
      %lt3A_134 = arith.cmpi slt, %add3A_133, %lt3A : i32
      %convert_element_type3A = arith.extui %lt3A_134 : i1 to i32
      %cond3A = arith.constant 0 : i32
      %cond3A_135 = arith.cmpi ne, %convert_element_type3A, %cond3A : i32
      scf.if %cond3A_135 {
        %dma_wait3A_164 = arith.constant 0 : i32
        %dma_wait3A_165 = tpu.memref_slice %arg7[%sub3A_131, %dma_wait3A_164] : memref<2x80xi32, #tpu.memory_space<vmem>> -> memref<1x80xi32, #tpu.memory_space<vmem>>
        %dma_wait3A_166 = tpu.memref_squeeze %dma_wait3A_165 : memref<1x80xi32, #tpu.memory_space<vmem>> -> memref<80xi32, #tpu.memory_space<vmem>>
        %dma_wait3A_167 = tpu.memref_slice %arg3[%add3A_42] : memref<320000xi32, #tpu.memory_space<hbm>> -> memref<80xi32, #tpu.memory_space<hbm>>
        %dma_wait3A_168 = tpu.memref_slice %arg13[%sub3A_131] : memref<2x!tpu.dma_semaphore, #tpu.memory_space<semaphore_mem>> -> memref<1x!tpu.dma_semaphore, #tpu.memory_space<semaphore_mem>>
        %dma_wait3A_169 = tpu.memref_squeeze %dma_wait3A_168 : memref<1x!tpu.dma_semaphore, #tpu.memory_space<semaphore_mem>> -> memref<!tpu.dma_semaphore, #tpu.memory_space<semaphore_mem>>
        %dma_wait3A_170 = arith.constant 0 : i32
        %dma_wait3A_171 = tpu.memref_slice %arg7[%sub3A_131, %dma_wait3A_170] : memref<2x80xi32, #tpu.memory_space<vmem>> -> memref<1x80xi32, #tpu.memory_space<vmem>>
        %dma_wait3A_172 = tpu.memref_squeeze %dma_wait3A_171 : memref<1x80xi32, #tpu.memory_space<vmem>> -> memref<80xi32, #tpu.memory_space<vmem>>
        %dma_wait3A_173 = tpu.memref_slice %arg3[%add3A_42] : memref<320000xi32, #tpu.memory_space<hbm>> -> memref<80xi32, #tpu.memory_space<hbm>>
        tpu.wait_dma2 semaphore(%dma_wait3A_169 : memref<!tpu.dma_semaphore, #tpu.memory_space<semaphore_mem>>) src(%dma_wait3A_173 : memref<80xi32, #tpu.memory_space<hbm>>) dst(%dma_wait3A_172 : memref<80xi32, #tpu.memory_space<vmem>>)
        %dma_start3A_174 = arith.constant 0 : i32
        %dma_start3A_175 = arith.constant 0 : i32
        %dma_start3A_176 = tpu.memref_slice %arg9[%sub3A_131, %dma_start3A_174, %dma_start3A_175] : memref<2x80x128xf32, #tpu.memory_space<vmem>> -> memref<1x80x128xf32, #tpu.memory_space<vmem>>
        %dma_start3A_177 = tpu.memref_squeeze %dma_start3A_176 : memref<1x80x128xf32, #tpu.memory_space<vmem>> -> memref<80x128xf32, #tpu.memory_space<vmem>>
        %dma_start3A_178 = arith.constant 0 : i32
        %dma_start3A_179 = tpu.memref_slice %arg7[%sub3A_131, %dma_start3A_178] : memref<2x80xi32, #tpu.memory_space<vmem>> -> memref<1x80xi32, #tpu.memory_space<vmem>>
        %dma_start3A_180 = tpu.memref_squeeze %dma_start3A_179 : memref<1x80xi32, #tpu.memory_space<vmem>> -> memref<80xi32, #tpu.memory_space<vmem>>
        %dma_start3A_181 = arith.constant 0 : i32
        %dma_start3A_182 = arith.constant 0 : i32
        %dma_start3A_183 = tpu.memref_slice %arg2[%dma_start3A_181, %dma_start3A_182] : memref<10000x128xf32, #tpu.memory_space<hbm>> -> memref<10000x128xf32, #tpu.memory_space<hbm>>
        %dma_start3A_184 = tpu.memref_slice %arg12[%sub3A_131] : memref<2x!tpu.dma_semaphore, #tpu.memory_space<semaphore_mem>> -> memref<1x!tpu.dma_semaphore, #tpu.memory_space<semaphore_mem>>
        %dma_start3A_185 = tpu.memref_squeeze %dma_start3A_184 : memref<1x!tpu.dma_semaphore, #tpu.memory_space<semaphore_mem>> -> memref<!tpu.dma_semaphore, #tpu.memory_space<semaphore_mem>>
        tpu.enqueue_indirect_dma source(%dma_start3A_183 : memref<10000x128xf32, #tpu.memory_space<hbm>>) target(%dma_start3A_177 : memref<80x128xf32, #tpu.memory_space<vmem>>) offsets(%dma_start3A_180 : memref<80xi32, #tpu.memory_space<vmem>>) semaphore(%dma_start3A_185 : memref<!tpu.dma_semaphore, #tpu.memory_space<semaphore_mem>>)
        %add3A_186 = arith.constant 1 : i32
        %add3A_187 = arith.addi %scan3A_129, %add3A_186 : i32
        %mul3A_188 = arith.constant 80 : i32
        %mul3A_189 = arith.muli %add3A_187, %mul3A_188 : i32
        %add3A_190 = arith.addi %add3A_42, %mul3A_189 : i32
        %dma_start3A_191 = arith.constant 0 : i32
        %dma_start3A_192 = tpu.memref_slice %arg8[%sub3A_131, %dma_start3A_191] : memref<2x80xi32, #tpu.memory_space<vmem>> -> memref<1x80xi32, #tpu.memory_space<vmem>>
        %dma_start3A_193 = tpu.memref_squeeze %dma_start3A_192 : memref<1x80xi32, #tpu.memory_space<vmem>> -> memref<80xi32, #tpu.memory_space<vmem>>
        %dma_start3A_194 = tpu.memref_slice %arg4[%add3A_190] : memref<320000xi32, #tpu.memory_space<hbm>> -> memref<80xi32, #tpu.memory_space<hbm>>
        %dma_start3A_195 = tpu.memref_slice %arg14[%sub3A_131] : memref<2x!tpu.dma_semaphore, #tpu.memory_space<semaphore_mem>> -> memref<1x!tpu.dma_semaphore, #tpu.memory_space<semaphore_mem>>
        %dma_start3A_196 = tpu.memref_squeeze %dma_start3A_195 : memref<1x!tpu.dma_semaphore, #tpu.memory_space<semaphore_mem>> -> memref<!tpu.dma_semaphore, #tpu.memory_space<semaphore_mem>>
        %dma_start3A_197 = arith.constant 0 : i32
        %dma_start3A_198 = tpu.memref_slice %arg8[%sub3A_131, %dma_start3A_197] : memref<2x80xi32, #tpu.memory_space<vmem>> -> memref<1x80xi32, #tpu.memory_space<vmem>>
        %dma_start3A_199 = tpu.memref_squeeze %dma_start3A_198 : memref<1x80xi32, #tpu.memory_space<vmem>> -> memref<80xi32, #tpu.memory_space<vmem>>
        %dma_start3A_200 = tpu.memref_slice %arg4[%add3A_190] : memref<320000xi32, #tpu.memory_space<hbm>> -> memref<80xi32, #tpu.memory_space<hbm>>
        tpu.enqueue_dma source(%dma_start3A_200 : memref<80xi32, #tpu.memory_space<hbm>>) target(%dma_start3A_199 : memref<80xi32, #tpu.memory_space<vmem>>) target_semaphore(%dma_start3A_196 : memref<!tpu.dma_semaphore, #tpu.memory_space<semaphore_mem>>)
      } else {
      }
      %add3A_136 = arith.constant 2 : i32
      %add3A_137 = arith.addi %scan3A_129, %add3A_136 : i32
      %lt3A_138 = arith.constant 125 : i32
      %lt3A_139 = arith.cmpi slt, %add3A_137, %lt3A_138 : i32
      %convert_element_type3A_140 = arith.extui %lt3A_139 : i1 to i32
      %cond3A_141 = arith.constant 0 : i32
      %cond3A_142 = arith.cmpi ne, %convert_element_type3A_140, %cond3A_141 : i32
      scf.if %cond3A_142 {
        %add3A_164 = arith.constant 2 : i32
        %add3A_165 = arith.addi %scan3A_129, %add3A_164 : i32
        %mul3A_166 = arith.constant 80 : i32
        %mul3A_167 = arith.muli %add3A_165, %mul3A_166 : i32
        %add3A_168 = arith.addi %add3A_42, %mul3A_167 : i32
        %dma_start3A_169 = arith.constant 0 : i32
        %dma_start3A_170 = tpu.memref_slice %arg7[%and3A_130, %dma_start3A_169] : memref<2x80xi32, #tpu.memory_space<vmem>> -> memref<1x80xi32, #tpu.memory_space<vmem>>
        %dma_start3A_171 = tpu.memref_squeeze %dma_start3A_170 : memref<1x80xi32, #tpu.memory_space<vmem>> -> memref<80xi32, #tpu.memory_space<vmem>>
        %dma_start3A_172 = tpu.memref_slice %arg3[%add3A_168] : memref<320000xi32, #tpu.memory_space<hbm>> -> memref<80xi32, #tpu.memory_space<hbm>>
        %dma_start3A_173 = tpu.memref_slice %arg13[%and3A_130] : memref<2x!tpu.dma_semaphore, #tpu.memory_space<semaphore_mem>> -> memref<1x!tpu.dma_semaphore, #tpu.memory_space<semaphore_mem>>
        %dma_start3A_174 = tpu.memref_squeeze %dma_start3A_173 : memref<1x!tpu.dma_semaphore, #tpu.memory_space<semaphore_mem>> -> memref<!tpu.dma_semaphore, #tpu.memory_space<semaphore_mem>>
        %dma_start3A_175 = arith.constant 0 : i32
        %dma_start3A_176 = tpu.memref_slice %arg7[%and3A_130, %dma_start3A_175] : memref<2x80xi32, #tpu.memory_space<vmem>> -> memref<1x80xi32, #tpu.memory_space<vmem>>
        %dma_start3A_177 = tpu.memref_squeeze %dma_start3A_176 : memref<1x80xi32, #tpu.memory_space<vmem>> -> memref<80xi32, #tpu.memory_space<vmem>>
        %dma_start3A_178 = tpu.memref_slice %arg3[%add3A_168] : memref<320000xi32, #tpu.memory_space<hbm>> -> memref<80xi32, #tpu.memory_space<hbm>>
        tpu.enqueue_dma source(%dma_start3A_178 : memref<80xi32, #tpu.memory_space<hbm>>) target(%dma_start3A_177 : memref<80xi32, #tpu.memory_space<vmem>>) target_semaphore(%dma_start3A_174 : memref<!tpu.dma_semaphore, #tpu.memory_space<semaphore_mem>>)
      } else {
      }
      %dma_wait3A = arith.constant 0 : i32
      %dma_wait3A_143 = arith.constant 0 : i32
      %dma_wait3A_144 = tpu.memref_slice %arg9[%and3A_130, %dma_wait3A, %dma_wait3A_143] : memref<2x80x128xf32, #tpu.memory_space<vmem>> -> memref<1x80x128xf32, #tpu.memory_space<vmem>>
      %dma_wait3A_145 = tpu.memref_squeeze %dma_wait3A_144 : memref<1x80x128xf32, #tpu.memory_space<vmem>> -> memref<80x128xf32, #tpu.memory_space<vmem>>
      %dma_wait3A_146 = arith.constant 0 : i32
      %dma_wait3A_147 = tpu.memref_slice %arg7[%and3A_130, %dma_wait3A_146] : memref<2x80xi32, #tpu.memory_space<vmem>> -> memref<1x80xi32, #tpu.memory_space<vmem>>
      %dma_wait3A_148 = tpu.memref_squeeze %dma_wait3A_147 : memref<1x80xi32, #tpu.memory_space<vmem>> -> memref<80xi32, #tpu.memory_space<vmem>>
      %dma_wait3A_149 = arith.constant 0 : i32
      %dma_wait3A_150 = arith.constant 0 : i32
      %dma_wait3A_151 = tpu.memref_slice %arg2[%dma_wait3A_149, %dma_wait3A_150] : memref<10000x128xf32, #tpu.memory_space<hbm>> -> memref<10000x128xf32, #tpu.memory_space<hbm>>
      %dma_wait3A_152 = tpu.memref_slice %arg12[%and3A_130] : memref<2x!tpu.dma_semaphore, #tpu.memory_space<semaphore_mem>> -> memref<1x!tpu.dma_semaphore, #tpu.memory_space<semaphore_mem>>
      %dma_wait3A_153 = tpu.memref_squeeze %dma_wait3A_152 : memref<1x!tpu.dma_semaphore, #tpu.memory_space<semaphore_mem>> -> memref<!tpu.dma_semaphore, #tpu.memory_space<semaphore_mem>>
      tpu.wait_indirect_dma semaphore(%dma_wait3A_153 : memref<!tpu.dma_semaphore, #tpu.memory_space<semaphore_mem>>) src(%dma_wait3A_151 : memref<10000x128xf32, #tpu.memory_space<hbm>>) dst(%dma_wait3A_145 : memref<80x128xf32, #tpu.memory_space<vmem>>)
      %dma_wait3A_154 = arith.constant 0 : i32
      %dma_wait3A_155 = tpu.memref_slice %arg8[%and3A_130, %dma_wait3A_154] : memref<2x80xi32, #tpu.memory_space<vmem>> -> memref<1x80xi32, #tpu.memory_space<vmem>>
      %dma_wait3A_156 = tpu.memref_squeeze %dma_wait3A_155 : memref<1x80xi32, #tpu.memory_space<vmem>> -> memref<80xi32, #tpu.memory_space<vmem>>
      %dma_wait3A_157 = tpu.memref_slice %arg4[%add3A_42] : memref<320000xi32, #tpu.memory_space<hbm>> -> memref<80xi32, #tpu.memory_space<hbm>>
      %dma_wait3A_158 = tpu.memref_slice %arg14[%and3A_130] : memref<2x!tpu.dma_semaphore, #tpu.memory_space<semaphore_mem>> -> memref<1x!tpu.dma_semaphore, #tpu.memory_space<semaphore_mem>>
      %dma_wait3A_159 = tpu.memref_squeeze %dma_wait3A_158 : memref<1x!tpu.dma_semaphore, #tpu.memory_space<semaphore_mem>> -> memref<!tpu.dma_semaphore, #tpu.memory_space<semaphore_mem>>
      %dma_wait3A_160 = arith.constant 0 : i32
      %dma_wait3A_161 = tpu.memref_slice %arg8[%and3A_130, %dma_wait3A_160] : memref<2x80xi32, #tpu.memory_space<vmem>> -> memref<1x80xi32, #tpu.memory_space<vmem>>
      %dma_wait3A_162 = tpu.memref_squeeze %dma_wait3A_161 : memref<1x80xi32, #tpu.memory_space<vmem>> -> memref<80xi32, #tpu.memory_space<vmem>>
      %dma_wait3A_163 = tpu.memref_slice %arg4[%add3A_42] : memref<320000xi32, #tpu.memory_space<hbm>> -> memref<80xi32, #tpu.memory_space<hbm>>
      tpu.wait_dma2 semaphore(%dma_wait3A_159 : memref<!tpu.dma_semaphore, #tpu.memory_space<semaphore_mem>>) src(%dma_wait3A_163 : memref<80xi32, #tpu.memory_space<hbm>>) dst(%dma_wait3A_162 : memref<80xi32, #tpu.memory_space<vmem>>)
      "tpu.region"() ({
        %run_scoped3A_164 = tpu.sem_alloc : memref<!tpu.dma_semaphore, #tpu.memory_space<semaphore_mem>>
        %dma_start3A_165 = arith.constant 0 : i32
        %dma_start3A_166 = arith.constant 0 : i32
        %dma_start3A_167 = tpu.memref_slice %arg9[%and3A_130, %dma_start3A_165, %dma_start3A_166] : memref<2x80x128xf32, #tpu.memory_space<vmem>> -> memref<1x80x128xf32, #tpu.memory_space<vmem>>
        %dma_start3A_168 = tpu.memref_squeeze %dma_start3A_167 : memref<1x80x128xf32, #tpu.memory_space<vmem>> -> memref<80x128xf32, #tpu.memory_space<vmem>>
        %dma_start3A_169 = arith.constant 0 : i32
        %dma_start3A_170 = tpu.memref_slice %arg8[%and3A_130, %dma_start3A_169] : memref<2x80xi32, #tpu.memory_space<vmem>> -> memref<1x80xi32, #tpu.memory_space<vmem>>
        %dma_start3A_171 = tpu.memref_squeeze %dma_start3A_170 : memref<1x80xi32, #tpu.memory_space<vmem>> -> memref<80xi32, #tpu.memory_space<vmem>>
        %dma_start3A_172 = arith.constant 0 : i32
        %dma_start3A_173 = arith.constant 0 : i32
        %dma_start3A_174 = tpu.memref_slice %arg11[%dma_start3A_172, %dma_start3A_173] : memref<10240x128xf32, #tpu.memory_space<vmem_shared>> -> memref<10240x128xf32, #tpu.memory_space<vmem_shared>>
        tpu.enqueue_indirect_dma source(%dma_start3A_168 : memref<80x128xf32, #tpu.memory_space<vmem>>) target(%dma_start3A_174 : memref<10240x128xf32, #tpu.memory_space<vmem_shared>>) offsets(%dma_start3A_171 : memref<80xi32, #tpu.memory_space<vmem>>) semaphore(%run_scoped3A_164 : memref<!tpu.dma_semaphore, #tpu.memory_space<semaphore_mem>>) {add = true}
        %dma_wait3A_175 = arith.constant 0 : i32
        %dma_wait3A_176 = arith.constant 0 : i32
        %dma_wait3A_177 = tpu.memref_slice %arg9[%and3A_130, %dma_wait3A_175, %dma_wait3A_176] : memref<2x80x128xf32, #tpu.memory_space<vmem>> -> memref<1x80x128xf32, #tpu.memory_space<vmem>>
        %dma_wait3A_178 = tpu.memref_squeeze %dma_wait3A_177 : memref<1x80x128xf32, #tpu.memory_space<vmem>> -> memref<80x128xf32, #tpu.memory_space<vmem>>
        %dma_wait3A_179 = arith.constant 0 : i32
        %dma_wait3A_180 = tpu.memref_slice %arg8[%and3A_130, %dma_wait3A_179] : memref<2x80xi32, #tpu.memory_space<vmem>> -> memref<1x80xi32, #tpu.memory_space<vmem>>
        %dma_wait3A_181 = tpu.memref_squeeze %dma_wait3A_180 : memref<1x80xi32, #tpu.memory_space<vmem>> -> memref<80xi32, #tpu.memory_space<vmem>>
        %dma_wait3A_182 = arith.constant 0 : i32
        %dma_wait3A_183 = arith.constant 0 : i32
        %dma_wait3A_184 = tpu.memref_slice %arg11[%dma_wait3A_182, %dma_wait3A_183] : memref<10240x128xf32, #tpu.memory_space<vmem_shared>> -> memref<10240x128xf32, #tpu.memory_space<vmem_shared>>
        tpu.wait_indirect_dma semaphore(%run_scoped3A_164 : memref<!tpu.dma_semaphore, #tpu.memory_space<semaphore_mem>>) src(%dma_wait3A_178 : memref<80x128xf32, #tpu.memory_space<vmem>>) dst(%dma_wait3A_184 : memref<10240x128xf32, #tpu.memory_space<vmem_shared>>)
        tpu.yield
      }) : () -> ()
    }
    %scan3A_87 = arith.constant 125 : i32
    %barrier3A_88 = arith.constant 0 : index
    tpu.barrier barrier_id(%barrier3A_88)
    %mul3A_89 = arith.constant 640 : i32
    %mul3A_90 = arith.muli %arg1, %mul3A_89 : i32
    %add3A_91 = arith.constant 0 : i32
    %add3A_92 = arith.addi %mul3A_90, %add3A_91 : i32
    "tpu.region"() ({
      %run_scoped3A_129 = tpu.sem_alloc : memref<!tpu.dma_semaphore, #tpu.memory_space<semaphore_mem>>
      %dma_start3A_130 = arith.constant 0 : i32
      %dma_start3A_131 = tpu.memref_slice %arg11[%add3A_92, %dma_start3A_130] : memref<10240x128xf32, #tpu.memory_space<vmem_shared>> -> memref<64x128xf32, #tpu.memory_space<vmem_shared>>
      %dma_start3A_132 = arith.constant 0 : i32
      %dma_start3A_133 = tpu.memref_slice %arg11[%add3A_92, %dma_start3A_132] : memref<10240x128xf32, #tpu.memory_space<vmem_shared>> -> memref<64x128xf32, #tpu.memory_space<vmem_shared>>
      tpu.enqueue_dma source(%dma_start3A_133 : memref<64x128xf32, #tpu.memory_space<vmem_shared>>) target(%arg10 : memref<64x128xf32, #tpu.memory_space<vmem>>) target_semaphore(%run_scoped3A_129 : memref<!tpu.dma_semaphore, #tpu.memory_space<semaphore_mem>>)
      %dma_wait3A = arith.constant 0 : i32
      %dma_wait3A_134 = tpu.memref_slice %arg11[%add3A_92, %dma_wait3A] : memref<10240x128xf32, #tpu.memory_space<vmem_shared>> -> memref<64x128xf32, #tpu.memory_space<vmem_shared>>
      %dma_wait3A_135 = arith.constant 0 : i32
      %dma_wait3A_136 = tpu.memref_slice %arg11[%add3A_92, %dma_wait3A_135] : memref<10240x128xf32, #tpu.memory_space<vmem_shared>> -> memref<64x128xf32, #tpu.memory_space<vmem_shared>>
      tpu.wait_dma2 semaphore(%run_scoped3A_129 : memref<!tpu.dma_semaphore, #tpu.memory_space<semaphore_mem>>) src(%dma_wait3A_136 : memref<64x128xf32, #tpu.memory_space<vmem_shared>>) dst(%arg10 : memref<64x128xf32, #tpu.memory_space<vmem>>)
      tpu.yield
    }) : () -> ()
    "tpu.region"() ({
      %run_scoped3A_129 = tpu.sem_alloc : memref<!tpu.dma_semaphore, #tpu.memory_space<semaphore_mem>>
      %dma_start3A_130 = arith.constant 0 : i32
      %dma_start3A_131 = arith.constant 0 : i32
      %dma_start3A_132 = tpu.memref_slice %arg6[%arg0, %dma_start3A_130, %dma_start3A_131] : memref<2x10240x128xf32, #tpu.memory_space<hbm>> -> memref<1x10240x128xf32, #tpu.memory_space<hbm>>
      %dma_start3A_133 = tpu.memref_squeeze %dma_start3A_132 : memref<1x10240x128xf32, #tpu.memory_space<hbm>> -> memref<10240x128xf32, #tpu.memory_space<hbm>>
      %dma_start3A_134 = arith.constant 0 : i32
      %dma_start3A_135 = tpu.memref_slice %dma_start3A_133[%add3A_92, %dma_start3A_134] : memref<10240x128xf32, #tpu.memory_space<hbm>> -> memref<64x128xf32, #tpu.memory_space<hbm>>
      %dma_start3A_136 = arith.constant 0 : i32
      %dma_start3A_137 = arith.constant 0 : i32
      %dma_start3A_138 = tpu.memref_slice %arg6[%arg0, %dma_start3A_136, %dma_start3A_137] : memref<2x10240x128xf32, #tpu.memory_space<hbm>> -> memref<1x10240x128xf32, #tpu.memory_space<hbm>>
      %dma_start3A_139 = tpu.memref_squeeze %dma_start3A_138 : memref<1x10240x128xf32, #tpu.memory_space<hbm>> -> memref<10240x128xf32, #tpu.memory_space<hbm>>
      %dma_start3A_140 = arith.constant 0 : i32
      %dma_start3A_141 = tpu.memref_slice %dma_start3A_139[%add3A_92, %dma_start3A_140] : memref<10240x128xf32, #tpu.memory_space<hbm>> -> memref<64x128xf32, #tpu.memory_space<hbm>>
      tpu.enqueue_dma source(%arg10 : memref<64x128xf32, #tpu.memory_space<vmem>>) target(%dma_start3A_141 : memref<64x128xf32, #tpu.memory_space<hbm>>) target_semaphore(%run_scoped3A_129 : memref<!tpu.dma_semaphore, #tpu.memory_space<semaphore_mem>>)
      %dma_wait3A = arith.constant 0 : i32
      %dma_wait3A_142 = arith.constant 0 : i32
      %dma_wait3A_143 = tpu.memref_slice %arg6[%arg0, %dma_wait3A, %dma_wait3A_142] : memref<2x10240x128xf32, #tpu.memory_space<hbm>> -> memref<1x10240x128xf32, #tpu.memory_space<hbm>>
      %dma_wait3A_144 = tpu.memref_squeeze %dma_wait3A_143 : memref<1x10240x128xf32, #tpu.memory_space<hbm>> -> memref<10240x128xf32, #tpu.memory_space<hbm>>
      %dma_wait3A_145 = arith.constant 0 : i32
      %dma_wait3A_146 = tpu.memref_slice %dma_wait3A_144[%add3A_92, %dma_wait3A_145] : memref<10240x128xf32, #tpu.memory_space<hbm>> -> memref<64x128xf32, #tpu.memory_space<hbm>>
      %dma_wait3A_147 = arith.constant 0 : i32
      %dma_wait3A_148 = arith.constant 0 : i32
      %dma_wait3A_149 = tpu.memref_slice %arg6[%arg0, %dma_wait3A_147, %dma_wait3A_148] : memref<2x10240x128xf32, #tpu.memory_space<hbm>> -> memref<1x10240x128xf32, #tpu.memory_space<hbm>>
      %dma_wait3A_150 = tpu.memref_squeeze %dma_wait3A_149 : memref<1x10240x128xf32, #tpu.memory_space<hbm>> -> memref<10240x128xf32, #tpu.memory_space<hbm>>
      %dma_wait3A_151 = arith.constant 0 : i32
      %dma_wait3A_152 = tpu.memref_slice %dma_wait3A_150[%add3A_92, %dma_wait3A_151] : memref<10240x128xf32, #tpu.memory_space<hbm>> -> memref<64x128xf32, #tpu.memory_space<hbm>>
      tpu.wait_dma2 semaphore(%run_scoped3A_129 : memref<!tpu.dma_semaphore, #tpu.memory_space<semaphore_mem>>) src(%arg10 : memref<64x128xf32, #tpu.memory_space<vmem>>) dst(%dma_wait3A_152 : memref<64x128xf32, #tpu.memory_space<hbm>>)
      tpu.yield
    }) : () -> ()
    %mul3A_93 = arith.constant 640 : i32
    %mul3A_94 = arith.muli %arg1, %mul3A_93 : i32
    %add3A_95 = arith.constant 64 : i32
    %add3A_96 = arith.addi %mul3A_94, %add3A_95 : i32
    "tpu.region"() ({
      %run_scoped3A_129 = tpu.sem_alloc : memref<!tpu.dma_semaphore, #tpu.memory_space<semaphore_mem>>
      %dma_start3A_130 = arith.constant 0 : i32
      %dma_start3A_131 = tpu.memref_slice %arg11[%add3A_96, %dma_start3A_130] : memref<10240x128xf32, #tpu.memory_space<vmem_shared>> -> memref<64x128xf32, #tpu.memory_space<vmem_shared>>
      %dma_start3A_132 = arith.constant 0 : i32
      %dma_start3A_133 = tpu.memref_slice %arg11[%add3A_96, %dma_start3A_132] : memref<10240x128xf32, #tpu.memory_space<vmem_shared>> -> memref<64x128xf32, #tpu.memory_space<vmem_shared>>
      tpu.enqueue_dma source(%dma_start3A_133 : memref<64x128xf32, #tpu.memory_space<vmem_shared>>) target(%arg10 : memref<64x128xf32, #tpu.memory_space<vmem>>) target_semaphore(%run_scoped3A_129 : memref<!tpu.dma_semaphore, #tpu.memory_space<semaphore_mem>>)
      %dma_wait3A = arith.constant 0 : i32
      %dma_wait3A_134 = tpu.memref_slice %arg11[%add3A_96, %dma_wait3A] : memref<10240x128xf32, #tpu.memory_space<vmem_shared>> -> memref<64x128xf32, #tpu.memory_space<vmem_shared>>
      %dma_wait3A_135 = arith.constant 0 : i32
      %dma_wait3A_136 = tpu.memref_slice %arg11[%add3A_96, %dma_wait3A_135] : memref<10240x128xf32, #tpu.memory_space<vmem_shared>> -> memref<64x128xf32, #tpu.memory_space<vmem_shared>>
      tpu.wait_dma2 semaphore(%run_scoped3A_129 : memref<!tpu.dma_semaphore, #tpu.memory_space<semaphore_mem>>) src(%dma_wait3A_136 : memref<64x128xf32, #tpu.memory_space<vmem_shared>>) dst(%arg10 : memref<64x128xf32, #tpu.memory_space<vmem>>)
      tpu.yield
    }) : () -> ()
    "tpu.region"() ({
      %run_scoped3A_129 = tpu.sem_alloc : memref<!tpu.dma_semaphore, #tpu.memory_space<semaphore_mem>>
      %dma_start3A_130 = arith.constant 0 : i32
      %dma_start3A_131 = arith.constant 0 : i32
      %dma_start3A_132 = tpu.memref_slice %arg6[%arg0, %dma_start3A_130, %dma_start3A_131] : memref<2x10240x128xf32, #tpu.memory_space<hbm>> -> memref<1x10240x128xf32, #tpu.memory_space<hbm>>
      %dma_start3A_133 = tpu.memref_squeeze %dma_start3A_132 : memref<1x10240x128xf32, #tpu.memory_space<hbm>> -> memref<10240x128xf32, #tpu.memory_space<hbm>>
      %dma_start3A_134 = arith.constant 0 : i32
      %dma_start3A_135 = tpu.memref_slice %dma_start3A_133[%add3A_96, %dma_start3A_134] : memref<10240x128xf32, #tpu.memory_space<hbm>> -> memref<64x128xf32, #tpu.memory_space<hbm>>
      %dma_start3A_136 = arith.constant 0 : i32
      %dma_start3A_137 = arith.constant 0 : i32
      %dma_start3A_138 = tpu.memref_slice %arg6[%arg0, %dma_start3A_136, %dma_start3A_137] : memref<2x10240x128xf32, #tpu.memory_space<hbm>> -> memref<1x10240x128xf32, #tpu.memory_space<hbm>>
      %dma_start3A_139 = tpu.memref_squeeze %dma_start3A_138 : memref<1x10240x128xf32, #tpu.memory_space<hbm>> -> memref<10240x128xf32, #tpu.memory_space<hbm>>
      %dma_start3A_140 = arith.constant 0 : i32
      %dma_start3A_141 = tpu.memref_slice %dma_start3A_139[%add3A_96, %dma_start3A_140] : memref<10240x128xf32, #tpu.memory_space<hbm>> -> memref<64x128xf32, #tpu.memory_space<hbm>>
      tpu.enqueue_dma source(%arg10 : memref<64x128xf32, #tpu.memory_space<vmem>>) target(%dma_start3A_141 : memref<64x128xf32, #tpu.memory_space<hbm>>) target_semaphore(%run_scoped3A_129 : memref<!tpu.dma_semaphore, #tpu.memory_space<semaphore_mem>>)
      %dma_wait3A = arith.constant 0 : i32
      %dma_wait3A_142 = arith.constant 0 : i32
      %dma_wait3A_143 = tpu.memref_slice %arg6[%arg0, %dma_wait3A, %dma_wait3A_142] : memref<2x10240x128xf32, #tpu.memory_space<hbm>> -> memref<1x10240x128xf32, #tpu.memory_space<hbm>>
      %dma_wait3A_144 = tpu.memref_squeeze %dma_wait3A_143 : memref<1x10240x128xf32, #tpu.memory_space<hbm>> -> memref<10240x128xf32, #tpu.memory_space<hbm>>
      %dma_wait3A_145 = arith.constant 0 : i32
      %dma_wait3A_146 = tpu.memref_slice %dma_wait3A_144[%add3A_96, %dma_wait3A_145] : memref<10240x128xf32, #tpu.memory_space<hbm>> -> memref<64x128xf32, #tpu.memory_space<hbm>>
      %dma_wait3A_147 = arith.constant 0 : i32
      %dma_wait3A_148 = arith.constant 0 : i32
      %dma_wait3A_149 = tpu.memref_slice %arg6[%arg0, %dma_wait3A_147, %dma_wait3A_148] : memref<2x10240x128xf32, #tpu.memory_space<hbm>> -> memref<1x10240x128xf32, #tpu.memory_space<hbm>>
      %dma_wait3A_150 = tpu.memref_squeeze %dma_wait3A_149 : memref<1x10240x128xf32, #tpu.memory_space<hbm>> -> memref<10240x128xf32, #tpu.memory_space<hbm>>
      %dma_wait3A_151 = arith.constant 0 : i32
      %dma_wait3A_152 = tpu.memref_slice %dma_wait3A_150[%add3A_96, %dma_wait3A_151] : memref<10240x128xf32, #tpu.memory_space<hbm>> -> memref<64x128xf32, #tpu.memory_space<hbm>>
      tpu.wait_dma2 semaphore(%run_scoped3A_129 : memref<!tpu.dma_semaphore, #tpu.memory_space<semaphore_mem>>) src(%arg10 : memref<64x128xf32, #tpu.memory_space<vmem>>) dst(%dma_wait3A_152 : memref<64x128xf32, #tpu.memory_space<hbm>>)
      tpu.yield
    }) : () -> ()
    %mul3A_97 = arith.constant 640 : i32
    %mul3A_98 = arith.muli %arg1, %mul3A_97 : i32
    %add3A_99 = arith.constant 128 : i32
    %add3A_100 = arith.addi %mul3A_98, %add3A_99 : i32
    "tpu.region"() ({
      %run_scoped3A_129 = tpu.sem_alloc : memref<!tpu.dma_semaphore, #tpu.memory_space<semaphore_mem>>
      %dma_start3A_130 = arith.constant 0 : i32
      %dma_start3A_131 = tpu.memref_slice %arg11[%add3A_100, %dma_start3A_130] : memref<10240x128xf32, #tpu.memory_space<vmem_shared>> -> memref<64x128xf32, #tpu.memory_space<vmem_shared>>
      %dma_start3A_132 = arith.constant 0 : i32
      %dma_start3A_133 = tpu.memref_slice %arg11[%add3A_100, %dma_start3A_132] : memref<10240x128xf32, #tpu.memory_space<vmem_shared>> -> memref<64x128xf32, #tpu.memory_space<vmem_shared>>
      tpu.enqueue_dma source(%dma_start3A_133 : memref<64x128xf32, #tpu.memory_space<vmem_shared>>) target(%arg10 : memref<64x128xf32, #tpu.memory_space<vmem>>) target_semaphore(%run_scoped3A_129 : memref<!tpu.dma_semaphore, #tpu.memory_space<semaphore_mem>>)
      %dma_wait3A = arith.constant 0 : i32
      %dma_wait3A_134 = tpu.memref_slice %arg11[%add3A_100, %dma_wait3A] : memref<10240x128xf32, #tpu.memory_space<vmem_shared>> -> memref<64x128xf32, #tpu.memory_space<vmem_shared>>
      %dma_wait3A_135 = arith.constant 0 : i32
      %dma_wait3A_136 = tpu.memref_slice %arg11[%add3A_100, %dma_wait3A_135] : memref<10240x128xf32, #tpu.memory_space<vmem_shared>> -> memref<64x128xf32, #tpu.memory_space<vmem_shared>>
      tpu.wait_dma2 semaphore(%run_scoped3A_129 : memref<!tpu.dma_semaphore, #tpu.memory_space<semaphore_mem>>) src(%dma_wait3A_136 : memref<64x128xf32, #tpu.memory_space<vmem_shared>>) dst(%arg10 : memref<64x128xf32, #tpu.memory_space<vmem>>)
      tpu.yield
    }) : () -> ()
    "tpu.region"() ({
      %run_scoped3A_129 = tpu.sem_alloc : memref<!tpu.dma_semaphore, #tpu.memory_space<semaphore_mem>>
      %dma_start3A_130 = arith.constant 0 : i32
      %dma_start3A_131 = arith.constant 0 : i32
      %dma_start3A_132 = tpu.memref_slice %arg6[%arg0, %dma_start3A_130, %dma_start3A_131] : memref<2x10240x128xf32, #tpu.memory_space<hbm>> -> memref<1x10240x128xf32, #tpu.memory_space<hbm>>
      %dma_start3A_133 = tpu.memref_squeeze %dma_start3A_132 : memref<1x10240x128xf32, #tpu.memory_space<hbm>> -> memref<10240x128xf32, #tpu.memory_space<hbm>>
      %dma_start3A_134 = arith.constant 0 : i32
      %dma_start3A_135 = tpu.memref_slice %dma_start3A_133[%add3A_100, %dma_start3A_134] : memref<10240x128xf32, #tpu.memory_space<hbm>> -> memref<64x128xf32, #tpu.memory_space<hbm>>
      %dma_start3A_136 = arith.constant 0 : i32
      %dma_start3A_137 = arith.constant 0 : i32
      %dma_start3A_138 = tpu.memref_slice %arg6[%arg0, %dma_start3A_136, %dma_start3A_137] : memref<2x10240x128xf32, #tpu.memory_space<hbm>> -> memref<1x10240x128xf32, #tpu.memory_space<hbm>>
      %dma_start3A_139 = tpu.memref_squeeze %dma_start3A_138 : memref<1x10240x128xf32, #tpu.memory_space<hbm>> -> memref<10240x128xf32, #tpu.memory_space<hbm>>
      %dma_start3A_140 = arith.constant 0 : i32
      %dma_start3A_141 = tpu.memref_slice %dma_start3A_139[%add3A_100, %dma_start3A_140] : memref<10240x128xf32, #tpu.memory_space<hbm>> -> memref<64x128xf32, #tpu.memory_space<hbm>>
      tpu.enqueue_dma source(%arg10 : memref<64x128xf32, #tpu.memory_space<vmem>>) target(%dma_start3A_141 : memref<64x128xf32, #tpu.memory_space<hbm>>) target_semaphore(%run_scoped3A_129 : memref<!tpu.dma_semaphore, #tpu.memory_space<semaphore_mem>>)
      %dma_wait3A = arith.constant 0 : i32
      %dma_wait3A_142 = arith.constant 0 : i32
      %dma_wait3A_143 = tpu.memref_slice %arg6[%arg0, %dma_wait3A, %dma_wait3A_142] : memref<2x10240x128xf32, #tpu.memory_space<hbm>> -> memref<1x10240x128xf32, #tpu.memory_space<hbm>>
      %dma_wait3A_144 = tpu.memref_squeeze %dma_wait3A_143 : memref<1x10240x128xf32, #tpu.memory_space<hbm>> -> memref<10240x128xf32, #tpu.memory_space<hbm>>
      %dma_wait3A_145 = arith.constant 0 : i32
      %dma_wait3A_146 = tpu.memref_slice %dma_wait3A_144[%add3A_100, %dma_wait3A_145] : memref<10240x128xf32, #tpu.memory_space<hbm>> -> memref<64x128xf32, #tpu.memory_space<hbm>>
      %dma_wait3A_147 = arith.constant 0 : i32
      %dma_wait3A_148 = arith.constant 0 : i32
      %dma_wait3A_149 = tpu.memref_slice %arg6[%arg0, %dma_wait3A_147, %dma_wait3A_148] : memref<2x10240x128xf32, #tpu.memory_space<hbm>> -> memref<1x10240x128xf32, #tpu.memory_space<hbm>>
      %dma_wait3A_150 = tpu.memref_squeeze %dma_wait3A_149 : memref<1x10240x128xf32, #tpu.memory_space<hbm>> -> memref<10240x128xf32, #tpu.memory_space<hbm>>
      %dma_wait3A_151 = arith.constant 0 : i32
      %dma_wait3A_152 = tpu.memref_slice %dma_wait3A_150[%add3A_100, %dma_wait3A_151] : memref<10240x128xf32, #tpu.memory_space<hbm>> -> memref<64x128xf32, #tpu.memory_space<hbm>>
      tpu.wait_dma2 semaphore(%run_scoped3A_129 : memref<!tpu.dma_semaphore, #tpu.memory_space<semaphore_mem>>) src(%arg10 : memref<64x128xf32, #tpu.memory_space<vmem>>) dst(%dma_wait3A_152 : memref<64x128xf32, #tpu.memory_space<hbm>>)
      tpu.yield
    }) : () -> ()
    %mul3A_101 = arith.constant 640 : i32
    %mul3A_102 = arith.muli %arg1, %mul3A_101 : i32
    %add3A_103 = arith.constant 192 : i32
    %add3A_104 = arith.addi %mul3A_102, %add3A_103 : i32
    "tpu.region"() ({
      %run_scoped3A_129 = tpu.sem_alloc : memref<!tpu.dma_semaphore, #tpu.memory_space<semaphore_mem>>
      %dma_start3A_130 = arith.constant 0 : i32
      %dma_start3A_131 = tpu.memref_slice %arg11[%add3A_104, %dma_start3A_130] : memref<10240x128xf32, #tpu.memory_space<vmem_shared>> -> memref<64x128xf32, #tpu.memory_space<vmem_shared>>
      %dma_start3A_132 = arith.constant 0 : i32
      %dma_start3A_133 = tpu.memref_slice %arg11[%add3A_104, %dma_start3A_132] : memref<10240x128xf32, #tpu.memory_space<vmem_shared>> -> memref<64x128xf32, #tpu.memory_space<vmem_shared>>
      tpu.enqueue_dma source(%dma_start3A_133 : memref<64x128xf32, #tpu.memory_space<vmem_shared>>) target(%arg10 : memref<64x128xf32, #tpu.memory_space<vmem>>) target_semaphore(%run_scoped3A_129 : memref<!tpu.dma_semaphore, #tpu.memory_space<semaphore_mem>>)
      %dma_wait3A = arith.constant 0 : i32
      %dma_wait3A_134 = tpu.memref_slice %arg11[%add3A_104, %dma_wait3A] : memref<10240x128xf32, #tpu.memory_space<vmem_shared>> -> memref<64x128xf32, #tpu.memory_space<vmem_shared>>
      %dma_wait3A_135 = arith.constant 0 : i32
      %dma_wait3A_136 = tpu.memref_slice %arg11[%add3A_104, %dma_wait3A_135] : memref<10240x128xf32, #tpu.memory_space<vmem_shared>> -> memref<64x128xf32, #tpu.memory_space<vmem_shared>>
      tpu.wait_dma2 semaphore(%run_scoped3A_129 : memref<!tpu.dma_semaphore, #tpu.memory_space<semaphore_mem>>) src(%dma_wait3A_136 : memref<64x128xf32, #tpu.memory_space<vmem_shared>>) dst(%arg10 : memref<64x128xf32, #tpu.memory_space<vmem>>)
      tpu.yield
    }) : () -> ()
    "tpu.region"() ({
      %run_scoped3A_129 = tpu.sem_alloc : memref<!tpu.dma_semaphore, #tpu.memory_space<semaphore_mem>>
      %dma_start3A_130 = arith.constant 0 : i32
      %dma_start3A_131 = arith.constant 0 : i32
      %dma_start3A_132 = tpu.memref_slice %arg6[%arg0, %dma_start3A_130, %dma_start3A_131] : memref<2x10240x128xf32, #tpu.memory_space<hbm>> -> memref<1x10240x128xf32, #tpu.memory_space<hbm>>
      %dma_start3A_133 = tpu.memref_squeeze %dma_start3A_132 : memref<1x10240x128xf32, #tpu.memory_space<hbm>> -> memref<10240x128xf32, #tpu.memory_space<hbm>>
      %dma_start3A_134 = arith.constant 0 : i32
      %dma_start3A_135 = tpu.memref_slice %dma_start3A_133[%add3A_104, %dma_start3A_134] : memref<10240x128xf32, #tpu.memory_space<hbm>> -> memref<64x128xf32, #tpu.memory_space<hbm>>
      %dma_start3A_136 = arith.constant 0 : i32
      %dma_start3A_137 = arith.constant 0 : i32
      %dma_start3A_138 = tpu.memref_slice %arg6[%arg0, %dma_start3A_136, %dma_start3A_137] : memref<2x10240x128xf32, #tpu.memory_space<hbm>> -> memref<1x10240x128xf32, #tpu.memory_space<hbm>>
      %dma_start3A_139 = tpu.memref_squeeze %dma_start3A_138 : memref<1x10240x128xf32, #tpu.memory_space<hbm>> -> memref<10240x128xf32, #tpu.memory_space<hbm>>
      %dma_start3A_140 = arith.constant 0 : i32
      %dma_start3A_141 = tpu.memref_slice %dma_start3A_139[%add3A_104, %dma_start3A_140] : memref<10240x128xf32, #tpu.memory_space<hbm>> -> memref<64x128xf32, #tpu.memory_space<hbm>>
      tpu.enqueue_dma source(%arg10 : memref<64x128xf32, #tpu.memory_space<vmem>>) target(%dma_start3A_141 : memref<64x128xf32, #tpu.memory_space<hbm>>) target_semaphore(%run_scoped3A_129 : memref<!tpu.dma_semaphore, #tpu.memory_space<semaphore_mem>>)
      %dma_wait3A = arith.constant 0 : i32
      %dma_wait3A_142 = arith.constant 0 : i32
      %dma_wait3A_143 = tpu.memref_slice %arg6[%arg0, %dma_wait3A, %dma_wait3A_142] : memref<2x10240x128xf32, #tpu.memory_space<hbm>> -> memref<1x10240x128xf32, #tpu.memory_space<hbm>>
      %dma_wait3A_144 = tpu.memref_squeeze %dma_wait3A_143 : memref<1x10240x128xf32, #tpu.memory_space<hbm>> -> memref<10240x128xf32, #tpu.memory_space<hbm>>
      %dma_wait3A_145 = arith.constant 0 : i32
      %dma_wait3A_146 = tpu.memref_slice %dma_wait3A_144[%add3A_104, %dma_wait3A_145] : memref<10240x128xf32, #tpu.memory_space<hbm>> -> memref<64x128xf32, #tpu.memory_space<hbm>>
      %dma_wait3A_147 = arith.constant 0 : i32
      %dma_wait3A_148 = arith.constant 0 : i32
      %dma_wait3A_149 = tpu.memref_slice %arg6[%arg0, %dma_wait3A_147, %dma_wait3A_148] : memref<2x10240x128xf32, #tpu.memory_space<hbm>> -> memref<1x10240x128xf32, #tpu.memory_space<hbm>>
      %dma_wait3A_150 = tpu.memref_squeeze %dma_wait3A_149 : memref<1x10240x128xf32, #tpu.memory_space<hbm>> -> memref<10240x128xf32, #tpu.memory_space<hbm>>
      %dma_wait3A_151 = arith.constant 0 : i32
      %dma_wait3A_152 = tpu.memref_slice %dma_wait3A_150[%add3A_104, %dma_wait3A_151] : memref<10240x128xf32, #tpu.memory_space<hbm>> -> memref<64x128xf32, #tpu.memory_space<hbm>>
      tpu.wait_dma2 semaphore(%run_scoped3A_129 : memref<!tpu.dma_semaphore, #tpu.memory_space<semaphore_mem>>) src(%arg10 : memref<64x128xf32, #tpu.memory_space<vmem>>) dst(%dma_wait3A_152 : memref<64x128xf32, #tpu.memory_space<hbm>>)
      tpu.yield
    }) : () -> ()
    %mul3A_105 = arith.constant 640 : i32
    %mul3A_106 = arith.muli %arg1, %mul3A_105 : i32
    %add3A_107 = arith.constant 256 : i32
    %add3A_108 = arith.addi %mul3A_106, %add3A_107 : i32
    "tpu.region"() ({
      %run_scoped3A_129 = tpu.sem_alloc : memref<!tpu.dma_semaphore, #tpu.memory_space<semaphore_mem>>
      %dma_start3A_130 = arith.constant 0 : i32
      %dma_start3A_131 = tpu.memref_slice %arg11[%add3A_108, %dma_start3A_130] : memref<10240x128xf32, #tpu.memory_space<vmem_shared>> -> memref<64x128xf32, #tpu.memory_space<vmem_shared>>
      %dma_start3A_132 = arith.constant 0 : i32
      %dma_start3A_133 = tpu.memref_slice %arg11[%add3A_108, %dma_start3A_132] : memref<10240x128xf32, #tpu.memory_space<vmem_shared>> -> memref<64x128xf32, #tpu.memory_space<vmem_shared>>
      tpu.enqueue_dma source(%dma_start3A_133 : memref<64x128xf32, #tpu.memory_space<vmem_shared>>) target(%arg10 : memref<64x128xf32, #tpu.memory_space<vmem>>) target_semaphore(%run_scoped3A_129 : memref<!tpu.dma_semaphore, #tpu.memory_space<semaphore_mem>>)
      %dma_wait3A = arith.constant 0 : i32
      %dma_wait3A_134 = tpu.memref_slice %arg11[%add3A_108, %dma_wait3A] : memref<10240x128xf32, #tpu.memory_space<vmem_shared>> -> memref<64x128xf32, #tpu.memory_space<vmem_shared>>
      %dma_wait3A_135 = arith.constant 0 : i32
      %dma_wait3A_136 = tpu.memref_slice %arg11[%add3A_108, %dma_wait3A_135] : memref<10240x128xf32, #tpu.memory_space<vmem_shared>> -> memref<64x128xf32, #tpu.memory_space<vmem_shared>>
      tpu.wait_dma2 semaphore(%run_scoped3A_129 : memref<!tpu.dma_semaphore, #tpu.memory_space<semaphore_mem>>) src(%dma_wait3A_136 : memref<64x128xf32, #tpu.memory_space<vmem_shared>>) dst(%arg10 : memref<64x128xf32, #tpu.memory_space<vmem>>)
      tpu.yield
    }) : () -> ()
    "tpu.region"() ({
      %run_scoped3A_129 = tpu.sem_alloc : memref<!tpu.dma_semaphore, #tpu.memory_space<semaphore_mem>>
      %dma_start3A_130 = arith.constant 0 : i32
      %dma_start3A_131 = arith.constant 0 : i32
      %dma_start3A_132 = tpu.memref_slice %arg6[%arg0, %dma_start3A_130, %dma_start3A_131] : memref<2x10240x128xf32, #tpu.memory_space<hbm>> -> memref<1x10240x128xf32, #tpu.memory_space<hbm>>
      %dma_start3A_133 = tpu.memref_squeeze %dma_start3A_132 : memref<1x10240x128xf32, #tpu.memory_space<hbm>> -> memref<10240x128xf32, #tpu.memory_space<hbm>>
      %dma_start3A_134 = arith.constant 0 : i32
      %dma_start3A_135 = tpu.memref_slice %dma_start3A_133[%add3A_108, %dma_start3A_134] : memref<10240x128xf32, #tpu.memory_space<hbm>> -> memref<64x128xf32, #tpu.memory_space<hbm>>
      %dma_start3A_136 = arith.constant 0 : i32
      %dma_start3A_137 = arith.constant 0 : i32
      %dma_start3A_138 = tpu.memref_slice %arg6[%arg0, %dma_start3A_136, %dma_start3A_137] : memref<2x10240x128xf32, #tpu.memory_space<hbm>> -> memref<1x10240x128xf32, #tpu.memory_space<hbm>>
      %dma_start3A_139 = tpu.memref_squeeze %dma_start3A_138 : memref<1x10240x128xf32, #tpu.memory_space<hbm>> -> memref<10240x128xf32, #tpu.memory_space<hbm>>
      %dma_start3A_140 = arith.constant 0 : i32
      %dma_start3A_141 = tpu.memref_slice %dma_start3A_139[%add3A_108, %dma_start3A_140] : memref<10240x128xf32, #tpu.memory_space<hbm>> -> memref<64x128xf32, #tpu.memory_space<hbm>>
      tpu.enqueue_dma source(%arg10 : memref<64x128xf32, #tpu.memory_space<vmem>>) target(%dma_start3A_141 : memref<64x128xf32, #tpu.memory_space<hbm>>) target_semaphore(%run_scoped3A_129 : memref<!tpu.dma_semaphore, #tpu.memory_space<semaphore_mem>>)
      %dma_wait3A = arith.constant 0 : i32
      %dma_wait3A_142 = arith.constant 0 : i32
      %dma_wait3A_143 = tpu.memref_slice %arg6[%arg0, %dma_wait3A, %dma_wait3A_142] : memref<2x10240x128xf32, #tpu.memory_space<hbm>> -> memref<1x10240x128xf32, #tpu.memory_space<hbm>>
      %dma_wait3A_144 = tpu.memref_squeeze %dma_wait3A_143 : memref<1x10240x128xf32, #tpu.memory_space<hbm>> -> memref<10240x128xf32, #tpu.memory_space<hbm>>
      %dma_wait3A_145 = arith.constant 0 : i32
      %dma_wait3A_146 = tpu.memref_slice %dma_wait3A_144[%add3A_108, %dma_wait3A_145] : memref<10240x128xf32, #tpu.memory_space<hbm>> -> memref<64x128xf32, #tpu.memory_space<hbm>>
      %dma_wait3A_147 = arith.constant 0 : i32
      %dma_wait3A_148 = arith.constant 0 : i32
      %dma_wait3A_149 = tpu.memref_slice %arg6[%arg0, %dma_wait3A_147, %dma_wait3A_148] : memref<2x10240x128xf32, #tpu.memory_space<hbm>> -> memref<1x10240x128xf32, #tpu.memory_space<hbm>>
      %dma_wait3A_150 = tpu.memref_squeeze %dma_wait3A_149 : memref<1x10240x128xf32, #tpu.memory_space<hbm>> -> memref<10240x128xf32, #tpu.memory_space<hbm>>
      %dma_wait3A_151 = arith.constant 0 : i32
      %dma_wait3A_152 = tpu.memref_slice %dma_wait3A_150[%add3A_108, %dma_wait3A_151] : memref<10240x128xf32, #tpu.memory_space<hbm>> -> memref<64x128xf32, #tpu.memory_space<hbm>>
      tpu.wait_dma2 semaphore(%run_scoped3A_129 : memref<!tpu.dma_semaphore, #tpu.memory_space<semaphore_mem>>) src(%arg10 : memref<64x128xf32, #tpu.memory_space<vmem>>) dst(%dma_wait3A_152 : memref<64x128xf32, #tpu.memory_space<hbm>>)
      tpu.yield
    }) : () -> ()
    %mul3A_109 = arith.constant 640 : i32
    %mul3A_110 = arith.muli %arg1, %mul3A_109 : i32
    %add3A_111 = arith.constant 320 : i32
    %add3A_112 = arith.addi %mul3A_110, %add3A_111 : i32
    "tpu.region"() ({
      %run_scoped3A_129 = tpu.sem_alloc : memref<!tpu.dma_semaphore, #tpu.memory_space<semaphore_mem>>
      %dma_start3A_130 = arith.constant 0 : i32
      %dma_start3A_131 = tpu.memref_slice %arg11[%add3A_112, %dma_start3A_130] : memref<10240x128xf32, #tpu.memory_space<vmem_shared>> -> memref<64x128xf32, #tpu.memory_space<vmem_shared>>
      %dma_start3A_132 = arith.constant 0 : i32
      %dma_start3A_133 = tpu.memref_slice %arg11[%add3A_112, %dma_start3A_132] : memref<10240x128xf32, #tpu.memory_space<vmem_shared>> -> memref<64x128xf32, #tpu.memory_space<vmem_shared>>
      tpu.enqueue_dma source(%dma_start3A_133 : memref<64x128xf32, #tpu.memory_space<vmem_shared>>) target(%arg10 : memref<64x128xf32, #tpu.memory_space<vmem>>) target_semaphore(%run_scoped3A_129 : memref<!tpu.dma_semaphore, #tpu.memory_space<semaphore_mem>>)
      %dma_wait3A = arith.constant 0 : i32
      %dma_wait3A_134 = tpu.memref_slice %arg11[%add3A_112, %dma_wait3A] : memref<10240x128xf32, #tpu.memory_space<vmem_shared>> -> memref<64x128xf32, #tpu.memory_space<vmem_shared>>
      %dma_wait3A_135 = arith.constant 0 : i32
      %dma_wait3A_136 = tpu.memref_slice %arg11[%add3A_112, %dma_wait3A_135] : memref<10240x128xf32, #tpu.memory_space<vmem_shared>> -> memref<64x128xf32, #tpu.memory_space<vmem_shared>>
      tpu.wait_dma2 semaphore(%run_scoped3A_129 : memref<!tpu.dma_semaphore, #tpu.memory_space<semaphore_mem>>) src(%dma_wait3A_136 : memref<64x128xf32, #tpu.memory_space<vmem_shared>>) dst(%arg10 : memref<64x128xf32, #tpu.memory_space<vmem>>)
      tpu.yield
    }) : () -> ()
    "tpu.region"() ({
      %run_scoped3A_129 = tpu.sem_alloc : memref<!tpu.dma_semaphore, #tpu.memory_space<semaphore_mem>>
      %dma_start3A_130 = arith.constant 0 : i32
      %dma_start3A_131 = arith.constant 0 : i32
      %dma_start3A_132 = tpu.memref_slice %arg6[%arg0, %dma_start3A_130, %dma_start3A_131] : memref<2x10240x128xf32, #tpu.memory_space<hbm>> -> memref<1x10240x128xf32, #tpu.memory_space<hbm>>
      %dma_start3A_133 = tpu.memref_squeeze %dma_start3A_132 : memref<1x10240x128xf32, #tpu.memory_space<hbm>> -> memref<10240x128xf32, #tpu.memory_space<hbm>>
      %dma_start3A_134 = arith.constant 0 : i32
      %dma_start3A_135 = tpu.memref_slice %dma_start3A_133[%add3A_112, %dma_start3A_134] : memref<10240x128xf32, #tpu.memory_space<hbm>> -> memref<64x128xf32, #tpu.memory_space<hbm>>
      %dma_start3A_136 = arith.constant 0 : i32
      %dma_start3A_137 = arith.constant 0 : i32
      %dma_start3A_138 = tpu.memref_slice %arg6[%arg0, %dma_start3A_136, %dma_start3A_137] : memref<2x10240x128xf32, #tpu.memory_space<hbm>> -> memref<1x10240x128xf32, #tpu.memory_space<hbm>>
      %dma_start3A_139 = tpu.memref_squeeze %dma_start3A_138 : memref<1x10240x128xf32, #tpu.memory_space<hbm>> -> memref<10240x128xf32, #tpu.memory_space<hbm>>
      %dma_start3A_140 = arith.constant 0 : i32
      %dma_start3A_141 = tpu.memref_slice %dma_start3A_139[%add3A_112, %dma_start3A_140] : memref<10240x128xf32, #tpu.memory_space<hbm>> -> memref<64x128xf32, #tpu.memory_space<hbm>>
      tpu.enqueue_dma source(%arg10 : memref<64x128xf32, #tpu.memory_space<vmem>>) target(%dma_start3A_141 : memref<64x128xf32, #tpu.memory_space<hbm>>) target_semaphore(%run_scoped3A_129 : memref<!tpu.dma_semaphore, #tpu.memory_space<semaphore_mem>>)
      %dma_wait3A = arith.constant 0 : i32
      %dma_wait3A_142 = arith.constant 0 : i32
      %dma_wait3A_143 = tpu.memref_slice %arg6[%arg0, %dma_wait3A, %dma_wait3A_142] : memref<2x10240x128xf32, #tpu.memory_space<hbm>> -> memref<1x10240x128xf32, #tpu.memory_space<hbm>>
      %dma_wait3A_144 = tpu.memref_squeeze %dma_wait3A_143 : memref<1x10240x128xf32, #tpu.memory_space<hbm>> -> memref<10240x128xf32, #tpu.memory_space<hbm>>
      %dma_wait3A_145 = arith.constant 0 : i32
      %dma_wait3A_146 = tpu.memref_slice %dma_wait3A_144[%add3A_112, %dma_wait3A_145] : memref<10240x128xf32, #tpu.memory_space<hbm>> -> memref<64x128xf32, #tpu.memory_space<hbm>>
      %dma_wait3A_147 = arith.constant 0 : i32
      %dma_wait3A_148 = arith.constant 0 : i32
      %dma_wait3A_149 = tpu.memref_slice %arg6[%arg0, %dma_wait3A_147, %dma_wait3A_148] : memref<2x10240x128xf32, #tpu.memory_space<hbm>> -> memref<1x10240x128xf32, #tpu.memory_space<hbm>>
      %dma_wait3A_150 = tpu.memref_squeeze %dma_wait3A_149 : memref<1x10240x128xf32, #tpu.memory_space<hbm>> -> memref<10240x128xf32, #tpu.memory_space<hbm>>
      %dma_wait3A_151 = arith.constant 0 : i32
      %dma_wait3A_152 = tpu.memref_slice %dma_wait3A_150[%add3A_112, %dma_wait3A_151] : memref<10240x128xf32, #tpu.memory_space<hbm>> -> memref<64x128xf32, #tpu.memory_space<hbm>>
      tpu.wait_dma2 semaphore(%run_scoped3A_129 : memref<!tpu.dma_semaphore, #tpu.memory_space<semaphore_mem>>) src(%arg10 : memref<64x128xf32, #tpu.memory_space<vmem>>) dst(%dma_wait3A_152 : memref<64x128xf32, #tpu.memory_space<hbm>>)
      tpu.yield
    }) : () -> ()
    %mul3A_113 = arith.constant 640 : i32
    %mul3A_114 = arith.muli %arg1, %mul3A_113 : i32
    %add3A_115 = arith.constant 384 : i32
    %add3A_116 = arith.addi %mul3A_114, %add3A_115 : i32
    "tpu.region"() ({
      %run_scoped3A_129 = tpu.sem_alloc : memref<!tpu.dma_semaphore, #tpu.memory_space<semaphore_mem>>
      %dma_start3A_130 = arith.constant 0 : i32
      %dma_start3A_131 = tpu.memref_slice %arg11[%add3A_116, %dma_start3A_130] : memref<10240x128xf32, #tpu.memory_space<vmem_shared>> -> memref<64x128xf32, #tpu.memory_space<vmem_shared>>
      %dma_start3A_132 = arith.constant 0 : i32
      %dma_start3A_133 = tpu.memref_slice %arg11[%add3A_116, %dma_start3A_132] : memref<10240x128xf32, #tpu.memory_space<vmem_shared>> -> memref<64x128xf32, #tpu.memory_space<vmem_shared>>
      tpu.enqueue_dma source(%dma_start3A_133 : memref<64x128xf32, #tpu.memory_space<vmem_shared>>) target(%arg10 : memref<64x128xf32, #tpu.memory_space<vmem>>) target_semaphore(%run_scoped3A_129 : memref<!tpu.dma_semaphore, #tpu.memory_space<semaphore_mem>>)
      %dma_wait3A = arith.constant 0 : i32
      %dma_wait3A_134 = tpu.memref_slice %arg11[%add3A_116, %dma_wait3A] : memref<10240x128xf32, #tpu.memory_space<vmem_shared>> -> memref<64x128xf32, #tpu.memory_space<vmem_shared>>
      %dma_wait3A_135 = arith.constant 0 : i32
      %dma_wait3A_136 = tpu.memref_slice %arg11[%add3A_116, %dma_wait3A_135] : memref<10240x128xf32, #tpu.memory_space<vmem_shared>> -> memref<64x128xf32, #tpu.memory_space<vmem_shared>>
      tpu.wait_dma2 semaphore(%run_scoped3A_129 : memref<!tpu.dma_semaphore, #tpu.memory_space<semaphore_mem>>) src(%dma_wait3A_136 : memref<64x128xf32, #tpu.memory_space<vmem_shared>>) dst(%arg10 : memref<64x128xf32, #tpu.memory_space<vmem>>)
      tpu.yield
    }) : () -> ()
    "tpu.region"() ({
      %run_scoped3A_129 = tpu.sem_alloc : memref<!tpu.dma_semaphore, #tpu.memory_space<semaphore_mem>>
      %dma_start3A_130 = arith.constant 0 : i32
      %dma_start3A_131 = arith.constant 0 : i32
      %dma_start3A_132 = tpu.memref_slice %arg6[%arg0, %dma_start3A_130, %dma_start3A_131] : memref<2x10240x128xf32, #tpu.memory_space<hbm>> -> memref<1x10240x128xf32, #tpu.memory_space<hbm>>
      %dma_start3A_133 = tpu.memref_squeeze %dma_start3A_132 : memref<1x10240x128xf32, #tpu.memory_space<hbm>> -> memref<10240x128xf32, #tpu.memory_space<hbm>>
      %dma_start3A_134 = arith.constant 0 : i32
      %dma_start3A_135 = tpu.memref_slice %dma_start3A_133[%add3A_116, %dma_start3A_134] : memref<10240x128xf32, #tpu.memory_space<hbm>> -> memref<64x128xf32, #tpu.memory_space<hbm>>
      %dma_start3A_136 = arith.constant 0 : i32
      %dma_start3A_137 = arith.constant 0 : i32
      %dma_start3A_138 = tpu.memref_slice %arg6[%arg0, %dma_start3A_136, %dma_start3A_137] : memref<2x10240x128xf32, #tpu.memory_space<hbm>> -> memref<1x10240x128xf32, #tpu.memory_space<hbm>>
      %dma_start3A_139 = tpu.memref_squeeze %dma_start3A_138 : memref<1x10240x128xf32, #tpu.memory_space<hbm>> -> memref<10240x128xf32, #tpu.memory_space<hbm>>
      %dma_start3A_140 = arith.constant 0 : i32
      %dma_start3A_141 = tpu.memref_slice %dma_start3A_139[%add3A_116, %dma_start3A_140] : memref<10240x128xf32, #tpu.memory_space<hbm>> -> memref<64x128xf32, #tpu.memory_space<hbm>>
      tpu.enqueue_dma source(%arg10 : memref<64x128xf32, #tpu.memory_space<vmem>>) target(%dma_start3A_141 : memref<64x128xf32, #tpu.memory_space<hbm>>) target_semaphore(%run_scoped3A_129 : memref<!tpu.dma_semaphore, #tpu.memory_space<semaphore_mem>>)
      %dma_wait3A = arith.constant 0 : i32
      %dma_wait3A_142 = arith.constant 0 : i32
      %dma_wait3A_143 = tpu.memref_slice %arg6[%arg0, %dma_wait3A, %dma_wait3A_142] : memref<2x10240x128xf32, #tpu.memory_space<hbm>> -> memref<1x10240x128xf32, #tpu.memory_space<hbm>>
      %dma_wait3A_144 = tpu.memref_squeeze %dma_wait3A_143 : memref<1x10240x128xf32, #tpu.memory_space<hbm>> -> memref<10240x128xf32, #tpu.memory_space<hbm>>
      %dma_wait3A_145 = arith.constant 0 : i32
      %dma_wait3A_146 = tpu.memref_slice %dma_wait3A_144[%add3A_116, %dma_wait3A_145] : memref<10240x128xf32, #tpu.memory_space<hbm>> -> memref<64x128xf32, #tpu.memory_space<hbm>>
      %dma_wait3A_147 = arith.constant 0 : i32
      %dma_wait3A_148 = arith.constant 0 : i32
      %dma_wait3A_149 = tpu.memref_slice %arg6[%arg0, %dma_wait3A_147, %dma_wait3A_148] : memref<2x10240x128xf32, #tpu.memory_space<hbm>> -> memref<1x10240x128xf32, #tpu.memory_space<hbm>>
      %dma_wait3A_150 = tpu.memref_squeeze %dma_wait3A_149 : memref<1x10240x128xf32, #tpu.memory_space<hbm>> -> memref<10240x128xf32, #tpu.memory_space<hbm>>
      %dma_wait3A_151 = arith.constant 0 : i32
      %dma_wait3A_152 = tpu.memref_slice %dma_wait3A_150[%add3A_116, %dma_wait3A_151] : memref<10240x128xf32, #tpu.memory_space<hbm>> -> memref<64x128xf32, #tpu.memory_space<hbm>>
      tpu.wait_dma2 semaphore(%run_scoped3A_129 : memref<!tpu.dma_semaphore, #tpu.memory_space<semaphore_mem>>) src(%arg10 : memref<64x128xf32, #tpu.memory_space<vmem>>) dst(%dma_wait3A_152 : memref<64x128xf32, #tpu.memory_space<hbm>>)
      tpu.yield
    }) : () -> ()
    %mul3A_117 = arith.constant 640 : i32
    %mul3A_118 = arith.muli %arg1, %mul3A_117 : i32
    %add3A_119 = arith.constant 448 : i32
    %add3A_120 = arith.addi %mul3A_118, %add3A_119 : i32
    "tpu.region"() ({
      %run_scoped3A_129 = tpu.sem_alloc : memref<!tpu.dma_semaphore, #tpu.memory_space<semaphore_mem>>
      %dma_start3A_130 = arith.constant 0 : i32
      %dma_start3A_131 = tpu.memref_slice %arg11[%add3A_120, %dma_start3A_130] : memref<10240x128xf32, #tpu.memory_space<vmem_shared>> -> memref<64x128xf32, #tpu.memory_space<vmem_shared>>
      %dma_start3A_132 = arith.constant 0 : i32
      %dma_start3A_133 = tpu.memref_slice %arg11[%add3A_120, %dma_start3A_132] : memref<10240x128xf32, #tpu.memory_space<vmem_shared>> -> memref<64x128xf32, #tpu.memory_space<vmem_shared>>
      tpu.enqueue_dma source(%dma_start3A_133 : memref<64x128xf32, #tpu.memory_space<vmem_shared>>) target(%arg10 : memref<64x128xf32, #tpu.memory_space<vmem>>) target_semaphore(%run_scoped3A_129 : memref<!tpu.dma_semaphore, #tpu.memory_space<semaphore_mem>>)
      %dma_wait3A = arith.constant 0 : i32
      %dma_wait3A_134 = tpu.memref_slice %arg11[%add3A_120, %dma_wait3A] : memref<10240x128xf32, #tpu.memory_space<vmem_shared>> -> memref<64x128xf32, #tpu.memory_space<vmem_shared>>
      %dma_wait3A_135 = arith.constant 0 : i32
      %dma_wait3A_136 = tpu.memref_slice %arg11[%add3A_120, %dma_wait3A_135] : memref<10240x128xf32, #tpu.memory_space<vmem_shared>> -> memref<64x128xf32, #tpu.memory_space<vmem_shared>>
      tpu.wait_dma2 semaphore(%run_scoped3A_129 : memref<!tpu.dma_semaphore, #tpu.memory_space<semaphore_mem>>) src(%dma_wait3A_136 : memref<64x128xf32, #tpu.memory_space<vmem_shared>>) dst(%arg10 : memref<64x128xf32, #tpu.memory_space<vmem>>)
      tpu.yield
    }) : () -> ()
    "tpu.region"() ({
      %run_scoped3A_129 = tpu.sem_alloc : memref<!tpu.dma_semaphore, #tpu.memory_space<semaphore_mem>>
      %dma_start3A_130 = arith.constant 0 : i32
      %dma_start3A_131 = arith.constant 0 : i32
      %dma_start3A_132 = tpu.memref_slice %arg6[%arg0, %dma_start3A_130, %dma_start3A_131] : memref<2x10240x128xf32, #tpu.memory_space<hbm>> -> memref<1x10240x128xf32, #tpu.memory_space<hbm>>
      %dma_start3A_133 = tpu.memref_squeeze %dma_start3A_132 : memref<1x10240x128xf32, #tpu.memory_space<hbm>> -> memref<10240x128xf32, #tpu.memory_space<hbm>>
      %dma_start3A_134 = arith.constant 0 : i32
      %dma_start3A_135 = tpu.memref_slice %dma_start3A_133[%add3A_120, %dma_start3A_134] : memref<10240x128xf32, #tpu.memory_space<hbm>> -> memref<64x128xf32, #tpu.memory_space<hbm>>
      %dma_start3A_136 = arith.constant 0 : i32
      %dma_start3A_137 = arith.constant 0 : i32
      %dma_start3A_138 = tpu.memref_slice %arg6[%arg0, %dma_start3A_136, %dma_start3A_137] : memref<2x10240x128xf32, #tpu.memory_space<hbm>> -> memref<1x10240x128xf32, #tpu.memory_space<hbm>>
      %dma_start3A_139 = tpu.memref_squeeze %dma_start3A_138 : memref<1x10240x128xf32, #tpu.memory_space<hbm>> -> memref<10240x128xf32, #tpu.memory_space<hbm>>
      %dma_start3A_140 = arith.constant 0 : i32
      %dma_start3A_141 = tpu.memref_slice %dma_start3A_139[%add3A_120, %dma_start3A_140] : memref<10240x128xf32, #tpu.memory_space<hbm>> -> memref<64x128xf32, #tpu.memory_space<hbm>>
      tpu.enqueue_dma source(%arg10 : memref<64x128xf32, #tpu.memory_space<vmem>>) target(%dma_start3A_141 : memref<64x128xf32, #tpu.memory_space<hbm>>) target_semaphore(%run_scoped3A_129 : memref<!tpu.dma_semaphore, #tpu.memory_space<semaphore_mem>>)
      %dma_wait3A = arith.constant 0 : i32
      %dma_wait3A_142 = arith.constant 0 : i32
      %dma_wait3A_143 = tpu.memref_slice %arg6[%arg0, %dma_wait3A, %dma_wait3A_142] : memref<2x10240x128xf32, #tpu.memory_space<hbm>> -> memref<1x10240x128xf32, #tpu.memory_space<hbm>>
      %dma_wait3A_144 = tpu.memref_squeeze %dma_wait3A_143 : memref<1x10240x128xf32, #tpu.memory_space<hbm>> -> memref<10240x128xf32, #tpu.memory_space<hbm>>
      %dma_wait3A_145 = arith.constant 0 : i32
      %dma_wait3A_146 = tpu.memref_slice %dma_wait3A_144[%add3A_120, %dma_wait3A_145] : memref<10240x128xf32, #tpu.memory_space<hbm>> -> memref<64x128xf32, #tpu.memory_space<hbm>>
      %dma_wait3A_147 = arith.constant 0 : i32
      %dma_wait3A_148 = arith.constant 0 : i32
      %dma_wait3A_149 = tpu.memref_slice %arg6[%arg0, %dma_wait3A_147, %dma_wait3A_148] : memref<2x10240x128xf32, #tpu.memory_space<hbm>> -> memref<1x10240x128xf32, #tpu.memory_space<hbm>>
      %dma_wait3A_150 = tpu.memref_squeeze %dma_wait3A_149 : memref<1x10240x128xf32, #tpu.memory_space<hbm>> -> memref<10240x128xf32, #tpu.memory_space<hbm>>
      %dma_wait3A_151 = arith.constant 0 : i32
      %dma_wait3A_152 = tpu.memref_slice %dma_wait3A_150[%add3A_120, %dma_wait3A_151] : memref<10240x128xf32, #tpu.memory_space<hbm>> -> memref<64x128xf32, #tpu.memory_space<hbm>>
      tpu.wait_dma2 semaphore(%run_scoped3A_129 : memref<!tpu.dma_semaphore, #tpu.memory_space<semaphore_mem>>) src(%arg10 : memref<64x128xf32, #tpu.memory_space<vmem>>) dst(%dma_wait3A_152 : memref<64x128xf32, #tpu.memory_space<hbm>>)
      tpu.yield
    }) : () -> ()
    %mul3A_121 = arith.constant 640 : i32
    %mul3A_122 = arith.muli %arg1, %mul3A_121 : i32
    %add3A_123 = arith.constant 512 : i32
    %add3A_124 = arith.addi %mul3A_122, %add3A_123 : i32
    "tpu.region"() ({
      %run_scoped3A_129 = tpu.sem_alloc : memref<!tpu.dma_semaphore, #tpu.memory_space<semaphore_mem>>
      %dma_start3A_130 = arith.constant 0 : i32
      %dma_start3A_131 = tpu.memref_slice %arg11[%add3A_124, %dma_start3A_130] : memref<10240x128xf32, #tpu.memory_space<vmem_shared>> -> memref<64x128xf32, #tpu.memory_space<vmem_shared>>
      %dma_start3A_132 = arith.constant 0 : i32
      %dma_start3A_133 = tpu.memref_slice %arg11[%add3A_124, %dma_start3A_132] : memref<10240x128xf32, #tpu.memory_space<vmem_shared>> -> memref<64x128xf32, #tpu.memory_space<vmem_shared>>
      tpu.enqueue_dma source(%dma_start3A_133 : memref<64x128xf32, #tpu.memory_space<vmem_shared>>) target(%arg10 : memref<64x128xf32, #tpu.memory_space<vmem>>) target_semaphore(%run_scoped3A_129 : memref<!tpu.dma_semaphore, #tpu.memory_space<semaphore_mem>>)
      %dma_wait3A = arith.constant 0 : i32
      %dma_wait3A_134 = tpu.memref_slice %arg11[%add3A_124, %dma_wait3A] : memref<10240x128xf32, #tpu.memory_space<vmem_shared>> -> memref<64x128xf32, #tpu.memory_space<vmem_shared>>
      %dma_wait3A_135 = arith.constant 0 : i32
      %dma_wait3A_136 = tpu.memref_slice %arg11[%add3A_124, %dma_wait3A_135] : memref<10240x128xf32, #tpu.memory_space<vmem_shared>> -> memref<64x128xf32, #tpu.memory_space<vmem_shared>>
      tpu.wait_dma2 semaphore(%run_scoped3A_129 : memref<!tpu.dma_semaphore, #tpu.memory_space<semaphore_mem>>) src(%dma_wait3A_136 : memref<64x128xf32, #tpu.memory_space<vmem_shared>>) dst(%arg10 : memref<64x128xf32, #tpu.memory_space<vmem>>)
      tpu.yield
    }) : () -> ()
    "tpu.region"() ({
      %run_scoped3A_129 = tpu.sem_alloc : memref<!tpu.dma_semaphore, #tpu.memory_space<semaphore_mem>>
      %dma_start3A_130 = arith.constant 0 : i32
      %dma_start3A_131 = arith.constant 0 : i32
      %dma_start3A_132 = tpu.memref_slice %arg6[%arg0, %dma_start3A_130, %dma_start3A_131] : memref<2x10240x128xf32, #tpu.memory_space<hbm>> -> memref<1x10240x128xf32, #tpu.memory_space<hbm>>
      %dma_start3A_133 = tpu.memref_squeeze %dma_start3A_132 : memref<1x10240x128xf32, #tpu.memory_space<hbm>> -> memref<10240x128xf32, #tpu.memory_space<hbm>>
      %dma_start3A_134 = arith.constant 0 : i32
      %dma_start3A_135 = tpu.memref_slice %dma_start3A_133[%add3A_124, %dma_start3A_134] : memref<10240x128xf32, #tpu.memory_space<hbm>> -> memref<64x128xf32, #tpu.memory_space<hbm>>
      %dma_start3A_136 = arith.constant 0 : i32
      %dma_start3A_137 = arith.constant 0 : i32
      %dma_start3A_138 = tpu.memref_slice %arg6[%arg0, %dma_start3A_136, %dma_start3A_137] : memref<2x10240x128xf32, #tpu.memory_space<hbm>> -> memref<1x10240x128xf32, #tpu.memory_space<hbm>>
      %dma_start3A_139 = tpu.memref_squeeze %dma_start3A_138 : memref<1x10240x128xf32, #tpu.memory_space<hbm>> -> memref<10240x128xf32, #tpu.memory_space<hbm>>
      %dma_start3A_140 = arith.constant 0 : i32
      %dma_start3A_141 = tpu.memref_slice %dma_start3A_139[%add3A_124, %dma_start3A_140] : memref<10240x128xf32, #tpu.memory_space<hbm>> -> memref<64x128xf32, #tpu.memory_space<hbm>>
      tpu.enqueue_dma source(%arg10 : memref<64x128xf32, #tpu.memory_space<vmem>>) target(%dma_start3A_141 : memref<64x128xf32, #tpu.memory_space<hbm>>) target_semaphore(%run_scoped3A_129 : memref<!tpu.dma_semaphore, #tpu.memory_space<semaphore_mem>>)
      %dma_wait3A = arith.constant 0 : i32
      %dma_wait3A_142 = arith.constant 0 : i32
      %dma_wait3A_143 = tpu.memref_slice %arg6[%arg0, %dma_wait3A, %dma_wait3A_142] : memref<2x10240x128xf32, #tpu.memory_space<hbm>> -> memref<1x10240x128xf32, #tpu.memory_space<hbm>>
      %dma_wait3A_144 = tpu.memref_squeeze %dma_wait3A_143 : memref<1x10240x128xf32, #tpu.memory_space<hbm>> -> memref<10240x128xf32, #tpu.memory_space<hbm>>
      %dma_wait3A_145 = arith.constant 0 : i32
      %dma_wait3A_146 = tpu.memref_slice %dma_wait3A_144[%add3A_124, %dma_wait3A_145] : memref<10240x128xf32, #tpu.memory_space<hbm>> -> memref<64x128xf32, #tpu.memory_space<hbm>>
      %dma_wait3A_147 = arith.constant 0 : i32
      %dma_wait3A_148 = arith.constant 0 : i32
      %dma_wait3A_149 = tpu.memref_slice %arg6[%arg0, %dma_wait3A_147, %dma_wait3A_148] : memref<2x10240x128xf32, #tpu.memory_space<hbm>> -> memref<1x10240x128xf32, #tpu.memory_space<hbm>>
      %dma_wait3A_150 = tpu.memref_squeeze %dma_wait3A_149 : memref<1x10240x128xf32, #tpu.memory_space<hbm>> -> memref<10240x128xf32, #tpu.memory_space<hbm>>
      %dma_wait3A_151 = arith.constant 0 : i32
      %dma_wait3A_152 = tpu.memref_slice %dma_wait3A_150[%add3A_124, %dma_wait3A_151] : memref<10240x128xf32, #tpu.memory_space<hbm>> -> memref<64x128xf32, #tpu.memory_space<hbm>>
      tpu.wait_dma2 semaphore(%run_scoped3A_129 : memref<!tpu.dma_semaphore, #tpu.memory_space<semaphore_mem>>) src(%arg10 : memref<64x128xf32, #tpu.memory_space<vmem>>) dst(%dma_wait3A_152 : memref<64x128xf32, #tpu.memory_space<hbm>>)
      tpu.yield
    }) : () -> ()
    %mul3A_125 = arith.constant 640 : i32
    %mul3A_126 = arith.muli %arg1, %mul3A_125 : i32
    %add3A_127 = arith.constant 576 : i32
    %add3A_128 = arith.addi %mul3A_126, %add3A_127 : i32
    "tpu.region"() ({
      %run_scoped3A_129 = tpu.sem_alloc : memref<!tpu.dma_semaphore, #tpu.memory_space<semaphore_mem>>
      %dma_start3A_130 = arith.constant 0 : i32
      %dma_start3A_131 = tpu.memref_slice %arg11[%add3A_128, %dma_start3A_130] : memref<10240x128xf32, #tpu.memory_space<vmem_shared>> -> memref<64x128xf32, #tpu.memory_space<vmem_shared>>
      %dma_start3A_132 = arith.constant 0 : i32
      %dma_start3A_133 = tpu.memref_slice %arg11[%add3A_128, %dma_start3A_132] : memref<10240x128xf32, #tpu.memory_space<vmem_shared>> -> memref<64x128xf32, #tpu.memory_space<vmem_shared>>
      tpu.enqueue_dma source(%dma_start3A_133 : memref<64x128xf32, #tpu.memory_space<vmem_shared>>) target(%arg10 : memref<64x128xf32, #tpu.memory_space<vmem>>) target_semaphore(%run_scoped3A_129 : memref<!tpu.dma_semaphore, #tpu.memory_space<semaphore_mem>>)
      %dma_wait3A = arith.constant 0 : i32
      %dma_wait3A_134 = tpu.memref_slice %arg11[%add3A_128, %dma_wait3A] : memref<10240x128xf32, #tpu.memory_space<vmem_shared>> -> memref<64x128xf32, #tpu.memory_space<vmem_shared>>
      %dma_wait3A_135 = arith.constant 0 : i32
      %dma_wait3A_136 = tpu.memref_slice %arg11[%add3A_128, %dma_wait3A_135] : memref<10240x128xf32, #tpu.memory_space<vmem_shared>> -> memref<64x128xf32, #tpu.memory_space<vmem_shared>>
      tpu.wait_dma2 semaphore(%run_scoped3A_129 : memref<!tpu.dma_semaphore, #tpu.memory_space<semaphore_mem>>) src(%dma_wait3A_136 : memref<64x128xf32, #tpu.memory_space<vmem_shared>>) dst(%arg10 : memref<64x128xf32, #tpu.memory_space<vmem>>)
      tpu.yield
    }) : () -> ()
    "tpu.region"() ({
      %run_scoped3A_129 = tpu.sem_alloc : memref<!tpu.dma_semaphore, #tpu.memory_space<semaphore_mem>>
      %dma_start3A_130 = arith.constant 0 : i32
      %dma_start3A_131 = arith.constant 0 : i32
      %dma_start3A_132 = tpu.memref_slice %arg6[%arg0, %dma_start3A_130, %dma_start3A_131] : memref<2x10240x128xf32, #tpu.memory_space<hbm>> -> memref<1x10240x128xf32, #tpu.memory_space<hbm>>
      %dma_start3A_133 = tpu.memref_squeeze %dma_start3A_132 : memref<1x10240x128xf32, #tpu.memory_space<hbm>> -> memref<10240x128xf32, #tpu.memory_space<hbm>>
      %dma_start3A_134 = arith.constant 0 : i32
      %dma_start3A_135 = tpu.memref_slice %dma_start3A_133[%add3A_128, %dma_start3A_134] : memref<10240x128xf32, #tpu.memory_space<hbm>> -> memref<64x128xf32, #tpu.memory_space<hbm>>
      %dma_start3A_136 = arith.constant 0 : i32
      %dma_start3A_137 = arith.constant 0 : i32
      %dma_start3A_138 = tpu.memref_slice %arg6[%arg0, %dma_start3A_136, %dma_start3A_137] : memref<2x10240x128xf32, #tpu.memory_space<hbm>> -> memref<1x10240x128xf32, #tpu.memory_space<hbm>>
      %dma_start3A_139 = tpu.memref_squeeze %dma_start3A_138 : memref<1x10240x128xf32, #tpu.memory_space<hbm>> -> memref<10240x128xf32, #tpu.memory_space<hbm>>
      %dma_start3A_140 = arith.constant 0 : i32
      %dma_start3A_141 = tpu.memref_slice %dma_start3A_139[%add3A_128, %dma_start3A_140] : memref<10240x128xf32, #tpu.memory_space<hbm>> -> memref<64x128xf32, #tpu.memory_space<hbm>>
      tpu.enqueue_dma source(%arg10 : memref<64x128xf32, #tpu.memory_space<vmem>>) target(%dma_start3A_141 : memref<64x128xf32, #tpu.memory_space<hbm>>) target_semaphore(%run_scoped3A_129 : memref<!tpu.dma_semaphore, #tpu.memory_space<semaphore_mem>>)
      %dma_wait3A = arith.constant 0 : i32
      %dma_wait3A_142 = arith.constant 0 : i32
      %dma_wait3A_143 = tpu.memref_slice %arg6[%arg0, %dma_wait3A, %dma_wait3A_142] : memref<2x10240x128xf32, #tpu.memory_space<hbm>> -> memref<1x10240x128xf32, #tpu.memory_space<hbm>>
      %dma_wait3A_144 = tpu.memref_squeeze %dma_wait3A_143 : memref<1x10240x128xf32, #tpu.memory_space<hbm>> -> memref<10240x128xf32, #tpu.memory_space<hbm>>
      %dma_wait3A_145 = arith.constant 0 : i32
      %dma_wait3A_146 = tpu.memref_slice %dma_wait3A_144[%add3A_128, %dma_wait3A_145] : memref<10240x128xf32, #tpu.memory_space<hbm>> -> memref<64x128xf32, #tpu.memory_space<hbm>>
      %dma_wait3A_147 = arith.constant 0 : i32
      %dma_wait3A_148 = arith.constant 0 : i32
      %dma_wait3A_149 = tpu.memref_slice %arg6[%arg0, %dma_wait3A_147, %dma_wait3A_148] : memref<2x10240x128xf32, #tpu.memory_space<hbm>> -> memref<1x10240x128xf32, #tpu.memory_space<hbm>>
      %dma_wait3A_150 = tpu.memref_squeeze %dma_wait3A_149 : memref<1x10240x128xf32, #tpu.memory_space<hbm>> -> memref<10240x128xf32, #tpu.memory_space<hbm>>
      %dma_wait3A_151 = arith.constant 0 : i32
      %dma_wait3A_152 = tpu.memref_slice %dma_wait3A_150[%add3A_128, %dma_wait3A_151] : memref<10240x128xf32, #tpu.memory_space<hbm>> -> memref<64x128xf32, #tpu.memory_space<hbm>>
      tpu.wait_dma2 semaphore(%run_scoped3A_129 : memref<!tpu.dma_semaphore, #tpu.memory_space<semaphore_mem>>) src(%arg10 : memref<64x128xf32, #tpu.memory_space<vmem>>) dst(%dma_wait3A_152 : memref<64x128xf32, #tpu.memory_space<hbm>>)
      tpu.yield
    }) : () -> ()
    return
  }
}

#map = affine_map<(d0, d1) -> (0, 0)>
#map1 = affine_map<(d0, d1) -> (0)>
#map2 = affine_map<(d0, d1) -> (0, 0, 0)>
module attributes {stable_mosaic.version = 14 : i64} {
  func.func @_seg_body(%arg0: i32, %arg1: i32, %arg2: memref<10000x128xf32, #tpu.memory_space<hbm>>, %arg3: memref<320000xi32, #tpu.memory_space<hbm>>, %arg4: memref<320000xi32, #tpu.memory_space<hbm>>, %arg5: memref<64x128xf32, #tpu.memory_space<hbm>>, %arg6: memref<64x16xf32, #tpu.memory_space<hbm>>, %arg7: memref<80x16xf32, #tpu.memory_space<hbm>>, %arg8: memref<2x10240x128xf32, #tpu.memory_space<hbm>>, %arg9: memref<2x10240x16xf32, #tpu.memory_space<hbm>>, %arg10: memref<2x80xi32, #tpu.memory_space<vmem>>, %arg11: memref<2x80xi32, #tpu.memory_space<vmem>>, %arg12: memref<2x80x128xf32, #tpu.memory_space<vmem>>, %arg13: memref<64x128xf32, #tpu.memory_space<vmem>>, %arg14: memref<80x16xf32, #tpu.memory_space<vmem>>, %arg15: memref<64x16xf32, #tpu.memory_space<vmem>>, %arg16: memref<10240x128xf32, #tpu.memory_space<vmem_shared>>, %arg17: memref<10240x16xf32, #tpu.memory_space<vmem_shared>>, %arg18: memref<2x!tpu.dma_semaphore, #tpu.memory_space<semaphore_mem>>, %arg19: memref<2x!tpu.dma_semaphore, #tpu.memory_space<semaphore_mem>>, %arg20: memref<2x!tpu.dma_semaphore, #tpu.memory_space<semaphore_mem>>, %arg21: memref<2x!tpu.dma_semaphore, #tpu.memory_space<semaphore_mem>>, %arg22: memref<2x!tpu.dma_semaphore, #tpu.memory_space<semaphore_mem>>) attributes {dimension_semantics = [#tpu.dimension_semantics<core_parallel>, #tpu.dimension_semantics<subcore_parallel>], iteration_bounds = array<i64: 2, 16>, scalar_prefetch = 0 : i64, scratch_operands = 13 : i64, tpu.core_type = #tpu.core_type<sc_vector_subcore>, window_params = [{transform_indices = #map}, {transform_indices = #map1}, {transform_indices = #map1}, {transform_indices = #map}, {transform_indices = #map}, {transform_indices = #map}, {transform_indices = #map2}, {transform_indices = #map2}]} {
    "tpu.region"() ({
      %run_scoped3A_169 = tpu.sem_alloc : memref<!tpu.dma_semaphore, #tpu.memory_space<semaphore_mem>>
      tpu.enqueue_dma source(%arg5 : memref<64x128xf32, #tpu.memory_space<hbm>>) target(%arg13 : memref<64x128xf32, #tpu.memory_space<vmem>>) target_semaphore(%run_scoped3A_169 : memref<!tpu.dma_semaphore, #tpu.memory_space<semaphore_mem>>)
      tpu.wait_dma2 semaphore(%run_scoped3A_169 : memref<!tpu.dma_semaphore, #tpu.memory_space<semaphore_mem>>) src(%arg5 : memref<64x128xf32, #tpu.memory_space<hbm>>) dst(%arg13 : memref<64x128xf32, #tpu.memory_space<vmem>>)
      tpu.yield
    }) : () -> ()
    "tpu.region"() ({
      %run_scoped3A_169 = tpu.sem_alloc : memref<!tpu.dma_semaphore, #tpu.memory_space<semaphore_mem>>
      tpu.enqueue_dma source(%arg6 : memref<64x16xf32, #tpu.memory_space<hbm>>) target(%arg15 : memref<64x16xf32, #tpu.memory_space<vmem>>) target_semaphore(%run_scoped3A_169 : memref<!tpu.dma_semaphore, #tpu.memory_space<semaphore_mem>>)
      tpu.wait_dma2 semaphore(%run_scoped3A_169 : memref<!tpu.dma_semaphore, #tpu.memory_space<semaphore_mem>>) src(%arg6 : memref<64x16xf32, #tpu.memory_space<hbm>>) dst(%arg15 : memref<64x16xf32, #tpu.memory_space<vmem>>)
      tpu.yield
    }) : () -> ()
    "tpu.region"() ({
      %run_scoped3A_169 = tpu.sem_alloc : memref<!tpu.dma_semaphore, #tpu.memory_space<semaphore_mem>>
      tpu.enqueue_dma source(%arg7 : memref<80x16xf32, #tpu.memory_space<hbm>>) target(%arg14 : memref<80x16xf32, #tpu.memory_space<vmem>>) target_semaphore(%run_scoped3A_169 : memref<!tpu.dma_semaphore, #tpu.memory_space<semaphore_mem>>)
      tpu.wait_dma2 semaphore(%run_scoped3A_169 : memref<!tpu.dma_semaphore, #tpu.memory_space<semaphore_mem>>) src(%arg7 : memref<80x16xf32, #tpu.memory_space<hbm>>) dst(%arg14 : memref<80x16xf32, #tpu.memory_space<vmem>>)
      tpu.yield
    }) : () -> ()
    %mul3A = arith.constant 640 : i32
    %mul3A_0 = arith.muli %arg1, %mul3A : i32
    %add3A = arith.constant 0 : i32
    %add3A_1 = arith.addi %mul3A_0, %add3A : i32
    "tpu.region"() ({
      %run_scoped3A_169 = tpu.sem_alloc : memref<!tpu.dma_semaphore, #tpu.memory_space<semaphore_mem>>
      %dma_start3A_170 = arith.constant 0 : i32
      %dma_start3A_171 = tpu.memref_slice %arg16[%add3A_1, %dma_start3A_170] : memref<10240x128xf32, #tpu.memory_space<vmem_shared>> -> memref<64x128xf32, #tpu.memory_space<vmem_shared>>
      %dma_start3A_172 = arith.constant 0 : i32
      %dma_start3A_173 = tpu.memref_slice %arg16[%add3A_1, %dma_start3A_172] : memref<10240x128xf32, #tpu.memory_space<vmem_shared>> -> memref<64x128xf32, #tpu.memory_space<vmem_shared>>
      tpu.enqueue_dma source(%arg13 : memref<64x128xf32, #tpu.memory_space<vmem>>) target(%dma_start3A_173 : memref<64x128xf32, #tpu.memory_space<vmem_shared>>) target_semaphore(%run_scoped3A_169 : memref<!tpu.dma_semaphore, #tpu.memory_space<semaphore_mem>>)
      %dma_wait3A = arith.constant 0 : i32
      %dma_wait3A_174 = tpu.memref_slice %arg16[%add3A_1, %dma_wait3A] : memref<10240x128xf32, #tpu.memory_space<vmem_shared>> -> memref<64x128xf32, #tpu.memory_space<vmem_shared>>
      %dma_wait3A_175 = arith.constant 0 : i32
      %dma_wait3A_176 = tpu.memref_slice %arg16[%add3A_1, %dma_wait3A_175] : memref<10240x128xf32, #tpu.memory_space<vmem_shared>> -> memref<64x128xf32, #tpu.memory_space<vmem_shared>>
      tpu.wait_dma2 semaphore(%run_scoped3A_169 : memref<!tpu.dma_semaphore, #tpu.memory_space<semaphore_mem>>) src(%arg13 : memref<64x128xf32, #tpu.memory_space<vmem>>) dst(%dma_wait3A_176 : memref<64x128xf32, #tpu.memory_space<vmem_shared>>)
      tpu.yield
    }) : () -> ()
    %mul3A_2 = arith.constant 640 : i32
    %mul3A_3 = arith.muli %arg1, %mul3A_2 : i32
    %add3A_4 = arith.constant 0 : i32
    %add3A_5 = arith.addi %mul3A_3, %add3A_4 : i32
    "tpu.region"() ({
      %run_scoped3A_169 = tpu.sem_alloc : memref<!tpu.dma_semaphore, #tpu.memory_space<semaphore_mem>>
      %dma_start3A_170 = arith.constant 0 : i32
      %dma_start3A_171 = tpu.memref_slice %arg17[%add3A_5, %dma_start3A_170] : memref<10240x16xf32, #tpu.memory_space<vmem_shared>> -> memref<64x16xf32, #tpu.memory_space<vmem_shared>>
      %dma_start3A_172 = arith.constant 0 : i32
      %dma_start3A_173 = tpu.memref_slice %arg17[%add3A_5, %dma_start3A_172] : memref<10240x16xf32, #tpu.memory_space<vmem_shared>> -> memref<64x16xf32, #tpu.memory_space<vmem_shared>>
      tpu.enqueue_dma source(%arg15 : memref<64x16xf32, #tpu.memory_space<vmem>>) target(%dma_start3A_173 : memref<64x16xf32, #tpu.memory_space<vmem_shared>>) target_semaphore(%run_scoped3A_169 : memref<!tpu.dma_semaphore, #tpu.memory_space<semaphore_mem>>)
      %dma_wait3A = arith.constant 0 : i32
      %dma_wait3A_174 = tpu.memref_slice %arg17[%add3A_5, %dma_wait3A] : memref<10240x16xf32, #tpu.memory_space<vmem_shared>> -> memref<64x16xf32, #tpu.memory_space<vmem_shared>>
      %dma_wait3A_175 = arith.constant 0 : i32
      %dma_wait3A_176 = tpu.memref_slice %arg17[%add3A_5, %dma_wait3A_175] : memref<10240x16xf32, #tpu.memory_space<vmem_shared>> -> memref<64x16xf32, #tpu.memory_space<vmem_shared>>
      tpu.wait_dma2 semaphore(%run_scoped3A_169 : memref<!tpu.dma_semaphore, #tpu.memory_space<semaphore_mem>>) src(%arg15 : memref<64x16xf32, #tpu.memory_space<vmem>>) dst(%dma_wait3A_176 : memref<64x16xf32, #tpu.memory_space<vmem_shared>>)
      tpu.yield
    }) : () -> ()
    %mul3A_6 = arith.constant 640 : i32
    %mul3A_7 = arith.muli %arg1, %mul3A_6 : i32
    %add3A_8 = arith.constant 64 : i32
    %add3A_9 = arith.addi %mul3A_7, %add3A_8 : i32
    "tpu.region"() ({
      %run_scoped3A_169 = tpu.sem_alloc : memref<!tpu.dma_semaphore, #tpu.memory_space<semaphore_mem>>
      %dma_start3A_170 = arith.constant 0 : i32
      %dma_start3A_171 = tpu.memref_slice %arg16[%add3A_9, %dma_start3A_170] : memref<10240x128xf32, #tpu.memory_space<vmem_shared>> -> memref<64x128xf32, #tpu.memory_space<vmem_shared>>
      %dma_start3A_172 = arith.constant 0 : i32
      %dma_start3A_173 = tpu.memref_slice %arg16[%add3A_9, %dma_start3A_172] : memref<10240x128xf32, #tpu.memory_space<vmem_shared>> -> memref<64x128xf32, #tpu.memory_space<vmem_shared>>
      tpu.enqueue_dma source(%arg13 : memref<64x128xf32, #tpu.memory_space<vmem>>) target(%dma_start3A_173 : memref<64x128xf32, #tpu.memory_space<vmem_shared>>) target_semaphore(%run_scoped3A_169 : memref<!tpu.dma_semaphore, #tpu.memory_space<semaphore_mem>>)
      %dma_wait3A = arith.constant 0 : i32
      %dma_wait3A_174 = tpu.memref_slice %arg16[%add3A_9, %dma_wait3A] : memref<10240x128xf32, #tpu.memory_space<vmem_shared>> -> memref<64x128xf32, #tpu.memory_space<vmem_shared>>
      %dma_wait3A_175 = arith.constant 0 : i32
      %dma_wait3A_176 = tpu.memref_slice %arg16[%add3A_9, %dma_wait3A_175] : memref<10240x128xf32, #tpu.memory_space<vmem_shared>> -> memref<64x128xf32, #tpu.memory_space<vmem_shared>>
      tpu.wait_dma2 semaphore(%run_scoped3A_169 : memref<!tpu.dma_semaphore, #tpu.memory_space<semaphore_mem>>) src(%arg13 : memref<64x128xf32, #tpu.memory_space<vmem>>) dst(%dma_wait3A_176 : memref<64x128xf32, #tpu.memory_space<vmem_shared>>)
      tpu.yield
    }) : () -> ()
    %mul3A_10 = arith.constant 640 : i32
    %mul3A_11 = arith.muli %arg1, %mul3A_10 : i32
    %add3A_12 = arith.constant 64 : i32
    %add3A_13 = arith.addi %mul3A_11, %add3A_12 : i32
    "tpu.region"() ({
      %run_scoped3A_169 = tpu.sem_alloc : memref<!tpu.dma_semaphore, #tpu.memory_space<semaphore_mem>>
      %dma_start3A_170 = arith.constant 0 : i32
      %dma_start3A_171 = tpu.memref_slice %arg17[%add3A_13, %dma_start3A_170] : memref<10240x16xf32, #tpu.memory_space<vmem_shared>> -> memref<64x16xf32, #tpu.memory_space<vmem_shared>>
      %dma_start3A_172 = arith.constant 0 : i32
      %dma_start3A_173 = tpu.memref_slice %arg17[%add3A_13, %dma_start3A_172] : memref<10240x16xf32, #tpu.memory_space<vmem_shared>> -> memref<64x16xf32, #tpu.memory_space<vmem_shared>>
      tpu.enqueue_dma source(%arg15 : memref<64x16xf32, #tpu.memory_space<vmem>>) target(%dma_start3A_173 : memref<64x16xf32, #tpu.memory_space<vmem_shared>>) target_semaphore(%run_scoped3A_169 : memref<!tpu.dma_semaphore, #tpu.memory_space<semaphore_mem>>)
      %dma_wait3A = arith.constant 0 : i32
      %dma_wait3A_174 = tpu.memref_slice %arg17[%add3A_13, %dma_wait3A] : memref<10240x16xf32, #tpu.memory_space<vmem_shared>> -> memref<64x16xf32, #tpu.memory_space<vmem_shared>>
      %dma_wait3A_175 = arith.constant 0 : i32
      %dma_wait3A_176 = tpu.memref_slice %arg17[%add3A_13, %dma_wait3A_175] : memref<10240x16xf32, #tpu.memory_space<vmem_shared>> -> memref<64x16xf32, #tpu.memory_space<vmem_shared>>
      tpu.wait_dma2 semaphore(%run_scoped3A_169 : memref<!tpu.dma_semaphore, #tpu.memory_space<semaphore_mem>>) src(%arg15 : memref<64x16xf32, #tpu.memory_space<vmem>>) dst(%dma_wait3A_176 : memref<64x16xf32, #tpu.memory_space<vmem_shared>>)
      tpu.yield
    }) : () -> ()
    %mul3A_14 = arith.constant 640 : i32
    %mul3A_15 = arith.muli %arg1, %mul3A_14 : i32
    %add3A_16 = arith.constant 128 : i32
    %add3A_17 = arith.addi %mul3A_15, %add3A_16 : i32
    "tpu.region"() ({
      %run_scoped3A_169 = tpu.sem_alloc : memref<!tpu.dma_semaphore, #tpu.memory_space<semaphore_mem>>
      %dma_start3A_170 = arith.constant 0 : i32
      %dma_start3A_171 = tpu.memref_slice %arg16[%add3A_17, %dma_start3A_170] : memref<10240x128xf32, #tpu.memory_space<vmem_shared>> -> memref<64x128xf32, #tpu.memory_space<vmem_shared>>
      %dma_start3A_172 = arith.constant 0 : i32
      %dma_start3A_173 = tpu.memref_slice %arg16[%add3A_17, %dma_start3A_172] : memref<10240x128xf32, #tpu.memory_space<vmem_shared>> -> memref<64x128xf32, #tpu.memory_space<vmem_shared>>
      tpu.enqueue_dma source(%arg13 : memref<64x128xf32, #tpu.memory_space<vmem>>) target(%dma_start3A_173 : memref<64x128xf32, #tpu.memory_space<vmem_shared>>) target_semaphore(%run_scoped3A_169 : memref<!tpu.dma_semaphore, #tpu.memory_space<semaphore_mem>>)
      %dma_wait3A = arith.constant 0 : i32
      %dma_wait3A_174 = tpu.memref_slice %arg16[%add3A_17, %dma_wait3A] : memref<10240x128xf32, #tpu.memory_space<vmem_shared>> -> memref<64x128xf32, #tpu.memory_space<vmem_shared>>
      %dma_wait3A_175 = arith.constant 0 : i32
      %dma_wait3A_176 = tpu.memref_slice %arg16[%add3A_17, %dma_wait3A_175] : memref<10240x128xf32, #tpu.memory_space<vmem_shared>> -> memref<64x128xf32, #tpu.memory_space<vmem_shared>>
      tpu.wait_dma2 semaphore(%run_scoped3A_169 : memref<!tpu.dma_semaphore, #tpu.memory_space<semaphore_mem>>) src(%arg13 : memref<64x128xf32, #tpu.memory_space<vmem>>) dst(%dma_wait3A_176 : memref<64x128xf32, #tpu.memory_space<vmem_shared>>)
      tpu.yield
    }) : () -> ()
    %mul3A_18 = arith.constant 640 : i32
    %mul3A_19 = arith.muli %arg1, %mul3A_18 : i32
    %add3A_20 = arith.constant 128 : i32
    %add3A_21 = arith.addi %mul3A_19, %add3A_20 : i32
    "tpu.region"() ({
      %run_scoped3A_169 = tpu.sem_alloc : memref<!tpu.dma_semaphore, #tpu.memory_space<semaphore_mem>>
      %dma_start3A_170 = arith.constant 0 : i32
      %dma_start3A_171 = tpu.memref_slice %arg17[%add3A_21, %dma_start3A_170] : memref<10240x16xf32, #tpu.memory_space<vmem_shared>> -> memref<64x16xf32, #tpu.memory_space<vmem_shared>>
      %dma_start3A_172 = arith.constant 0 : i32
      %dma_start3A_173 = tpu.memref_slice %arg17[%add3A_21, %dma_start3A_172] : memref<10240x16xf32, #tpu.memory_space<vmem_shared>> -> memref<64x16xf32, #tpu.memory_space<vmem_shared>>
      tpu.enqueue_dma source(%arg15 : memref<64x16xf32, #tpu.memory_space<vmem>>) target(%dma_start3A_173 : memref<64x16xf32, #tpu.memory_space<vmem_shared>>) target_semaphore(%run_scoped3A_169 : memref<!tpu.dma_semaphore, #tpu.memory_space<semaphore_mem>>)
      %dma_wait3A = arith.constant 0 : i32
      %dma_wait3A_174 = tpu.memref_slice %arg17[%add3A_21, %dma_wait3A] : memref<10240x16xf32, #tpu.memory_space<vmem_shared>> -> memref<64x16xf32, #tpu.memory_space<vmem_shared>>
      %dma_wait3A_175 = arith.constant 0 : i32
      %dma_wait3A_176 = tpu.memref_slice %arg17[%add3A_21, %dma_wait3A_175] : memref<10240x16xf32, #tpu.memory_space<vmem_shared>> -> memref<64x16xf32, #tpu.memory_space<vmem_shared>>
      tpu.wait_dma2 semaphore(%run_scoped3A_169 : memref<!tpu.dma_semaphore, #tpu.memory_space<semaphore_mem>>) src(%arg15 : memref<64x16xf32, #tpu.memory_space<vmem>>) dst(%dma_wait3A_176 : memref<64x16xf32, #tpu.memory_space<vmem_shared>>)
      tpu.yield
    }) : () -> ()
    %mul3A_22 = arith.constant 640 : i32
    %mul3A_23 = arith.muli %arg1, %mul3A_22 : i32
    %add3A_24 = arith.constant 192 : i32
    %add3A_25 = arith.addi %mul3A_23, %add3A_24 : i32
    "tpu.region"() ({
      %run_scoped3A_169 = tpu.sem_alloc : memref<!tpu.dma_semaphore, #tpu.memory_space<semaphore_mem>>
      %dma_start3A_170 = arith.constant 0 : i32
      %dma_start3A_171 = tpu.memref_slice %arg16[%add3A_25, %dma_start3A_170] : memref<10240x128xf32, #tpu.memory_space<vmem_shared>> -> memref<64x128xf32, #tpu.memory_space<vmem_shared>>
      %dma_start3A_172 = arith.constant 0 : i32
      %dma_start3A_173 = tpu.memref_slice %arg16[%add3A_25, %dma_start3A_172] : memref<10240x128xf32, #tpu.memory_space<vmem_shared>> -> memref<64x128xf32, #tpu.memory_space<vmem_shared>>
      tpu.enqueue_dma source(%arg13 : memref<64x128xf32, #tpu.memory_space<vmem>>) target(%dma_start3A_173 : memref<64x128xf32, #tpu.memory_space<vmem_shared>>) target_semaphore(%run_scoped3A_169 : memref<!tpu.dma_semaphore, #tpu.memory_space<semaphore_mem>>)
      %dma_wait3A = arith.constant 0 : i32
      %dma_wait3A_174 = tpu.memref_slice %arg16[%add3A_25, %dma_wait3A] : memref<10240x128xf32, #tpu.memory_space<vmem_shared>> -> memref<64x128xf32, #tpu.memory_space<vmem_shared>>
      %dma_wait3A_175 = arith.constant 0 : i32
      %dma_wait3A_176 = tpu.memref_slice %arg16[%add3A_25, %dma_wait3A_175] : memref<10240x128xf32, #tpu.memory_space<vmem_shared>> -> memref<64x128xf32, #tpu.memory_space<vmem_shared>>
      tpu.wait_dma2 semaphore(%run_scoped3A_169 : memref<!tpu.dma_semaphore, #tpu.memory_space<semaphore_mem>>) src(%arg13 : memref<64x128xf32, #tpu.memory_space<vmem>>) dst(%dma_wait3A_176 : memref<64x128xf32, #tpu.memory_space<vmem_shared>>)
      tpu.yield
    }) : () -> ()
    %mul3A_26 = arith.constant 640 : i32
    %mul3A_27 = arith.muli %arg1, %mul3A_26 : i32
    %add3A_28 = arith.constant 192 : i32
    %add3A_29 = arith.addi %mul3A_27, %add3A_28 : i32
    "tpu.region"() ({
      %run_scoped3A_169 = tpu.sem_alloc : memref<!tpu.dma_semaphore, #tpu.memory_space<semaphore_mem>>
      %dma_start3A_170 = arith.constant 0 : i32
      %dma_start3A_171 = tpu.memref_slice %arg17[%add3A_29, %dma_start3A_170] : memref<10240x16xf32, #tpu.memory_space<vmem_shared>> -> memref<64x16xf32, #tpu.memory_space<vmem_shared>>
      %dma_start3A_172 = arith.constant 0 : i32
      %dma_start3A_173 = tpu.memref_slice %arg17[%add3A_29, %dma_start3A_172] : memref<10240x16xf32, #tpu.memory_space<vmem_shared>> -> memref<64x16xf32, #tpu.memory_space<vmem_shared>>
      tpu.enqueue_dma source(%arg15 : memref<64x16xf32, #tpu.memory_space<vmem>>) target(%dma_start3A_173 : memref<64x16xf32, #tpu.memory_space<vmem_shared>>) target_semaphore(%run_scoped3A_169 : memref<!tpu.dma_semaphore, #tpu.memory_space<semaphore_mem>>)
      %dma_wait3A = arith.constant 0 : i32
      %dma_wait3A_174 = tpu.memref_slice %arg17[%add3A_29, %dma_wait3A] : memref<10240x16xf32, #tpu.memory_space<vmem_shared>> -> memref<64x16xf32, #tpu.memory_space<vmem_shared>>
      %dma_wait3A_175 = arith.constant 0 : i32
      %dma_wait3A_176 = tpu.memref_slice %arg17[%add3A_29, %dma_wait3A_175] : memref<10240x16xf32, #tpu.memory_space<vmem_shared>> -> memref<64x16xf32, #tpu.memory_space<vmem_shared>>
      tpu.wait_dma2 semaphore(%run_scoped3A_169 : memref<!tpu.dma_semaphore, #tpu.memory_space<semaphore_mem>>) src(%arg15 : memref<64x16xf32, #tpu.memory_space<vmem>>) dst(%dma_wait3A_176 : memref<64x16xf32, #tpu.memory_space<vmem_shared>>)
      tpu.yield
    }) : () -> ()
    %mul3A_30 = arith.constant 640 : i32
    %mul3A_31 = arith.muli %arg1, %mul3A_30 : i32
    %add3A_32 = arith.constant 256 : i32
    %add3A_33 = arith.addi %mul3A_31, %add3A_32 : i32
    "tpu.region"() ({
      %run_scoped3A_169 = tpu.sem_alloc : memref<!tpu.dma_semaphore, #tpu.memory_space<semaphore_mem>>
      %dma_start3A_170 = arith.constant 0 : i32
      %dma_start3A_171 = tpu.memref_slice %arg16[%add3A_33, %dma_start3A_170] : memref<10240x128xf32, #tpu.memory_space<vmem_shared>> -> memref<64x128xf32, #tpu.memory_space<vmem_shared>>
      %dma_start3A_172 = arith.constant 0 : i32
      %dma_start3A_173 = tpu.memref_slice %arg16[%add3A_33, %dma_start3A_172] : memref<10240x128xf32, #tpu.memory_space<vmem_shared>> -> memref<64x128xf32, #tpu.memory_space<vmem_shared>>
      tpu.enqueue_dma source(%arg13 : memref<64x128xf32, #tpu.memory_space<vmem>>) target(%dma_start3A_173 : memref<64x128xf32, #tpu.memory_space<vmem_shared>>) target_semaphore(%run_scoped3A_169 : memref<!tpu.dma_semaphore, #tpu.memory_space<semaphore_mem>>)
      %dma_wait3A = arith.constant 0 : i32
      %dma_wait3A_174 = tpu.memref_slice %arg16[%add3A_33, %dma_wait3A] : memref<10240x128xf32, #tpu.memory_space<vmem_shared>> -> memref<64x128xf32, #tpu.memory_space<vmem_shared>>
      %dma_wait3A_175 = arith.constant 0 : i32
      %dma_wait3A_176 = tpu.memref_slice %arg16[%add3A_33, %dma_wait3A_175] : memref<10240x128xf32, #tpu.memory_space<vmem_shared>> -> memref<64x128xf32, #tpu.memory_space<vmem_shared>>
      tpu.wait_dma2 semaphore(%run_scoped3A_169 : memref<!tpu.dma_semaphore, #tpu.memory_space<semaphore_mem>>) src(%arg13 : memref<64x128xf32, #tpu.memory_space<vmem>>) dst(%dma_wait3A_176 : memref<64x128xf32, #tpu.memory_space<vmem_shared>>)
      tpu.yield
    }) : () -> ()
    %mul3A_34 = arith.constant 640 : i32
    %mul3A_35 = arith.muli %arg1, %mul3A_34 : i32
    %add3A_36 = arith.constant 256 : i32
    %add3A_37 = arith.addi %mul3A_35, %add3A_36 : i32
    "tpu.region"() ({
      %run_scoped3A_169 = tpu.sem_alloc : memref<!tpu.dma_semaphore, #tpu.memory_space<semaphore_mem>>
      %dma_start3A_170 = arith.constant 0 : i32
      %dma_start3A_171 = tpu.memref_slice %arg17[%add3A_37, %dma_start3A_170] : memref<10240x16xf32, #tpu.memory_space<vmem_shared>> -> memref<64x16xf32, #tpu.memory_space<vmem_shared>>
      %dma_start3A_172 = arith.constant 0 : i32
      %dma_start3A_173 = tpu.memref_slice %arg17[%add3A_37, %dma_start3A_172] : memref<10240x16xf32, #tpu.memory_space<vmem_shared>> -> memref<64x16xf32, #tpu.memory_space<vmem_shared>>
      tpu.enqueue_dma source(%arg15 : memref<64x16xf32, #tpu.memory_space<vmem>>) target(%dma_start3A_173 : memref<64x16xf32, #tpu.memory_space<vmem_shared>>) target_semaphore(%run_scoped3A_169 : memref<!tpu.dma_semaphore, #tpu.memory_space<semaphore_mem>>)
      %dma_wait3A = arith.constant 0 : i32
      %dma_wait3A_174 = tpu.memref_slice %arg17[%add3A_37, %dma_wait3A] : memref<10240x16xf32, #tpu.memory_space<vmem_shared>> -> memref<64x16xf32, #tpu.memory_space<vmem_shared>>
      %dma_wait3A_175 = arith.constant 0 : i32
      %dma_wait3A_176 = tpu.memref_slice %arg17[%add3A_37, %dma_wait3A_175] : memref<10240x16xf32, #tpu.memory_space<vmem_shared>> -> memref<64x16xf32, #tpu.memory_space<vmem_shared>>
      tpu.wait_dma2 semaphore(%run_scoped3A_169 : memref<!tpu.dma_semaphore, #tpu.memory_space<semaphore_mem>>) src(%arg15 : memref<64x16xf32, #tpu.memory_space<vmem>>) dst(%dma_wait3A_176 : memref<64x16xf32, #tpu.memory_space<vmem_shared>>)
      tpu.yield
    }) : () -> ()
    %mul3A_38 = arith.constant 640 : i32
    %mul3A_39 = arith.muli %arg1, %mul3A_38 : i32
    %add3A_40 = arith.constant 320 : i32
    %add3A_41 = arith.addi %mul3A_39, %add3A_40 : i32
    "tpu.region"() ({
      %run_scoped3A_169 = tpu.sem_alloc : memref<!tpu.dma_semaphore, #tpu.memory_space<semaphore_mem>>
      %dma_start3A_170 = arith.constant 0 : i32
      %dma_start3A_171 = tpu.memref_slice %arg16[%add3A_41, %dma_start3A_170] : memref<10240x128xf32, #tpu.memory_space<vmem_shared>> -> memref<64x128xf32, #tpu.memory_space<vmem_shared>>
      %dma_start3A_172 = arith.constant 0 : i32
      %dma_start3A_173 = tpu.memref_slice %arg16[%add3A_41, %dma_start3A_172] : memref<10240x128xf32, #tpu.memory_space<vmem_shared>> -> memref<64x128xf32, #tpu.memory_space<vmem_shared>>
      tpu.enqueue_dma source(%arg13 : memref<64x128xf32, #tpu.memory_space<vmem>>) target(%dma_start3A_173 : memref<64x128xf32, #tpu.memory_space<vmem_shared>>) target_semaphore(%run_scoped3A_169 : memref<!tpu.dma_semaphore, #tpu.memory_space<semaphore_mem>>)
      %dma_wait3A = arith.constant 0 : i32
      %dma_wait3A_174 = tpu.memref_slice %arg16[%add3A_41, %dma_wait3A] : memref<10240x128xf32, #tpu.memory_space<vmem_shared>> -> memref<64x128xf32, #tpu.memory_space<vmem_shared>>
      %dma_wait3A_175 = arith.constant 0 : i32
      %dma_wait3A_176 = tpu.memref_slice %arg16[%add3A_41, %dma_wait3A_175] : memref<10240x128xf32, #tpu.memory_space<vmem_shared>> -> memref<64x128xf32, #tpu.memory_space<vmem_shared>>
      tpu.wait_dma2 semaphore(%run_scoped3A_169 : memref<!tpu.dma_semaphore, #tpu.memory_space<semaphore_mem>>) src(%arg13 : memref<64x128xf32, #tpu.memory_space<vmem>>) dst(%dma_wait3A_176 : memref<64x128xf32, #tpu.memory_space<vmem_shared>>)
      tpu.yield
    }) : () -> ()
    %mul3A_42 = arith.constant 640 : i32
    %mul3A_43 = arith.muli %arg1, %mul3A_42 : i32
    %add3A_44 = arith.constant 320 : i32
    %add3A_45 = arith.addi %mul3A_43, %add3A_44 : i32
    "tpu.region"() ({
      %run_scoped3A_169 = tpu.sem_alloc : memref<!tpu.dma_semaphore, #tpu.memory_space<semaphore_mem>>
      %dma_start3A_170 = arith.constant 0 : i32
      %dma_start3A_171 = tpu.memref_slice %arg17[%add3A_45, %dma_start3A_170] : memref<10240x16xf32, #tpu.memory_space<vmem_shared>> -> memref<64x16xf32, #tpu.memory_space<vmem_shared>>
      %dma_start3A_172 = arith.constant 0 : i32
      %dma_start3A_173 = tpu.memref_slice %arg17[%add3A_45, %dma_start3A_172] : memref<10240x16xf32, #tpu.memory_space<vmem_shared>> -> memref<64x16xf32, #tpu.memory_space<vmem_shared>>
      tpu.enqueue_dma source(%arg15 : memref<64x16xf32, #tpu.memory_space<vmem>>) target(%dma_start3A_173 : memref<64x16xf32, #tpu.memory_space<vmem_shared>>) target_semaphore(%run_scoped3A_169 : memref<!tpu.dma_semaphore, #tpu.memory_space<semaphore_mem>>)
      %dma_wait3A = arith.constant 0 : i32
      %dma_wait3A_174 = tpu.memref_slice %arg17[%add3A_45, %dma_wait3A] : memref<10240x16xf32, #tpu.memory_space<vmem_shared>> -> memref<64x16xf32, #tpu.memory_space<vmem_shared>>
      %dma_wait3A_175 = arith.constant 0 : i32
      %dma_wait3A_176 = tpu.memref_slice %arg17[%add3A_45, %dma_wait3A_175] : memref<10240x16xf32, #tpu.memory_space<vmem_shared>> -> memref<64x16xf32, #tpu.memory_space<vmem_shared>>
      tpu.wait_dma2 semaphore(%run_scoped3A_169 : memref<!tpu.dma_semaphore, #tpu.memory_space<semaphore_mem>>) src(%arg15 : memref<64x16xf32, #tpu.memory_space<vmem>>) dst(%dma_wait3A_176 : memref<64x16xf32, #tpu.memory_space<vmem_shared>>)
      tpu.yield
    }) : () -> ()
    %mul3A_46 = arith.constant 640 : i32
    %mul3A_47 = arith.muli %arg1, %mul3A_46 : i32
    %add3A_48 = arith.constant 384 : i32
    %add3A_49 = arith.addi %mul3A_47, %add3A_48 : i32
    "tpu.region"() ({
      %run_scoped3A_169 = tpu.sem_alloc : memref<!tpu.dma_semaphore, #tpu.memory_space<semaphore_mem>>
      %dma_start3A_170 = arith.constant 0 : i32
      %dma_start3A_171 = tpu.memref_slice %arg16[%add3A_49, %dma_start3A_170] : memref<10240x128xf32, #tpu.memory_space<vmem_shared>> -> memref<64x128xf32, #tpu.memory_space<vmem_shared>>
      %dma_start3A_172 = arith.constant 0 : i32
      %dma_start3A_173 = tpu.memref_slice %arg16[%add3A_49, %dma_start3A_172] : memref<10240x128xf32, #tpu.memory_space<vmem_shared>> -> memref<64x128xf32, #tpu.memory_space<vmem_shared>>
      tpu.enqueue_dma source(%arg13 : memref<64x128xf32, #tpu.memory_space<vmem>>) target(%dma_start3A_173 : memref<64x128xf32, #tpu.memory_space<vmem_shared>>) target_semaphore(%run_scoped3A_169 : memref<!tpu.dma_semaphore, #tpu.memory_space<semaphore_mem>>)
      %dma_wait3A = arith.constant 0 : i32
      %dma_wait3A_174 = tpu.memref_slice %arg16[%add3A_49, %dma_wait3A] : memref<10240x128xf32, #tpu.memory_space<vmem_shared>> -> memref<64x128xf32, #tpu.memory_space<vmem_shared>>
      %dma_wait3A_175 = arith.constant 0 : i32
      %dma_wait3A_176 = tpu.memref_slice %arg16[%add3A_49, %dma_wait3A_175] : memref<10240x128xf32, #tpu.memory_space<vmem_shared>> -> memref<64x128xf32, #tpu.memory_space<vmem_shared>>
      tpu.wait_dma2 semaphore(%run_scoped3A_169 : memref<!tpu.dma_semaphore, #tpu.memory_space<semaphore_mem>>) src(%arg13 : memref<64x128xf32, #tpu.memory_space<vmem>>) dst(%dma_wait3A_176 : memref<64x128xf32, #tpu.memory_space<vmem_shared>>)
      tpu.yield
    }) : () -> ()
    %mul3A_50 = arith.constant 640 : i32
    %mul3A_51 = arith.muli %arg1, %mul3A_50 : i32
    %add3A_52 = arith.constant 384 : i32
    %add3A_53 = arith.addi %mul3A_51, %add3A_52 : i32
    "tpu.region"() ({
      %run_scoped3A_169 = tpu.sem_alloc : memref<!tpu.dma_semaphore, #tpu.memory_space<semaphore_mem>>
      %dma_start3A_170 = arith.constant 0 : i32
      %dma_start3A_171 = tpu.memref_slice %arg17[%add3A_53, %dma_start3A_170] : memref<10240x16xf32, #tpu.memory_space<vmem_shared>> -> memref<64x16xf32, #tpu.memory_space<vmem_shared>>
      %dma_start3A_172 = arith.constant 0 : i32
      %dma_start3A_173 = tpu.memref_slice %arg17[%add3A_53, %dma_start3A_172] : memref<10240x16xf32, #tpu.memory_space<vmem_shared>> -> memref<64x16xf32, #tpu.memory_space<vmem_shared>>
      tpu.enqueue_dma source(%arg15 : memref<64x16xf32, #tpu.memory_space<vmem>>) target(%dma_start3A_173 : memref<64x16xf32, #tpu.memory_space<vmem_shared>>) target_semaphore(%run_scoped3A_169 : memref<!tpu.dma_semaphore, #tpu.memory_space<semaphore_mem>>)
      %dma_wait3A = arith.constant 0 : i32
      %dma_wait3A_174 = tpu.memref_slice %arg17[%add3A_53, %dma_wait3A] : memref<10240x16xf32, #tpu.memory_space<vmem_shared>> -> memref<64x16xf32, #tpu.memory_space<vmem_shared>>
      %dma_wait3A_175 = arith.constant 0 : i32
      %dma_wait3A_176 = tpu.memref_slice %arg17[%add3A_53, %dma_wait3A_175] : memref<10240x16xf32, #tpu.memory_space<vmem_shared>> -> memref<64x16xf32, #tpu.memory_space<vmem_shared>>
      tpu.wait_dma2 semaphore(%run_scoped3A_169 : memref<!tpu.dma_semaphore, #tpu.memory_space<semaphore_mem>>) src(%arg15 : memref<64x16xf32, #tpu.memory_space<vmem>>) dst(%dma_wait3A_176 : memref<64x16xf32, #tpu.memory_space<vmem_shared>>)
      tpu.yield
    }) : () -> ()
    %mul3A_54 = arith.constant 640 : i32
    %mul3A_55 = arith.muli %arg1, %mul3A_54 : i32
    %add3A_56 = arith.constant 448 : i32
    %add3A_57 = arith.addi %mul3A_55, %add3A_56 : i32
    "tpu.region"() ({
      %run_scoped3A_169 = tpu.sem_alloc : memref<!tpu.dma_semaphore, #tpu.memory_space<semaphore_mem>>
      %dma_start3A_170 = arith.constant 0 : i32
      %dma_start3A_171 = tpu.memref_slice %arg16[%add3A_57, %dma_start3A_170] : memref<10240x128xf32, #tpu.memory_space<vmem_shared>> -> memref<64x128xf32, #tpu.memory_space<vmem_shared>>
      %dma_start3A_172 = arith.constant 0 : i32
      %dma_start3A_173 = tpu.memref_slice %arg16[%add3A_57, %dma_start3A_172] : memref<10240x128xf32, #tpu.memory_space<vmem_shared>> -> memref<64x128xf32, #tpu.memory_space<vmem_shared>>
      tpu.enqueue_dma source(%arg13 : memref<64x128xf32, #tpu.memory_space<vmem>>) target(%dma_start3A_173 : memref<64x128xf32, #tpu.memory_space<vmem_shared>>) target_semaphore(%run_scoped3A_169 : memref<!tpu.dma_semaphore, #tpu.memory_space<semaphore_mem>>)
      %dma_wait3A = arith.constant 0 : i32
      %dma_wait3A_174 = tpu.memref_slice %arg16[%add3A_57, %dma_wait3A] : memref<10240x128xf32, #tpu.memory_space<vmem_shared>> -> memref<64x128xf32, #tpu.memory_space<vmem_shared>>
      %dma_wait3A_175 = arith.constant 0 : i32
      %dma_wait3A_176 = tpu.memref_slice %arg16[%add3A_57, %dma_wait3A_175] : memref<10240x128xf32, #tpu.memory_space<vmem_shared>> -> memref<64x128xf32, #tpu.memory_space<vmem_shared>>
      tpu.wait_dma2 semaphore(%run_scoped3A_169 : memref<!tpu.dma_semaphore, #tpu.memory_space<semaphore_mem>>) src(%arg13 : memref<64x128xf32, #tpu.memory_space<vmem>>) dst(%dma_wait3A_176 : memref<64x128xf32, #tpu.memory_space<vmem_shared>>)
      tpu.yield
    }) : () -> ()
    %mul3A_58 = arith.constant 640 : i32
    %mul3A_59 = arith.muli %arg1, %mul3A_58 : i32
    %add3A_60 = arith.constant 448 : i32
    %add3A_61 = arith.addi %mul3A_59, %add3A_60 : i32
    "tpu.region"() ({
      %run_scoped3A_169 = tpu.sem_alloc : memref<!tpu.dma_semaphore, #tpu.memory_space<semaphore_mem>>
      %dma_start3A_170 = arith.constant 0 : i32
      %dma_start3A_171 = tpu.memref_slice %arg17[%add3A_61, %dma_start3A_170] : memref<10240x16xf32, #tpu.memory_space<vmem_shared>> -> memref<64x16xf32, #tpu.memory_space<vmem_shared>>
      %dma_start3A_172 = arith.constant 0 : i32
      %dma_start3A_173 = tpu.memref_slice %arg17[%add3A_61, %dma_start3A_172] : memref<10240x16xf32, #tpu.memory_space<vmem_shared>> -> memref<64x16xf32, #tpu.memory_space<vmem_shared>>
      tpu.enqueue_dma source(%arg15 : memref<64x16xf32, #tpu.memory_space<vmem>>) target(%dma_start3A_173 : memref<64x16xf32, #tpu.memory_space<vmem_shared>>) target_semaphore(%run_scoped3A_169 : memref<!tpu.dma_semaphore, #tpu.memory_space<semaphore_mem>>)
      %dma_wait3A = arith.constant 0 : i32
      %dma_wait3A_174 = tpu.memref_slice %arg17[%add3A_61, %dma_wait3A] : memref<10240x16xf32, #tpu.memory_space<vmem_shared>> -> memref<64x16xf32, #tpu.memory_space<vmem_shared>>
      %dma_wait3A_175 = arith.constant 0 : i32
      %dma_wait3A_176 = tpu.memref_slice %arg17[%add3A_61, %dma_wait3A_175] : memref<10240x16xf32, #tpu.memory_space<vmem_shared>> -> memref<64x16xf32, #tpu.memory_space<vmem_shared>>
      tpu.wait_dma2 semaphore(%run_scoped3A_169 : memref<!tpu.dma_semaphore, #tpu.memory_space<semaphore_mem>>) src(%arg15 : memref<64x16xf32, #tpu.memory_space<vmem>>) dst(%dma_wait3A_176 : memref<64x16xf32, #tpu.memory_space<vmem_shared>>)
      tpu.yield
    }) : () -> ()
    %mul3A_62 = arith.constant 640 : i32
    %mul3A_63 = arith.muli %arg1, %mul3A_62 : i32
    %add3A_64 = arith.constant 512 : i32
    %add3A_65 = arith.addi %mul3A_63, %add3A_64 : i32
    "tpu.region"() ({
      %run_scoped3A_169 = tpu.sem_alloc : memref<!tpu.dma_semaphore, #tpu.memory_space<semaphore_mem>>
      %dma_start3A_170 = arith.constant 0 : i32
      %dma_start3A_171 = tpu.memref_slice %arg16[%add3A_65, %dma_start3A_170] : memref<10240x128xf32, #tpu.memory_space<vmem_shared>> -> memref<64x128xf32, #tpu.memory_space<vmem_shared>>
      %dma_start3A_172 = arith.constant 0 : i32
      %dma_start3A_173 = tpu.memref_slice %arg16[%add3A_65, %dma_start3A_172] : memref<10240x128xf32, #tpu.memory_space<vmem_shared>> -> memref<64x128xf32, #tpu.memory_space<vmem_shared>>
      tpu.enqueue_dma source(%arg13 : memref<64x128xf32, #tpu.memory_space<vmem>>) target(%dma_start3A_173 : memref<64x128xf32, #tpu.memory_space<vmem_shared>>) target_semaphore(%run_scoped3A_169 : memref<!tpu.dma_semaphore, #tpu.memory_space<semaphore_mem>>)
      %dma_wait3A = arith.constant 0 : i32
      %dma_wait3A_174 = tpu.memref_slice %arg16[%add3A_65, %dma_wait3A] : memref<10240x128xf32, #tpu.memory_space<vmem_shared>> -> memref<64x128xf32, #tpu.memory_space<vmem_shared>>
      %dma_wait3A_175 = arith.constant 0 : i32
      %dma_wait3A_176 = tpu.memref_slice %arg16[%add3A_65, %dma_wait3A_175] : memref<10240x128xf32, #tpu.memory_space<vmem_shared>> -> memref<64x128xf32, #tpu.memory_space<vmem_shared>>
      tpu.wait_dma2 semaphore(%run_scoped3A_169 : memref<!tpu.dma_semaphore, #tpu.memory_space<semaphore_mem>>) src(%arg13 : memref<64x128xf32, #tpu.memory_space<vmem>>) dst(%dma_wait3A_176 : memref<64x128xf32, #tpu.memory_space<vmem_shared>>)
      tpu.yield
    }) : () -> ()
    %mul3A_66 = arith.constant 640 : i32
    %mul3A_67 = arith.muli %arg1, %mul3A_66 : i32
    %add3A_68 = arith.constant 512 : i32
    %add3A_69 = arith.addi %mul3A_67, %add3A_68 : i32
    "tpu.region"() ({
      %run_scoped3A_169 = tpu.sem_alloc : memref<!tpu.dma_semaphore, #tpu.memory_space<semaphore_mem>>
      %dma_start3A_170 = arith.constant 0 : i32
      %dma_start3A_171 = tpu.memref_slice %arg17[%add3A_69, %dma_start3A_170] : memref<10240x16xf32, #tpu.memory_space<vmem_shared>> -> memref<64x16xf32, #tpu.memory_space<vmem_shared>>
      %dma_start3A_172 = arith.constant 0 : i32
      %dma_start3A_173 = tpu.memref_slice %arg17[%add3A_69, %dma_start3A_172] : memref<10240x16xf32, #tpu.memory_space<vmem_shared>> -> memref<64x16xf32, #tpu.memory_space<vmem_shared>>
      tpu.enqueue_dma source(%arg15 : memref<64x16xf32, #tpu.memory_space<vmem>>) target(%dma_start3A_173 : memref<64x16xf32, #tpu.memory_space<vmem_shared>>) target_semaphore(%run_scoped3A_169 : memref<!tpu.dma_semaphore, #tpu.memory_space<semaphore_mem>>)
      %dma_wait3A = arith.constant 0 : i32
      %dma_wait3A_174 = tpu.memref_slice %arg17[%add3A_69, %dma_wait3A] : memref<10240x16xf32, #tpu.memory_space<vmem_shared>> -> memref<64x16xf32, #tpu.memory_space<vmem_shared>>
      %dma_wait3A_175 = arith.constant 0 : i32
      %dma_wait3A_176 = tpu.memref_slice %arg17[%add3A_69, %dma_wait3A_175] : memref<10240x16xf32, #tpu.memory_space<vmem_shared>> -> memref<64x16xf32, #tpu.memory_space<vmem_shared>>
      tpu.wait_dma2 semaphore(%run_scoped3A_169 : memref<!tpu.dma_semaphore, #tpu.memory_space<semaphore_mem>>) src(%arg15 : memref<64x16xf32, #tpu.memory_space<vmem>>) dst(%dma_wait3A_176 : memref<64x16xf32, #tpu.memory_space<vmem_shared>>)
      tpu.yield
    }) : () -> ()
    %mul3A_70 = arith.constant 640 : i32
    %mul3A_71 = arith.muli %arg1, %mul3A_70 : i32
    %add3A_72 = arith.constant 576 : i32
    %add3A_73 = arith.addi %mul3A_71, %add3A_72 : i32
    "tpu.region"() ({
      %run_scoped3A_169 = tpu.sem_alloc : memref<!tpu.dma_semaphore, #tpu.memory_space<semaphore_mem>>
      %dma_start3A_170 = arith.constant 0 : i32
      %dma_start3A_171 = tpu.memref_slice %arg16[%add3A_73, %dma_start3A_170] : memref<10240x128xf32, #tpu.memory_space<vmem_shared>> -> memref<64x128xf32, #tpu.memory_space<vmem_shared>>
      %dma_start3A_172 = arith.constant 0 : i32
      %dma_start3A_173 = tpu.memref_slice %arg16[%add3A_73, %dma_start3A_172] : memref<10240x128xf32, #tpu.memory_space<vmem_shared>> -> memref<64x128xf32, #tpu.memory_space<vmem_shared>>
      tpu.enqueue_dma source(%arg13 : memref<64x128xf32, #tpu.memory_space<vmem>>) target(%dma_start3A_173 : memref<64x128xf32, #tpu.memory_space<vmem_shared>>) target_semaphore(%run_scoped3A_169 : memref<!tpu.dma_semaphore, #tpu.memory_space<semaphore_mem>>)
      %dma_wait3A = arith.constant 0 : i32
      %dma_wait3A_174 = tpu.memref_slice %arg16[%add3A_73, %dma_wait3A] : memref<10240x128xf32, #tpu.memory_space<vmem_shared>> -> memref<64x128xf32, #tpu.memory_space<vmem_shared>>
      %dma_wait3A_175 = arith.constant 0 : i32
      %dma_wait3A_176 = tpu.memref_slice %arg16[%add3A_73, %dma_wait3A_175] : memref<10240x128xf32, #tpu.memory_space<vmem_shared>> -> memref<64x128xf32, #tpu.memory_space<vmem_shared>>
      tpu.wait_dma2 semaphore(%run_scoped3A_169 : memref<!tpu.dma_semaphore, #tpu.memory_space<semaphore_mem>>) src(%arg13 : memref<64x128xf32, #tpu.memory_space<vmem>>) dst(%dma_wait3A_176 : memref<64x128xf32, #tpu.memory_space<vmem_shared>>)
      tpu.yield
    }) : () -> ()
    %mul3A_74 = arith.constant 640 : i32
    %mul3A_75 = arith.muli %arg1, %mul3A_74 : i32
    %add3A_76 = arith.constant 576 : i32
    %add3A_77 = arith.addi %mul3A_75, %add3A_76 : i32
    "tpu.region"() ({
      %run_scoped3A_169 = tpu.sem_alloc : memref<!tpu.dma_semaphore, #tpu.memory_space<semaphore_mem>>
      %dma_start3A_170 = arith.constant 0 : i32
      %dma_start3A_171 = tpu.memref_slice %arg17[%add3A_77, %dma_start3A_170] : memref<10240x16xf32, #tpu.memory_space<vmem_shared>> -> memref<64x16xf32, #tpu.memory_space<vmem_shared>>
      %dma_start3A_172 = arith.constant 0 : i32
      %dma_start3A_173 = tpu.memref_slice %arg17[%add3A_77, %dma_start3A_172] : memref<10240x16xf32, #tpu.memory_space<vmem_shared>> -> memref<64x16xf32, #tpu.memory_space<vmem_shared>>
      tpu.enqueue_dma source(%arg15 : memref<64x16xf32, #tpu.memory_space<vmem>>) target(%dma_start3A_173 : memref<64x16xf32, #tpu.memory_space<vmem_shared>>) target_semaphore(%run_scoped3A_169 : memref<!tpu.dma_semaphore, #tpu.memory_space<semaphore_mem>>)
      %dma_wait3A = arith.constant 0 : i32
      %dma_wait3A_174 = tpu.memref_slice %arg17[%add3A_77, %dma_wait3A] : memref<10240x16xf32, #tpu.memory_space<vmem_shared>> -> memref<64x16xf32, #tpu.memory_space<vmem_shared>>
      %dma_wait3A_175 = arith.constant 0 : i32
      %dma_wait3A_176 = tpu.memref_slice %arg17[%add3A_77, %dma_wait3A_175] : memref<10240x16xf32, #tpu.memory_space<vmem_shared>> -> memref<64x16xf32, #tpu.memory_space<vmem_shared>>
      tpu.wait_dma2 semaphore(%run_scoped3A_169 : memref<!tpu.dma_semaphore, #tpu.memory_space<semaphore_mem>>) src(%arg15 : memref<64x16xf32, #tpu.memory_space<vmem>>) dst(%dma_wait3A_176 : memref<64x16xf32, #tpu.memory_space<vmem_shared>>)
      tpu.yield
    }) : () -> ()
    %barrier3A = arith.constant 0 : index
    tpu.barrier barrier_id(%barrier3A)
    %mul3A_78 = arith.constant 160000 : i32
    %mul3A_79 = arith.muli %arg0, %mul3A_78 : i32
    %mul3A_80 = arith.constant 10000 : i32
    %mul3A_81 = arith.muli %arg1, %mul3A_80 : i32
    %add3A_82 = arith.addi %mul3A_79, %mul3A_81 : i32
    %run_scoped3A = arith.constant 0 : i32
    "tpu.region"() ({
      %run_scoped3A_169 = tpu.sem_alloc : memref<!tpu.dma_semaphore, #tpu.memory_space<semaphore_mem>>
      %dma_start3A_170 = arith.constant 0 : i32
      %dma_start3A_171 = tpu.memref_slice %arg10[%run_scoped3A, %dma_start3A_170] : memref<2x80xi32, #tpu.memory_space<vmem>> -> memref<1x80xi32, #tpu.memory_space<vmem>>
      %dma_start3A_172 = tpu.memref_squeeze %dma_start3A_171 : memref<1x80xi32, #tpu.memory_space<vmem>> -> memref<80xi32, #tpu.memory_space<vmem>>
      %dma_start3A_173 = tpu.memref_slice %arg3[%add3A_82] : memref<320000xi32, #tpu.memory_space<hbm>> -> memref<80xi32, #tpu.memory_space<hbm>>
      %dma_start3A_174 = arith.constant 0 : i32
      %dma_start3A_175 = tpu.memref_slice %arg10[%run_scoped3A, %dma_start3A_174] : memref<2x80xi32, #tpu.memory_space<vmem>> -> memref<1x80xi32, #tpu.memory_space<vmem>>
      %dma_start3A_176 = tpu.memref_squeeze %dma_start3A_175 : memref<1x80xi32, #tpu.memory_space<vmem>> -> memref<80xi32, #tpu.memory_space<vmem>>
      %dma_start3A_177 = tpu.memref_slice %arg3[%add3A_82] : memref<320000xi32, #tpu.memory_space<hbm>> -> memref<80xi32, #tpu.memory_space<hbm>>
      tpu.enqueue_dma source(%dma_start3A_177 : memref<80xi32, #tpu.memory_space<hbm>>) target(%dma_start3A_176 : memref<80xi32, #tpu.memory_space<vmem>>) target_semaphore(%run_scoped3A_169 : memref<!tpu.dma_semaphore, #tpu.memory_space<semaphore_mem>>)
      %dma_wait3A = arith.constant 0 : i32
      %dma_wait3A_178 = tpu.memref_slice %arg10[%run_scoped3A, %dma_wait3A] : memref<2x80xi32, #tpu.memory_space<vmem>> -> memref<1x80xi32, #tpu.memory_space<vmem>>
      %dma_wait3A_179 = tpu.memref_squeeze %dma_wait3A_178 : memref<1x80xi32, #tpu.memory_space<vmem>> -> memref<80xi32, #tpu.memory_space<vmem>>
      %dma_wait3A_180 = tpu.memref_slice %arg3[%add3A_82] : memref<320000xi32, #tpu.memory_space<hbm>> -> memref<80xi32, #tpu.memory_space<hbm>>
      %dma_wait3A_181 = arith.constant 0 : i32
      %dma_wait3A_182 = tpu.memref_slice %arg10[%run_scoped3A, %dma_wait3A_181] : memref<2x80xi32, #tpu.memory_space<vmem>> -> memref<1x80xi32, #tpu.memory_space<vmem>>
      %dma_wait3A_183 = tpu.memref_squeeze %dma_wait3A_182 : memref<1x80xi32, #tpu.memory_space<vmem>> -> memref<80xi32, #tpu.memory_space<vmem>>
      %dma_wait3A_184 = tpu.memref_slice %arg3[%add3A_82] : memref<320000xi32, #tpu.memory_space<hbm>> -> memref<80xi32, #tpu.memory_space<hbm>>
      tpu.wait_dma2 semaphore(%run_scoped3A_169 : memref<!tpu.dma_semaphore, #tpu.memory_space<semaphore_mem>>) src(%dma_wait3A_184 : memref<80xi32, #tpu.memory_space<hbm>>) dst(%dma_wait3A_183 : memref<80xi32, #tpu.memory_space<vmem>>)
      tpu.yield
    }) : () -> ()
    %dma_start3A = arith.constant 0 : i32
    %dma_start3A_83 = arith.constant 0 : i32
    %dma_start3A_84 = arith.constant 0 : i32
    %dma_start3A_85 = tpu.memref_slice %arg11[%dma_start3A, %dma_start3A_84] : memref<2x80xi32, #tpu.memory_space<vmem>> -> memref<1x80xi32, #tpu.memory_space<vmem>>
    %dma_start3A_86 = tpu.memref_squeeze %dma_start3A_85 : memref<1x80xi32, #tpu.memory_space<vmem>> -> memref<80xi32, #tpu.memory_space<vmem>>
    %dma_start3A_87 = tpu.memref_slice %arg4[%add3A_82] : memref<320000xi32, #tpu.memory_space<hbm>> -> memref<80xi32, #tpu.memory_space<hbm>>
    %dma_start3A_88 = tpu.memref_slice %arg20[%dma_start3A_83] : memref<2x!tpu.dma_semaphore, #tpu.memory_space<semaphore_mem>> -> memref<1x!tpu.dma_semaphore, #tpu.memory_space<semaphore_mem>>
    %dma_start3A_89 = tpu.memref_squeeze %dma_start3A_88 : memref<1x!tpu.dma_semaphore, #tpu.memory_space<semaphore_mem>> -> memref<!tpu.dma_semaphore, #tpu.memory_space<semaphore_mem>>
    %dma_start3A_90 = arith.constant 0 : i32
    %dma_start3A_91 = tpu.memref_slice %arg11[%dma_start3A, %dma_start3A_90] : memref<2x80xi32, #tpu.memory_space<vmem>> -> memref<1x80xi32, #tpu.memory_space<vmem>>
    %dma_start3A_92 = tpu.memref_squeeze %dma_start3A_91 : memref<1x80xi32, #tpu.memory_space<vmem>> -> memref<80xi32, #tpu.memory_space<vmem>>
    %dma_start3A_93 = tpu.memref_slice %arg4[%add3A_82] : memref<320000xi32, #tpu.memory_space<hbm>> -> memref<80xi32, #tpu.memory_space<hbm>>
    tpu.enqueue_dma source(%dma_start3A_93 : memref<80xi32, #tpu.memory_space<hbm>>) target(%dma_start3A_92 : memref<80xi32, #tpu.memory_space<vmem>>) target_semaphore(%dma_start3A_89 : memref<!tpu.dma_semaphore, #tpu.memory_space<semaphore_mem>>)
    %dma_start3A_94 = arith.constant 0 : i32
    %dma_start3A_95 = arith.constant 0 : i32
    %dma_start3A_96 = arith.constant 0 : i32
    %dma_start3A_97 = arith.constant 0 : i32
    %dma_start3A_98 = arith.constant 0 : i32
    %dma_start3A_99 = tpu.memref_slice %arg12[%dma_start3A_95, %dma_start3A_97, %dma_start3A_98] : memref<2x80x128xf32, #tpu.memory_space<vmem>> -> memref<1x80x128xf32, #tpu.memory_space<vmem>>
    %dma_start3A_100 = tpu.memref_squeeze %dma_start3A_99 : memref<1x80x128xf32, #tpu.memory_space<vmem>> -> memref<80x128xf32, #tpu.memory_space<vmem>>
    %dma_start3A_101 = arith.constant 0 : i32
    %dma_start3A_102 = tpu.memref_slice %arg10[%dma_start3A_94, %dma_start3A_101] : memref<2x80xi32, #tpu.memory_space<vmem>> -> memref<1x80xi32, #tpu.memory_space<vmem>>
    %dma_start3A_103 = tpu.memref_squeeze %dma_start3A_102 : memref<1x80xi32, #tpu.memory_space<vmem>> -> memref<80xi32, #tpu.memory_space<vmem>>
    %dma_start3A_104 = arith.constant 0 : i32
    %dma_start3A_105 = arith.constant 0 : i32
    %dma_start3A_106 = tpu.memref_slice %arg2[%dma_start3A_104, %dma_start3A_105] : memref<10000x128xf32, #tpu.memory_space<hbm>> -> memref<10000x128xf32, #tpu.memory_space<hbm>>
    %dma_start3A_107 = tpu.memref_slice %arg18[%dma_start3A_96] : memref<2x!tpu.dma_semaphore, #tpu.memory_space<semaphore_mem>> -> memref<1x!tpu.dma_semaphore, #tpu.memory_space<semaphore_mem>>
    %dma_start3A_108 = tpu.memref_squeeze %dma_start3A_107 : memref<1x!tpu.dma_semaphore, #tpu.memory_space<semaphore_mem>> -> memref<!tpu.dma_semaphore, #tpu.memory_space<semaphore_mem>>
    tpu.enqueue_indirect_dma source(%dma_start3A_106 : memref<10000x128xf32, #tpu.memory_space<hbm>>) target(%dma_start3A_100 : memref<80x128xf32, #tpu.memory_space<vmem>>) offsets(%dma_start3A_103 : memref<80xi32, #tpu.memory_space<vmem>>) semaphore(%dma_start3A_108 : memref<!tpu.dma_semaphore, #tpu.memory_space<semaphore_mem>>)
    %add3A_109 = arith.constant 80 : i32
    %add3A_110 = arith.addi %add3A_82, %add3A_109 : i32
    %dma_start3A_111 = arith.constant 1 : i32
    %dma_start3A_112 = arith.constant 1 : i32
    %dma_start3A_113 = arith.constant 0 : i32
    %dma_start3A_114 = tpu.memref_slice %arg10[%dma_start3A_111, %dma_start3A_113] : memref<2x80xi32, #tpu.memory_space<vmem>> -> memref<1x80xi32, #tpu.memory_space<vmem>>
    %dma_start3A_115 = tpu.memref_squeeze %dma_start3A_114 : memref<1x80xi32, #tpu.memory_space<vmem>> -> memref<80xi32, #tpu.memory_space<vmem>>
    %dma_start3A_116 = tpu.memref_slice %arg3[%add3A_110] : memref<320000xi32, #tpu.memory_space<hbm>> -> memref<80xi32, #tpu.memory_space<hbm>>
    %dma_start3A_117 = tpu.memref_slice %arg19[%dma_start3A_112] : memref<2x!tpu.dma_semaphore, #tpu.memory_space<semaphore_mem>> -> memref<1x!tpu.dma_semaphore, #tpu.memory_space<semaphore_mem>>
    %dma_start3A_118 = tpu.memref_squeeze %dma_start3A_117 : memref<1x!tpu.dma_semaphore, #tpu.memory_space<semaphore_mem>> -> memref<!tpu.dma_semaphore, #tpu.memory_space<semaphore_mem>>
    %dma_start3A_119 = arith.constant 0 : i32
    %dma_start3A_120 = tpu.memref_slice %arg10[%dma_start3A_111, %dma_start3A_119] : memref<2x80xi32, #tpu.memory_space<vmem>> -> memref<1x80xi32, #tpu.memory_space<vmem>>
    %dma_start3A_121 = tpu.memref_squeeze %dma_start3A_120 : memref<1x80xi32, #tpu.memory_space<vmem>> -> memref<80xi32, #tpu.memory_space<vmem>>
    %dma_start3A_122 = tpu.memref_slice %arg3[%add3A_110] : memref<320000xi32, #tpu.memory_space<hbm>> -> memref<80xi32, #tpu.memory_space<hbm>>
    tpu.enqueue_dma source(%dma_start3A_122 : memref<80xi32, #tpu.memory_space<hbm>>) target(%dma_start3A_121 : memref<80xi32, #tpu.memory_space<vmem>>) target_semaphore(%dma_start3A_118 : memref<!tpu.dma_semaphore, #tpu.memory_space<semaphore_mem>>)
    %scan3A = arith.constant 0 : i32
    %scan3A_123 = arith.constant 0 : i32
    %scan3A_124 = arith.constant 125 : i32
    %scan3A_125 = arith.addi %scan3A_123, %scan3A_124 : i32
    %scan3A_126 = arith.constant 1 : i32
    scf.for %scan3A_169 = %scan3A_123 to %scan3A_125 step %scan3A_126  : i32 {
      %and3A = arith.constant 1 : i32
      %and3A_170 = arith.andi %scan3A_169, %and3A : i32
      %sub3A = arith.constant 1 : i32
      %sub3A_171 = arith.subi %sub3A, %and3A_170 : i32
      %add3A_172 = arith.constant 1 : i32
      %add3A_173 = arith.addi %scan3A_169, %add3A_172 : i32
      %lt3A = arith.constant 125 : i32
      %lt3A_174 = arith.cmpi slt, %add3A_173, %lt3A : i32
      %convert_element_type3A = arith.extui %lt3A_174 : i1 to i32
      %cond3A = arith.constant 0 : i32
      %cond3A_175 = arith.cmpi ne, %convert_element_type3A, %cond3A : i32
      scf.if %cond3A_175 {
        %dma_wait3A_204 = arith.constant 0 : i32
        %dma_wait3A_205 = tpu.memref_slice %arg10[%sub3A_171, %dma_wait3A_204] : memref<2x80xi32, #tpu.memory_space<vmem>> -> memref<1x80xi32, #tpu.memory_space<vmem>>
        %dma_wait3A_206 = tpu.memref_squeeze %dma_wait3A_205 : memref<1x80xi32, #tpu.memory_space<vmem>> -> memref<80xi32, #tpu.memory_space<vmem>>
        %dma_wait3A_207 = tpu.memref_slice %arg3[%add3A_82] : memref<320000xi32, #tpu.memory_space<hbm>> -> memref<80xi32, #tpu.memory_space<hbm>>
        %dma_wait3A_208 = tpu.memref_slice %arg19[%sub3A_171] : memref<2x!tpu.dma_semaphore, #tpu.memory_space<semaphore_mem>> -> memref<1x!tpu.dma_semaphore, #tpu.memory_space<semaphore_mem>>
        %dma_wait3A_209 = tpu.memref_squeeze %dma_wait3A_208 : memref<1x!tpu.dma_semaphore, #tpu.memory_space<semaphore_mem>> -> memref<!tpu.dma_semaphore, #tpu.memory_space<semaphore_mem>>
        %dma_wait3A_210 = arith.constant 0 : i32
        %dma_wait3A_211 = tpu.memref_slice %arg10[%sub3A_171, %dma_wait3A_210] : memref<2x80xi32, #tpu.memory_space<vmem>> -> memref<1x80xi32, #tpu.memory_space<vmem>>
        %dma_wait3A_212 = tpu.memref_squeeze %dma_wait3A_211 : memref<1x80xi32, #tpu.memory_space<vmem>> -> memref<80xi32, #tpu.memory_space<vmem>>
        %dma_wait3A_213 = tpu.memref_slice %arg3[%add3A_82] : memref<320000xi32, #tpu.memory_space<hbm>> -> memref<80xi32, #tpu.memory_space<hbm>>
        tpu.wait_dma2 semaphore(%dma_wait3A_209 : memref<!tpu.dma_semaphore, #tpu.memory_space<semaphore_mem>>) src(%dma_wait3A_213 : memref<80xi32, #tpu.memory_space<hbm>>) dst(%dma_wait3A_212 : memref<80xi32, #tpu.memory_space<vmem>>)
        %dma_start3A_214 = arith.constant 0 : i32
        %dma_start3A_215 = arith.constant 0 : i32
        %dma_start3A_216 = tpu.memref_slice %arg12[%sub3A_171, %dma_start3A_214, %dma_start3A_215] : memref<2x80x128xf32, #tpu.memory_space<vmem>> -> memref<1x80x128xf32, #tpu.memory_space<vmem>>
        %dma_start3A_217 = tpu.memref_squeeze %dma_start3A_216 : memref<1x80x128xf32, #tpu.memory_space<vmem>> -> memref<80x128xf32, #tpu.memory_space<vmem>>
        %dma_start3A_218 = arith.constant 0 : i32
        %dma_start3A_219 = tpu.memref_slice %arg10[%sub3A_171, %dma_start3A_218] : memref<2x80xi32, #tpu.memory_space<vmem>> -> memref<1x80xi32, #tpu.memory_space<vmem>>
        %dma_start3A_220 = tpu.memref_squeeze %dma_start3A_219 : memref<1x80xi32, #tpu.memory_space<vmem>> -> memref<80xi32, #tpu.memory_space<vmem>>
        %dma_start3A_221 = arith.constant 0 : i32
        %dma_start3A_222 = arith.constant 0 : i32
        %dma_start3A_223 = tpu.memref_slice %arg2[%dma_start3A_221, %dma_start3A_222] : memref<10000x128xf32, #tpu.memory_space<hbm>> -> memref<10000x128xf32, #tpu.memory_space<hbm>>
        %dma_start3A_224 = tpu.memref_slice %arg18[%sub3A_171] : memref<2x!tpu.dma_semaphore, #tpu.memory_space<semaphore_mem>> -> memref<1x!tpu.dma_semaphore, #tpu.memory_space<semaphore_mem>>
        %dma_start3A_225 = tpu.memref_squeeze %dma_start3A_224 : memref<1x!tpu.dma_semaphore, #tpu.memory_space<semaphore_mem>> -> memref<!tpu.dma_semaphore, #tpu.memory_space<semaphore_mem>>
        tpu.enqueue_indirect_dma source(%dma_start3A_223 : memref<10000x128xf32, #tpu.memory_space<hbm>>) target(%dma_start3A_217 : memref<80x128xf32, #tpu.memory_space<vmem>>) offsets(%dma_start3A_220 : memref<80xi32, #tpu.memory_space<vmem>>) semaphore(%dma_start3A_225 : memref<!tpu.dma_semaphore, #tpu.memory_space<semaphore_mem>>)
        %add3A_226 = arith.constant 1 : i32
        %add3A_227 = arith.addi %scan3A_169, %add3A_226 : i32
        %mul3A_228 = arith.constant 80 : i32
        %mul3A_229 = arith.muli %add3A_227, %mul3A_228 : i32
        %add3A_230 = arith.addi %add3A_82, %mul3A_229 : i32
        %dma_start3A_231 = arith.constant 0 : i32
        %dma_start3A_232 = tpu.memref_slice %arg11[%sub3A_171, %dma_start3A_231] : memref<2x80xi32, #tpu.memory_space<vmem>> -> memref<1x80xi32, #tpu.memory_space<vmem>>
        %dma_start3A_233 = tpu.memref_squeeze %dma_start3A_232 : memref<1x80xi32, #tpu.memory_space<vmem>> -> memref<80xi32, #tpu.memory_space<vmem>>
        %dma_start3A_234 = tpu.memref_slice %arg4[%add3A_230] : memref<320000xi32, #tpu.memory_space<hbm>> -> memref<80xi32, #tpu.memory_space<hbm>>
        %dma_start3A_235 = tpu.memref_slice %arg20[%sub3A_171] : memref<2x!tpu.dma_semaphore, #tpu.memory_space<semaphore_mem>> -> memref<1x!tpu.dma_semaphore, #tpu.memory_space<semaphore_mem>>
        %dma_start3A_236 = tpu.memref_squeeze %dma_start3A_235 : memref<1x!tpu.dma_semaphore, #tpu.memory_space<semaphore_mem>> -> memref<!tpu.dma_semaphore, #tpu.memory_space<semaphore_mem>>
        %dma_start3A_237 = arith.constant 0 : i32
        %dma_start3A_238 = tpu.memref_slice %arg11[%sub3A_171, %dma_start3A_237] : memref<2x80xi32, #tpu.memory_space<vmem>> -> memref<1x80xi32, #tpu.memory_space<vmem>>
        %dma_start3A_239 = tpu.memref_squeeze %dma_start3A_238 : memref<1x80xi32, #tpu.memory_space<vmem>> -> memref<80xi32, #tpu.memory_space<vmem>>
        %dma_start3A_240 = tpu.memref_slice %arg4[%add3A_230] : memref<320000xi32, #tpu.memory_space<hbm>> -> memref<80xi32, #tpu.memory_space<hbm>>
        tpu.enqueue_dma source(%dma_start3A_240 : memref<80xi32, #tpu.memory_space<hbm>>) target(%dma_start3A_239 : memref<80xi32, #tpu.memory_space<vmem>>) target_semaphore(%dma_start3A_236 : memref<!tpu.dma_semaphore, #tpu.memory_space<semaphore_mem>>)
      } else {
      }
      %add3A_176 = arith.constant 2 : i32
      %add3A_177 = arith.addi %scan3A_169, %add3A_176 : i32
      %lt3A_178 = arith.constant 125 : i32
      %lt3A_179 = arith.cmpi slt, %add3A_177, %lt3A_178 : i32
      %convert_element_type3A_180 = arith.extui %lt3A_179 : i1 to i32
      %cond3A_181 = arith.constant 0 : i32
      %cond3A_182 = arith.cmpi ne, %convert_element_type3A_180, %cond3A_181 : i32
      scf.if %cond3A_182 {
        %add3A_204 = arith.constant 2 : i32
        %add3A_205 = arith.addi %scan3A_169, %add3A_204 : i32
        %mul3A_206 = arith.constant 80 : i32
        %mul3A_207 = arith.muli %add3A_205, %mul3A_206 : i32
        %add3A_208 = arith.addi %add3A_82, %mul3A_207 : i32
        %dma_start3A_209 = arith.constant 0 : i32
        %dma_start3A_210 = tpu.memref_slice %arg10[%and3A_170, %dma_start3A_209] : memref<2x80xi32, #tpu.memory_space<vmem>> -> memref<1x80xi32, #tpu.memory_space<vmem>>
        %dma_start3A_211 = tpu.memref_squeeze %dma_start3A_210 : memref<1x80xi32, #tpu.memory_space<vmem>> -> memref<80xi32, #tpu.memory_space<vmem>>
        %dma_start3A_212 = tpu.memref_slice %arg3[%add3A_208] : memref<320000xi32, #tpu.memory_space<hbm>> -> memref<80xi32, #tpu.memory_space<hbm>>
        %dma_start3A_213 = tpu.memref_slice %arg19[%and3A_170] : memref<2x!tpu.dma_semaphore, #tpu.memory_space<semaphore_mem>> -> memref<1x!tpu.dma_semaphore, #tpu.memory_space<semaphore_mem>>
        %dma_start3A_214 = tpu.memref_squeeze %dma_start3A_213 : memref<1x!tpu.dma_semaphore, #tpu.memory_space<semaphore_mem>> -> memref<!tpu.dma_semaphore, #tpu.memory_space<semaphore_mem>>
        %dma_start3A_215 = arith.constant 0 : i32
        %dma_start3A_216 = tpu.memref_slice %arg10[%and3A_170, %dma_start3A_215] : memref<2x80xi32, #tpu.memory_space<vmem>> -> memref<1x80xi32, #tpu.memory_space<vmem>>
        %dma_start3A_217 = tpu.memref_squeeze %dma_start3A_216 : memref<1x80xi32, #tpu.memory_space<vmem>> -> memref<80xi32, #tpu.memory_space<vmem>>
        %dma_start3A_218 = tpu.memref_slice %arg3[%add3A_208] : memref<320000xi32, #tpu.memory_space<hbm>> -> memref<80xi32, #tpu.memory_space<hbm>>
        tpu.enqueue_dma source(%dma_start3A_218 : memref<80xi32, #tpu.memory_space<hbm>>) target(%dma_start3A_217 : memref<80xi32, #tpu.memory_space<vmem>>) target_semaphore(%dma_start3A_214 : memref<!tpu.dma_semaphore, #tpu.memory_space<semaphore_mem>>)
      } else {
      }
      %dma_wait3A = arith.constant 0 : i32
      %dma_wait3A_183 = arith.constant 0 : i32
      %dma_wait3A_184 = tpu.memref_slice %arg12[%and3A_170, %dma_wait3A, %dma_wait3A_183] : memref<2x80x128xf32, #tpu.memory_space<vmem>> -> memref<1x80x128xf32, #tpu.memory_space<vmem>>
      %dma_wait3A_185 = tpu.memref_squeeze %dma_wait3A_184 : memref<1x80x128xf32, #tpu.memory_space<vmem>> -> memref<80x128xf32, #tpu.memory_space<vmem>>
      %dma_wait3A_186 = arith.constant 0 : i32
      %dma_wait3A_187 = tpu.memref_slice %arg10[%and3A_170, %dma_wait3A_186] : memref<2x80xi32, #tpu.memory_space<vmem>> -> memref<1x80xi32, #tpu.memory_space<vmem>>
      %dma_wait3A_188 = tpu.memref_squeeze %dma_wait3A_187 : memref<1x80xi32, #tpu.memory_space<vmem>> -> memref<80xi32, #tpu.memory_space<vmem>>
      %dma_wait3A_189 = arith.constant 0 : i32
      %dma_wait3A_190 = arith.constant 0 : i32
      %dma_wait3A_191 = tpu.memref_slice %arg2[%dma_wait3A_189, %dma_wait3A_190] : memref<10000x128xf32, #tpu.memory_space<hbm>> -> memref<10000x128xf32, #tpu.memory_space<hbm>>
      %dma_wait3A_192 = tpu.memref_slice %arg18[%and3A_170] : memref<2x!tpu.dma_semaphore, #tpu.memory_space<semaphore_mem>> -> memref<1x!tpu.dma_semaphore, #tpu.memory_space<semaphore_mem>>
      %dma_wait3A_193 = tpu.memref_squeeze %dma_wait3A_192 : memref<1x!tpu.dma_semaphore, #tpu.memory_space<semaphore_mem>> -> memref<!tpu.dma_semaphore, #tpu.memory_space<semaphore_mem>>
      tpu.wait_indirect_dma semaphore(%dma_wait3A_193 : memref<!tpu.dma_semaphore, #tpu.memory_space<semaphore_mem>>) src(%dma_wait3A_191 : memref<10000x128xf32, #tpu.memory_space<hbm>>) dst(%dma_wait3A_185 : memref<80x128xf32, #tpu.memory_space<vmem>>)
      %dma_wait3A_194 = arith.constant 0 : i32
      %dma_wait3A_195 = tpu.memref_slice %arg11[%and3A_170, %dma_wait3A_194] : memref<2x80xi32, #tpu.memory_space<vmem>> -> memref<1x80xi32, #tpu.memory_space<vmem>>
      %dma_wait3A_196 = tpu.memref_squeeze %dma_wait3A_195 : memref<1x80xi32, #tpu.memory_space<vmem>> -> memref<80xi32, #tpu.memory_space<vmem>>
      %dma_wait3A_197 = tpu.memref_slice %arg4[%add3A_82] : memref<320000xi32, #tpu.memory_space<hbm>> -> memref<80xi32, #tpu.memory_space<hbm>>
      %dma_wait3A_198 = tpu.memref_slice %arg20[%and3A_170] : memref<2x!tpu.dma_semaphore, #tpu.memory_space<semaphore_mem>> -> memref<1x!tpu.dma_semaphore, #tpu.memory_space<semaphore_mem>>
      %dma_wait3A_199 = tpu.memref_squeeze %dma_wait3A_198 : memref<1x!tpu.dma_semaphore, #tpu.memory_space<semaphore_mem>> -> memref<!tpu.dma_semaphore, #tpu.memory_space<semaphore_mem>>
      %dma_wait3A_200 = arith.constant 0 : i32
      %dma_wait3A_201 = tpu.memref_slice %arg11[%and3A_170, %dma_wait3A_200] : memref<2x80xi32, #tpu.memory_space<vmem>> -> memref<1x80xi32, #tpu.memory_space<vmem>>
      %dma_wait3A_202 = tpu.memref_squeeze %dma_wait3A_201 : memref<1x80xi32, #tpu.memory_space<vmem>> -> memref<80xi32, #tpu.memory_space<vmem>>
      %dma_wait3A_203 = tpu.memref_slice %arg4[%add3A_82] : memref<320000xi32, #tpu.memory_space<hbm>> -> memref<80xi32, #tpu.memory_space<hbm>>
      tpu.wait_dma2 semaphore(%dma_wait3A_199 : memref<!tpu.dma_semaphore, #tpu.memory_space<semaphore_mem>>) src(%dma_wait3A_203 : memref<80xi32, #tpu.memory_space<hbm>>) dst(%dma_wait3A_202 : memref<80xi32, #tpu.memory_space<vmem>>)
      "tpu.region"() ({
        %run_scoped3A_204 = tpu.sem_alloc : memref<!tpu.dma_semaphore, #tpu.memory_space<semaphore_mem>>
        %dma_start3A_205 = arith.constant 0 : i32
        %dma_start3A_206 = arith.constant 0 : i32
        %dma_start3A_207 = tpu.memref_slice %arg12[%and3A_170, %dma_start3A_205, %dma_start3A_206] : memref<2x80x128xf32, #tpu.memory_space<vmem>> -> memref<1x80x128xf32, #tpu.memory_space<vmem>>
        %dma_start3A_208 = tpu.memref_squeeze %dma_start3A_207 : memref<1x80x128xf32, #tpu.memory_space<vmem>> -> memref<80x128xf32, #tpu.memory_space<vmem>>
        %dma_start3A_209 = arith.constant 0 : i32
        %dma_start3A_210 = tpu.memref_slice %arg11[%and3A_170, %dma_start3A_209] : memref<2x80xi32, #tpu.memory_space<vmem>> -> memref<1x80xi32, #tpu.memory_space<vmem>>
        %dma_start3A_211 = tpu.memref_squeeze %dma_start3A_210 : memref<1x80xi32, #tpu.memory_space<vmem>> -> memref<80xi32, #tpu.memory_space<vmem>>
        %dma_start3A_212 = arith.constant 0 : i32
        %dma_start3A_213 = arith.constant 0 : i32
        %dma_start3A_214 = tpu.memref_slice %arg16[%dma_start3A_212, %dma_start3A_213] : memref<10240x128xf32, #tpu.memory_space<vmem_shared>> -> memref<10240x128xf32, #tpu.memory_space<vmem_shared>>
        tpu.enqueue_indirect_dma source(%dma_start3A_208 : memref<80x128xf32, #tpu.memory_space<vmem>>) target(%dma_start3A_214 : memref<10240x128xf32, #tpu.memory_space<vmem_shared>>) offsets(%dma_start3A_211 : memref<80xi32, #tpu.memory_space<vmem>>) semaphore(%run_scoped3A_204 : memref<!tpu.dma_semaphore, #tpu.memory_space<semaphore_mem>>) {add = true}
        %dma_wait3A_215 = arith.constant 0 : i32
        %dma_wait3A_216 = arith.constant 0 : i32
        %dma_wait3A_217 = tpu.memref_slice %arg12[%and3A_170, %dma_wait3A_215, %dma_wait3A_216] : memref<2x80x128xf32, #tpu.memory_space<vmem>> -> memref<1x80x128xf32, #tpu.memory_space<vmem>>
        %dma_wait3A_218 = tpu.memref_squeeze %dma_wait3A_217 : memref<1x80x128xf32, #tpu.memory_space<vmem>> -> memref<80x128xf32, #tpu.memory_space<vmem>>
        %dma_wait3A_219 = arith.constant 0 : i32
        %dma_wait3A_220 = tpu.memref_slice %arg11[%and3A_170, %dma_wait3A_219] : memref<2x80xi32, #tpu.memory_space<vmem>> -> memref<1x80xi32, #tpu.memory_space<vmem>>
        %dma_wait3A_221 = tpu.memref_squeeze %dma_wait3A_220 : memref<1x80xi32, #tpu.memory_space<vmem>> -> memref<80xi32, #tpu.memory_space<vmem>>
        %dma_wait3A_222 = arith.constant 0 : i32
        %dma_wait3A_223 = arith.constant 0 : i32
        %dma_wait3A_224 = tpu.memref_slice %arg16[%dma_wait3A_222, %dma_wait3A_223] : memref<10240x128xf32, #tpu.memory_space<vmem_shared>> -> memref<10240x128xf32, #tpu.memory_space<vmem_shared>>
        tpu.wait_indirect_dma semaphore(%run_scoped3A_204 : memref<!tpu.dma_semaphore, #tpu.memory_space<semaphore_mem>>) src(%dma_wait3A_218 : memref<80x128xf32, #tpu.memory_space<vmem>>) dst(%dma_wait3A_224 : memref<10240x128xf32, #tpu.memory_space<vmem_shared>>)
        tpu.yield
      }) : () -> ()
      "tpu.region"() ({
        %run_scoped3A_204 = tpu.sem_alloc : memref<!tpu.dma_semaphore, #tpu.memory_space<semaphore_mem>>
        %dma_start3A_205 = arith.constant 0 : i32
        %dma_start3A_206 = tpu.memref_slice %arg11[%and3A_170, %dma_start3A_205] : memref<2x80xi32, #tpu.memory_space<vmem>> -> memref<1x80xi32, #tpu.memory_space<vmem>>
        %dma_start3A_207 = tpu.memref_squeeze %dma_start3A_206 : memref<1x80xi32, #tpu.memory_space<vmem>> -> memref<80xi32, #tpu.memory_space<vmem>>
        %dma_start3A_208 = arith.constant 0 : i32
        %dma_start3A_209 = arith.constant 0 : i32
        %dma_start3A_210 = tpu.memref_slice %arg17[%dma_start3A_208, %dma_start3A_209] : memref<10240x16xf32, #tpu.memory_space<vmem_shared>> -> memref<10240x16xf32, #tpu.memory_space<vmem_shared>>
        tpu.enqueue_indirect_dma source(%arg14 : memref<80x16xf32, #tpu.memory_space<vmem>>) target(%dma_start3A_210 : memref<10240x16xf32, #tpu.memory_space<vmem_shared>>) offsets(%dma_start3A_207 : memref<80xi32, #tpu.memory_space<vmem>>) semaphore(%run_scoped3A_204 : memref<!tpu.dma_semaphore, #tpu.memory_space<semaphore_mem>>) {add = true}
        %dma_wait3A_211 = arith.constant 0 : i32
        %dma_wait3A_212 = tpu.memref_slice %arg11[%and3A_170, %dma_wait3A_211] : memref<2x80xi32, #tpu.memory_space<vmem>> -> memref<1x80xi32, #tpu.memory_space<vmem>>
        %dma_wait3A_213 = tpu.memref_squeeze %dma_wait3A_212 : memref<1x80xi32, #tpu.memory_space<vmem>> -> memref<80xi32, #tpu.memory_space<vmem>>
        %dma_wait3A_214 = arith.constant 0 : i32
        %dma_wait3A_215 = arith.constant 0 : i32
        %dma_wait3A_216 = tpu.memref_slice %arg17[%dma_wait3A_214, %dma_wait3A_215] : memref<10240x16xf32, #tpu.memory_space<vmem_shared>> -> memref<10240x16xf32, #tpu.memory_space<vmem_shared>>
        tpu.wait_indirect_dma semaphore(%run_scoped3A_204 : memref<!tpu.dma_semaphore, #tpu.memory_space<semaphore_mem>>) src(%arg14 : memref<80x16xf32, #tpu.memory_space<vmem>>) dst(%dma_wait3A_216 : memref<10240x16xf32, #tpu.memory_space<vmem_shared>>)
        tpu.yield
      }) : () -> ()
    }
    %scan3A_127 = arith.constant 125 : i32
    %barrier3A_128 = arith.constant 0 : index
    tpu.barrier barrier_id(%barrier3A_128)
    %mul3A_129 = arith.constant 640 : i32
    %mul3A_130 = arith.muli %arg1, %mul3A_129 : i32
    %add3A_131 = arith.constant 0 : i32
    %add3A_132 = arith.addi %mul3A_130, %add3A_131 : i32
    "tpu.region"() ({
      %run_scoped3A_169 = tpu.sem_alloc : memref<!tpu.dma_semaphore, #tpu.memory_space<semaphore_mem>>
      %dma_start3A_170 = arith.constant 0 : i32
      %dma_start3A_171 = tpu.memref_slice %arg16[%add3A_132, %dma_start3A_170] : memref<10240x128xf32, #tpu.memory_space<vmem_shared>> -> memref<64x128xf32, #tpu.memory_space<vmem_shared>>
      %dma_start3A_172 = arith.constant 0 : i32
      %dma_start3A_173 = tpu.memref_slice %arg16[%add3A_132, %dma_start3A_172] : memref<10240x128xf32, #tpu.memory_space<vmem_shared>> -> memref<64x128xf32, #tpu.memory_space<vmem_shared>>
      tpu.enqueue_dma source(%dma_start3A_173 : memref<64x128xf32, #tpu.memory_space<vmem_shared>>) target(%arg13 : memref<64x128xf32, #tpu.memory_space<vmem>>) target_semaphore(%run_scoped3A_169 : memref<!tpu.dma_semaphore, #tpu.memory_space<semaphore_mem>>)
      %dma_wait3A = arith.constant 0 : i32
      %dma_wait3A_174 = tpu.memref_slice %arg16[%add3A_132, %dma_wait3A] : memref<10240x128xf32, #tpu.memory_space<vmem_shared>> -> memref<64x128xf32, #tpu.memory_space<vmem_shared>>
      %dma_wait3A_175 = arith.constant 0 : i32
      %dma_wait3A_176 = tpu.memref_slice %arg16[%add3A_132, %dma_wait3A_175] : memref<10240x128xf32, #tpu.memory_space<vmem_shared>> -> memref<64x128xf32, #tpu.memory_space<vmem_shared>>
      tpu.wait_dma2 semaphore(%run_scoped3A_169 : memref<!tpu.dma_semaphore, #tpu.memory_space<semaphore_mem>>) src(%dma_wait3A_176 : memref<64x128xf32, #tpu.memory_space<vmem_shared>>) dst(%arg13 : memref<64x128xf32, #tpu.memory_space<vmem>>)
      tpu.yield
    }) : () -> ()
    "tpu.region"() ({
      %run_scoped3A_169 = tpu.sem_alloc : memref<!tpu.dma_semaphore, #tpu.memory_space<semaphore_mem>>
      %dma_start3A_170 = arith.constant 0 : i32
      %dma_start3A_171 = arith.constant 0 : i32
      %dma_start3A_172 = tpu.memref_slice %arg8[%arg0, %dma_start3A_170, %dma_start3A_171] : memref<2x10240x128xf32, #tpu.memory_space<hbm>> -> memref<1x10240x128xf32, #tpu.memory_space<hbm>>
      %dma_start3A_173 = tpu.memref_squeeze %dma_start3A_172 : memref<1x10240x128xf32, #tpu.memory_space<hbm>> -> memref<10240x128xf32, #tpu.memory_space<hbm>>
      %dma_start3A_174 = arith.constant 0 : i32
      %dma_start3A_175 = tpu.memref_slice %dma_start3A_173[%add3A_132, %dma_start3A_174] : memref<10240x128xf32, #tpu.memory_space<hbm>> -> memref<64x128xf32, #tpu.memory_space<hbm>>
      %dma_start3A_176 = arith.constant 0 : i32
      %dma_start3A_177 = arith.constant 0 : i32
      %dma_start3A_178 = tpu.memref_slice %arg8[%arg0, %dma_start3A_176, %dma_start3A_177] : memref<2x10240x128xf32, #tpu.memory_space<hbm>> -> memref<1x10240x128xf32, #tpu.memory_space<hbm>>
      %dma_start3A_179 = tpu.memref_squeeze %dma_start3A_178 : memref<1x10240x128xf32, #tpu.memory_space<hbm>> -> memref<10240x128xf32, #tpu.memory_space<hbm>>
      %dma_start3A_180 = arith.constant 0 : i32
      %dma_start3A_181 = tpu.memref_slice %dma_start3A_179[%add3A_132, %dma_start3A_180] : memref<10240x128xf32, #tpu.memory_space<hbm>> -> memref<64x128xf32, #tpu.memory_space<hbm>>
      tpu.enqueue_dma source(%arg13 : memref<64x128xf32, #tpu.memory_space<vmem>>) target(%dma_start3A_181 : memref<64x128xf32, #tpu.memory_space<hbm>>) target_semaphore(%run_scoped3A_169 : memref<!tpu.dma_semaphore, #tpu.memory_space<semaphore_mem>>)
      %dma_wait3A = arith.constant 0 : i32
      %dma_wait3A_182 = arith.constant 0 : i32
      %dma_wait3A_183 = tpu.memref_slice %arg8[%arg0, %dma_wait3A, %dma_wait3A_182] : memref<2x10240x128xf32, #tpu.memory_space<hbm>> -> memref<1x10240x128xf32, #tpu.memory_space<hbm>>
      %dma_wait3A_184 = tpu.memref_squeeze %dma_wait3A_183 : memref<1x10240x128xf32, #tpu.memory_space<hbm>> -> memref<10240x128xf32, #tpu.memory_space<hbm>>
      %dma_wait3A_185 = arith.constant 0 : i32
      %dma_wait3A_186 = tpu.memref_slice %dma_wait3A_184[%add3A_132, %dma_wait3A_185] : memref<10240x128xf32, #tpu.memory_space<hbm>> -> memref<64x128xf32, #tpu.memory_space<hbm>>
      %dma_wait3A_187 = arith.constant 0 : i32
      %dma_wait3A_188 = arith.constant 0 : i32
      %dma_wait3A_189 = tpu.memref_slice %arg8[%arg0, %dma_wait3A_187, %dma_wait3A_188] : memref<2x10240x128xf32, #tpu.memory_space<hbm>> -> memref<1x10240x128xf32, #tpu.memory_space<hbm>>
      %dma_wait3A_190 = tpu.memref_squeeze %dma_wait3A_189 : memref<1x10240x128xf32, #tpu.memory_space<hbm>> -> memref<10240x128xf32, #tpu.memory_space<hbm>>
      %dma_wait3A_191 = arith.constant 0 : i32
      %dma_wait3A_192 = tpu.memref_slice %dma_wait3A_190[%add3A_132, %dma_wait3A_191] : memref<10240x128xf32, #tpu.memory_space<hbm>> -> memref<64x128xf32, #tpu.memory_space<hbm>>
      tpu.wait_dma2 semaphore(%run_scoped3A_169 : memref<!tpu.dma_semaphore, #tpu.memory_space<semaphore_mem>>) src(%arg13 : memref<64x128xf32, #tpu.memory_space<vmem>>) dst(%dma_wait3A_192 : memref<64x128xf32, #tpu.memory_space<hbm>>)
      tpu.yield
    }) : () -> ()
    "tpu.region"() ({
      %run_scoped3A_169 = tpu.sem_alloc : memref<!tpu.dma_semaphore, #tpu.memory_space<semaphore_mem>>
      %dma_start3A_170 = arith.constant 0 : i32
      %dma_start3A_171 = tpu.memref_slice %arg17[%add3A_132, %dma_start3A_170] : memref<10240x16xf32, #tpu.memory_space<vmem_shared>> -> memref<64x16xf32, #tpu.memory_space<vmem_shared>>
      %dma_start3A_172 = arith.constant 0 : i32
      %dma_start3A_173 = tpu.memref_slice %arg17[%add3A_132, %dma_start3A_172] : memref<10240x16xf32, #tpu.memory_space<vmem_shared>> -> memref<64x16xf32, #tpu.memory_space<vmem_shared>>
      tpu.enqueue_dma source(%dma_start3A_173 : memref<64x16xf32, #tpu.memory_space<vmem_shared>>) target(%arg15 : memref<64x16xf32, #tpu.memory_space<vmem>>) target_semaphore(%run_scoped3A_169 : memref<!tpu.dma_semaphore, #tpu.memory_space<semaphore_mem>>)
      %dma_wait3A = arith.constant 0 : i32
      %dma_wait3A_174 = tpu.memref_slice %arg17[%add3A_132, %dma_wait3A] : memref<10240x16xf32, #tpu.memory_space<vmem_shared>> -> memref<64x16xf32, #tpu.memory_space<vmem_shared>>
      %dma_wait3A_175 = arith.constant 0 : i32
      %dma_wait3A_176 = tpu.memref_slice %arg17[%add3A_132, %dma_wait3A_175] : memref<10240x16xf32, #tpu.memory_space<vmem_shared>> -> memref<64x16xf32, #tpu.memory_space<vmem_shared>>
      tpu.wait_dma2 semaphore(%run_scoped3A_169 : memref<!tpu.dma_semaphore, #tpu.memory_space<semaphore_mem>>) src(%dma_wait3A_176 : memref<64x16xf32, #tpu.memory_space<vmem_shared>>) dst(%arg15 : memref<64x16xf32, #tpu.memory_space<vmem>>)
      tpu.yield
    }) : () -> ()
    "tpu.region"() ({
      %run_scoped3A_169 = tpu.sem_alloc : memref<!tpu.dma_semaphore, #tpu.memory_space<semaphore_mem>>
      %dma_start3A_170 = arith.constant 0 : i32
      %dma_start3A_171 = arith.constant 0 : i32
      %dma_start3A_172 = tpu.memref_slice %arg9[%arg0, %dma_start3A_170, %dma_start3A_171] : memref<2x10240x16xf32, #tpu.memory_space<hbm>> -> memref<1x10240x16xf32, #tpu.memory_space<hbm>>
      %dma_start3A_173 = tpu.memref_squeeze %dma_start3A_172 : memref<1x10240x16xf32, #tpu.memory_space<hbm>> -> memref<10240x16xf32, #tpu.memory_space<hbm>>
      %dma_start3A_174 = arith.constant 0 : i32
      %dma_start3A_175 = tpu.memref_slice %dma_start3A_173[%add3A_132, %dma_start3A_174] : memref<10240x16xf32, #tpu.memory_space<hbm>> -> memref<64x16xf32, #tpu.memory_space<hbm>>
      %dma_start3A_176 = arith.constant 0 : i32
      %dma_start3A_177 = arith.constant 0 : i32
      %dma_start3A_178 = tpu.memref_slice %arg9[%arg0, %dma_start3A_176, %dma_start3A_177] : memref<2x10240x16xf32, #tpu.memory_space<hbm>> -> memref<1x10240x16xf32, #tpu.memory_space<hbm>>
      %dma_start3A_179 = tpu.memref_squeeze %dma_start3A_178 : memref<1x10240x16xf32, #tpu.memory_space<hbm>> -> memref<10240x16xf32, #tpu.memory_space<hbm>>
      %dma_start3A_180 = arith.constant 0 : i32
      %dma_start3A_181 = tpu.memref_slice %dma_start3A_179[%add3A_132, %dma_start3A_180] : memref<10240x16xf32, #tpu.memory_space<hbm>> -> memref<64x16xf32, #tpu.memory_space<hbm>>
      tpu.enqueue_dma source(%arg15 : memref<64x16xf32, #tpu.memory_space<vmem>>) target(%dma_start3A_181 : memref<64x16xf32, #tpu.memory_space<hbm>>) target_semaphore(%run_scoped3A_169 : memref<!tpu.dma_semaphore, #tpu.memory_space<semaphore_mem>>)
      %dma_wait3A = arith.constant 0 : i32
      %dma_wait3A_182 = arith.constant 0 : i32
      %dma_wait3A_183 = tpu.memref_slice %arg9[%arg0, %dma_wait3A, %dma_wait3A_182] : memref<2x10240x16xf32, #tpu.memory_space<hbm>> -> memref<1x10240x16xf32, #tpu.memory_space<hbm>>
      %dma_wait3A_184 = tpu.memref_squeeze %dma_wait3A_183 : memref<1x10240x16xf32, #tpu.memory_space<hbm>> -> memref<10240x16xf32, #tpu.memory_space<hbm>>
      %dma_wait3A_185 = arith.constant 0 : i32
      %dma_wait3A_186 = tpu.memref_slice %dma_wait3A_184[%add3A_132, %dma_wait3A_185] : memref<10240x16xf32, #tpu.memory_space<hbm>> -> memref<64x16xf32, #tpu.memory_space<hbm>>
      %dma_wait3A_187 = arith.constant 0 : i32
      %dma_wait3A_188 = arith.constant 0 : i32
      %dma_wait3A_189 = tpu.memref_slice %arg9[%arg0, %dma_wait3A_187, %dma_wait3A_188] : memref<2x10240x16xf32, #tpu.memory_space<hbm>> -> memref<1x10240x16xf32, #tpu.memory_space<hbm>>
      %dma_wait3A_190 = tpu.memref_squeeze %dma_wait3A_189 : memref<1x10240x16xf32, #tpu.memory_space<hbm>> -> memref<10240x16xf32, #tpu.memory_space<hbm>>
      %dma_wait3A_191 = arith.constant 0 : i32
      %dma_wait3A_192 = tpu.memref_slice %dma_wait3A_190[%add3A_132, %dma_wait3A_191] : memref<10240x16xf32, #tpu.memory_space<hbm>> -> memref<64x16xf32, #tpu.memory_space<hbm>>
      tpu.wait_dma2 semaphore(%run_scoped3A_169 : memref<!tpu.dma_semaphore, #tpu.memory_space<semaphore_mem>>) src(%arg15 : memref<64x16xf32, #tpu.memory_space<vmem>>) dst(%dma_wait3A_192 : memref<64x16xf32, #tpu.memory_space<hbm>>)
      tpu.yield
    }) : () -> ()
    %mul3A_133 = arith.constant 640 : i32
    %mul3A_134 = arith.muli %arg1, %mul3A_133 : i32
    %add3A_135 = arith.constant 64 : i32
    %add3A_136 = arith.addi %mul3A_134, %add3A_135 : i32
    "tpu.region"() ({
      %run_scoped3A_169 = tpu.sem_alloc : memref<!tpu.dma_semaphore, #tpu.memory_space<semaphore_mem>>
      %dma_start3A_170 = arith.constant 0 : i32
      %dma_start3A_171 = tpu.memref_slice %arg16[%add3A_136, %dma_start3A_170] : memref<10240x128xf32, #tpu.memory_space<vmem_shared>> -> memref<64x128xf32, #tpu.memory_space<vmem_shared>>
      %dma_start3A_172 = arith.constant 0 : i32
      %dma_start3A_173 = tpu.memref_slice %arg16[%add3A_136, %dma_start3A_172] : memref<10240x128xf32, #tpu.memory_space<vmem_shared>> -> memref<64x128xf32, #tpu.memory_space<vmem_shared>>
      tpu.enqueue_dma source(%dma_start3A_173 : memref<64x128xf32, #tpu.memory_space<vmem_shared>>) target(%arg13 : memref<64x128xf32, #tpu.memory_space<vmem>>) target_semaphore(%run_scoped3A_169 : memref<!tpu.dma_semaphore, #tpu.memory_space<semaphore_mem>>)
      %dma_wait3A = arith.constant 0 : i32
      %dma_wait3A_174 = tpu.memref_slice %arg16[%add3A_136, %dma_wait3A] : memref<10240x128xf32, #tpu.memory_space<vmem_shared>> -> memref<64x128xf32, #tpu.memory_space<vmem_shared>>
      %dma_wait3A_175 = arith.constant 0 : i32
      %dma_wait3A_176 = tpu.memref_slice %arg16[%add3A_136, %dma_wait3A_175] : memref<10240x128xf32, #tpu.memory_space<vmem_shared>> -> memref<64x128xf32, #tpu.memory_space<vmem_shared>>
      tpu.wait_dma2 semaphore(%run_scoped3A_169 : memref<!tpu.dma_semaphore, #tpu.memory_space<semaphore_mem>>) src(%dma_wait3A_176 : memref<64x128xf32, #tpu.memory_space<vmem_shared>>) dst(%arg13 : memref<64x128xf32, #tpu.memory_space<vmem>>)
      tpu.yield
    }) : () -> ()
    "tpu.region"() ({
      %run_scoped3A_169 = tpu.sem_alloc : memref<!tpu.dma_semaphore, #tpu.memory_space<semaphore_mem>>
      %dma_start3A_170 = arith.constant 0 : i32
      %dma_start3A_171 = arith.constant 0 : i32
      %dma_start3A_172 = tpu.memref_slice %arg8[%arg0, %dma_start3A_170, %dma_start3A_171] : memref<2x10240x128xf32, #tpu.memory_space<hbm>> -> memref<1x10240x128xf32, #tpu.memory_space<hbm>>
      %dma_start3A_173 = tpu.memref_squeeze %dma_start3A_172 : memref<1x10240x128xf32, #tpu.memory_space<hbm>> -> memref<10240x128xf32, #tpu.memory_space<hbm>>
      %dma_start3A_174 = arith.constant 0 : i32
      %dma_start3A_175 = tpu.memref_slice %dma_start3A_173[%add3A_136, %dma_start3A_174] : memref<10240x128xf32, #tpu.memory_space<hbm>> -> memref<64x128xf32, #tpu.memory_space<hbm>>
      %dma_start3A_176 = arith.constant 0 : i32
      %dma_start3A_177 = arith.constant 0 : i32
      %dma_start3A_178 = tpu.memref_slice %arg8[%arg0, %dma_start3A_176, %dma_start3A_177] : memref<2x10240x128xf32, #tpu.memory_space<hbm>> -> memref<1x10240x128xf32, #tpu.memory_space<hbm>>
      %dma_start3A_179 = tpu.memref_squeeze %dma_start3A_178 : memref<1x10240x128xf32, #tpu.memory_space<hbm>> -> memref<10240x128xf32, #tpu.memory_space<hbm>>
      %dma_start3A_180 = arith.constant 0 : i32
      %dma_start3A_181 = tpu.memref_slice %dma_start3A_179[%add3A_136, %dma_start3A_180] : memref<10240x128xf32, #tpu.memory_space<hbm>> -> memref<64x128xf32, #tpu.memory_space<hbm>>
      tpu.enqueue_dma source(%arg13 : memref<64x128xf32, #tpu.memory_space<vmem>>) target(%dma_start3A_181 : memref<64x128xf32, #tpu.memory_space<hbm>>) target_semaphore(%run_scoped3A_169 : memref<!tpu.dma_semaphore, #tpu.memory_space<semaphore_mem>>)
      %dma_wait3A = arith.constant 0 : i32
      %dma_wait3A_182 = arith.constant 0 : i32
      %dma_wait3A_183 = tpu.memref_slice %arg8[%arg0, %dma_wait3A, %dma_wait3A_182] : memref<2x10240x128xf32, #tpu.memory_space<hbm>> -> memref<1x10240x128xf32, #tpu.memory_space<hbm>>
      %dma_wait3A_184 = tpu.memref_squeeze %dma_wait3A_183 : memref<1x10240x128xf32, #tpu.memory_space<hbm>> -> memref<10240x128xf32, #tpu.memory_space<hbm>>
      %dma_wait3A_185 = arith.constant 0 : i32
      %dma_wait3A_186 = tpu.memref_slice %dma_wait3A_184[%add3A_136, %dma_wait3A_185] : memref<10240x128xf32, #tpu.memory_space<hbm>> -> memref<64x128xf32, #tpu.memory_space<hbm>>
      %dma_wait3A_187 = arith.constant 0 : i32
      %dma_wait3A_188 = arith.constant 0 : i32
      %dma_wait3A_189 = tpu.memref_slice %arg8[%arg0, %dma_wait3A_187, %dma_wait3A_188] : memref<2x10240x128xf32, #tpu.memory_space<hbm>> -> memref<1x10240x128xf32, #tpu.memory_space<hbm>>
      %dma_wait3A_190 = tpu.memref_squeeze %dma_wait3A_189 : memref<1x10240x128xf32, #tpu.memory_space<hbm>> -> memref<10240x128xf32, #tpu.memory_space<hbm>>
      %dma_wait3A_191 = arith.constant 0 : i32
      %dma_wait3A_192 = tpu.memref_slice %dma_wait3A_190[%add3A_136, %dma_wait3A_191] : memref<10240x128xf32, #tpu.memory_space<hbm>> -> memref<64x128xf32, #tpu.memory_space<hbm>>
      tpu.wait_dma2 semaphore(%run_scoped3A_169 : memref<!tpu.dma_semaphore, #tpu.memory_space<semaphore_mem>>) src(%arg13 : memref<64x128xf32, #tpu.memory_space<vmem>>) dst(%dma_wait3A_192 : memref<64x128xf32, #tpu.memory_space<hbm>>)
      tpu.yield
    }) : () -> ()
    "tpu.region"() ({
      %run_scoped3A_169 = tpu.sem_alloc : memref<!tpu.dma_semaphore, #tpu.memory_space<semaphore_mem>>
      %dma_start3A_170 = arith.constant 0 : i32
      %dma_start3A_171 = tpu.memref_slice %arg17[%add3A_136, %dma_start3A_170] : memref<10240x16xf32, #tpu.memory_space<vmem_shared>> -> memref<64x16xf32, #tpu.memory_space<vmem_shared>>
      %dma_start3A_172 = arith.constant 0 : i32
      %dma_start3A_173 = tpu.memref_slice %arg17[%add3A_136, %dma_start3A_172] : memref<10240x16xf32, #tpu.memory_space<vmem_shared>> -> memref<64x16xf32, #tpu.memory_space<vmem_shared>>
      tpu.enqueue_dma source(%dma_start3A_173 : memref<64x16xf32, #tpu.memory_space<vmem_shared>>) target(%arg15 : memref<64x16xf32, #tpu.memory_space<vmem>>) target_semaphore(%run_scoped3A_169 : memref<!tpu.dma_semaphore, #tpu.memory_space<semaphore_mem>>)
      %dma_wait3A = arith.constant 0 : i32
      %dma_wait3A_174 = tpu.memref_slice %arg17[%add3A_136, %dma_wait3A] : memref<10240x16xf32, #tpu.memory_space<vmem_shared>> -> memref<64x16xf32, #tpu.memory_space<vmem_shared>>
      %dma_wait3A_175 = arith.constant 0 : i32
      %dma_wait3A_176 = tpu.memref_slice %arg17[%add3A_136, %dma_wait3A_175] : memref<10240x16xf32, #tpu.memory_space<vmem_shared>> -> memref<64x16xf32, #tpu.memory_space<vmem_shared>>
      tpu.wait_dma2 semaphore(%run_scoped3A_169 : memref<!tpu.dma_semaphore, #tpu.memory_space<semaphore_mem>>) src(%dma_wait3A_176 : memref<64x16xf32, #tpu.memory_space<vmem_shared>>) dst(%arg15 : memref<64x16xf32, #tpu.memory_space<vmem>>)
      tpu.yield
    }) : () -> ()
    "tpu.region"() ({
      %run_scoped3A_169 = tpu.sem_alloc : memref<!tpu.dma_semaphore, #tpu.memory_space<semaphore_mem>>
      %dma_start3A_170 = arith.constant 0 : i32
      %dma_start3A_171 = arith.constant 0 : i32
      %dma_start3A_172 = tpu.memref_slice %arg9[%arg0, %dma_start3A_170, %dma_start3A_171] : memref<2x10240x16xf32, #tpu.memory_space<hbm>> -> memref<1x10240x16xf32, #tpu.memory_space<hbm>>
      %dma_start3A_173 = tpu.memref_squeeze %dma_start3A_172 : memref<1x10240x16xf32, #tpu.memory_space<hbm>> -> memref<10240x16xf32, #tpu.memory_space<hbm>>
      %dma_start3A_174 = arith.constant 0 : i32
      %dma_start3A_175 = tpu.memref_slice %dma_start3A_173[%add3A_136, %dma_start3A_174] : memref<10240x16xf32, #tpu.memory_space<hbm>> -> memref<64x16xf32, #tpu.memory_space<hbm>>
      %dma_start3A_176 = arith.constant 0 : i32
      %dma_start3A_177 = arith.constant 0 : i32
      %dma_start3A_178 = tpu.memref_slice %arg9[%arg0, %dma_start3A_176, %dma_start3A_177] : memref<2x10240x16xf32, #tpu.memory_space<hbm>> -> memref<1x10240x16xf32, #tpu.memory_space<hbm>>
      %dma_start3A_179 = tpu.memref_squeeze %dma_start3A_178 : memref<1x10240x16xf32, #tpu.memory_space<hbm>> -> memref<10240x16xf32, #tpu.memory_space<hbm>>
      %dma_start3A_180 = arith.constant 0 : i32
      %dma_start3A_181 = tpu.memref_slice %dma_start3A_179[%add3A_136, %dma_start3A_180] : memref<10240x16xf32, #tpu.memory_space<hbm>> -> memref<64x16xf32, #tpu.memory_space<hbm>>
      tpu.enqueue_dma source(%arg15 : memref<64x16xf32, #tpu.memory_space<vmem>>) target(%dma_start3A_181 : memref<64x16xf32, #tpu.memory_space<hbm>>) target_semaphore(%run_scoped3A_169 : memref<!tpu.dma_semaphore, #tpu.memory_space<semaphore_mem>>)
      %dma_wait3A = arith.constant 0 : i32
      %dma_wait3A_182 = arith.constant 0 : i32
      %dma_wait3A_183 = tpu.memref_slice %arg9[%arg0, %dma_wait3A, %dma_wait3A_182] : memref<2x10240x16xf32, #tpu.memory_space<hbm>> -> memref<1x10240x16xf32, #tpu.memory_space<hbm>>
      %dma_wait3A_184 = tpu.memref_squeeze %dma_wait3A_183 : memref<1x10240x16xf32, #tpu.memory_space<hbm>> -> memref<10240x16xf32, #tpu.memory_space<hbm>>
      %dma_wait3A_185 = arith.constant 0 : i32
      %dma_wait3A_186 = tpu.memref_slice %dma_wait3A_184[%add3A_136, %dma_wait3A_185] : memref<10240x16xf32, #tpu.memory_space<hbm>> -> memref<64x16xf32, #tpu.memory_space<hbm>>
      %dma_wait3A_187 = arith.constant 0 : i32
      %dma_wait3A_188 = arith.constant 0 : i32
      %dma_wait3A_189 = tpu.memref_slice %arg9[%arg0, %dma_wait3A_187, %dma_wait3A_188] : memref<2x10240x16xf32, #tpu.memory_space<hbm>> -> memref<1x10240x16xf32, #tpu.memory_space<hbm>>
      %dma_wait3A_190 = tpu.memref_squeeze %dma_wait3A_189 : memref<1x10240x16xf32, #tpu.memory_space<hbm>> -> memref<10240x16xf32, #tpu.memory_space<hbm>>
      %dma_wait3A_191 = arith.constant 0 : i32
      %dma_wait3A_192 = tpu.memref_slice %dma_wait3A_190[%add3A_136, %dma_wait3A_191] : memref<10240x16xf32, #tpu.memory_space<hbm>> -> memref<64x16xf32, #tpu.memory_space<hbm>>
      tpu.wait_dma2 semaphore(%run_scoped3A_169 : memref<!tpu.dma_semaphore, #tpu.memory_space<semaphore_mem>>) src(%arg15 : memref<64x16xf32, #tpu.memory_space<vmem>>) dst(%dma_wait3A_192 : memref<64x16xf32, #tpu.memory_space<hbm>>)
      tpu.yield
    }) : () -> ()
    %mul3A_137 = arith.constant 640 : i32
    %mul3A_138 = arith.muli %arg1, %mul3A_137 : i32
    %add3A_139 = arith.constant 128 : i32
    %add3A_140 = arith.addi %mul3A_138, %add3A_139 : i32
    "tpu.region"() ({
      %run_scoped3A_169 = tpu.sem_alloc : memref<!tpu.dma_semaphore, #tpu.memory_space<semaphore_mem>>
      %dma_start3A_170 = arith.constant 0 : i32
      %dma_start3A_171 = tpu.memref_slice %arg16[%add3A_140, %dma_start3A_170] : memref<10240x128xf32, #tpu.memory_space<vmem_shared>> -> memref<64x128xf32, #tpu.memory_space<vmem_shared>>
      %dma_start3A_172 = arith.constant 0 : i32
      %dma_start3A_173 = tpu.memref_slice %arg16[%add3A_140, %dma_start3A_172] : memref<10240x128xf32, #tpu.memory_space<vmem_shared>> -> memref<64x128xf32, #tpu.memory_space<vmem_shared>>
      tpu.enqueue_dma source(%dma_start3A_173 : memref<64x128xf32, #tpu.memory_space<vmem_shared>>) target(%arg13 : memref<64x128xf32, #tpu.memory_space<vmem>>) target_semaphore(%run_scoped3A_169 : memref<!tpu.dma_semaphore, #tpu.memory_space<semaphore_mem>>)
      %dma_wait3A = arith.constant 0 : i32
      %dma_wait3A_174 = tpu.memref_slice %arg16[%add3A_140, %dma_wait3A] : memref<10240x128xf32, #tpu.memory_space<vmem_shared>> -> memref<64x128xf32, #tpu.memory_space<vmem_shared>>
      %dma_wait3A_175 = arith.constant 0 : i32
      %dma_wait3A_176 = tpu.memref_slice %arg16[%add3A_140, %dma_wait3A_175] : memref<10240x128xf32, #tpu.memory_space<vmem_shared>> -> memref<64x128xf32, #tpu.memory_space<vmem_shared>>
      tpu.wait_dma2 semaphore(%run_scoped3A_169 : memref<!tpu.dma_semaphore, #tpu.memory_space<semaphore_mem>>) src(%dma_wait3A_176 : memref<64x128xf32, #tpu.memory_space<vmem_shared>>) dst(%arg13 : memref<64x128xf32, #tpu.memory_space<vmem>>)
      tpu.yield
    }) : () -> ()
    "tpu.region"() ({
      %run_scoped3A_169 = tpu.sem_alloc : memref<!tpu.dma_semaphore, #tpu.memory_space<semaphore_mem>>
      %dma_start3A_170 = arith.constant 0 : i32
      %dma_start3A_171 = arith.constant 0 : i32
      %dma_start3A_172 = tpu.memref_slice %arg8[%arg0, %dma_start3A_170, %dma_start3A_171] : memref<2x10240x128xf32, #tpu.memory_space<hbm>> -> memref<1x10240x128xf32, #tpu.memory_space<hbm>>
      %dma_start3A_173 = tpu.memref_squeeze %dma_start3A_172 : memref<1x10240x128xf32, #tpu.memory_space<hbm>> -> memref<10240x128xf32, #tpu.memory_space<hbm>>
      %dma_start3A_174 = arith.constant 0 : i32
      %dma_start3A_175 = tpu.memref_slice %dma_start3A_173[%add3A_140, %dma_start3A_174] : memref<10240x128xf32, #tpu.memory_space<hbm>> -> memref<64x128xf32, #tpu.memory_space<hbm>>
      %dma_start3A_176 = arith.constant 0 : i32
      %dma_start3A_177 = arith.constant 0 : i32
      %dma_start3A_178 = tpu.memref_slice %arg8[%arg0, %dma_start3A_176, %dma_start3A_177] : memref<2x10240x128xf32, #tpu.memory_space<hbm>> -> memref<1x10240x128xf32, #tpu.memory_space<hbm>>
      %dma_start3A_179 = tpu.memref_squeeze %dma_start3A_178 : memref<1x10240x128xf32, #tpu.memory_space<hbm>> -> memref<10240x128xf32, #tpu.memory_space<hbm>>
      %dma_start3A_180 = arith.constant 0 : i32
      %dma_start3A_181 = tpu.memref_slice %dma_start3A_179[%add3A_140, %dma_start3A_180] : memref<10240x128xf32, #tpu.memory_space<hbm>> -> memref<64x128xf32, #tpu.memory_space<hbm>>
      tpu.enqueue_dma source(%arg13 : memref<64x128xf32, #tpu.memory_space<vmem>>) target(%dma_start3A_181 : memref<64x128xf32, #tpu.memory_space<hbm>>) target_semaphore(%run_scoped3A_169 : memref<!tpu.dma_semaphore, #tpu.memory_space<semaphore_mem>>)
      %dma_wait3A = arith.constant 0 : i32
      %dma_wait3A_182 = arith.constant 0 : i32
      %dma_wait3A_183 = tpu.memref_slice %arg8[%arg0, %dma_wait3A, %dma_wait3A_182] : memref<2x10240x128xf32, #tpu.memory_space<hbm>> -> memref<1x10240x128xf32, #tpu.memory_space<hbm>>
      %dma_wait3A_184 = tpu.memref_squeeze %dma_wait3A_183 : memref<1x10240x128xf32, #tpu.memory_space<hbm>> -> memref<10240x128xf32, #tpu.memory_space<hbm>>
      %dma_wait3A_185 = arith.constant 0 : i32
      %dma_wait3A_186 = tpu.memref_slice %dma_wait3A_184[%add3A_140, %dma_wait3A_185] : memref<10240x128xf32, #tpu.memory_space<hbm>> -> memref<64x128xf32, #tpu.memory_space<hbm>>
      %dma_wait3A_187 = arith.constant 0 : i32
      %dma_wait3A_188 = arith.constant 0 : i32
      %dma_wait3A_189 = tpu.memref_slice %arg8[%arg0, %dma_wait3A_187, %dma_wait3A_188] : memref<2x10240x128xf32, #tpu.memory_space<hbm>> -> memref<1x10240x128xf32, #tpu.memory_space<hbm>>
      %dma_wait3A_190 = tpu.memref_squeeze %dma_wait3A_189 : memref<1x10240x128xf32, #tpu.memory_space<hbm>> -> memref<10240x128xf32, #tpu.memory_space<hbm>>
      %dma_wait3A_191 = arith.constant 0 : i32
      %dma_wait3A_192 = tpu.memref_slice %dma_wait3A_190[%add3A_140, %dma_wait3A_191] : memref<10240x128xf32, #tpu.memory_space<hbm>> -> memref<64x128xf32, #tpu.memory_space<hbm>>
      tpu.wait_dma2 semaphore(%run_scoped3A_169 : memref<!tpu.dma_semaphore, #tpu.memory_space<semaphore_mem>>) src(%arg13 : memref<64x128xf32, #tpu.memory_space<vmem>>) dst(%dma_wait3A_192 : memref<64x128xf32, #tpu.memory_space<hbm>>)
      tpu.yield
    }) : () -> ()
    "tpu.region"() ({
      %run_scoped3A_169 = tpu.sem_alloc : memref<!tpu.dma_semaphore, #tpu.memory_space<semaphore_mem>>
      %dma_start3A_170 = arith.constant 0 : i32
      %dma_start3A_171 = tpu.memref_slice %arg17[%add3A_140, %dma_start3A_170] : memref<10240x16xf32, #tpu.memory_space<vmem_shared>> -> memref<64x16xf32, #tpu.memory_space<vmem_shared>>
      %dma_start3A_172 = arith.constant 0 : i32
      %dma_start3A_173 = tpu.memref_slice %arg17[%add3A_140, %dma_start3A_172] : memref<10240x16xf32, #tpu.memory_space<vmem_shared>> -> memref<64x16xf32, #tpu.memory_space<vmem_shared>>
      tpu.enqueue_dma source(%dma_start3A_173 : memref<64x16xf32, #tpu.memory_space<vmem_shared>>) target(%arg15 : memref<64x16xf32, #tpu.memory_space<vmem>>) target_semaphore(%run_scoped3A_169 : memref<!tpu.dma_semaphore, #tpu.memory_space<semaphore_mem>>)
      %dma_wait3A = arith.constant 0 : i32
      %dma_wait3A_174 = tpu.memref_slice %arg17[%add3A_140, %dma_wait3A] : memref<10240x16xf32, #tpu.memory_space<vmem_shared>> -> memref<64x16xf32, #tpu.memory_space<vmem_shared>>
      %dma_wait3A_175 = arith.constant 0 : i32
      %dma_wait3A_176 = tpu.memref_slice %arg17[%add3A_140, %dma_wait3A_175] : memref<10240x16xf32, #tpu.memory_space<vmem_shared>> -> memref<64x16xf32, #tpu.memory_space<vmem_shared>>
      tpu.wait_dma2 semaphore(%run_scoped3A_169 : memref<!tpu.dma_semaphore, #tpu.memory_space<semaphore_mem>>) src(%dma_wait3A_176 : memref<64x16xf32, #tpu.memory_space<vmem_shared>>) dst(%arg15 : memref<64x16xf32, #tpu.memory_space<vmem>>)
      tpu.yield
    }) : () -> ()
    "tpu.region"() ({
      %run_scoped3A_169 = tpu.sem_alloc : memref<!tpu.dma_semaphore, #tpu.memory_space<semaphore_mem>>
      %dma_start3A_170 = arith.constant 0 : i32
      %dma_start3A_171 = arith.constant 0 : i32
      %dma_start3A_172 = tpu.memref_slice %arg9[%arg0, %dma_start3A_170, %dma_start3A_171] : memref<2x10240x16xf32, #tpu.memory_space<hbm>> -> memref<1x10240x16xf32, #tpu.memory_space<hbm>>
      %dma_start3A_173 = tpu.memref_squeeze %dma_start3A_172 : memref<1x10240x16xf32, #tpu.memory_space<hbm>> -> memref<10240x16xf32, #tpu.memory_space<hbm>>
      %dma_start3A_174 = arith.constant 0 : i32
      %dma_start3A_175 = tpu.memref_slice %dma_start3A_173[%add3A_140, %dma_start3A_174] : memref<10240x16xf32, #tpu.memory_space<hbm>> -> memref<64x16xf32, #tpu.memory_space<hbm>>
      %dma_start3A_176 = arith.constant 0 : i32
      %dma_start3A_177 = arith.constant 0 : i32
      %dma_start3A_178 = tpu.memref_slice %arg9[%arg0, %dma_start3A_176, %dma_start3A_177] : memref<2x10240x16xf32, #tpu.memory_space<hbm>> -> memref<1x10240x16xf32, #tpu.memory_space<hbm>>
      %dma_start3A_179 = tpu.memref_squeeze %dma_start3A_178 : memref<1x10240x16xf32, #tpu.memory_space<hbm>> -> memref<10240x16xf32, #tpu.memory_space<hbm>>
      %dma_start3A_180 = arith.constant 0 : i32
      %dma_start3A_181 = tpu.memref_slice %dma_start3A_179[%add3A_140, %dma_start3A_180] : memref<10240x16xf32, #tpu.memory_space<hbm>> -> memref<64x16xf32, #tpu.memory_space<hbm>>
      tpu.enqueue_dma source(%arg15 : memref<64x16xf32, #tpu.memory_space<vmem>>) target(%dma_start3A_181 : memref<64x16xf32, #tpu.memory_space<hbm>>) target_semaphore(%run_scoped3A_169 : memref<!tpu.dma_semaphore, #tpu.memory_space<semaphore_mem>>)
      %dma_wait3A = arith.constant 0 : i32
      %dma_wait3A_182 = arith.constant 0 : i32
      %dma_wait3A_183 = tpu.memref_slice %arg9[%arg0, %dma_wait3A, %dma_wait3A_182] : memref<2x10240x16xf32, #tpu.memory_space<hbm>> -> memref<1x10240x16xf32, #tpu.memory_space<hbm>>
      %dma_wait3A_184 = tpu.memref_squeeze %dma_wait3A_183 : memref<1x10240x16xf32, #tpu.memory_space<hbm>> -> memref<10240x16xf32, #tpu.memory_space<hbm>>
      %dma_wait3A_185 = arith.constant 0 : i32
      %dma_wait3A_186 = tpu.memref_slice %dma_wait3A_184[%add3A_140, %dma_wait3A_185] : memref<10240x16xf32, #tpu.memory_space<hbm>> -> memref<64x16xf32, #tpu.memory_space<hbm>>
      %dma_wait3A_187 = arith.constant 0 : i32
      %dma_wait3A_188 = arith.constant 0 : i32
      %dma_wait3A_189 = tpu.memref_slice %arg9[%arg0, %dma_wait3A_187, %dma_wait3A_188] : memref<2x10240x16xf32, #tpu.memory_space<hbm>> -> memref<1x10240x16xf32, #tpu.memory_space<hbm>>
      %dma_wait3A_190 = tpu.memref_squeeze %dma_wait3A_189 : memref<1x10240x16xf32, #tpu.memory_space<hbm>> -> memref<10240x16xf32, #tpu.memory_space<hbm>>
      %dma_wait3A_191 = arith.constant 0 : i32
      %dma_wait3A_192 = tpu.memref_slice %dma_wait3A_190[%add3A_140, %dma_wait3A_191] : memref<10240x16xf32, #tpu.memory_space<hbm>> -> memref<64x16xf32, #tpu.memory_space<hbm>>
      tpu.wait_dma2 semaphore(%run_scoped3A_169 : memref<!tpu.dma_semaphore, #tpu.memory_space<semaphore_mem>>) src(%arg15 : memref<64x16xf32, #tpu.memory_space<vmem>>) dst(%dma_wait3A_192 : memref<64x16xf32, #tpu.memory_space<hbm>>)
      tpu.yield
    }) : () -> ()
    %mul3A_141 = arith.constant 640 : i32
    %mul3A_142 = arith.muli %arg1, %mul3A_141 : i32
    %add3A_143 = arith.constant 192 : i32
    %add3A_144 = arith.addi %mul3A_142, %add3A_143 : i32
    "tpu.region"() ({
      %run_scoped3A_169 = tpu.sem_alloc : memref<!tpu.dma_semaphore, #tpu.memory_space<semaphore_mem>>
      %dma_start3A_170 = arith.constant 0 : i32
      %dma_start3A_171 = tpu.memref_slice %arg16[%add3A_144, %dma_start3A_170] : memref<10240x128xf32, #tpu.memory_space<vmem_shared>> -> memref<64x128xf32, #tpu.memory_space<vmem_shared>>
      %dma_start3A_172 = arith.constant 0 : i32
      %dma_start3A_173 = tpu.memref_slice %arg16[%add3A_144, %dma_start3A_172] : memref<10240x128xf32, #tpu.memory_space<vmem_shared>> -> memref<64x128xf32, #tpu.memory_space<vmem_shared>>
      tpu.enqueue_dma source(%dma_start3A_173 : memref<64x128xf32, #tpu.memory_space<vmem_shared>>) target(%arg13 : memref<64x128xf32, #tpu.memory_space<vmem>>) target_semaphore(%run_scoped3A_169 : memref<!tpu.dma_semaphore, #tpu.memory_space<semaphore_mem>>)
      %dma_wait3A = arith.constant 0 : i32
      %dma_wait3A_174 = tpu.memref_slice %arg16[%add3A_144, %dma_wait3A] : memref<10240x128xf32, #tpu.memory_space<vmem_shared>> -> memref<64x128xf32, #tpu.memory_space<vmem_shared>>
      %dma_wait3A_175 = arith.constant 0 : i32
      %dma_wait3A_176 = tpu.memref_slice %arg16[%add3A_144, %dma_wait3A_175] : memref<10240x128xf32, #tpu.memory_space<vmem_shared>> -> memref<64x128xf32, #tpu.memory_space<vmem_shared>>
      tpu.wait_dma2 semaphore(%run_scoped3A_169 : memref<!tpu.dma_semaphore, #tpu.memory_space<semaphore_mem>>) src(%dma_wait3A_176 : memref<64x128xf32, #tpu.memory_space<vmem_shared>>) dst(%arg13 : memref<64x128xf32, #tpu.memory_space<vmem>>)
      tpu.yield
    }) : () -> ()
    "tpu.region"() ({
      %run_scoped3A_169 = tpu.sem_alloc : memref<!tpu.dma_semaphore, #tpu.memory_space<semaphore_mem>>
      %dma_start3A_170 = arith.constant 0 : i32
      %dma_start3A_171 = arith.constant 0 : i32
      %dma_start3A_172 = tpu.memref_slice %arg8[%arg0, %dma_start3A_170, %dma_start3A_171] : memref<2x10240x128xf32, #tpu.memory_space<hbm>> -> memref<1x10240x128xf32, #tpu.memory_space<hbm>>
      %dma_start3A_173 = tpu.memref_squeeze %dma_start3A_172 : memref<1x10240x128xf32, #tpu.memory_space<hbm>> -> memref<10240x128xf32, #tpu.memory_space<hbm>>
      %dma_start3A_174 = arith.constant 0 : i32
      %dma_start3A_175 = tpu.memref_slice %dma_start3A_173[%add3A_144, %dma_start3A_174] : memref<10240x128xf32, #tpu.memory_space<hbm>> -> memref<64x128xf32, #tpu.memory_space<hbm>>
      %dma_start3A_176 = arith.constant 0 : i32
      %dma_start3A_177 = arith.constant 0 : i32
      %dma_start3A_178 = tpu.memref_slice %arg8[%arg0, %dma_start3A_176, %dma_start3A_177] : memref<2x10240x128xf32, #tpu.memory_space<hbm>> -> memref<1x10240x128xf32, #tpu.memory_space<hbm>>
      %dma_start3A_179 = tpu.memref_squeeze %dma_start3A_178 : memref<1x10240x128xf32, #tpu.memory_space<hbm>> -> memref<10240x128xf32, #tpu.memory_space<hbm>>
      %dma_start3A_180 = arith.constant 0 : i32
      %dma_start3A_181 = tpu.memref_slice %dma_start3A_179[%add3A_144, %dma_start3A_180] : memref<10240x128xf32, #tpu.memory_space<hbm>> -> memref<64x128xf32, #tpu.memory_space<hbm>>
      tpu.enqueue_dma source(%arg13 : memref<64x128xf32, #tpu.memory_space<vmem>>) target(%dma_start3A_181 : memref<64x128xf32, #tpu.memory_space<hbm>>) target_semaphore(%run_scoped3A_169 : memref<!tpu.dma_semaphore, #tpu.memory_space<semaphore_mem>>)
      %dma_wait3A = arith.constant 0 : i32
      %dma_wait3A_182 = arith.constant 0 : i32
      %dma_wait3A_183 = tpu.memref_slice %arg8[%arg0, %dma_wait3A, %dma_wait3A_182] : memref<2x10240x128xf32, #tpu.memory_space<hbm>> -> memref<1x10240x128xf32, #tpu.memory_space<hbm>>
      %dma_wait3A_184 = tpu.memref_squeeze %dma_wait3A_183 : memref<1x10240x128xf32, #tpu.memory_space<hbm>> -> memref<10240x128xf32, #tpu.memory_space<hbm>>
      %dma_wait3A_185 = arith.constant 0 : i32
      %dma_wait3A_186 = tpu.memref_slice %dma_wait3A_184[%add3A_144, %dma_wait3A_185] : memref<10240x128xf32, #tpu.memory_space<hbm>> -> memref<64x128xf32, #tpu.memory_space<hbm>>
      %dma_wait3A_187 = arith.constant 0 : i32
      %dma_wait3A_188 = arith.constant 0 : i32
      %dma_wait3A_189 = tpu.memref_slice %arg8[%arg0, %dma_wait3A_187, %dma_wait3A_188] : memref<2x10240x128xf32, #tpu.memory_space<hbm>> -> memref<1x10240x128xf32, #tpu.memory_space<hbm>>
      %dma_wait3A_190 = tpu.memref_squeeze %dma_wait3A_189 : memref<1x10240x128xf32, #tpu.memory_space<hbm>> -> memref<10240x128xf32, #tpu.memory_space<hbm>>
      %dma_wait3A_191 = arith.constant 0 : i32
      %dma_wait3A_192 = tpu.memref_slice %dma_wait3A_190[%add3A_144, %dma_wait3A_191] : memref<10240x128xf32, #tpu.memory_space<hbm>> -> memref<64x128xf32, #tpu.memory_space<hbm>>
      tpu.wait_dma2 semaphore(%run_scoped3A_169 : memref<!tpu.dma_semaphore, #tpu.memory_space<semaphore_mem>>) src(%arg13 : memref<64x128xf32, #tpu.memory_space<vmem>>) dst(%dma_wait3A_192 : memref<64x128xf32, #tpu.memory_space<hbm>>)
      tpu.yield
    }) : () -> ()
    "tpu.region"() ({
      %run_scoped3A_169 = tpu.sem_alloc : memref<!tpu.dma_semaphore, #tpu.memory_space<semaphore_mem>>
      %dma_start3A_170 = arith.constant 0 : i32
      %dma_start3A_171 = tpu.memref_slice %arg17[%add3A_144, %dma_start3A_170] : memref<10240x16xf32, #tpu.memory_space<vmem_shared>> -> memref<64x16xf32, #tpu.memory_space<vmem_shared>>
      %dma_start3A_172 = arith.constant 0 : i32
      %dma_start3A_173 = tpu.memref_slice %arg17[%add3A_144, %dma_start3A_172] : memref<10240x16xf32, #tpu.memory_space<vmem_shared>> -> memref<64x16xf32, #tpu.memory_space<vmem_shared>>
      tpu.enqueue_dma source(%dma_start3A_173 : memref<64x16xf32, #tpu.memory_space<vmem_shared>>) target(%arg15 : memref<64x16xf32, #tpu.memory_space<vmem>>) target_semaphore(%run_scoped3A_169 : memref<!tpu.dma_semaphore, #tpu.memory_space<semaphore_mem>>)
      %dma_wait3A = arith.constant 0 : i32
      %dma_wait3A_174 = tpu.memref_slice %arg17[%add3A_144, %dma_wait3A] : memref<10240x16xf32, #tpu.memory_space<vmem_shared>> -> memref<64x16xf32, #tpu.memory_space<vmem_shared>>
      %dma_wait3A_175 = arith.constant 0 : i32
      %dma_wait3A_176 = tpu.memref_slice %arg17[%add3A_144, %dma_wait3A_175] : memref<10240x16xf32, #tpu.memory_space<vmem_shared>> -> memref<64x16xf32, #tpu.memory_space<vmem_shared>>
      tpu.wait_dma2 semaphore(%run_scoped3A_169 : memref<!tpu.dma_semaphore, #tpu.memory_space<semaphore_mem>>) src(%dma_wait3A_176 : memref<64x16xf32, #tpu.memory_space<vmem_shared>>) dst(%arg15 : memref<64x16xf32, #tpu.memory_space<vmem>>)
      tpu.yield
    }) : () -> ()
    "tpu.region"() ({
      %run_scoped3A_169 = tpu.sem_alloc : memref<!tpu.dma_semaphore, #tpu.memory_space<semaphore_mem>>
      %dma_start3A_170 = arith.constant 0 : i32
      %dma_start3A_171 = arith.constant 0 : i32
      %dma_start3A_172 = tpu.memref_slice %arg9[%arg0, %dma_start3A_170, %dma_start3A_171] : memref<2x10240x16xf32, #tpu.memory_space<hbm>> -> memref<1x10240x16xf32, #tpu.memory_space<hbm>>
      %dma_start3A_173 = tpu.memref_squeeze %dma_start3A_172 : memref<1x10240x16xf32, #tpu.memory_space<hbm>> -> memref<10240x16xf32, #tpu.memory_space<hbm>>
      %dma_start3A_174 = arith.constant 0 : i32
      %dma_start3A_175 = tpu.memref_slice %dma_start3A_173[%add3A_144, %dma_start3A_174] : memref<10240x16xf32, #tpu.memory_space<hbm>> -> memref<64x16xf32, #tpu.memory_space<hbm>>
      %dma_start3A_176 = arith.constant 0 : i32
      %dma_start3A_177 = arith.constant 0 : i32
      %dma_start3A_178 = tpu.memref_slice %arg9[%arg0, %dma_start3A_176, %dma_start3A_177] : memref<2x10240x16xf32, #tpu.memory_space<hbm>> -> memref<1x10240x16xf32, #tpu.memory_space<hbm>>
      %dma_start3A_179 = tpu.memref_squeeze %dma_start3A_178 : memref<1x10240x16xf32, #tpu.memory_space<hbm>> -> memref<10240x16xf32, #tpu.memory_space<hbm>>
      %dma_start3A_180 = arith.constant 0 : i32
      %dma_start3A_181 = tpu.memref_slice %dma_start3A_179[%add3A_144, %dma_start3A_180] : memref<10240x16xf32, #tpu.memory_space<hbm>> -> memref<64x16xf32, #tpu.memory_space<hbm>>
      tpu.enqueue_dma source(%arg15 : memref<64x16xf32, #tpu.memory_space<vmem>>) target(%dma_start3A_181 : memref<64x16xf32, #tpu.memory_space<hbm>>) target_semaphore(%run_scoped3A_169 : memref<!tpu.dma_semaphore, #tpu.memory_space<semaphore_mem>>)
      %dma_wait3A = arith.constant 0 : i32
      %dma_wait3A_182 = arith.constant 0 : i32
      %dma_wait3A_183 = tpu.memref_slice %arg9[%arg0, %dma_wait3A, %dma_wait3A_182] : memref<2x10240x16xf32, #tpu.memory_space<hbm>> -> memref<1x10240x16xf32, #tpu.memory_space<hbm>>
      %dma_wait3A_184 = tpu.memref_squeeze %dma_wait3A_183 : memref<1x10240x16xf32, #tpu.memory_space<hbm>> -> memref<10240x16xf32, #tpu.memory_space<hbm>>
      %dma_wait3A_185 = arith.constant 0 : i32
      %dma_wait3A_186 = tpu.memref_slice %dma_wait3A_184[%add3A_144, %dma_wait3A_185] : memref<10240x16xf32, #tpu.memory_space<hbm>> -> memref<64x16xf32, #tpu.memory_space<hbm>>
      %dma_wait3A_187 = arith.constant 0 : i32
      %dma_wait3A_188 = arith.constant 0 : i32
      %dma_wait3A_189 = tpu.memref_slice %arg9[%arg0, %dma_wait3A_187, %dma_wait3A_188] : memref<2x10240x16xf32, #tpu.memory_space<hbm>> -> memref<1x10240x16xf32, #tpu.memory_space<hbm>>
      %dma_wait3A_190 = tpu.memref_squeeze %dma_wait3A_189 : memref<1x10240x16xf32, #tpu.memory_space<hbm>> -> memref<10240x16xf32, #tpu.memory_space<hbm>>
      %dma_wait3A_191 = arith.constant 0 : i32
      %dma_wait3A_192 = tpu.memref_slice %dma_wait3A_190[%add3A_144, %dma_wait3A_191] : memref<10240x16xf32, #tpu.memory_space<hbm>> -> memref<64x16xf32, #tpu.memory_space<hbm>>
      tpu.wait_dma2 semaphore(%run_scoped3A_169 : memref<!tpu.dma_semaphore, #tpu.memory_space<semaphore_mem>>) src(%arg15 : memref<64x16xf32, #tpu.memory_space<vmem>>) dst(%dma_wait3A_192 : memref<64x16xf32, #tpu.memory_space<hbm>>)
      tpu.yield
    }) : () -> ()
    %mul3A_145 = arith.constant 640 : i32
    %mul3A_146 = arith.muli %arg1, %mul3A_145 : i32
    %add3A_147 = arith.constant 256 : i32
    %add3A_148 = arith.addi %mul3A_146, %add3A_147 : i32
    "tpu.region"() ({
      %run_scoped3A_169 = tpu.sem_alloc : memref<!tpu.dma_semaphore, #tpu.memory_space<semaphore_mem>>
      %dma_start3A_170 = arith.constant 0 : i32
      %dma_start3A_171 = tpu.memref_slice %arg16[%add3A_148, %dma_start3A_170] : memref<10240x128xf32, #tpu.memory_space<vmem_shared>> -> memref<64x128xf32, #tpu.memory_space<vmem_shared>>
      %dma_start3A_172 = arith.constant 0 : i32
      %dma_start3A_173 = tpu.memref_slice %arg16[%add3A_148, %dma_start3A_172] : memref<10240x128xf32, #tpu.memory_space<vmem_shared>> -> memref<64x128xf32, #tpu.memory_space<vmem_shared>>
      tpu.enqueue_dma source(%dma_start3A_173 : memref<64x128xf32, #tpu.memory_space<vmem_shared>>) target(%arg13 : memref<64x128xf32, #tpu.memory_space<vmem>>) target_semaphore(%run_scoped3A_169 : memref<!tpu.dma_semaphore, #tpu.memory_space<semaphore_mem>>)
      %dma_wait3A = arith.constant 0 : i32
      %dma_wait3A_174 = tpu.memref_slice %arg16[%add3A_148, %dma_wait3A] : memref<10240x128xf32, #tpu.memory_space<vmem_shared>> -> memref<64x128xf32, #tpu.memory_space<vmem_shared>>
      %dma_wait3A_175 = arith.constant 0 : i32
      %dma_wait3A_176 = tpu.memref_slice %arg16[%add3A_148, %dma_wait3A_175] : memref<10240x128xf32, #tpu.memory_space<vmem_shared>> -> memref<64x128xf32, #tpu.memory_space<vmem_shared>>
      tpu.wait_dma2 semaphore(%run_scoped3A_169 : memref<!tpu.dma_semaphore, #tpu.memory_space<semaphore_mem>>) src(%dma_wait3A_176 : memref<64x128xf32, #tpu.memory_space<vmem_shared>>) dst(%arg13 : memref<64x128xf32, #tpu.memory_space<vmem>>)
      tpu.yield
    }) : () -> ()
    "tpu.region"() ({
      %run_scoped3A_169 = tpu.sem_alloc : memref<!tpu.dma_semaphore, #tpu.memory_space<semaphore_mem>>
      %dma_start3A_170 = arith.constant 0 : i32
      %dma_start3A_171 = arith.constant 0 : i32
      %dma_start3A_172 = tpu.memref_slice %arg8[%arg0, %dma_start3A_170, %dma_start3A_171] : memref<2x10240x128xf32, #tpu.memory_space<hbm>> -> memref<1x10240x128xf32, #tpu.memory_space<hbm>>
      %dma_start3A_173 = tpu.memref_squeeze %dma_start3A_172 : memref<1x10240x128xf32, #tpu.memory_space<hbm>> -> memref<10240x128xf32, #tpu.memory_space<hbm>>
      %dma_start3A_174 = arith.constant 0 : i32
      %dma_start3A_175 = tpu.memref_slice %dma_start3A_173[%add3A_148, %dma_start3A_174] : memref<10240x128xf32, #tpu.memory_space<hbm>> -> memref<64x128xf32, #tpu.memory_space<hbm>>
      %dma_start3A_176 = arith.constant 0 : i32
      %dma_start3A_177 = arith.constant 0 : i32
      %dma_start3A_178 = tpu.memref_slice %arg8[%arg0, %dma_start3A_176, %dma_start3A_177] : memref<2x10240x128xf32, #tpu.memory_space<hbm>> -> memref<1x10240x128xf32, #tpu.memory_space<hbm>>
      %dma_start3A_179 = tpu.memref_squeeze %dma_start3A_178 : memref<1x10240x128xf32, #tpu.memory_space<hbm>> -> memref<10240x128xf32, #tpu.memory_space<hbm>>
      %dma_start3A_180 = arith.constant 0 : i32
      %dma_start3A_181 = tpu.memref_slice %dma_start3A_179[%add3A_148, %dma_start3A_180] : memref<10240x128xf32, #tpu.memory_space<hbm>> -> memref<64x128xf32, #tpu.memory_space<hbm>>
      tpu.enqueue_dma source(%arg13 : memref<64x128xf32, #tpu.memory_space<vmem>>) target(%dma_start3A_181 : memref<64x128xf32, #tpu.memory_space<hbm>>) target_semaphore(%run_scoped3A_169 : memref<!tpu.dma_semaphore, #tpu.memory_space<semaphore_mem>>)
      %dma_wait3A = arith.constant 0 : i32
      %dma_wait3A_182 = arith.constant 0 : i32
      %dma_wait3A_183 = tpu.memref_slice %arg8[%arg0, %dma_wait3A, %dma_wait3A_182] : memref<2x10240x128xf32, #tpu.memory_space<hbm>> -> memref<1x10240x128xf32, #tpu.memory_space<hbm>>
      %dma_wait3A_184 = tpu.memref_squeeze %dma_wait3A_183 : memref<1x10240x128xf32, #tpu.memory_space<hbm>> -> memref<10240x128xf32, #tpu.memory_space<hbm>>
      %dma_wait3A_185 = arith.constant 0 : i32
      %dma_wait3A_186 = tpu.memref_slice %dma_wait3A_184[%add3A_148, %dma_wait3A_185] : memref<10240x128xf32, #tpu.memory_space<hbm>> -> memref<64x128xf32, #tpu.memory_space<hbm>>
      %dma_wait3A_187 = arith.constant 0 : i32
      %dma_wait3A_188 = arith.constant 0 : i32
      %dma_wait3A_189 = tpu.memref_slice %arg8[%arg0, %dma_wait3A_187, %dma_wait3A_188] : memref<2x10240x128xf32, #tpu.memory_space<hbm>> -> memref<1x10240x128xf32, #tpu.memory_space<hbm>>
      %dma_wait3A_190 = tpu.memref_squeeze %dma_wait3A_189 : memref<1x10240x128xf32, #tpu.memory_space<hbm>> -> memref<10240x128xf32, #tpu.memory_space<hbm>>
      %dma_wait3A_191 = arith.constant 0 : i32
      %dma_wait3A_192 = tpu.memref_slice %dma_wait3A_190[%add3A_148, %dma_wait3A_191] : memref<10240x128xf32, #tpu.memory_space<hbm>> -> memref<64x128xf32, #tpu.memory_space<hbm>>
      tpu.wait_dma2 semaphore(%run_scoped3A_169 : memref<!tpu.dma_semaphore, #tpu.memory_space<semaphore_mem>>) src(%arg13 : memref<64x128xf32, #tpu.memory_space<vmem>>) dst(%dma_wait3A_192 : memref<64x128xf32, #tpu.memory_space<hbm>>)
      tpu.yield
    }) : () -> ()
    "tpu.region"() ({
      %run_scoped3A_169 = tpu.sem_alloc : memref<!tpu.dma_semaphore, #tpu.memory_space<semaphore_mem>>
      %dma_start3A_170 = arith.constant 0 : i32
      %dma_start3A_171 = tpu.memref_slice %arg17[%add3A_148, %dma_start3A_170] : memref<10240x16xf32, #tpu.memory_space<vmem_shared>> -> memref<64x16xf32, #tpu.memory_space<vmem_shared>>
      %dma_start3A_172 = arith.constant 0 : i32
      %dma_start3A_173 = tpu.memref_slice %arg17[%add3A_148, %dma_start3A_172] : memref<10240x16xf32, #tpu.memory_space<vmem_shared>> -> memref<64x16xf32, #tpu.memory_space<vmem_shared>>
      tpu.enqueue_dma source(%dma_start3A_173 : memref<64x16xf32, #tpu.memory_space<vmem_shared>>) target(%arg15 : memref<64x16xf32, #tpu.memory_space<vmem>>) target_semaphore(%run_scoped3A_169 : memref<!tpu.dma_semaphore, #tpu.memory_space<semaphore_mem>>)
      %dma_wait3A = arith.constant 0 : i32
      %dma_wait3A_174 = tpu.memref_slice %arg17[%add3A_148, %dma_wait3A] : memref<10240x16xf32, #tpu.memory_space<vmem_shared>> -> memref<64x16xf32, #tpu.memory_space<vmem_shared>>
      %dma_wait3A_175 = arith.constant 0 : i32
      %dma_wait3A_176 = tpu.memref_slice %arg17[%add3A_148, %dma_wait3A_175] : memref<10240x16xf32, #tpu.memory_space<vmem_shared>> -> memref<64x16xf32, #tpu.memory_space<vmem_shared>>
      tpu.wait_dma2 semaphore(%run_scoped3A_169 : memref<!tpu.dma_semaphore, #tpu.memory_space<semaphore_mem>>) src(%dma_wait3A_176 : memref<64x16xf32, #tpu.memory_space<vmem_shared>>) dst(%arg15 : memref<64x16xf32, #tpu.memory_space<vmem>>)
      tpu.yield
    }) : () -> ()
    "tpu.region"() ({
      %run_scoped3A_169 = tpu.sem_alloc : memref<!tpu.dma_semaphore, #tpu.memory_space<semaphore_mem>>
      %dma_start3A_170 = arith.constant 0 : i32
      %dma_start3A_171 = arith.constant 0 : i32
      %dma_start3A_172 = tpu.memref_slice %arg9[%arg0, %dma_start3A_170, %dma_start3A_171] : memref<2x10240x16xf32, #tpu.memory_space<hbm>> -> memref<1x10240x16xf32, #tpu.memory_space<hbm>>
      %dma_start3A_173 = tpu.memref_squeeze %dma_start3A_172 : memref<1x10240x16xf32, #tpu.memory_space<hbm>> -> memref<10240x16xf32, #tpu.memory_space<hbm>>
      %dma_start3A_174 = arith.constant 0 : i32
      %dma_start3A_175 = tpu.memref_slice %dma_start3A_173[%add3A_148, %dma_start3A_174] : memref<10240x16xf32, #tpu.memory_space<hbm>> -> memref<64x16xf32, #tpu.memory_space<hbm>>
      %dma_start3A_176 = arith.constant 0 : i32
      %dma_start3A_177 = arith.constant 0 : i32
      %dma_start3A_178 = tpu.memref_slice %arg9[%arg0, %dma_start3A_176, %dma_start3A_177] : memref<2x10240x16xf32, #tpu.memory_space<hbm>> -> memref<1x10240x16xf32, #tpu.memory_space<hbm>>
      %dma_start3A_179 = tpu.memref_squeeze %dma_start3A_178 : memref<1x10240x16xf32, #tpu.memory_space<hbm>> -> memref<10240x16xf32, #tpu.memory_space<hbm>>
      %dma_start3A_180 = arith.constant 0 : i32
      %dma_start3A_181 = tpu.memref_slice %dma_start3A_179[%add3A_148, %dma_start3A_180] : memref<10240x16xf32, #tpu.memory_space<hbm>> -> memref<64x16xf32, #tpu.memory_space<hbm>>
      tpu.enqueue_dma source(%arg15 : memref<64x16xf32, #tpu.memory_space<vmem>>) target(%dma_start3A_181 : memref<64x16xf32, #tpu.memory_space<hbm>>) target_semaphore(%run_scoped3A_169 : memref<!tpu.dma_semaphore, #tpu.memory_space<semaphore_mem>>)
      %dma_wait3A = arith.constant 0 : i32
      %dma_wait3A_182 = arith.constant 0 : i32
      %dma_wait3A_183 = tpu.memref_slice %arg9[%arg0, %dma_wait3A, %dma_wait3A_182] : memref<2x10240x16xf32, #tpu.memory_space<hbm>> -> memref<1x10240x16xf32, #tpu.memory_space<hbm>>
      %dma_wait3A_184 = tpu.memref_squeeze %dma_wait3A_183 : memref<1x10240x16xf32, #tpu.memory_space<hbm>> -> memref<10240x16xf32, #tpu.memory_space<hbm>>
      %dma_wait3A_185 = arith.constant 0 : i32
      %dma_wait3A_186 = tpu.memref_slice %dma_wait3A_184[%add3A_148, %dma_wait3A_185] : memref<10240x16xf32, #tpu.memory_space<hbm>> -> memref<64x16xf32, #tpu.memory_space<hbm>>
      %dma_wait3A_187 = arith.constant 0 : i32
      %dma_wait3A_188 = arith.constant 0 : i32
      %dma_wait3A_189 = tpu.memref_slice %arg9[%arg0, %dma_wait3A_187, %dma_wait3A_188] : memref<2x10240x16xf32, #tpu.memory_space<hbm>> -> memref<1x10240x16xf32, #tpu.memory_space<hbm>>
      %dma_wait3A_190 = tpu.memref_squeeze %dma_wait3A_189 : memref<1x10240x16xf32, #tpu.memory_space<hbm>> -> memref<10240x16xf32, #tpu.memory_space<hbm>>
      %dma_wait3A_191 = arith.constant 0 : i32
      %dma_wait3A_192 = tpu.memref_slice %dma_wait3A_190[%add3A_148, %dma_wait3A_191] : memref<10240x16xf32, #tpu.memory_space<hbm>> -> memref<64x16xf32, #tpu.memory_space<hbm>>
      tpu.wait_dma2 semaphore(%run_scoped3A_169 : memref<!tpu.dma_semaphore, #tpu.memory_space<semaphore_mem>>) src(%arg15 : memref<64x16xf32, #tpu.memory_space<vmem>>) dst(%dma_wait3A_192 : memref<64x16xf32, #tpu.memory_space<hbm>>)
      tpu.yield
    }) : () -> ()
    %mul3A_149 = arith.constant 640 : i32
    %mul3A_150 = arith.muli %arg1, %mul3A_149 : i32
    %add3A_151 = arith.constant 320 : i32
    %add3A_152 = arith.addi %mul3A_150, %add3A_151 : i32
    "tpu.region"() ({
      %run_scoped3A_169 = tpu.sem_alloc : memref<!tpu.dma_semaphore, #tpu.memory_space<semaphore_mem>>
      %dma_start3A_170 = arith.constant 0 : i32
      %dma_start3A_171 = tpu.memref_slice %arg16[%add3A_152, %dma_start3A_170] : memref<10240x128xf32, #tpu.memory_space<vmem_shared>> -> memref<64x128xf32, #tpu.memory_space<vmem_shared>>
      %dma_start3A_172 = arith.constant 0 : i32
      %dma_start3A_173 = tpu.memref_slice %arg16[%add3A_152, %dma_start3A_172] : memref<10240x128xf32, #tpu.memory_space<vmem_shared>> -> memref<64x128xf32, #tpu.memory_space<vmem_shared>>
      tpu.enqueue_dma source(%dma_start3A_173 : memref<64x128xf32, #tpu.memory_space<vmem_shared>>) target(%arg13 : memref<64x128xf32, #tpu.memory_space<vmem>>) target_semaphore(%run_scoped3A_169 : memref<!tpu.dma_semaphore, #tpu.memory_space<semaphore_mem>>)
      %dma_wait3A = arith.constant 0 : i32
      %dma_wait3A_174 = tpu.memref_slice %arg16[%add3A_152, %dma_wait3A] : memref<10240x128xf32, #tpu.memory_space<vmem_shared>> -> memref<64x128xf32, #tpu.memory_space<vmem_shared>>
      %dma_wait3A_175 = arith.constant 0 : i32
      %dma_wait3A_176 = tpu.memref_slice %arg16[%add3A_152, %dma_wait3A_175] : memref<10240x128xf32, #tpu.memory_space<vmem_shared>> -> memref<64x128xf32, #tpu.memory_space<vmem_shared>>
      tpu.wait_dma2 semaphore(%run_scoped3A_169 : memref<!tpu.dma_semaphore, #tpu.memory_space<semaphore_mem>>) src(%dma_wait3A_176 : memref<64x128xf32, #tpu.memory_space<vmem_shared>>) dst(%arg13 : memref<64x128xf32, #tpu.memory_space<vmem>>)
      tpu.yield
    }) : () -> ()
    "tpu.region"() ({
      %run_scoped3A_169 = tpu.sem_alloc : memref<!tpu.dma_semaphore, #tpu.memory_space<semaphore_mem>>
      %dma_start3A_170 = arith.constant 0 : i32
      %dma_start3A_171 = arith.constant 0 : i32
      %dma_start3A_172 = tpu.memref_slice %arg8[%arg0, %dma_start3A_170, %dma_start3A_171] : memref<2x10240x128xf32, #tpu.memory_space<hbm>> -> memref<1x10240x128xf32, #tpu.memory_space<hbm>>
      %dma_start3A_173 = tpu.memref_squeeze %dma_start3A_172 : memref<1x10240x128xf32, #tpu.memory_space<hbm>> -> memref<10240x128xf32, #tpu.memory_space<hbm>>
      %dma_start3A_174 = arith.constant 0 : i32
      %dma_start3A_175 = tpu.memref_slice %dma_start3A_173[%add3A_152, %dma_start3A_174] : memref<10240x128xf32, #tpu.memory_space<hbm>> -> memref<64x128xf32, #tpu.memory_space<hbm>>
      %dma_start3A_176 = arith.constant 0 : i32
      %dma_start3A_177 = arith.constant 0 : i32
      %dma_start3A_178 = tpu.memref_slice %arg8[%arg0, %dma_start3A_176, %dma_start3A_177] : memref<2x10240x128xf32, #tpu.memory_space<hbm>> -> memref<1x10240x128xf32, #tpu.memory_space<hbm>>
      %dma_start3A_179 = tpu.memref_squeeze %dma_start3A_178 : memref<1x10240x128xf32, #tpu.memory_space<hbm>> -> memref<10240x128xf32, #tpu.memory_space<hbm>>
      %dma_start3A_180 = arith.constant 0 : i32
      %dma_start3A_181 = tpu.memref_slice %dma_start3A_179[%add3A_152, %dma_start3A_180] : memref<10240x128xf32, #tpu.memory_space<hbm>> -> memref<64x128xf32, #tpu.memory_space<hbm>>
      tpu.enqueue_dma source(%arg13 : memref<64x128xf32, #tpu.memory_space<vmem>>) target(%dma_start3A_181 : memref<64x128xf32, #tpu.memory_space<hbm>>) target_semaphore(%run_scoped3A_169 : memref<!tpu.dma_semaphore, #tpu.memory_space<semaphore_mem>>)
      %dma_wait3A = arith.constant 0 : i32
      %dma_wait3A_182 = arith.constant 0 : i32
      %dma_wait3A_183 = tpu.memref_slice %arg8[%arg0, %dma_wait3A, %dma_wait3A_182] : memref<2x10240x128xf32, #tpu.memory_space<hbm>> -> memref<1x10240x128xf32, #tpu.memory_space<hbm>>
      %dma_wait3A_184 = tpu.memref_squeeze %dma_wait3A_183 : memref<1x10240x128xf32, #tpu.memory_space<hbm>> -> memref<10240x128xf32, #tpu.memory_space<hbm>>
      %dma_wait3A_185 = arith.constant 0 : i32
      %dma_wait3A_186 = tpu.memref_slice %dma_wait3A_184[%add3A_152, %dma_wait3A_185] : memref<10240x128xf32, #tpu.memory_space<hbm>> -> memref<64x128xf32, #tpu.memory_space<hbm>>
      %dma_wait3A_187 = arith.constant 0 : i32
      %dma_wait3A_188 = arith.constant 0 : i32
      %dma_wait3A_189 = tpu.memref_slice %arg8[%arg0, %dma_wait3A_187, %dma_wait3A_188] : memref<2x10240x128xf32, #tpu.memory_space<hbm>> -> memref<1x10240x128xf32, #tpu.memory_space<hbm>>
      %dma_wait3A_190 = tpu.memref_squeeze %dma_wait3A_189 : memref<1x10240x128xf32, #tpu.memory_space<hbm>> -> memref<10240x128xf32, #tpu.memory_space<hbm>>
      %dma_wait3A_191 = arith.constant 0 : i32
      %dma_wait3A_192 = tpu.memref_slice %dma_wait3A_190[%add3A_152, %dma_wait3A_191] : memref<10240x128xf32, #tpu.memory_space<hbm>> -> memref<64x128xf32, #tpu.memory_space<hbm>>
      tpu.wait_dma2 semaphore(%run_scoped3A_169 : memref<!tpu.dma_semaphore, #tpu.memory_space<semaphore_mem>>) src(%arg13 : memref<64x128xf32, #tpu.memory_space<vmem>>) dst(%dma_wait3A_192 : memref<64x128xf32, #tpu.memory_space<hbm>>)
      tpu.yield
    }) : () -> ()
    "tpu.region"() ({
      %run_scoped3A_169 = tpu.sem_alloc : memref<!tpu.dma_semaphore, #tpu.memory_space<semaphore_mem>>
      %dma_start3A_170 = arith.constant 0 : i32
      %dma_start3A_171 = tpu.memref_slice %arg17[%add3A_152, %dma_start3A_170] : memref<10240x16xf32, #tpu.memory_space<vmem_shared>> -> memref<64x16xf32, #tpu.memory_space<vmem_shared>>
      %dma_start3A_172 = arith.constant 0 : i32
      %dma_start3A_173 = tpu.memref_slice %arg17[%add3A_152, %dma_start3A_172] : memref<10240x16xf32, #tpu.memory_space<vmem_shared>> -> memref<64x16xf32, #tpu.memory_space<vmem_shared>>
      tpu.enqueue_dma source(%dma_start3A_173 : memref<64x16xf32, #tpu.memory_space<vmem_shared>>) target(%arg15 : memref<64x16xf32, #tpu.memory_space<vmem>>) target_semaphore(%run_scoped3A_169 : memref<!tpu.dma_semaphore, #tpu.memory_space<semaphore_mem>>)
      %dma_wait3A = arith.constant 0 : i32
      %dma_wait3A_174 = tpu.memref_slice %arg17[%add3A_152, %dma_wait3A] : memref<10240x16xf32, #tpu.memory_space<vmem_shared>> -> memref<64x16xf32, #tpu.memory_space<vmem_shared>>
      %dma_wait3A_175 = arith.constant 0 : i32
      %dma_wait3A_176 = tpu.memref_slice %arg17[%add3A_152, %dma_wait3A_175] : memref<10240x16xf32, #tpu.memory_space<vmem_shared>> -> memref<64x16xf32, #tpu.memory_space<vmem_shared>>
      tpu.wait_dma2 semaphore(%run_scoped3A_169 : memref<!tpu.dma_semaphore, #tpu.memory_space<semaphore_mem>>) src(%dma_wait3A_176 : memref<64x16xf32, #tpu.memory_space<vmem_shared>>) dst(%arg15 : memref<64x16xf32, #tpu.memory_space<vmem>>)
      tpu.yield
    }) : () -> ()
    "tpu.region"() ({
      %run_scoped3A_169 = tpu.sem_alloc : memref<!tpu.dma_semaphore, #tpu.memory_space<semaphore_mem>>
      %dma_start3A_170 = arith.constant 0 : i32
      %dma_start3A_171 = arith.constant 0 : i32
      %dma_start3A_172 = tpu.memref_slice %arg9[%arg0, %dma_start3A_170, %dma_start3A_171] : memref<2x10240x16xf32, #tpu.memory_space<hbm>> -> memref<1x10240x16xf32, #tpu.memory_space<hbm>>
      %dma_start3A_173 = tpu.memref_squeeze %dma_start3A_172 : memref<1x10240x16xf32, #tpu.memory_space<hbm>> -> memref<10240x16xf32, #tpu.memory_space<hbm>>
      %dma_start3A_174 = arith.constant 0 : i32
      %dma_start3A_175 = tpu.memref_slice %dma_start3A_173[%add3A_152, %dma_start3A_174] : memref<10240x16xf32, #tpu.memory_space<hbm>> -> memref<64x16xf32, #tpu.memory_space<hbm>>
      %dma_start3A_176 = arith.constant 0 : i32
      %dma_start3A_177 = arith.constant 0 : i32
      %dma_start3A_178 = tpu.memref_slice %arg9[%arg0, %dma_start3A_176, %dma_start3A_177] : memref<2x10240x16xf32, #tpu.memory_space<hbm>> -> memref<1x10240x16xf32, #tpu.memory_space<hbm>>
      %dma_start3A_179 = tpu.memref_squeeze %dma_start3A_178 : memref<1x10240x16xf32, #tpu.memory_space<hbm>> -> memref<10240x16xf32, #tpu.memory_space<hbm>>
      %dma_start3A_180 = arith.constant 0 : i32
      %dma_start3A_181 = tpu.memref_slice %dma_start3A_179[%add3A_152, %dma_start3A_180] : memref<10240x16xf32, #tpu.memory_space<hbm>> -> memref<64x16xf32, #tpu.memory_space<hbm>>
      tpu.enqueue_dma source(%arg15 : memref<64x16xf32, #tpu.memory_space<vmem>>) target(%dma_start3A_181 : memref<64x16xf32, #tpu.memory_space<hbm>>) target_semaphore(%run_scoped3A_169 : memref<!tpu.dma_semaphore, #tpu.memory_space<semaphore_mem>>)
      %dma_wait3A = arith.constant 0 : i32
      %dma_wait3A_182 = arith.constant 0 : i32
      %dma_wait3A_183 = tpu.memref_slice %arg9[%arg0, %dma_wait3A, %dma_wait3A_182] : memref<2x10240x16xf32, #tpu.memory_space<hbm>> -> memref<1x10240x16xf32, #tpu.memory_space<hbm>>
      %dma_wait3A_184 = tpu.memref_squeeze %dma_wait3A_183 : memref<1x10240x16xf32, #tpu.memory_space<hbm>> -> memref<10240x16xf32, #tpu.memory_space<hbm>>
      %dma_wait3A_185 = arith.constant 0 : i32
      %dma_wait3A_186 = tpu.memref_slice %dma_wait3A_184[%add3A_152, %dma_wait3A_185] : memref<10240x16xf32, #tpu.memory_space<hbm>> -> memref<64x16xf32, #tpu.memory_space<hbm>>
      %dma_wait3A_187 = arith.constant 0 : i32
      %dma_wait3A_188 = arith.constant 0 : i32
      %dma_wait3A_189 = tpu.memref_slice %arg9[%arg0, %dma_wait3A_187, %dma_wait3A_188] : memref<2x10240x16xf32, #tpu.memory_space<hbm>> -> memref<1x10240x16xf32, #tpu.memory_space<hbm>>
      %dma_wait3A_190 = tpu.memref_squeeze %dma_wait3A_189 : memref<1x10240x16xf32, #tpu.memory_space<hbm>> -> memref<10240x16xf32, #tpu.memory_space<hbm>>
      %dma_wait3A_191 = arith.constant 0 : i32
      %dma_wait3A_192 = tpu.memref_slice %dma_wait3A_190[%add3A_152, %dma_wait3A_191] : memref<10240x16xf32, #tpu.memory_space<hbm>> -> memref<64x16xf32, #tpu.memory_space<hbm>>
      tpu.wait_dma2 semaphore(%run_scoped3A_169 : memref<!tpu.dma_semaphore, #tpu.memory_space<semaphore_mem>>) src(%arg15 : memref<64x16xf32, #tpu.memory_space<vmem>>) dst(%dma_wait3A_192 : memref<64x16xf32, #tpu.memory_space<hbm>>)
      tpu.yield
    }) : () -> ()
    %mul3A_153 = arith.constant 640 : i32
    %mul3A_154 = arith.muli %arg1, %mul3A_153 : i32
    %add3A_155 = arith.constant 384 : i32
    %add3A_156 = arith.addi %mul3A_154, %add3A_155 : i32
    "tpu.region"() ({
      %run_scoped3A_169 = tpu.sem_alloc : memref<!tpu.dma_semaphore, #tpu.memory_space<semaphore_mem>>
      %dma_start3A_170 = arith.constant 0 : i32
      %dma_start3A_171 = tpu.memref_slice %arg16[%add3A_156, %dma_start3A_170] : memref<10240x128xf32, #tpu.memory_space<vmem_shared>> -> memref<64x128xf32, #tpu.memory_space<vmem_shared>>
      %dma_start3A_172 = arith.constant 0 : i32
      %dma_start3A_173 = tpu.memref_slice %arg16[%add3A_156, %dma_start3A_172] : memref<10240x128xf32, #tpu.memory_space<vmem_shared>> -> memref<64x128xf32, #tpu.memory_space<vmem_shared>>
      tpu.enqueue_dma source(%dma_start3A_173 : memref<64x128xf32, #tpu.memory_space<vmem_shared>>) target(%arg13 : memref<64x128xf32, #tpu.memory_space<vmem>>) target_semaphore(%run_scoped3A_169 : memref<!tpu.dma_semaphore, #tpu.memory_space<semaphore_mem>>)
      %dma_wait3A = arith.constant 0 : i32
      %dma_wait3A_174 = tpu.memref_slice %arg16[%add3A_156, %dma_wait3A] : memref<10240x128xf32, #tpu.memory_space<vmem_shared>> -> memref<64x128xf32, #tpu.memory_space<vmem_shared>>
      %dma_wait3A_175 = arith.constant 0 : i32
      %dma_wait3A_176 = tpu.memref_slice %arg16[%add3A_156, %dma_wait3A_175] : memref<10240x128xf32, #tpu.memory_space<vmem_shared>> -> memref<64x128xf32, #tpu.memory_space<vmem_shared>>
      tpu.wait_dma2 semaphore(%run_scoped3A_169 : memref<!tpu.dma_semaphore, #tpu.memory_space<semaphore_mem>>) src(%dma_wait3A_176 : memref<64x128xf32, #tpu.memory_space<vmem_shared>>) dst(%arg13 : memref<64x128xf32, #tpu.memory_space<vmem>>)
      tpu.yield
    }) : () -> ()
    "tpu.region"() ({
      %run_scoped3A_169 = tpu.sem_alloc : memref<!tpu.dma_semaphore, #tpu.memory_space<semaphore_mem>>
      %dma_start3A_170 = arith.constant 0 : i32
      %dma_start3A_171 = arith.constant 0 : i32
      %dma_start3A_172 = tpu.memref_slice %arg8[%arg0, %dma_start3A_170, %dma_start3A_171] : memref<2x10240x128xf32, #tpu.memory_space<hbm>> -> memref<1x10240x128xf32, #tpu.memory_space<hbm>>
      %dma_start3A_173 = tpu.memref_squeeze %dma_start3A_172 : memref<1x10240x128xf32, #tpu.memory_space<hbm>> -> memref<10240x128xf32, #tpu.memory_space<hbm>>
      %dma_start3A_174 = arith.constant 0 : i32
      %dma_start3A_175 = tpu.memref_slice %dma_start3A_173[%add3A_156, %dma_start3A_174] : memref<10240x128xf32, #tpu.memory_space<hbm>> -> memref<64x128xf32, #tpu.memory_space<hbm>>
      %dma_start3A_176 = arith.constant 0 : i32
      %dma_start3A_177 = arith.constant 0 : i32
      %dma_start3A_178 = tpu.memref_slice %arg8[%arg0, %dma_start3A_176, %dma_start3A_177] : memref<2x10240x128xf32, #tpu.memory_space<hbm>> -> memref<1x10240x128xf32, #tpu.memory_space<hbm>>
      %dma_start3A_179 = tpu.memref_squeeze %dma_start3A_178 : memref<1x10240x128xf32, #tpu.memory_space<hbm>> -> memref<10240x128xf32, #tpu.memory_space<hbm>>
      %dma_start3A_180 = arith.constant 0 : i32
      %dma_start3A_181 = tpu.memref_slice %dma_start3A_179[%add3A_156, %dma_start3A_180] : memref<10240x128xf32, #tpu.memory_space<hbm>> -> memref<64x128xf32, #tpu.memory_space<hbm>>
      tpu.enqueue_dma source(%arg13 : memref<64x128xf32, #tpu.memory_space<vmem>>) target(%dma_start3A_181 : memref<64x128xf32, #tpu.memory_space<hbm>>) target_semaphore(%run_scoped3A_169 : memref<!tpu.dma_semaphore, #tpu.memory_space<semaphore_mem>>)
      %dma_wait3A = arith.constant 0 : i32
      %dma_wait3A_182 = arith.constant 0 : i32
      %dma_wait3A_183 = tpu.memref_slice %arg8[%arg0, %dma_wait3A, %dma_wait3A_182] : memref<2x10240x128xf32, #tpu.memory_space<hbm>> -> memref<1x10240x128xf32, #tpu.memory_space<hbm>>
      %dma_wait3A_184 = tpu.memref_squeeze %dma_wait3A_183 : memref<1x10240x128xf32, #tpu.memory_space<hbm>> -> memref<10240x128xf32, #tpu.memory_space<hbm>>
      %dma_wait3A_185 = arith.constant 0 : i32
      %dma_wait3A_186 = tpu.memref_slice %dma_wait3A_184[%add3A_156, %dma_wait3A_185] : memref<10240x128xf32, #tpu.memory_space<hbm>> -> memref<64x128xf32, #tpu.memory_space<hbm>>
      %dma_wait3A_187 = arith.constant 0 : i32
      %dma_wait3A_188 = arith.constant 0 : i32
      %dma_wait3A_189 = tpu.memref_slice %arg8[%arg0, %dma_wait3A_187, %dma_wait3A_188] : memref<2x10240x128xf32, #tpu.memory_space<hbm>> -> memref<1x10240x128xf32, #tpu.memory_space<hbm>>
      %dma_wait3A_190 = tpu.memref_squeeze %dma_wait3A_189 : memref<1x10240x128xf32, #tpu.memory_space<hbm>> -> memref<10240x128xf32, #tpu.memory_space<hbm>>
      %dma_wait3A_191 = arith.constant 0 : i32
      %dma_wait3A_192 = tpu.memref_slice %dma_wait3A_190[%add3A_156, %dma_wait3A_191] : memref<10240x128xf32, #tpu.memory_space<hbm>> -> memref<64x128xf32, #tpu.memory_space<hbm>>
      tpu.wait_dma2 semaphore(%run_scoped3A_169 : memref<!tpu.dma_semaphore, #tpu.memory_space<semaphore_mem>>) src(%arg13 : memref<64x128xf32, #tpu.memory_space<vmem>>) dst(%dma_wait3A_192 : memref<64x128xf32, #tpu.memory_space<hbm>>)
      tpu.yield
    }) : () -> ()
    "tpu.region"() ({
      %run_scoped3A_169 = tpu.sem_alloc : memref<!tpu.dma_semaphore, #tpu.memory_space<semaphore_mem>>
      %dma_start3A_170 = arith.constant 0 : i32
      %dma_start3A_171 = tpu.memref_slice %arg17[%add3A_156, %dma_start3A_170] : memref<10240x16xf32, #tpu.memory_space<vmem_shared>> -> memref<64x16xf32, #tpu.memory_space<vmem_shared>>
      %dma_start3A_172 = arith.constant 0 : i32
      %dma_start3A_173 = tpu.memref_slice %arg17[%add3A_156, %dma_start3A_172] : memref<10240x16xf32, #tpu.memory_space<vmem_shared>> -> memref<64x16xf32, #tpu.memory_space<vmem_shared>>
      tpu.enqueue_dma source(%dma_start3A_173 : memref<64x16xf32, #tpu.memory_space<vmem_shared>>) target(%arg15 : memref<64x16xf32, #tpu.memory_space<vmem>>) target_semaphore(%run_scoped3A_169 : memref<!tpu.dma_semaphore, #tpu.memory_space<semaphore_mem>>)
      %dma_wait3A = arith.constant 0 : i32
      %dma_wait3A_174 = tpu.memref_slice %arg17[%add3A_156, %dma_wait3A] : memref<10240x16xf32, #tpu.memory_space<vmem_shared>> -> memref<64x16xf32, #tpu.memory_space<vmem_shared>>
      %dma_wait3A_175 = arith.constant 0 : i32
      %dma_wait3A_176 = tpu.memref_slice %arg17[%add3A_156, %dma_wait3A_175] : memref<10240x16xf32, #tpu.memory_space<vmem_shared>> -> memref<64x16xf32, #tpu.memory_space<vmem_shared>>
      tpu.wait_dma2 semaphore(%run_scoped3A_169 : memref<!tpu.dma_semaphore, #tpu.memory_space<semaphore_mem>>) src(%dma_wait3A_176 : memref<64x16xf32, #tpu.memory_space<vmem_shared>>) dst(%arg15 : memref<64x16xf32, #tpu.memory_space<vmem>>)
      tpu.yield
    }) : () -> ()
    "tpu.region"() ({
      %run_scoped3A_169 = tpu.sem_alloc : memref<!tpu.dma_semaphore, #tpu.memory_space<semaphore_mem>>
      %dma_start3A_170 = arith.constant 0 : i32
      %dma_start3A_171 = arith.constant 0 : i32
      %dma_start3A_172 = tpu.memref_slice %arg9[%arg0, %dma_start3A_170, %dma_start3A_171] : memref<2x10240x16xf32, #tpu.memory_space<hbm>> -> memref<1x10240x16xf32, #tpu.memory_space<hbm>>
      %dma_start3A_173 = tpu.memref_squeeze %dma_start3A_172 : memref<1x10240x16xf32, #tpu.memory_space<hbm>> -> memref<10240x16xf32, #tpu.memory_space<hbm>>
      %dma_start3A_174 = arith.constant 0 : i32
      %dma_start3A_175 = tpu.memref_slice %dma_start3A_173[%add3A_156, %dma_start3A_174] : memref<10240x16xf32, #tpu.memory_space<hbm>> -> memref<64x16xf32, #tpu.memory_space<hbm>>
      %dma_start3A_176 = arith.constant 0 : i32
      %dma_start3A_177 = arith.constant 0 : i32
      %dma_start3A_178 = tpu.memref_slice %arg9[%arg0, %dma_start3A_176, %dma_start3A_177] : memref<2x10240x16xf32, #tpu.memory_space<hbm>> -> memref<1x10240x16xf32, #tpu.memory_space<hbm>>
      %dma_start3A_179 = tpu.memref_squeeze %dma_start3A_178 : memref<1x10240x16xf32, #tpu.memory_space<hbm>> -> memref<10240x16xf32, #tpu.memory_space<hbm>>
      %dma_start3A_180 = arith.constant 0 : i32
      %dma_start3A_181 = tpu.memref_slice %dma_start3A_179[%add3A_156, %dma_start3A_180] : memref<10240x16xf32, #tpu.memory_space<hbm>> -> memref<64x16xf32, #tpu.memory_space<hbm>>
      tpu.enqueue_dma source(%arg15 : memref<64x16xf32, #tpu.memory_space<vmem>>) target(%dma_start3A_181 : memref<64x16xf32, #tpu.memory_space<hbm>>) target_semaphore(%run_scoped3A_169 : memref<!tpu.dma_semaphore, #tpu.memory_space<semaphore_mem>>)
      %dma_wait3A = arith.constant 0 : i32
      %dma_wait3A_182 = arith.constant 0 : i32
      %dma_wait3A_183 = tpu.memref_slice %arg9[%arg0, %dma_wait3A, %dma_wait3A_182] : memref<2x10240x16xf32, #tpu.memory_space<hbm>> -> memref<1x10240x16xf32, #tpu.memory_space<hbm>>
      %dma_wait3A_184 = tpu.memref_squeeze %dma_wait3A_183 : memref<1x10240x16xf32, #tpu.memory_space<hbm>> -> memref<10240x16xf32, #tpu.memory_space<hbm>>
      %dma_wait3A_185 = arith.constant 0 : i32
      %dma_wait3A_186 = tpu.memref_slice %dma_wait3A_184[%add3A_156, %dma_wait3A_185] : memref<10240x16xf32, #tpu.memory_space<hbm>> -> memref<64x16xf32, #tpu.memory_space<hbm>>
      %dma_wait3A_187 = arith.constant 0 : i32
      %dma_wait3A_188 = arith.constant 0 : i32
      %dma_wait3A_189 = tpu.memref_slice %arg9[%arg0, %dma_wait3A_187, %dma_wait3A_188] : memref<2x10240x16xf32, #tpu.memory_space<hbm>> -> memref<1x10240x16xf32, #tpu.memory_space<hbm>>
      %dma_wait3A_190 = tpu.memref_squeeze %dma_wait3A_189 : memref<1x10240x16xf32, #tpu.memory_space<hbm>> -> memref<10240x16xf32, #tpu.memory_space<hbm>>
      %dma_wait3A_191 = arith.constant 0 : i32
      %dma_wait3A_192 = tpu.memref_slice %dma_wait3A_190[%add3A_156, %dma_wait3A_191] : memref<10240x16xf32, #tpu.memory_space<hbm>> -> memref<64x16xf32, #tpu.memory_space<hbm>>
      tpu.wait_dma2 semaphore(%run_scoped3A_169 : memref<!tpu.dma_semaphore, #tpu.memory_space<semaphore_mem>>) src(%arg15 : memref<64x16xf32, #tpu.memory_space<vmem>>) dst(%dma_wait3A_192 : memref<64x16xf32, #tpu.memory_space<hbm>>)
      tpu.yield
    }) : () -> ()
    %mul3A_157 = arith.constant 640 : i32
    %mul3A_158 = arith.muli %arg1, %mul3A_157 : i32
    %add3A_159 = arith.constant 448 : i32
    %add3A_160 = arith.addi %mul3A_158, %add3A_159 : i32
    "tpu.region"() ({
      %run_scoped3A_169 = tpu.sem_alloc : memref<!tpu.dma_semaphore, #tpu.memory_space<semaphore_mem>>
      %dma_start3A_170 = arith.constant 0 : i32
      %dma_start3A_171 = tpu.memref_slice %arg16[%add3A_160, %dma_start3A_170] : memref<10240x128xf32, #tpu.memory_space<vmem_shared>> -> memref<64x128xf32, #tpu.memory_space<vmem_shared>>
      %dma_start3A_172 = arith.constant 0 : i32
      %dma_start3A_173 = tpu.memref_slice %arg16[%add3A_160, %dma_start3A_172] : memref<10240x128xf32, #tpu.memory_space<vmem_shared>> -> memref<64x128xf32, #tpu.memory_space<vmem_shared>>
      tpu.enqueue_dma source(%dma_start3A_173 : memref<64x128xf32, #tpu.memory_space<vmem_shared>>) target(%arg13 : memref<64x128xf32, #tpu.memory_space<vmem>>) target_semaphore(%run_scoped3A_169 : memref<!tpu.dma_semaphore, #tpu.memory_space<semaphore_mem>>)
      %dma_wait3A = arith.constant 0 : i32
      %dma_wait3A_174 = tpu.memref_slice %arg16[%add3A_160, %dma_wait3A] : memref<10240x128xf32, #tpu.memory_space<vmem_shared>> -> memref<64x128xf32, #tpu.memory_space<vmem_shared>>
      %dma_wait3A_175 = arith.constant 0 : i32
      %dma_wait3A_176 = tpu.memref_slice %arg16[%add3A_160, %dma_wait3A_175] : memref<10240x128xf32, #tpu.memory_space<vmem_shared>> -> memref<64x128xf32, #tpu.memory_space<vmem_shared>>
      tpu.wait_dma2 semaphore(%run_scoped3A_169 : memref<!tpu.dma_semaphore, #tpu.memory_space<semaphore_mem>>) src(%dma_wait3A_176 : memref<64x128xf32, #tpu.memory_space<vmem_shared>>) dst(%arg13 : memref<64x128xf32, #tpu.memory_space<vmem>>)
      tpu.yield
    }) : () -> ()
    "tpu.region"() ({
      %run_scoped3A_169 = tpu.sem_alloc : memref<!tpu.dma_semaphore, #tpu.memory_space<semaphore_mem>>
      %dma_start3A_170 = arith.constant 0 : i32
      %dma_start3A_171 = arith.constant 0 : i32
      %dma_start3A_172 = tpu.memref_slice %arg8[%arg0, %dma_start3A_170, %dma_start3A_171] : memref<2x10240x128xf32, #tpu.memory_space<hbm>> -> memref<1x10240x128xf32, #tpu.memory_space<hbm>>
      %dma_start3A_173 = tpu.memref_squeeze %dma_start3A_172 : memref<1x10240x128xf32, #tpu.memory_space<hbm>> -> memref<10240x128xf32, #tpu.memory_space<hbm>>
      %dma_start3A_174 = arith.constant 0 : i32
      %dma_start3A_175 = tpu.memref_slice %dma_start3A_173[%add3A_160, %dma_start3A_174] : memref<10240x128xf32, #tpu.memory_space<hbm>> -> memref<64x128xf32, #tpu.memory_space<hbm>>
      %dma_start3A_176 = arith.constant 0 : i32
      %dma_start3A_177 = arith.constant 0 : i32
      %dma_start3A_178 = tpu.memref_slice %arg8[%arg0, %dma_start3A_176, %dma_start3A_177] : memref<2x10240x128xf32, #tpu.memory_space<hbm>> -> memref<1x10240x128xf32, #tpu.memory_space<hbm>>
      %dma_start3A_179 = tpu.memref_squeeze %dma_start3A_178 : memref<1x10240x128xf32, #tpu.memory_space<hbm>> -> memref<10240x128xf32, #tpu.memory_space<hbm>>
      %dma_start3A_180 = arith.constant 0 : i32
      %dma_start3A_181 = tpu.memref_slice %dma_start3A_179[%add3A_160, %dma_start3A_180] : memref<10240x128xf32, #tpu.memory_space<hbm>> -> memref<64x128xf32, #tpu.memory_space<hbm>>
      tpu.enqueue_dma source(%arg13 : memref<64x128xf32, #tpu.memory_space<vmem>>) target(%dma_start3A_181 : memref<64x128xf32, #tpu.memory_space<hbm>>) target_semaphore(%run_scoped3A_169 : memref<!tpu.dma_semaphore, #tpu.memory_space<semaphore_mem>>)
      %dma_wait3A = arith.constant 0 : i32
      %dma_wait3A_182 = arith.constant 0 : i32
      %dma_wait3A_183 = tpu.memref_slice %arg8[%arg0, %dma_wait3A, %dma_wait3A_182] : memref<2x10240x128xf32, #tpu.memory_space<hbm>> -> memref<1x10240x128xf32, #tpu.memory_space<hbm>>
      %dma_wait3A_184 = tpu.memref_squeeze %dma_wait3A_183 : memref<1x10240x128xf32, #tpu.memory_space<hbm>> -> memref<10240x128xf32, #tpu.memory_space<hbm>>
      %dma_wait3A_185 = arith.constant 0 : i32
      %dma_wait3A_186 = tpu.memref_slice %dma_wait3A_184[%add3A_160, %dma_wait3A_185] : memref<10240x128xf32, #tpu.memory_space<hbm>> -> memref<64x128xf32, #tpu.memory_space<hbm>>
      %dma_wait3A_187 = arith.constant 0 : i32
      %dma_wait3A_188 = arith.constant 0 : i32
      %dma_wait3A_189 = tpu.memref_slice %arg8[%arg0, %dma_wait3A_187, %dma_wait3A_188] : memref<2x10240x128xf32, #tpu.memory_space<hbm>> -> memref<1x10240x128xf32, #tpu.memory_space<hbm>>
      %dma_wait3A_190 = tpu.memref_squeeze %dma_wait3A_189 : memref<1x10240x128xf32, #tpu.memory_space<hbm>> -> memref<10240x128xf32, #tpu.memory_space<hbm>>
      %dma_wait3A_191 = arith.constant 0 : i32
      %dma_wait3A_192 = tpu.memref_slice %dma_wait3A_190[%add3A_160, %dma_wait3A_191] : memref<10240x128xf32, #tpu.memory_space<hbm>> -> memref<64x128xf32, #tpu.memory_space<hbm>>
      tpu.wait_dma2 semaphore(%run_scoped3A_169 : memref<!tpu.dma_semaphore, #tpu.memory_space<semaphore_mem>>) src(%arg13 : memref<64x128xf32, #tpu.memory_space<vmem>>) dst(%dma_wait3A_192 : memref<64x128xf32, #tpu.memory_space<hbm>>)
      tpu.yield
    }) : () -> ()
    "tpu.region"() ({
      %run_scoped3A_169 = tpu.sem_alloc : memref<!tpu.dma_semaphore, #tpu.memory_space<semaphore_mem>>
      %dma_start3A_170 = arith.constant 0 : i32
      %dma_start3A_171 = tpu.memref_slice %arg17[%add3A_160, %dma_start3A_170] : memref<10240x16xf32, #tpu.memory_space<vmem_shared>> -> memref<64x16xf32, #tpu.memory_space<vmem_shared>>
      %dma_start3A_172 = arith.constant 0 : i32
      %dma_start3A_173 = tpu.memref_slice %arg17[%add3A_160, %dma_start3A_172] : memref<10240x16xf32, #tpu.memory_space<vmem_shared>> -> memref<64x16xf32, #tpu.memory_space<vmem_shared>>
      tpu.enqueue_dma source(%dma_start3A_173 : memref<64x16xf32, #tpu.memory_space<vmem_shared>>) target(%arg15 : memref<64x16xf32, #tpu.memory_space<vmem>>) target_semaphore(%run_scoped3A_169 : memref<!tpu.dma_semaphore, #tpu.memory_space<semaphore_mem>>)
      %dma_wait3A = arith.constant 0 : i32
      %dma_wait3A_174 = tpu.memref_slice %arg17[%add3A_160, %dma_wait3A] : memref<10240x16xf32, #tpu.memory_space<vmem_shared>> -> memref<64x16xf32, #tpu.memory_space<vmem_shared>>
      %dma_wait3A_175 = arith.constant 0 : i32
      %dma_wait3A_176 = tpu.memref_slice %arg17[%add3A_160, %dma_wait3A_175] : memref<10240x16xf32, #tpu.memory_space<vmem_shared>> -> memref<64x16xf32, #tpu.memory_space<vmem_shared>>
      tpu.wait_dma2 semaphore(%run_scoped3A_169 : memref<!tpu.dma_semaphore, #tpu.memory_space<semaphore_mem>>) src(%dma_wait3A_176 : memref<64x16xf32, #tpu.memory_space<vmem_shared>>) dst(%arg15 : memref<64x16xf32, #tpu.memory_space<vmem>>)
      tpu.yield
    }) : () -> ()
    "tpu.region"() ({
      %run_scoped3A_169 = tpu.sem_alloc : memref<!tpu.dma_semaphore, #tpu.memory_space<semaphore_mem>>
      %dma_start3A_170 = arith.constant 0 : i32
      %dma_start3A_171 = arith.constant 0 : i32
      %dma_start3A_172 = tpu.memref_slice %arg9[%arg0, %dma_start3A_170, %dma_start3A_171] : memref<2x10240x16xf32, #tpu.memory_space<hbm>> -> memref<1x10240x16xf32, #tpu.memory_space<hbm>>
      %dma_start3A_173 = tpu.memref_squeeze %dma_start3A_172 : memref<1x10240x16xf32, #tpu.memory_space<hbm>> -> memref<10240x16xf32, #tpu.memory_space<hbm>>
      %dma_start3A_174 = arith.constant 0 : i32
      %dma_start3A_175 = tpu.memref_slice %dma_start3A_173[%add3A_160, %dma_start3A_174] : memref<10240x16xf32, #tpu.memory_space<hbm>> -> memref<64x16xf32, #tpu.memory_space<hbm>>
      %dma_start3A_176 = arith.constant 0 : i32
      %dma_start3A_177 = arith.constant 0 : i32
      %dma_start3A_178 = tpu.memref_slice %arg9[%arg0, %dma_start3A_176, %dma_start3A_177] : memref<2x10240x16xf32, #tpu.memory_space<hbm>> -> memref<1x10240x16xf32, #tpu.memory_space<hbm>>
      %dma_start3A_179 = tpu.memref_squeeze %dma_start3A_178 : memref<1x10240x16xf32, #tpu.memory_space<hbm>> -> memref<10240x16xf32, #tpu.memory_space<hbm>>
      %dma_start3A_180 = arith.constant 0 : i32
      %dma_start3A_181 = tpu.memref_slice %dma_start3A_179[%add3A_160, %dma_start3A_180] : memref<10240x16xf32, #tpu.memory_space<hbm>> -> memref<64x16xf32, #tpu.memory_space<hbm>>
      tpu.enqueue_dma source(%arg15 : memref<64x16xf32, #tpu.memory_space<vmem>>) target(%dma_start3A_181 : memref<64x16xf32, #tpu.memory_space<hbm>>) target_semaphore(%run_scoped3A_169 : memref<!tpu.dma_semaphore, #tpu.memory_space<semaphore_mem>>)
      %dma_wait3A = arith.constant 0 : i32
      %dma_wait3A_182 = arith.constant 0 : i32
      %dma_wait3A_183 = tpu.memref_slice %arg9[%arg0, %dma_wait3A, %dma_wait3A_182] : memref<2x10240x16xf32, #tpu.memory_space<hbm>> -> memref<1x10240x16xf32, #tpu.memory_space<hbm>>
      %dma_wait3A_184 = tpu.memref_squeeze %dma_wait3A_183 : memref<1x10240x16xf32, #tpu.memory_space<hbm>> -> memref<10240x16xf32, #tpu.memory_space<hbm>>
      %dma_wait3A_185 = arith.constant 0 : i32
      %dma_wait3A_186 = tpu.memref_slice %dma_wait3A_184[%add3A_160, %dma_wait3A_185] : memref<10240x16xf32, #tpu.memory_space<hbm>> -> memref<64x16xf32, #tpu.memory_space<hbm>>
      %dma_wait3A_187 = arith.constant 0 : i32
      %dma_wait3A_188 = arith.constant 0 : i32
      %dma_wait3A_189 = tpu.memref_slice %arg9[%arg0, %dma_wait3A_187, %dma_wait3A_188] : memref<2x10240x16xf32, #tpu.memory_space<hbm>> -> memref<1x10240x16xf32, #tpu.memory_space<hbm>>
      %dma_wait3A_190 = tpu.memref_squeeze %dma_wait3A_189 : memref<1x10240x16xf32, #tpu.memory_space<hbm>> -> memref<10240x16xf32, #tpu.memory_space<hbm>>
      %dma_wait3A_191 = arith.constant 0 : i32
      %dma_wait3A_192 = tpu.memref_slice %dma_wait3A_190[%add3A_160, %dma_wait3A_191] : memref<10240x16xf32, #tpu.memory_space<hbm>> -> memref<64x16xf32, #tpu.memory_space<hbm>>
      tpu.wait_dma2 semaphore(%run_scoped3A_169 : memref<!tpu.dma_semaphore, #tpu.memory_space<semaphore_mem>>) src(%arg15 : memref<64x16xf32, #tpu.memory_space<vmem>>) dst(%dma_wait3A_192 : memref<64x16xf32, #tpu.memory_space<hbm>>)
      tpu.yield
    }) : () -> ()
    %mul3A_161 = arith.constant 640 : i32
    %mul3A_162 = arith.muli %arg1, %mul3A_161 : i32
    %add3A_163 = arith.constant 512 : i32
    %add3A_164 = arith.addi %mul3A_162, %add3A_163 : i32
    "tpu.region"() ({
      %run_scoped3A_169 = tpu.sem_alloc : memref<!tpu.dma_semaphore, #tpu.memory_space<semaphore_mem>>
      %dma_start3A_170 = arith.constant 0 : i32
      %dma_start3A_171 = tpu.memref_slice %arg16[%add3A_164, %dma_start3A_170] : memref<10240x128xf32, #tpu.memory_space<vmem_shared>> -> memref<64x128xf32, #tpu.memory_space<vmem_shared>>
      %dma_start3A_172 = arith.constant 0 : i32
      %dma_start3A_173 = tpu.memref_slice %arg16[%add3A_164, %dma_start3A_172] : memref<10240x128xf32, #tpu.memory_space<vmem_shared>> -> memref<64x128xf32, #tpu.memory_space<vmem_shared>>
      tpu.enqueue_dma source(%dma_start3A_173 : memref<64x128xf32, #tpu.memory_space<vmem_shared>>) target(%arg13 : memref<64x128xf32, #tpu.memory_space<vmem>>) target_semaphore(%run_scoped3A_169 : memref<!tpu.dma_semaphore, #tpu.memory_space<semaphore_mem>>)
      %dma_wait3A = arith.constant 0 : i32
      %dma_wait3A_174 = tpu.memref_slice %arg16[%add3A_164, %dma_wait3A] : memref<10240x128xf32, #tpu.memory_space<vmem_shared>> -> memref<64x128xf32, #tpu.memory_space<vmem_shared>>
      %dma_wait3A_175 = arith.constant 0 : i32
      %dma_wait3A_176 = tpu.memref_slice %arg16[%add3A_164, %dma_wait3A_175] : memref<10240x128xf32, #tpu.memory_space<vmem_shared>> -> memref<64x128xf32, #tpu.memory_space<vmem_shared>>
      tpu.wait_dma2 semaphore(%run_scoped3A_169 : memref<!tpu.dma_semaphore, #tpu.memory_space<semaphore_mem>>) src(%dma_wait3A_176 : memref<64x128xf32, #tpu.memory_space<vmem_shared>>) dst(%arg13 : memref<64x128xf32, #tpu.memory_space<vmem>>)
      tpu.yield
    }) : () -> ()
    "tpu.region"() ({
      %run_scoped3A_169 = tpu.sem_alloc : memref<!tpu.dma_semaphore, #tpu.memory_space<semaphore_mem>>
      %dma_start3A_170 = arith.constant 0 : i32
      %dma_start3A_171 = arith.constant 0 : i32
      %dma_start3A_172 = tpu.memref_slice %arg8[%arg0, %dma_start3A_170, %dma_start3A_171] : memref<2x10240x128xf32, #tpu.memory_space<hbm>> -> memref<1x10240x128xf32, #tpu.memory_space<hbm>>
      %dma_start3A_173 = tpu.memref_squeeze %dma_start3A_172 : memref<1x10240x128xf32, #tpu.memory_space<hbm>> -> memref<10240x128xf32, #tpu.memory_space<hbm>>
      %dma_start3A_174 = arith.constant 0 : i32
      %dma_start3A_175 = tpu.memref_slice %dma_start3A_173[%add3A_164, %dma_start3A_174] : memref<10240x128xf32, #tpu.memory_space<hbm>> -> memref<64x128xf32, #tpu.memory_space<hbm>>
      %dma_start3A_176 = arith.constant 0 : i32
      %dma_start3A_177 = arith.constant 0 : i32
      %dma_start3A_178 = tpu.memref_slice %arg8[%arg0, %dma_start3A_176, %dma_start3A_177] : memref<2x10240x128xf32, #tpu.memory_space<hbm>> -> memref<1x10240x128xf32, #tpu.memory_space<hbm>>
      %dma_start3A_179 = tpu.memref_squeeze %dma_start3A_178 : memref<1x10240x128xf32, #tpu.memory_space<hbm>> -> memref<10240x128xf32, #tpu.memory_space<hbm>>
      %dma_start3A_180 = arith.constant 0 : i32
      %dma_start3A_181 = tpu.memref_slice %dma_start3A_179[%add3A_164, %dma_start3A_180] : memref<10240x128xf32, #tpu.memory_space<hbm>> -> memref<64x128xf32, #tpu.memory_space<hbm>>
      tpu.enqueue_dma source(%arg13 : memref<64x128xf32, #tpu.memory_space<vmem>>) target(%dma_start3A_181 : memref<64x128xf32, #tpu.memory_space<hbm>>) target_semaphore(%run_scoped3A_169 : memref<!tpu.dma_semaphore, #tpu.memory_space<semaphore_mem>>)
      %dma_wait3A = arith.constant 0 : i32
      %dma_wait3A_182 = arith.constant 0 : i32
      %dma_wait3A_183 = tpu.memref_slice %arg8[%arg0, %dma_wait3A, %dma_wait3A_182] : memref<2x10240x128xf32, #tpu.memory_space<hbm>> -> memref<1x10240x128xf32, #tpu.memory_space<hbm>>
      %dma_wait3A_184 = tpu.memref_squeeze %dma_wait3A_183 : memref<1x10240x128xf32, #tpu.memory_space<hbm>> -> memref<10240x128xf32, #tpu.memory_space<hbm>>
      %dma_wait3A_185 = arith.constant 0 : i32
      %dma_wait3A_186 = tpu.memref_slice %dma_wait3A_184[%add3A_164, %dma_wait3A_185] : memref<10240x128xf32, #tpu.memory_space<hbm>> -> memref<64x128xf32, #tpu.memory_space<hbm>>
      %dma_wait3A_187 = arith.constant 0 : i32
      %dma_wait3A_188 = arith.constant 0 : i32
      %dma_wait3A_189 = tpu.memref_slice %arg8[%arg0, %dma_wait3A_187, %dma_wait3A_188] : memref<2x10240x128xf32, #tpu.memory_space<hbm>> -> memref<1x10240x128xf32, #tpu.memory_space<hbm>>
      %dma_wait3A_190 = tpu.memref_squeeze %dma_wait3A_189 : memref<1x10240x128xf32, #tpu.memory_space<hbm>> -> memref<10240x128xf32, #tpu.memory_space<hbm>>
      %dma_wait3A_191 = arith.constant 0 : i32
      %dma_wait3A_192 = tpu.memref_slice %dma_wait3A_190[%add3A_164, %dma_wait3A_191] : memref<10240x128xf32, #tpu.memory_space<hbm>> -> memref<64x128xf32, #tpu.memory_space<hbm>>
      tpu.wait_dma2 semaphore(%run_scoped3A_169 : memref<!tpu.dma_semaphore, #tpu.memory_space<semaphore_mem>>) src(%arg13 : memref<64x128xf32, #tpu.memory_space<vmem>>) dst(%dma_wait3A_192 : memref<64x128xf32, #tpu.memory_space<hbm>>)
      tpu.yield
    }) : () -> ()
    "tpu.region"() ({
      %run_scoped3A_169 = tpu.sem_alloc : memref<!tpu.dma_semaphore, #tpu.memory_space<semaphore_mem>>
      %dma_start3A_170 = arith.constant 0 : i32
      %dma_start3A_171 = tpu.memref_slice %arg17[%add3A_164, %dma_start3A_170] : memref<10240x16xf32, #tpu.memory_space<vmem_shared>> -> memref<64x16xf32, #tpu.memory_space<vmem_shared>>
      %dma_start3A_172 = arith.constant 0 : i32
      %dma_start3A_173 = tpu.memref_slice %arg17[%add3A_164, %dma_start3A_172] : memref<10240x16xf32, #tpu.memory_space<vmem_shared>> -> memref<64x16xf32, #tpu.memory_space<vmem_shared>>
      tpu.enqueue_dma source(%dma_start3A_173 : memref<64x16xf32, #tpu.memory_space<vmem_shared>>) target(%arg15 : memref<64x16xf32, #tpu.memory_space<vmem>>) target_semaphore(%run_scoped3A_169 : memref<!tpu.dma_semaphore, #tpu.memory_space<semaphore_mem>>)
      %dma_wait3A = arith.constant 0 : i32
      %dma_wait3A_174 = tpu.memref_slice %arg17[%add3A_164, %dma_wait3A] : memref<10240x16xf32, #tpu.memory_space<vmem_shared>> -> memref<64x16xf32, #tpu.memory_space<vmem_shared>>
      %dma_wait3A_175 = arith.constant 0 : i32
      %dma_wait3A_176 = tpu.memref_slice %arg17[%add3A_164, %dma_wait3A_175] : memref<10240x16xf32, #tpu.memory_space<vmem_shared>> -> memref<64x16xf32, #tpu.memory_space<vmem_shared>>
      tpu.wait_dma2 semaphore(%run_scoped3A_169 : memref<!tpu.dma_semaphore, #tpu.memory_space<semaphore_mem>>) src(%dma_wait3A_176 : memref<64x16xf32, #tpu.memory_space<vmem_shared>>) dst(%arg15 : memref<64x16xf32, #tpu.memory_space<vmem>>)
      tpu.yield
    }) : () -> ()
    "tpu.region"() ({
      %run_scoped3A_169 = tpu.sem_alloc : memref<!tpu.dma_semaphore, #tpu.memory_space<semaphore_mem>>
      %dma_start3A_170 = arith.constant 0 : i32
      %dma_start3A_171 = arith.constant 0 : i32
      %dma_start3A_172 = tpu.memref_slice %arg9[%arg0, %dma_start3A_170, %dma_start3A_171] : memref<2x10240x16xf32, #tpu.memory_space<hbm>> -> memref<1x10240x16xf32, #tpu.memory_space<hbm>>
      %dma_start3A_173 = tpu.memref_squeeze %dma_start3A_172 : memref<1x10240x16xf32, #tpu.memory_space<hbm>> -> memref<10240x16xf32, #tpu.memory_space<hbm>>
      %dma_start3A_174 = arith.constant 0 : i32
      %dma_start3A_175 = tpu.memref_slice %dma_start3A_173[%add3A_164, %dma_start3A_174] : memref<10240x16xf32, #tpu.memory_space<hbm>> -> memref<64x16xf32, #tpu.memory_space<hbm>>
      %dma_start3A_176 = arith.constant 0 : i32
      %dma_start3A_177 = arith.constant 0 : i32
      %dma_start3A_178 = tpu.memref_slice %arg9[%arg0, %dma_start3A_176, %dma_start3A_177] : memref<2x10240x16xf32, #tpu.memory_space<hbm>> -> memref<1x10240x16xf32, #tpu.memory_space<hbm>>
      %dma_start3A_179 = tpu.memref_squeeze %dma_start3A_178 : memref<1x10240x16xf32, #tpu.memory_space<hbm>> -> memref<10240x16xf32, #tpu.memory_space<hbm>>
      %dma_start3A_180 = arith.constant 0 : i32
      %dma_start3A_181 = tpu.memref_slice %dma_start3A_179[%add3A_164, %dma_start3A_180] : memref<10240x16xf32, #tpu.memory_space<hbm>> -> memref<64x16xf32, #tpu.memory_space<hbm>>
      tpu.enqueue_dma source(%arg15 : memref<64x16xf32, #tpu.memory_space<vmem>>) target(%dma_start3A_181 : memref<64x16xf32, #tpu.memory_space<hbm>>) target_semaphore(%run_scoped3A_169 : memref<!tpu.dma_semaphore, #tpu.memory_space<semaphore_mem>>)
      %dma_wait3A = arith.constant 0 : i32
      %dma_wait3A_182 = arith.constant 0 : i32
      %dma_wait3A_183 = tpu.memref_slice %arg9[%arg0, %dma_wait3A, %dma_wait3A_182] : memref<2x10240x16xf32, #tpu.memory_space<hbm>> -> memref<1x10240x16xf32, #tpu.memory_space<hbm>>
      %dma_wait3A_184 = tpu.memref_squeeze %dma_wait3A_183 : memref<1x10240x16xf32, #tpu.memory_space<hbm>> -> memref<10240x16xf32, #tpu.memory_space<hbm>>
      %dma_wait3A_185 = arith.constant 0 : i32
      %dma_wait3A_186 = tpu.memref_slice %dma_wait3A_184[%add3A_164, %dma_wait3A_185] : memref<10240x16xf32, #tpu.memory_space<hbm>> -> memref<64x16xf32, #tpu.memory_space<hbm>>
      %dma_wait3A_187 = arith.constant 0 : i32
      %dma_wait3A_188 = arith.constant 0 : i32
      %dma_wait3A_189 = tpu.memref_slice %arg9[%arg0, %dma_wait3A_187, %dma_wait3A_188] : memref<2x10240x16xf32, #tpu.memory_space<hbm>> -> memref<1x10240x16xf32, #tpu.memory_space<hbm>>
      %dma_wait3A_190 = tpu.memref_squeeze %dma_wait3A_189 : memref<1x10240x16xf32, #tpu.memory_space<hbm>> -> memref<10240x16xf32, #tpu.memory_space<hbm>>
      %dma_wait3A_191 = arith.constant 0 : i32
      %dma_wait3A_192 = tpu.memref_slice %dma_wait3A_190[%add3A_164, %dma_wait3A_191] : memref<10240x16xf32, #tpu.memory_space<hbm>> -> memref<64x16xf32, #tpu.memory_space<hbm>>
      tpu.wait_dma2 semaphore(%run_scoped3A_169 : memref<!tpu.dma_semaphore, #tpu.memory_space<semaphore_mem>>) src(%arg15 : memref<64x16xf32, #tpu.memory_space<vmem>>) dst(%dma_wait3A_192 : memref<64x16xf32, #tpu.memory_space<hbm>>)
      tpu.yield
    }) : () -> ()
    %mul3A_165 = arith.constant 640 : i32
    %mul3A_166 = arith.muli %arg1, %mul3A_165 : i32
    %add3A_167 = arith.constant 576 : i32
    %add3A_168 = arith.addi %mul3A_166, %add3A_167 : i32
    "tpu.region"() ({
      %run_scoped3A_169 = tpu.sem_alloc : memref<!tpu.dma_semaphore, #tpu.memory_space<semaphore_mem>>
      %dma_start3A_170 = arith.constant 0 : i32
      %dma_start3A_171 = tpu.memref_slice %arg16[%add3A_168, %dma_start3A_170] : memref<10240x128xf32, #tpu.memory_space<vmem_shared>> -> memref<64x128xf32, #tpu.memory_space<vmem_shared>>
      %dma_start3A_172 = arith.constant 0 : i32
      %dma_start3A_173 = tpu.memref_slice %arg16[%add3A_168, %dma_start3A_172] : memref<10240x128xf32, #tpu.memory_space<vmem_shared>> -> memref<64x128xf32, #tpu.memory_space<vmem_shared>>
      tpu.enqueue_dma source(%dma_start3A_173 : memref<64x128xf32, #tpu.memory_space<vmem_shared>>) target(%arg13 : memref<64x128xf32, #tpu.memory_space<vmem>>) target_semaphore(%run_scoped3A_169 : memref<!tpu.dma_semaphore, #tpu.memory_space<semaphore_mem>>)
      %dma_wait3A = arith.constant 0 : i32
      %dma_wait3A_174 = tpu.memref_slice %arg16[%add3A_168, %dma_wait3A] : memref<10240x128xf32, #tpu.memory_space<vmem_shared>> -> memref<64x128xf32, #tpu.memory_space<vmem_shared>>
      %dma_wait3A_175 = arith.constant 0 : i32
      %dma_wait3A_176 = tpu.memref_slice %arg16[%add3A_168, %dma_wait3A_175] : memref<10240x128xf32, #tpu.memory_space<vmem_shared>> -> memref<64x128xf32, #tpu.memory_space<vmem_shared>>
      tpu.wait_dma2 semaphore(%run_scoped3A_169 : memref<!tpu.dma_semaphore, #tpu.memory_space<semaphore_mem>>) src(%dma_wait3A_176 : memref<64x128xf32, #tpu.memory_space<vmem_shared>>) dst(%arg13 : memref<64x128xf32, #tpu.memory_space<vmem>>)
      tpu.yield
    }) : () -> ()
    "tpu.region"() ({
      %run_scoped3A_169 = tpu.sem_alloc : memref<!tpu.dma_semaphore, #tpu.memory_space<semaphore_mem>>
      %dma_start3A_170 = arith.constant 0 : i32
      %dma_start3A_171 = arith.constant 0 : i32
      %dma_start3A_172 = tpu.memref_slice %arg8[%arg0, %dma_start3A_170, %dma_start3A_171] : memref<2x10240x128xf32, #tpu.memory_space<hbm>> -> memref<1x10240x128xf32, #tpu.memory_space<hbm>>
      %dma_start3A_173 = tpu.memref_squeeze %dma_start3A_172 : memref<1x10240x128xf32, #tpu.memory_space<hbm>> -> memref<10240x128xf32, #tpu.memory_space<hbm>>
      %dma_start3A_174 = arith.constant 0 : i32
      %dma_start3A_175 = tpu.memref_slice %dma_start3A_173[%add3A_168, %dma_start3A_174] : memref<10240x128xf32, #tpu.memory_space<hbm>> -> memref<64x128xf32, #tpu.memory_space<hbm>>
      %dma_start3A_176 = arith.constant 0 : i32
      %dma_start3A_177 = arith.constant 0 : i32
      %dma_start3A_178 = tpu.memref_slice %arg8[%arg0, %dma_start3A_176, %dma_start3A_177] : memref<2x10240x128xf32, #tpu.memory_space<hbm>> -> memref<1x10240x128xf32, #tpu.memory_space<hbm>>
      %dma_start3A_179 = tpu.memref_squeeze %dma_start3A_178 : memref<1x10240x128xf32, #tpu.memory_space<hbm>> -> memref<10240x128xf32, #tpu.memory_space<hbm>>
      %dma_start3A_180 = arith.constant 0 : i32
      %dma_start3A_181 = tpu.memref_slice %dma_start3A_179[%add3A_168, %dma_start3A_180] : memref<10240x128xf32, #tpu.memory_space<hbm>> -> memref<64x128xf32, #tpu.memory_space<hbm>>
      tpu.enqueue_dma source(%arg13 : memref<64x128xf32, #tpu.memory_space<vmem>>) target(%dma_start3A_181 : memref<64x128xf32, #tpu.memory_space<hbm>>) target_semaphore(%run_scoped3A_169 : memref<!tpu.dma_semaphore, #tpu.memory_space<semaphore_mem>>)
      %dma_wait3A = arith.constant 0 : i32
      %dma_wait3A_182 = arith.constant 0 : i32
      %dma_wait3A_183 = tpu.memref_slice %arg8[%arg0, %dma_wait3A, %dma_wait3A_182] : memref<2x10240x128xf32, #tpu.memory_space<hbm>> -> memref<1x10240x128xf32, #tpu.memory_space<hbm>>
      %dma_wait3A_184 = tpu.memref_squeeze %dma_wait3A_183 : memref<1x10240x128xf32, #tpu.memory_space<hbm>> -> memref<10240x128xf32, #tpu.memory_space<hbm>>
      %dma_wait3A_185 = arith.constant 0 : i32
      %dma_wait3A_186 = tpu.memref_slice %dma_wait3A_184[%add3A_168, %dma_wait3A_185] : memref<10240x128xf32, #tpu.memory_space<hbm>> -> memref<64x128xf32, #tpu.memory_space<hbm>>
      %dma_wait3A_187 = arith.constant 0 : i32
      %dma_wait3A_188 = arith.constant 0 : i32
      %dma_wait3A_189 = tpu.memref_slice %arg8[%arg0, %dma_wait3A_187, %dma_wait3A_188] : memref<2x10240x128xf32, #tpu.memory_space<hbm>> -> memref<1x10240x128xf32, #tpu.memory_space<hbm>>
      %dma_wait3A_190 = tpu.memref_squeeze %dma_wait3A_189 : memref<1x10240x128xf32, #tpu.memory_space<hbm>> -> memref<10240x128xf32, #tpu.memory_space<hbm>>
      %dma_wait3A_191 = arith.constant 0 : i32
      %dma_wait3A_192 = tpu.memref_slice %dma_wait3A_190[%add3A_168, %dma_wait3A_191] : memref<10240x128xf32, #tpu.memory_space<hbm>> -> memref<64x128xf32, #tpu.memory_space<hbm>>
      tpu.wait_dma2 semaphore(%run_scoped3A_169 : memref<!tpu.dma_semaphore, #tpu.memory_space<semaphore_mem>>) src(%arg13 : memref<64x128xf32, #tpu.memory_space<vmem>>) dst(%dma_wait3A_192 : memref<64x128xf32, #tpu.memory_space<hbm>>)
      tpu.yield
    }) : () -> ()
    "tpu.region"() ({
      %run_scoped3A_169 = tpu.sem_alloc : memref<!tpu.dma_semaphore, #tpu.memory_space<semaphore_mem>>
      %dma_start3A_170 = arith.constant 0 : i32
      %dma_start3A_171 = tpu.memref_slice %arg17[%add3A_168, %dma_start3A_170] : memref<10240x16xf32, #tpu.memory_space<vmem_shared>> -> memref<64x16xf32, #tpu.memory_space<vmem_shared>>
      %dma_start3A_172 = arith.constant 0 : i32
      %dma_start3A_173 = tpu.memref_slice %arg17[%add3A_168, %dma_start3A_172] : memref<10240x16xf32, #tpu.memory_space<vmem_shared>> -> memref<64x16xf32, #tpu.memory_space<vmem_shared>>
      tpu.enqueue_dma source(%dma_start3A_173 : memref<64x16xf32, #tpu.memory_space<vmem_shared>>) target(%arg15 : memref<64x16xf32, #tpu.memory_space<vmem>>) target_semaphore(%run_scoped3A_169 : memref<!tpu.dma_semaphore, #tpu.memory_space<semaphore_mem>>)
      %dma_wait3A = arith.constant 0 : i32
      %dma_wait3A_174 = tpu.memref_slice %arg17[%add3A_168, %dma_wait3A] : memref<10240x16xf32, #tpu.memory_space<vmem_shared>> -> memref<64x16xf32, #tpu.memory_space<vmem_shared>>
      %dma_wait3A_175 = arith.constant 0 : i32
      %dma_wait3A_176 = tpu.memref_slice %arg17[%add3A_168, %dma_wait3A_175] : memref<10240x16xf32, #tpu.memory_space<vmem_shared>> -> memref<64x16xf32, #tpu.memory_space<vmem_shared>>
      tpu.wait_dma2 semaphore(%run_scoped3A_169 : memref<!tpu.dma_semaphore, #tpu.memory_space<semaphore_mem>>) src(%dma_wait3A_176 : memref<64x16xf32, #tpu.memory_space<vmem_shared>>) dst(%arg15 : memref<64x16xf32, #tpu.memory_space<vmem>>)
      tpu.yield
    }) : () -> ()
    "tpu.region"() ({
      %run_scoped3A_169 = tpu.sem_alloc : memref<!tpu.dma_semaphore, #tpu.memory_space<semaphore_mem>>
      %dma_start3A_170 = arith.constant 0 : i32
      %dma_start3A_171 = arith.constant 0 : i32
      %dma_start3A_172 = tpu.memref_slice %arg9[%arg0, %dma_start3A_170, %dma_start3A_171] : memref<2x10240x16xf32, #tpu.memory_space<hbm>> -> memref<1x10240x16xf32, #tpu.memory_space<hbm>>
      %dma_start3A_173 = tpu.memref_squeeze %dma_start3A_172 : memref<1x10240x16xf32, #tpu.memory_space<hbm>> -> memref<10240x16xf32, #tpu.memory_space<hbm>>
      %dma_start3A_174 = arith.constant 0 : i32
      %dma_start3A_175 = tpu.memref_slice %dma_start3A_173[%add3A_168, %dma_start3A_174] : memref<10240x16xf32, #tpu.memory_space<hbm>> -> memref<64x16xf32, #tpu.memory_space<hbm>>
      %dma_start3A_176 = arith.constant 0 : i32
      %dma_start3A_177 = arith.constant 0 : i32
      %dma_start3A_178 = tpu.memref_slice %arg9[%arg0, %dma_start3A_176, %dma_start3A_177] : memref<2x10240x16xf32, #tpu.memory_space<hbm>> -> memref<1x10240x16xf32, #tpu.memory_space<hbm>>
      %dma_start3A_179 = tpu.memref_squeeze %dma_start3A_178 : memref<1x10240x16xf32, #tpu.memory_space<hbm>> -> memref<10240x16xf32, #tpu.memory_space<hbm>>
      %dma_start3A_180 = arith.constant 0 : i32
      %dma_start3A_181 = tpu.memref_slice %dma_start3A_179[%add3A_168, %dma_start3A_180] : memref<10240x16xf32, #tpu.memory_space<hbm>> -> memref<64x16xf32, #tpu.memory_space<hbm>>
      tpu.enqueue_dma source(%arg15 : memref<64x16xf32, #tpu.memory_space<vmem>>) target(%dma_start3A_181 : memref<64x16xf32, #tpu.memory_space<hbm>>) target_semaphore(%run_scoped3A_169 : memref<!tpu.dma_semaphore, #tpu.memory_space<semaphore_mem>>)
      %dma_wait3A = arith.constant 0 : i32
      %dma_wait3A_182 = arith.constant 0 : i32
      %dma_wait3A_183 = tpu.memref_slice %arg9[%arg0, %dma_wait3A, %dma_wait3A_182] : memref<2x10240x16xf32, #tpu.memory_space<hbm>> -> memref<1x10240x16xf32, #tpu.memory_space<hbm>>
      %dma_wait3A_184 = tpu.memref_squeeze %dma_wait3A_183 : memref<1x10240x16xf32, #tpu.memory_space<hbm>> -> memref<10240x16xf32, #tpu.memory_space<hbm>>
      %dma_wait3A_185 = arith.constant 0 : i32
      %dma_wait3A_186 = tpu.memref_slice %dma_wait3A_184[%add3A_168, %dma_wait3A_185] : memref<10240x16xf32, #tpu.memory_space<hbm>> -> memref<64x16xf32, #tpu.memory_space<hbm>>
      %dma_wait3A_187 = arith.constant 0 : i32
      %dma_wait3A_188 = arith.constant 0 : i32
      %dma_wait3A_189 = tpu.memref_slice %arg9[%arg0, %dma_wait3A_187, %dma_wait3A_188] : memref<2x10240x16xf32, #tpu.memory_space<hbm>> -> memref<1x10240x16xf32, #tpu.memory_space<hbm>>
      %dma_wait3A_190 = tpu.memref_squeeze %dma_wait3A_189 : memref<1x10240x16xf32, #tpu.memory_space<hbm>> -> memref<10240x16xf32, #tpu.memory_space<hbm>>
      %dma_wait3A_191 = arith.constant 0 : i32
      %dma_wait3A_192 = tpu.memref_slice %dma_wait3A_190[%add3A_168, %dma_wait3A_191] : memref<10240x16xf32, #tpu.memory_space<hbm>> -> memref<64x16xf32, #tpu.memory_space<hbm>>
      tpu.wait_dma2 semaphore(%run_scoped3A_169 : memref<!tpu.dma_semaphore, #tpu.memory_space<semaphore_mem>>) src(%arg15 : memref<64x16xf32, #tpu.memory_space<vmem>>) dst(%dma_wait3A_192 : memref<64x16xf32, #tpu.memory_space<hbm>>)
      tpu.yield
    }) : () -> ()
    return
  }
}

module attributes {stable_mosaic.version = 14 : i64} {
  func.func @_dense_body(%arg0: i32, %arg1: memref<1000x128xf32, #tpu.memory_space<vmem>>, %arg2: memref<2x1000x128xf32, #tpu.memory_space<vmem>>, %arg3: memref<2x1000x16xf32, #tpu.memory_space<vmem>>, %arg4: memref<128x128xf32, #tpu.memory_space<vmem>>, %arg5: memref<128x128xf32, #tpu.memory_space<vmem>>, %arg6: memref<1x128xf32, #tpu.memory_space<vmem>>, %arg7: memref<1000x128xf32, #tpu.memory_space<vmem>>) attributes {dimension_semantics = [#tpu.dimension_semantics<arbitrary>], iteration_bounds = array<i64: 10>, scalar_prefetch = 0 : i64, scratch_operands = 0 : i64, tpu.core_type = #tpu.core_type<tc>, window_params = [{transform_indices = @transform_0, window_bounds = array<i64: 1000, 128>}, {transform_indices = @transform_1, window_bounds = array<i64: 2, 1000, 128>}, {transform_indices = @transform_2, window_bounds = array<i64: 2, 1000, 16>}, {pipeline_mode = #tpu.pipeline_mode<synchronous>, transform_indices = @transform_3, window_bounds = array<i64: 128, 128>}, {pipeline_mode = #tpu.pipeline_mode<synchronous>, transform_indices = @transform_4, window_bounds = array<i64: 128, 128>}, {pipeline_mode = #tpu.pipeline_mode<synchronous>, transform_indices = @transform_5, window_bounds = array<i64: 1, 128>}, {transform_indices = @transform_6, window_bounds = array<i64: 1000, 128>}]} {
    %get3A = arith.constant 0 : index
    %get3A_0 = arith.constant 0 : index
    %get3A_1 = arith.constant 0 : index
    %get3A_2 = vector.load %arg3[%get3A, %get3A_0, %get3A_1] : memref<2x1000x16xf32, #tpu.memory_space<vmem>>, vector<1x1000x1xf32>
    %get3A_3 = vector.shape_cast %get3A_2 : vector<1x1000x1xf32> to vector<1000x1xf32>
    %get3A_4 = arith.constant 1 : index
    %get3A_5 = arith.constant 0 : index
    %get3A_6 = arith.constant 0 : index
    %get3A_7 = vector.load %arg3[%get3A_4, %get3A_5, %get3A_6] : memref<2x1000x16xf32, #tpu.memory_space<vmem>>, vector<1x1000x1xf32>
    %get3A_8 = vector.shape_cast %get3A_7 : vector<1x1000x1xf32> to vector<1000x1xf32>
    %add3A = arith.addf %get3A_3, %get3A_8 : vector<1000x1xf32>
    %max3A = arith.constant 1.000000e+00 : f32
    %max3A_9 = vector.broadcast %max3A : f32 to vector<1000x1xf32>
    %max3A_10 = arith.maximumf %add3A, %max3A_9 : vector<1000x1xf32>
    %div3A = arith.constant 1.000000e+00 : f32
    %div3A_11 = vector.broadcast %div3A : f32 to vector<1000x1xf32>
    %div3A_12 = arith.divf %div3A_11, %max3A_10 : vector<1000x1xf32>
    %get3A_13 = arith.constant 0 : index
    %get3A_14 = arith.constant 0 : index
    %get3A_15 = arith.constant 0 : index
    %get3A_16 = vector.load %arg2[%get3A_13, %get3A_14, %get3A_15] : memref<2x1000x128xf32, #tpu.memory_space<vmem>>, vector<1x1000x128xf32>
    %get3A_17 = vector.shape_cast %get3A_16 : vector<1x1000x128xf32> to vector<1000x128xf32>
    %get3A_18 = arith.constant 1 : index
    %get3A_19 = arith.constant 0 : index
    %get3A_20 = arith.constant 0 : index
    %get3A_21 = vector.load %arg2[%get3A_18, %get3A_19, %get3A_20] : memref<2x1000x128xf32, #tpu.memory_space<vmem>>, vector<1x1000x128xf32>
    %get3A_22 = vector.shape_cast %get3A_21 : vector<1x1000x128xf32> to vector<1000x128xf32>
    %add3A_23 = arith.addf %get3A_17, %get3A_22 : vector<1000x128xf32>
    %mul3A = vector.broadcast %div3A_12 : vector<1000x1xf32> to vector<1000x128xf32>
    %mul3A_24 = arith.mulf %add3A_23, %mul3A : vector<1000x128xf32>
    %get3A_25 = arith.constant 0 : index
    %get3A_26 = arith.constant 0 : index
    %get3A_27 = vector.load %arg1[%get3A_25, %get3A_26] : memref<1000x128xf32, #tpu.memory_space<vmem>>, vector<1000x128xf32>
    %get3A_28 = arith.constant 0 : index
    %get3A_29 = arith.constant 0 : index
    %get3A_30 = vector.load %arg4[%get3A_28, %get3A_29] : memref<128x128xf32, #tpu.memory_space<vmem>>, vector<128x128xf32>
    %dot_general3A = arith.constant dense<0.000000e+00> : vector<1000x128xf32>
    %dot_general3A_31 = tpu.matmul %get3A_27, %get3A_30, %dot_general3A {dimension_numbers = #tpu.dot_dimension_numbers<[1], [0], [0], [1], [0, 0, 1, 1], [], []>, transpose_lhs_hint = false} : vector<1000x128xf32>, vector<128x128xf32>, vector<1000x128xf32> -> vector<1000x128xf32>
    %get3A_32 = arith.constant 0 : index
    %get3A_33 = arith.constant 0 : index
    %get3A_34 = vector.load %arg5[%get3A_32, %get3A_33] : memref<128x128xf32, #tpu.memory_space<vmem>>, vector<128x128xf32>
    %dot_general3A_35 = arith.constant dense<0.000000e+00> : vector<1000x128xf32>
    %dot_general3A_36 = tpu.matmul %mul3A_24, %get3A_34, %dot_general3A_35 {dimension_numbers = #tpu.dot_dimension_numbers<[1], [0], [0], [1], [0, 0, 1, 1], [], []>, transpose_lhs_hint = false} : vector<1000x128xf32>, vector<128x128xf32>, vector<1000x128xf32> -> vector<1000x128xf32>
    %add3A_37 = arith.addf %dot_general3A_31, %dot_general3A_36 : vector<1000x128xf32>
    %get3A_38 = arith.constant 0 : index
    %get3A_39 = arith.constant 0 : index
    %get3A_40 = vector.load %arg6[%get3A_38, %get3A_39] : memref<1x128xf32, #tpu.memory_space<vmem>>, vector<1x128xf32>
    %add3A_41 = vector.broadcast %get3A_40 : vector<1x128xf32> to vector<1000x128xf32>
    %add3A_42 = arith.addf %add3A_37, %add3A_41 : vector<1000x128xf32>
    %ge3A = arith.constant 0.000000e+00 : f32
    %ge3A_43 = vector.broadcast %ge3A : f32 to vector<1000x128xf32>
    %ge3A_44 = arith.cmpf oge, %add3A_42, %ge3A_43 : vector<1000x128xf32>
    %mul3A_45 = arith.constant 0.00999999977 : f32
    %mul3A_46 = vector.broadcast %mul3A_45 : f32 to vector<1000x128xf32>
    %mul3A_47 = arith.mulf %mul3A_46, %add3A_42 : vector<1000x128xf32>
    %select_n3A = arith.select %ge3A_44, %add3A_42, %mul3A_47 : vector<1000x128xi1>, vector<1000x128xf32>
    %swap3A = arith.constant 0 : index
    %swap3A_48 = arith.constant 0 : index
    %swap3A_49 = vector.load %arg7[%swap3A, %swap3A_48] : memref<1000x128xf32, #tpu.memory_space<vmem>>, vector<1000x128xf32>
    tpu.vector_store %arg7[%swap3A, %swap3A_48], %select_n3A {strides = array<i32>} : memref<1000x128xf32, #tpu.memory_space<vmem>>, vector<1000x128xf32>,
    return
  }
  func.func @transform_0(%arg0: i32) -> (i32, i32) {
    %c0_i32 = arith.constant 0 : i32
    %c0_i32_0 = arith.constant 0 : i32
    return %arg0, %c0_i32 : i32, i32
  }
  func.func @transform_1(%arg0: i32) -> (i32, i32, i32) {
    %c0_i32 = arith.constant 0 : i32
    %c0_i32_0 = arith.constant 0 : i32
    %c0_i32_1 = arith.constant 0 : i32
    return %c0_i32, %arg0, %c0_i32_0 : i32, i32, i32
  }
  func.func @transform_2(%arg0: i32) -> (i32, i32, i32) {
    %c0_i32 = arith.constant 0 : i32
    %c0_i32_0 = arith.constant 0 : i32
    %c0_i32_1 = arith.constant 0 : i32
    return %c0_i32, %arg0, %c0_i32_0 : i32, i32, i32
  }
  func.func @transform_3(%arg0: i32) -> (i32, i32) {
    %c0_i32 = arith.constant 0 : i32
    %c0_i32_0 = arith.constant 0 : i32
    %c0_i32_1 = arith.constant 0 : i32
    return %c0_i32, %c0_i32_0 : i32, i32
  }
  func.func @transform_4(%arg0: i32) -> (i32, i32) {
    %c0_i32 = arith.constant 0 : i32
    %c0_i32_0 = arith.constant 0 : i32
    %c0_i32_1 = arith.constant 0 : i32
    return %c0_i32, %c0_i32_0 : i32, i32
  }
  func.func @transform_5(%arg0: i32) -> (i32, i32) {
    %c0_i32 = arith.constant 0 : i32
    %c0_i32_0 = arith.constant 0 : i32
    %c0_i32_1 = arith.constant 0 : i32
    return %c0_i32, %c0_i32_0 : i32, i32
  }
  func.func @transform_6(%arg0: i32) -> (i32, i32) {
    %c0_i32 = arith.constant 0 : i32
    %c0_i32_0 = arith.constant 0 : i32
    return %arg0, %c0_i32 : i32, i32
  }
}

module attributes {stable_mosaic.version = 14 : i64} {
  func.func @_pool_body(%arg0: memref<10000x128xf32, #tpu.memory_space<vmem>>, %arg1: memref<30x128xf32, #tpu.memory_space<vmem>>) attributes {dimension_semantics = [], scalar_prefetch = 0 : i64, scratch_operands = 0 : i64, tpu.core_type = #tpu.core_type<tc>} {
    %iota3A = tpu.iota {dimensions = array<i32: 0>} : vector<128x128xi32>
    %iota3A_0 = tpu.iota {dimensions = array<i32: 1>} : vector<128x128xi32>
    %eq3A = arith.cmpi eq, %iota3A, %iota3A_0 : vector<128x128xi32>
    %convert_element_type3A = arith.extui %eq3A : vector<128x128xi1> to vector<128x128xi32>
    %convert_element_type3A_1 = arith.sitofp %convert_element_type3A : vector<128x128xi32> to vector<128x128xf32>
    %convert_element_type3A_2 = arith.sitofp %iota3A_0 : vector<128x128xi32> to vector<128x128xf32>
    %get3A = arith.constant 0 : index
    %get3A_3 = arith.constant 0 : index
    %get3A_4 = vector.load %arg0[%get3A, %get3A_3] : memref<10000x128xf32, #tpu.memory_space<vmem>>, vector<10000x128xf32>
    %reduce_max3A = arith.constant dense<0xFF800000> : vector<10000xf32>
    %reduce_max3A_5 = vector.multi_reduction <maximumf>, %get3A_4, %reduce_max3A [1] : vector<10000x128xf32> to vector<10000xf32>
    %broadcast_in_dim3A = vector.shape_cast %reduce_max3A_5 : vector<10000xf32> to vector<10000x1xf32>
    %iota3A_6 = tpu.iota {dimensions = array<i32: 0>} : vector<10000x1xi32>
    %scan3A = arith.constant 0 : i32
    %scan3A_7 = arith.constant 30 : i32
    %scan3A_8 = arith.addi %scan3A, %scan3A_7 : i32
    %scan3A_9 = arith.constant 1 : i32
    %scan3A_10 = scf.for %scan3A_12 = %scan3A to %scan3A_8 step %scan3A_9 iter_args(%scan3A_13 = %broadcast_in_dim3A) -> (vector<10000x1xf32>)  : i32 {
      %reduce_max3A_14 = vector.shape_cast %scan3A_13 : vector<10000x1xf32> to vector<1x10000x1xf32>
      %reduce_max3A_15 = arith.constant dense<0xFF800000> : vector<1xf32>
      %reduce_max3A_16 = vector.multi_reduction <maximumf>, %reduce_max3A_14, %reduce_max3A_15 [1, 2] : vector<1x10000x1xf32> to vector<1xf32>
      %reduce_max3A_17 = vector.shape_cast %reduce_max3A_16 : vector<1xf32> to vector<1x1x1xf32>
      %reduce_max3A_18 = vector.extract %reduce_max3A_17[0, 0, 0] : f32 from vector<1x1x1xf32>
      %eq3A_19 = vector.broadcast %reduce_max3A_18 : f32 to vector<10000x1xf32>
      %eq3A_20 = arith.cmpf oeq, %scan3A_13, %eq3A_19 : vector<10000x1xf32>
      %jit3A = arith.constant 10000 : i32
      %broadcast_in_dim3A_21 = vector.broadcast %jit3A : i32 to vector<10000x1xi32>
      %select_n3A = arith.select %eq3A_20, %iota3A_6, %broadcast_in_dim3A_21 : vector<10000x1xi1>, vector<10000x1xi32>
      %reduce_min3A = vector.shape_cast %select_n3A : vector<10000x1xi32> to vector<1x10000x1xi32>
      %reduce_min3A_22 = arith.constant dense<2147483647> : vector<1xi32>
      %reduce_min3A_23 = vector.multi_reduction <minsi>, %reduce_min3A, %reduce_min3A_22 [1, 2] : vector<1x10000x1xi32> to vector<1xi32>
      %reduce_min3A_24 = vector.shape_cast %reduce_min3A_23 : vector<1xi32> to vector<1x1x1xi32>
      %reduce_min3A_25 = vector.extract %reduce_min3A_24[0, 0, 0] : i32 from vector<1x1x1xi32>
      %get3A_26 = arith.index_cast %reduce_min3A_25 : i32 to index
      %get3A_27 = arith.constant 0 : index
      %get3A_28 = vector.load %arg0[%get3A_26, %get3A_27] : memref<10000x128xf32, #tpu.memory_space<vmem>>, vector<1x128xf32>
      %dot_general3A = arith.constant dense<0.000000e+00> : vector<128x1xf32>
      %dot_general3A_29 = tpu.matmul %convert_element_type3A_1, %get3A_28, %dot_general3A {dimension_numbers = #tpu.dot_dimension_numbers<[1], [1], [0], [0], [0, 0, 1, 0], [], []>, transpose_lhs_hint = false} : vector<128x128xf32>, vector<1x128xf32>, vector<128x1xf32> -> vector<128x1xf32>
      %lt3A = vector.broadcast %get3A_28 : vector<1x128xf32> to vector<128x128xf32>
      %lt3A_30 = vector.broadcast %dot_general3A_29 : vector<128x1xf32> to vector<128x128xf32>
      %lt3A_31 = arith.cmpf olt, %lt3A, %lt3A_30 : vector<128x128xf32>
      %convert_element_type3A_32 = arith.extui %lt3A_31 : vector<128x128xi1> to vector<128x128xi32>
      %convert_element_type3A_33 = arith.sitofp %convert_element_type3A_32 : vector<128x128xi32> to vector<128x128xf32>
      %eq3A_34 = vector.broadcast %get3A_28 : vector<1x128xf32> to vector<128x128xf32>
      %eq3A_35 = vector.broadcast %dot_general3A_29 : vector<128x1xf32> to vector<128x128xf32>
      %eq3A_36 = arith.cmpf oeq, %eq3A_34, %eq3A_35 : vector<128x128xf32>
      %lt3A_37 = arith.cmpi slt, %iota3A_0, %iota3A : vector<128x128xi32>
      %and3A = arith.andi %eq3A_36, %lt3A_37 : vector<128x128xi1>
      %convert_element_type3A_38 = arith.extui %and3A : vector<128x128xi1> to vector<128x128xi32>
      %convert_element_type3A_39 = arith.sitofp %convert_element_type3A_38 : vector<128x128xi32> to vector<128x128xf32>
      %add3A = arith.addf %convert_element_type3A_33, %convert_element_type3A_39 : vector<128x128xf32>
      %reduce_sum3A = arith.constant dense<0.000000e+00> : vector<128xf32>
      %reduce_sum3A_40 = vector.multi_reduction <add>, %add3A, %reduce_sum3A [1] : vector<128x128xf32> to vector<128xf32>
      %broadcast_in_dim3A_41 = vector.shape_cast %reduce_sum3A_40 : vector<128xf32> to vector<128x1xf32>
      %eq3A_42 = vector.broadcast %broadcast_in_dim3A_41 : vector<128x1xf32> to vector<128x128xf32>
      %eq3A_43 = arith.cmpf oeq, %eq3A_42, %convert_element_type3A_2 : vector<128x128xf32>
      %convert_element_type3A_44 = arith.extui %eq3A_43 : vector<128x128xi1> to vector<128x128xi32>
      %convert_element_type3A_45 = arith.sitofp %convert_element_type3A_44 : vector<128x128xi32> to vector<128x128xf32>
      %mul3A = vector.broadcast %dot_general3A_29 : vector<128x1xf32> to vector<128x128xf32>
      %mul3A_46 = arith.mulf %mul3A, %convert_element_type3A_45 : vector<128x128xf32>
      %reduce_sum3A_47 = arith.constant dense<0.000000e+00> : vector<128xf32>
      %reduce_sum3A_48 = vector.multi_reduction <add>, %mul3A_46, %reduce_sum3A_47 [0] : vector<128x128xf32> to vector<128xf32>
      %broadcast_in_dim3A_49 = vector.shape_cast %reduce_sum3A_48 : vector<128xf32> to vector<1x128xf32>
      %swap3A = arith.index_cast %scan3A_12 : i32 to index
      %swap3A_50 = arith.constant 0 : index
      %swap3A_51 = vector.load %arg1[%swap3A, %swap3A_50] : memref<30x128xf32, #tpu.memory_space<vmem>>, vector<1x128xf32>
      tpu.vector_store %arg1[%swap3A, %swap3A_50], %broadcast_in_dim3A_49 {strides = array<i32>} : memref<30x128xf32, #tpu.memory_space<vmem>>, vector<1x128xf32>,
      %eq3A_52 = vector.broadcast %reduce_min3A_25 : i32 to vector<10000x1xi32>
      %eq3A_53 = arith.cmpi eq, %iota3A_6, %eq3A_52 : vector<10000x1xi32>
      %jit3A_54 = arith.constant 0xFF800000 : f32
      %broadcast_in_dim3A_55 = vector.broadcast %jit3A_54 : f32 to vector<10000x1xf32>
      %select_n3A_56 = arith.select %eq3A_53, %broadcast_in_dim3A_55, %scan3A_13 : vector<10000x1xi1>, vector<10000x1xf32>
      scf.yield %select_n3A_56 : vector<10000x1xf32>
    }
    %scan3A_11 = arith.constant 30 : i32
    return
  }
}

module attributes {stable_mosaic.version = 14 : i64} {
  func.func @_head_body(%arg0: i32, %arg1: memref<5x3840xf32, #tpu.memory_space<vmem>>, %arg2: memref<1x3836x128xf32, #tpu.memory_space<vmem>>, %arg3: memref<8x5xf32, #tpu.memory_space<vmem>>, %arg4: memref<8x1xf32, #tpu.memory_space<vmem>>, %arg5: memref<1x128xf32, #tpu.memory_space<vmem>>, %arg6: memref<128x128xf32, #tpu.memory_space<vmem>>, %arg7: memref<1x128xf32, #tpu.memory_space<vmem>>, %arg8: memref<1x128xf32, #tpu.memory_space<vmem>>, %arg9: memref<1x128xf32, #tpu.memory_space<vmem>>) attributes {dimension_semantics = [#tpu.dimension_semantics<arbitrary>], iteration_bounds = array<i64: 8>, scalar_prefetch = 0 : i64, scratch_operands = 1 : i64, tpu.core_type = #tpu.core_type<tc>, window_params = [{pipeline_mode = #tpu.pipeline_mode<synchronous>, transform_indices = @transform_0, window_bounds = array<i64: 5, 3840>}, {transform_indices = @transform_1, window_bounds = array<i64: 1, 3836, 128>}, {pipeline_mode = #tpu.pipeline_mode<synchronous>, transform_indices = @transform_2, window_bounds = array<i64: 8, 5>}, {pipeline_mode = #tpu.pipeline_mode<synchronous>, transform_indices = @transform_3, window_bounds = array<i64: 8, 1>}, {pipeline_mode = #tpu.pipeline_mode<synchronous>, transform_indices = @transform_4, window_bounds = array<i64: 1, 128>}, {pipeline_mode = #tpu.pipeline_mode<synchronous>, transform_indices = @transform_5, window_bounds = array<i64: 128, 128>}, {pipeline_mode = #tpu.pipeline_mode<synchronous>, transform_indices = @transform_6, window_bounds = array<i64: 1, 128>}, {pipeline_mode = #tpu.pipeline_mode<synchronous>, transform_indices = @transform_7, window_bounds = array<i64: 1, 128>}]} {
    %eq3A = arith.constant 0 : i32
    %eq3A_0 = arith.cmpi eq, %arg0, %eq3A : i32
    %convert_element_type3A = arith.extui %eq3A_0 : i1 to i32
    %cond3A = arith.constant 0 : i32
    %cond3A_1 = arith.cmpi ne, %convert_element_type3A, %cond3A : i32
    scf.if %cond3A_1 {
      %get3A_50 = arith.constant 0 : index
      %get3A_51 = arith.constant 0 : index
      %get3A_52 = vector.load %arg5[%get3A_50, %get3A_51] : memref<1x128xf32, #tpu.memory_space<vmem>>, vector<1x128xf32>
      %swap3A_53 = arith.constant 0 : index
      %swap3A_54 = arith.constant 0 : index
      %swap3A_55 = vector.load %arg9[%swap3A_53, %swap3A_54] : memref<1x128xf32, #tpu.memory_space<vmem>>, vector<1x128xf32>
      tpu.vector_store %arg9[%swap3A_53, %swap3A_54], %get3A_52 {strides = array<i32>} : memref<1x128xf32, #tpu.memory_space<vmem>>, vector<1x128xf32>,
    } else {
    }
    %get3A = arith.constant 0 : index
    %get3A_2 = arith.constant 0 : index
    %get3A_3 = vector.load %arg1[%get3A, %get3A_2] : memref<5x3840xf32, #tpu.memory_space<vmem>>, vector<5x3840xf32>
    %slice3A = vector.extract_strided_slice %get3A_3 {offsets = [0, 0], sizes = [5, 3836], strides = [1, 1]} : vector<5x3840xf32> to vector<5x3836xf32>
    %get3A_4 = arith.constant 0 : index
    %get3A_5 = arith.constant 0 : index
    %get3A_6 = arith.constant 0 : index
    %get3A_7 = vector.load %arg2[%get3A_4, %get3A_5, %get3A_6] : memref<1x3836x128xf32, #tpu.memory_space<vmem>>, vector<1x3836x128xf32>
    %get3A_8 = vector.shape_cast %get3A_7 : vector<1x3836x128xf32> to vector<3836x128xf32>
    %dot_general3A = arith.constant dense<0.000000e+00> : vector<5x128xf32>
    %dot_general3A_9 = tpu.matmul %slice3A, %get3A_8, %dot_general3A {dimension_numbers = #tpu.dot_dimension_numbers<[1], [0], [0], [1], [0, 0, 1, 1], [], []>, transpose_lhs_hint = false} : vector<5x3836xf32>, vector<3836x128xf32>, vector<5x128xf32> -> vector<5x128xf32>
    %iota3A = tpu.iota {dimensions = array<i32: 0>} : vector<8x1xi32>
    %eq3A_10 = vector.broadcast %arg0 : i32 to vector<8x1xi32>
    %eq3A_11 = arith.cmpi eq, %iota3A, %eq3A_10 : vector<8x1xi32>
    %convert_element_type3A_12 = arith.extui %eq3A_11 : vector<8x1xi1> to vector<8x1xi32>
    %convert_element_type3A_13 = arith.sitofp %convert_element_type3A_12 : vector<8x1xi32> to vector<8x1xf32>
    %get3A_14 = arith.constant 0 : index
    %get3A_15 = arith.constant 0 : index
    %get3A_16 = vector.load %arg3[%get3A_14, %get3A_15] : memref<8x5xf32, #tpu.memory_space<vmem>>, vector<8x5xf32>
    %mul3A = vector.broadcast %convert_element_type3A_13 : vector<8x1xf32> to vector<8x5xf32>
    %mul3A_17 = arith.mulf %get3A_16, %mul3A : vector<8x5xf32>
    %reduce_sum3A = arith.constant dense<0.000000e+00> : vector<5xf32>
    %reduce_sum3A_18 = vector.multi_reduction <add>, %mul3A_17, %reduce_sum3A [0] : vector<8x5xf32> to vector<5xf32>
    %broadcast_in_dim3A = vector.shape_cast %reduce_sum3A_18 : vector<5xf32> to vector<1x5xf32>
    %get3A_19 = arith.constant 0 : index
    %get3A_20 = arith.constant 0 : index
    %get3A_21 = vector.load %arg4[%get3A_19, %get3A_20] : memref<8x1xf32, #tpu.memory_space<vmem>>, vector<8x1xf32>
    %mul3A_22 = arith.mulf %get3A_21, %convert_element_type3A_13 : vector<8x1xf32>
    %reduce_sum3A_23 = arith.constant dense<0.000000e+00> : vector<1xf32>
    %reduce_sum3A_24 = vector.multi_reduction <add>, %mul3A_22, %reduce_sum3A_23 [0] : vector<8x1xf32> to vector<1xf32>
    %broadcast_in_dim3A_25 = vector.shape_cast %reduce_sum3A_24 : vector<1xf32> to vector<1x1xf32>
    %get3A_26 = arith.constant 0 : index
    %get3A_27 = arith.constant 0 : index
    %get3A_28 = vector.load %arg9[%get3A_26, %get3A_27] : memref<1x128xf32, #tpu.memory_space<vmem>>, vector<1x128xf32>
    %dot_general3A_29 = arith.constant dense<0.000000e+00> : vector<1x128xf32>
    %dot_general3A_30 = tpu.matmul %broadcast_in_dim3A, %dot_general3A_9, %dot_general3A_29 {dimension_numbers = #tpu.dot_dimension_numbers<[1], [0], [0], [1], [0, 0, 1, 1], [], []>, transpose_lhs_hint = false} : vector<1x5xf32>, vector<5x128xf32>, vector<1x128xf32> -> vector<1x128xf32>
    %add3A = arith.addf %get3A_28, %dot_general3A_30 : vector<1x128xf32>
    %swap3A = arith.constant 0 : index
    %swap3A_31 = arith.constant 0 : index
    %swap3A_32 = vector.load %arg9[%swap3A, %swap3A_31] : memref<1x128xf32, #tpu.memory_space<vmem>>, vector<1x128xf32>
    tpu.vector_store %arg9[%swap3A, %swap3A_31], %add3A {strides = array<i32>} : memref<1x128xf32, #tpu.memory_space<vmem>>, vector<1x128xf32>,
    %get3A_33 = arith.constant 0 : index
    %get3A_34 = arith.constant 0 : index
    %get3A_35 = vector.load %arg9[%get3A_33, %get3A_34] : memref<1x128xf32, #tpu.memory_space<vmem>>, vector<1x128xf32>
    %reduce_sum3A_36 = arith.constant dense<0.000000e+00> : vector<128xf32>
    %reduce_sum3A_37 = vector.multi_reduction <add>, %get3A_8, %reduce_sum3A_36 [0] : vector<3836x128xf32> to vector<128xf32>
    %broadcast_in_dim3A_38 = vector.shape_cast %reduce_sum3A_37 : vector<128xf32> to vector<1x128xf32>
    %mul3A_39 = vector.broadcast %broadcast_in_dim3A_25 : vector<1x1xf32> to vector<1x128xf32>
    %mul3A_40 = arith.mulf %mul3A_39, %broadcast_in_dim3A_38 : vector<1x128xf32>
    %add3A_41 = arith.addf %get3A_35, %mul3A_40 : vector<1x128xf32>
    %swap3A_42 = arith.constant 0 : index
    %swap3A_43 = arith.constant 0 : index
    %swap3A_44 = vector.load %arg9[%swap3A_42, %swap3A_43] : memref<1x128xf32, #tpu.memory_space<vmem>>, vector<1x128xf32>
    tpu.vector_store %arg9[%swap3A_42, %swap3A_43], %add3A_41 {strides = array<i32>} : memref<1x128xf32, #tpu.memory_space<vmem>>, vector<1x128xf32>,
    %eq3A_45 = arith.constant 7 : i32
    %eq3A_46 = arith.cmpi eq, %arg0, %eq3A_45 : i32
    %convert_element_type3A_47 = arith.extui %eq3A_46 : i1 to i32
    %cond3A_48 = arith.constant 0 : i32
    %cond3A_49 = arith.cmpi ne, %convert_element_type3A_47, %cond3A_48 : i32
    scf.if %cond3A_49 {
      %get3A_50 = arith.constant 0 : index
      %get3A_51 = arith.constant 0 : index
      %get3A_52 = vector.load %arg9[%get3A_50, %get3A_51] : memref<1x128xf32, #tpu.memory_space<vmem>>, vector<1x128xf32>
      %ge3A = arith.constant 0.000000e+00 : f32
      %ge3A_53 = vector.broadcast %ge3A : f32 to vector<1x128xf32>
      %ge3A_54 = arith.cmpf oge, %get3A_52, %ge3A_53 : vector<1x128xf32>
      %mul3A_55 = arith.constant 0.00999999977 : f32
      %mul3A_56 = vector.broadcast %mul3A_55 : f32 to vector<1x128xf32>
      %mul3A_57 = arith.mulf %mul3A_56, %get3A_52 : vector<1x128xf32>
      %select_n3A = arith.select %ge3A_54, %get3A_52, %mul3A_57 : vector<1x128xi1>, vector<1x128xf32>
      %get3A_58 = arith.constant 0 : index
      %get3A_59 = arith.constant 0 : index
      %get3A_60 = vector.load %arg6[%get3A_58, %get3A_59] : memref<128x128xf32, #tpu.memory_space<vmem>>, vector<128x128xf32>
      %dot_general3A_61 = arith.constant dense<0.000000e+00> : vector<1x128xf32>
      %dot_general3A_62 = tpu.matmul %select_n3A, %get3A_60, %dot_general3A_61 {dimension_numbers = #tpu.dot_dimension_numbers<[1], [0], [0], [1], [0, 0, 1, 1], [], []>, transpose_lhs_hint = false} : vector<1x128xf32>, vector<128x128xf32>, vector<1x128xf32> -> vector<1x128xf32>
      %get3A_63 = arith.constant 0 : index
      %get3A_64 = arith.constant 0 : index
      %get3A_65 = vector.load %arg7[%get3A_63, %get3A_64] : memref<1x128xf32, #tpu.memory_space<vmem>>, vector<1x128xf32>
      %add3A_66 = arith.addf %dot_general3A_62, %get3A_65 : vector<1x128xf32>
      %swap3A_67 = arith.constant 0 : index
      %swap3A_68 = arith.constant 0 : index
      %swap3A_69 = vector.load %arg8[%swap3A_67, %swap3A_68] : memref<1x128xf32, #tpu.memory_space<vmem>>, vector<1x128xf32>
      tpu.vector_store %arg8[%swap3A_67, %swap3A_68], %add3A_66 {strides = array<i32>} : memref<1x128xf32, #tpu.memory_space<vmem>>, vector<1x128xf32>,
    } else {
    }
    return
  }
  func.func @transform_0(%arg0: i32) -> (i32, i32) {
    %c0_i32 = arith.constant 0 : i32
    %c0_i32_0 = arith.constant 0 : i32
    %c0_i32_1 = arith.constant 0 : i32
    return %c0_i32, %c0_i32_0 : i32, i32
  }
  func.func @transform_1(%arg0: i32) -> (i32, i32, i32) {
    %c0_i32 = arith.constant 0 : i32
    %c0_i32_0 = arith.constant 0 : i32
    %c0_i32_1 = arith.constant 0 : i32
    return %arg0, %c0_i32, %c0_i32_0 : i32, i32, i32
  }
  func.func @transform_2(%arg0: i32) -> (i32, i32) {
    %c0_i32 = arith.constant 0 : i32
    %c0_i32_0 = arith.constant 0 : i32
    %c0_i32_1 = arith.constant 0 : i32
    return %c0_i32, %c0_i32_0 : i32, i32
  }
  func.func @transform_3(%arg0: i32) -> (i32, i32) {
    %c0_i32 = arith.constant 0 : i32
    %c0_i32_0 = arith.constant 0 : i32
    %c0_i32_1 = arith.constant 0 : i32
    return %c0_i32, %c0_i32_0 : i32, i32
  }
  func.func @transform_4(%arg0: i32) -> (i32, i32) {
    %c0_i32 = arith.constant 0 : i32
    %c0_i32_0 = arith.constant 0 : i32
    %c0_i32_1 = arith.constant 0 : i32
    return %c0_i32, %c0_i32_0 : i32, i32
  }
  func.func @transform_5(%arg0: i32) -> (i32, i32) {
    %c0_i32 = arith.constant 0 : i32
    %c0_i32_0 = arith.constant 0 : i32
    %c0_i32_1 = arith.constant 0 : i32
    return %c0_i32, %c0_i32_0 : i32, i32
  }
  func.func @transform_6(%arg0: i32) -> (i32, i32) {
    %c0_i32 = arith.constant 0 : i32
    %c0_i32_0 = arith.constant 0 : i32
    %c0_i32_1 = arith.constant 0 : i32
    return %c0_i32, %c0_i32_0 : i32, i32
  }
  func.func @transform_7(%arg0: i32) -> (i32, i32) {
    %c0_i32 = arith.constant 0 : i32
    %c0_i32_0 = arith.constant 0 : i32
    %c0_i32_1 = arith.constant 0 : i32
    return %c0_i32, %c0_i32_0 : i32, i32
  }
}

</mosaic_0001>

<sc_bundles>
// kernel: kernel.10.cloned.1.call-start
scs
__scs_entry_jumppad:
0x0: {  	(pc) =	sbr.rel $0x88, $3  }
0x1: {  	(tag) =	ssettag $0x0;
	lr =	simm.s32 $0x1  }
0x2: {  	[smem:$0x3F90] =	sst lr;
	_ =	strace $0xD0000000  }
0x3: {  	_ = 	snop  }
0x4: {  	_ = 	snop  }
0x5: {  	_ = 	snop  }
0x6: {  	_ = 	snop  }
0x7: {  	_ = 	snop  }
__scs_overlays_trampoline_lowered:
0x8: {  	[smem:$0x3F9F] =	sst s0  }
0x9: {  	[smem:$0x3FA0] =	sst s1  }
0xa: {  	[smem:$0x3FA1] =	sst s2  }
0xb: {  	[smem:$0x3FA2] =	sst s3  }
0xc: {  	[smem:$0x3FA3] =	sst s4  }
0xd: {  	[smem:$0x3FA4] =	sst s5  }
0xe: {  	[smem:$0x3FA5] =	sst s6  }
0xf: {  	[smem:$0x3FA6] =	sst s7  }
0x10: {  	[smem:$0x3FA7] =	sst s8  }
0x11: {  	[smem:$0x3FA8] =	sst s9;
	s0 =	simm.s32 @!p0 $0x0  }
0x12: {  	s1 =	sld [smem:$0x3F8E];
	s0 =	simm.s32 @p0 $0x1  }
0x13: {  	[smem:$0x3FA9] =	sst s0;
	s0 =	simm.s32 @!p1 $0x0  }
0x14: {  	s2 =	sld [smem:$0x3F8D];
	s0 =	simm.s32 @p1 $0x1  }
0x15: {  	[smem:$0x3FAA] =	sst s0;
	s0 =	simm.s32 @!p2 $0x0  }
0x16: {  	s3 =	sld [smem:$0x3FDB];
	s0 =	simm.s32 @p2 $0x1  }
0x17: {  	s4 =	simm.s32 $0x1BF5;
	[smem:$0x3FAC] =	sst s0  }
0x18: {  	s0 =	sld [smem:$0x3F8F];
	_ =	swait.ge [sflag:s4], $0x0  }
0x19: {  	s7 =	sld [smem:$0x3F90]  }
0x1a: {  	s8 =	sadd.s32 $0xFFFFE003, lr  }
0x1b: {  	s9 =	sadd.s32 $0xFFFFFEF7, lr;
	s5 =	simm.s32 $0xFFFFFFFF;
	p2 =	slt.u32 s8, $0xFFFFF086  }
0x1c: {  	p1 =	slt.u32 s9, $0xF7A;
	s5 =	simm.s32 @!p2 $0x0  }
0x1d: {  	s5 =	simm.s32 @p1 $0x1;
	p0 =	seq.s32 s7, s2  }
0x1e: {  	s7 =	smul.u32 @!p0 $0xF7A, s2;
	p2 =	seq.s32 @!p0 s5, $0x0  }
0x1f: {  	s9 =	smul.u32 $0xF7A, s1;
	s8 =	simm.s32 @!p0 $0x1BF5;
	p2 =	por !p2, p0  }
0x20: {  	[sflag:s8] =	ssyncset.s32 @!p0 $0xFFFFF086;
	s6 =	sadd.s32 @!p0 s3, s7;
	s7 =	simm.s32 @!p0 $0x108  }
0x21: {  	s3 =	sadd.s32 s3, s9;
	s6 =	sadd.s32 @!p0 $0x88, s6;
	s7 =	simm.s32 @p2 $0x1082  }
0x22: {  	[simem:s7], [sflag:s8] =	dma.local @!p0 [hbm:s6], $0xF7A  }
0x23: {  	s9 =	sor.u32 $0xD0000000, s2;
	s6 =	simm.s32 $0x108;
	_ =	swait.ge @!p0 [sflag:s8], $0x0  }
0x24: {  	s3 =	sadd.s32 $0x88, s3;
	s6 =	simm.s32 @!p1 $0x1082;
	[sflag:s4] =	ssyncset.s32 $0xFFFFF086  }
0x25: {  	[simem:s6], [sflag:s4] =	dma.local [hbm:s3], $0xF7A  }
0x26: {  	[smem:$0x3F90] =	sst s1;
	(tag) =	ssettag s2;
	_ =	strace s9  }
0x27: {  	s1 =	sld [smem:$0x3FA0]  }
0x28: {  	s2 =	sld [smem:$0x3FA1]  }
0x29: {  	s4 =	sld [smem:$0x3FA3]  }
0x2a: {  	p0 =	seq.s32 s5, $0x0;
	s5 =	sld [smem:$0x3FA4]  }
0x2b: {  	s6 =	sld [smem:$0x3FA5]  }
0x2c: {  	s7 =	sld [smem:$0x3FA6]  }
0x2d: {  	s3 =	simm.s32 $0x108;
	s8 =	sld [smem:$0x3FA7]  }
0x2e: {  	s3 =	simm.s32 @!p0 $0x1082;
	s9 =	sld [smem:$0x3FA8]  }
0x2f: {  	lr =	sadd.s32 s0, s3;
	s0 =	sld [smem:$0x3F9F]  }
0x30: {  	s3 =	sld [smem:$0x3FA2]  }
0x31: {  	[smem:$0x3FAB] =	sst s10  }
0x32: {  	s10 =	sld [smem:$0x3FA9];
	_ =	sdelay $0x3  }
0x33: {  	p0 =	seq.s32 s10, $0x1;
	s10 =	sld [smem:$0x3FAB];
	_ =	sdelay $0x3  }
0x34: {  	[smem:$0x3FAB] =	sst s10  }
0x35: {  	s10 =	sld [smem:$0x3FAA];
	_ =	sdelay $0x3  }
0x36: {  	p1 =	seq.s32 s10, $0x1;
	s10 =	sld [smem:$0x3FAB];
	_ =	sdelay $0x3  }
0x37: {  	[smem:$0x3FAB] =	sst s10  }
0x38: {  	s10 =	sld [smem:$0x3FAC]  }
0x39: {  	_ = 	snop;
	(pc) =	sbr.ind lr, $3  }
0x3a: {  	_ = 	snop  }
0x3b: {  	_ = 	snop  }
0x3c: {  	p2 =	seq.s32 s10, $0x1;
	s10 =	sld [smem:$0x3FAB]  }
0x3d: {  	_ =	shalt  }
0x3e: {  	_ =	shalt  }
0x3f: {  	_ =	shalt  }
0x40: {  	_ =	shalt  }
0x41: {  	_ =	shalt  }
0x42: {  	_ =	shalt  }
0x43: {  	_ =	shalt  }
0x44: {  	_ =	shalt  }
0x45: {  	_ =	shalt  }
0x46: {  	_ =	shalt  }
0x47: {  	_ =	shalt  }
0x48: {  	_ =	shalt  }
0x49: {  	_ =	shalt  }
0x4a: {  	_ =	shalt  }
0x4b: {  	_ =	shalt  }
0x4c: {  	_ =	shalt  }
0x4d: {  	_ =	shalt  }
0x4e: {  	_ =	shalt  }
0x4f: {  	_ =	shalt  }
0x50: {  	_ =	shalt  }
0x51: {  	_ =	shalt  }
0x52: {  	_ =	shalt  }
0x53: {  	_ =	shalt  }
0x54: {  	_ =	shalt  }
0x55: {  	_ =	shalt  }
0x56: {  	_ =	shalt  }
0x57: {  	_ =	shalt  }
0x58: {  	_ =	shalt  }
0x59: {  	_ =	shalt  }
0x5a: {  	_ =	shalt  }
0x5b: {  	_ =	shalt  }
0x5c: {  	_ =	shalt  }
0x5d: {  	_ =	shalt  }
0x5e: {  	_ =	shalt  }
0x5f: {  	_ =	shalt  }
0x60: {  	_ =	shalt  }
0x61: {  	_ =	shalt  }
0x62: {  	_ =	shalt  }
0x63: {  	_ =	shalt  }
0x64: {  	_ =	shalt  }
0x65: {  	_ =	shalt  }
0x66: {  	_ =	shalt  }
0x67: {  	_ =	shalt  }
0x68: {  	_ =	shalt  }
0x69: {  	_ =	shalt  }
0x6a: {  	_ =	shalt  }
0x6b: {  	_ =	shalt  }
0x6c: {  	_ =	shalt  }
0x6d: {  	_ =	shalt  }
0x6e: {  	_ =	shalt  }
0x6f: {  	_ =	shalt  }
0x70: {  	_ =	shalt  }
0x71: {  	_ =	shalt  }
0x72: {  	_ =	shalt  }
0x73: {  	_ =	shalt  }
0x74: {  	_ =	shalt  }
0x75: {  	_ =	shalt  }
0x76: {  	_ =	shalt  }
0x77: {  	_ =	shalt  }
0x78: {  	_ =	shalt  }
0x79: {  	_ =	shalt  }
0x7a: {  	_ =	shalt  }
0x7b: {  	_ =	shalt  }
0x7c: {  	_ =	shalt  }
0x7d: {  	_ =	shalt  }
0x7e: {  	_ =	shalt  }
0x7f: {  	_ =	shalt  }
0x80: {  	_ =	shalt  }
0x81: {  	_ =	shalt  }
0x82: {  	_ =	shalt  }
0x83: {  	_ =	shalt  }
0x84: {  	_ =	shalt  }
0x85: {  	_ =	shalt  }
0x86: {  	_ =	shalt  }
0x87: {  	_ =	shalt  }
.Lfunc_end0:
.L_simem_size_0:
called_computation_lowered:
.L_overlay_start_0:
0x88: {  	s2 =	sld [smem:$0x3FD9]  }
0x89: {  	s3 =	sld [smem:$0x3FFE];
	_ =	sdelay $0x1  }
0x8a: {  	s1 =	srdreg.scid  }
0x8b: {  	s0 =	sand.u32 $0x1, s1  }
0x8c: {  	s17 =	sshll.u32 s0, $0xA;
	s2 =	sadd.s32 s3, s2  }
0x8d: {  	s2 =	sadd.s32 s2, s17  }
0x8e: {  	[smem:$0x3FB7] =	sst s2  }
0x8f: {  	_ = 	snop  }
0x90: {  	s2 =	sld [smem:$0x3FC9];
	(tm) =	ssettm $0x1  }
0x91: {  	s18 =	sld [smem:$0x3FFB];
	_ =	sdelay $0x3  }
0x92: {  	_ =	strace s18  }
0x93: {  	s3 =	sld [smem:$0x3FFC];
	_ =	sdelay $0x3  }
0x94: {  	_ =	strace s3  }
0x95: {  	s3 =	sld [smem:$0x3FFD];
	_ =	sdelay $0x3  }
0x96: {  	_ =	strace s3  }
0x97: {  	_ =	strace $0x8FFFFFFF  }
0x98: {  	s19 =	sld [smem:$0x3FDB];
	_ =	sdelay $0x1  }
0x99: {  	s4 =	simm.s32 $_scs_section_size  }
0x9a: {  	s5 =	simm.s32 $_size__tile_overlayer_lowered;
	s6 =	simm.s32 $_tile_overlayer_lowered  }
0x9b: {  	s22 =	simm.s32 $0x1BFF;
	s21 =	sshll.u32 s6, $0x1;
	s3 =	sadd.s32 s4, s19  }
0x9c: {  	s7 =	simm.s32 $0x0;
	s20 =	sshll.u32 s5, $0x1;
	s5 =	sadd.s32 s21, s3  }
0x9d: {  	[timem:s7], [sflag:s22] =	dma.local [hbm:s5], s20  }
0x9e: {  	_ =	swait.ge [sflag:s22], s20  }
0x9f: {  	s4 =	ssub.s32 $0x0, s20;
	[sflag:s22] =	ssyncset.done $0x0  }
0xa0: {  	[sflag:s22] =	ssyncadd.s32 s4;
	_ =	sdelay $0x1  }
0xa1: {  	s23 =	simm.s32 $0x1B8B  }
0xa2: {  	_ =	swait.ge [sflag:s23], $0x1  }
0xa3: {  	[sflag:s23] =	ssyncset.done $0x0  }
0xa4: {  	s25 =	simm.s32 $0x1B8E;
	s24 =	sld [smem:$0x3FFE];
	[sflag:s23] =	ssyncadd.s32 $0xFFFFFFFF  }
0xa5: {  	s26 =	simm.s32 $execute0_lowered;
	[smem:$0x3FD2] =	sst s25  }
0xa6: {  	s5 =	sshll.u32 s26, $0x1;
	_ =	strace $0x80000046;
	[dreg:$0x1] =	wrdreg $0xFFFFFFFF  }
0xa7: {  	s28 =	simm.s32 $_size_execute0_lowered;
	s3 =	sadd.s32 s3, s5;
	[dreg:$0x0] =	wrdreg $0x0  }
0xa8: {  	s5 =	sshll.u32 s28, $0x1;
	[dreg:$0x2] =	wrdreg s3  }
0xa9: {  	[dreg:$0x3] =	wrdreg s5  }
0xaa: {  	[dreg:$0x4] =	wrdreg $0xC0  }
0xab: {  	_ =	task [dreg:s7], $0x5FFFF  }
0xac: {  	[dreg:$0x1] =	wrdreg $0xFFFFFFFF  }
0xad: {  	[dreg:$0x0] =	wrdreg $0x60  }
0xae: {  	[dreg:$0x2] =	wrdreg s2  }
0xaf: {  	[dreg:$0x3] =	wrdreg s24  }
0xb0: {  	[dreg:$0x4] =	wrdreg $0x7A400  }
0xb1: {  	[dreg:$0x5] =	wrdreg $0x1BA400  }
0xb2: {  	[dreg:$0x6] =	wrdreg $0x9  }
0xb3: {  	_ =	task.clear_ibuf [dreg:s7], $0x7FFFF;
	_ =	strace $0x90000046  }
0xb4: {  	s29 =	simm.s32 $0x9;
	_ =	strace $0x80000048  }
0xb5: {  	_ =	swait.ge [sflag:s29], $0x1  }
0xb6: {  	[sflag:s29] =	ssyncadd.s32 $0xFFFFFFFF  }
0xb7: {  	_ =	strace $0x90000048  }
0xb8: {  	_ =	sfence  }
0xb9: {  	s30 =	sld [smem:$0x0];
	_ =	sdelay $0x2  }
0xba: {  	s31 =	sshll.u32 s1, $0xD;
	s1 =	sshrl.u32 s1, $0x2  }
0xbb: {  	s3 =	sand.u32 $0x4000, s31;
	s1 =	sadd.s32 s1, s30  }
0xbc: {  	s0 =	sor.u32 s3, s0;
	s1 =	sshll.u32 s1, $0x11  }
0xbd: {  	s0 =	sor.u32 s1, s0  }
0xbe: {  	s0 =	sadd.s32 $0x8F2B, s0  }
0xbf: {  	[sflag:s0] =	ssyncadd.remote.s32 $0x1  }
0xc0: {  	_ =	sfence.sel $0xFFFF  }
0xc1: {  	[dreg:$0x0] =	wrdreg $0xFFFFFFFF;
	(pc) =	sbr.abs _section_cstart, $3  }
0xc2: {  	[dreg:$0x1] =	wrdreg $0xFFFFFFFF  }
0xc3: {  	_ =	task.clear_ibuf [dreg:s7], $0x2FFFF;
	_ =	strace $0x9FFFFFFF  }
0xc4: {  	(tm) =	ssettm $0x7FFFFFFF  }
0xc5: {  	_ =	shalt  }
tec
execute0_lowered:
.L_overlay_start_1:
0x0: {  	(tag) =	ssettag $0x1  }
0x1: {  	s0 =	rddreg [dreg:$0x0];
	s25 =	stileid.u32  }
0x2: {  	s1 =	srdreg.scid;
	s9 =	smul.u32 $0x280, s25  }
0x3: {  	s5 =	rddreg [dreg:$0x1];
	s4 =	sand.u32 $0x1, s1;
	s13 =	smul.u32 $0x2710, s25  }
0x4: {  	s2 =	rddreg [dreg:$0x2];
	s6 =	smul.u32 $0x28000, s4  }
0x5: {  	s3 =	simm.s32 $0x0;
	s1 =	smul.u32 $0x5000, s4;
	s7 =	ssub.s32 $0x2, s4  }
0x6: {  	[smem:$0x7FF] =	sst s3;
	s4 =	smul.u32 $0x27100, s4;
	s8 =	sshrl.u32 s7, $0x1  }
0x7: {  	s11 =	sadd.s32 $0x80, s9;
	s12 =	sadd.s32 $0xC0, s9;
	s14 =	sadd.s32 $0x100, s9  }
0x8: {  	s15 =	sadd.s32 $0x140, s9;
	s17 =	sadd.s32 $0x180, s9;
	s18 =	sadd.s32 $0x1C0, s9  }
0x9: {  	s10 =	sadd.s32 s1, s5;
	s28 =	ssub.s32 s7, s8;
	s7 =	smul.u32 $0x2800, s25  }
0xa: {  	s8 =	sor.u32 $0x40, s9;
	s1 =	sadd.s32 $0x200, s9;
	s9 =	sadd.s32 $0x240, s9  }
0xb: {  	s4 =	sadd.s32 s13, s4;
	s10 =	sadd.s32 $0x19200, s10;
	s16 =	sshll.u32 s8, $0x1  }
0xc: {  	s20 =	sshll.u32 s11, $0x1;
	s21 =	sshll.u32 s12, $0x1;
	s19 =	sadd.s32 s16, s10  }
0xd: {  	s22 =	sshll.u32 s14, $0x1;
	s20 =	sadd.s32 s20, s10;
	[dreg:$0x6] =	wrdreg s19  }
0xe: {  	s23 =	sshll.u32 s15, $0x1;
	s21 =	sadd.s32 s21, s10;
	[dreg:$0x7] =	wrdreg s20  }
0xf: {  	s26 =	sshrl.u32 s7, $0x3;
	s16 =	sadd.s32 s23, s10;
	[dreg:$0x8] =	wrdreg s21  }
0x10: {  	s24 =	sshll.u32 s17, $0x1;
	s13 =	sadd.s32 s26, s10;
	[dreg:$0xa] =	wrdreg s16  }
0x11: {  	s6 =	sadd.s32 s6, s5;
	s26 =	sadd.s32 s22, s10;
	[dreg:$0x5] =	wrdreg s13  }
0x12: {  	s19 =	sshll.u32 s18, $0x1;
	s20 =	sadd.s32 s24, s10;
	[dreg:$0x9] =	wrdreg s26  }
0x13: {  	s23 =	sadd.s32 $0x18A00, s5;
	[dreg:$0xb] =	wrdreg s20;
	s13 =	sadd.s32 s19, s10  }
0x14: {  	s21 =	sshll.u32 s1, $0x1;
	s22 =	sshll.u32 s9, $0x1;
	[dreg:$0xc] =	wrdreg s13  }
0x15: {  	s24 =	sadd.s32 $0x19000, s5;
	s16 =	sadd.s32 s21, s10;
	s13 =	rddreg [dreg:$0x3]  }
0x16: {  	s10 =	sadd.s32 s22, s10;
	s26 =	sshll.u32 s8, $0x7;
	[dreg:$0xd] =	wrdreg s16  }
0x17: {  	s8 =	sshll.u32 s8, $0x4;
	s20 =	sshll.u32 s11, $0x7;
	[dreg:$0xe] =	wrdreg s10  }
0x18: {  	s10 =	sadd.s32 $0xEC00, s5;
	_ =	strace $0x80000047;
	[dreg:$0xf] =	wrdreg s23  }
0x19: {  	s16 =	sadd.s32 $0x4E00, s5;
	s5 =	sadd.s32 $0x18E00, s5;
	[dreg:$0x10] =	wrdreg s24  }
0x1a: {  	s21 =	sshll.u32 s12, $0x7;
	s19 =	sadd.s32 s26, s2;
	[dreg:$0x11] =	wrdreg s5  }
0x1b: {  	s11 =	sshll.u32 s11, $0x4;
	s12 =	sshll.u32 s12, $0x4;
	[smem:$0x7E9] =	sst s19  }
0x1c: {  	s22 =	sshll.u32 s14, $0x7;
	s30 =	sadd.s32 s20, s2;
	[dreg:$0x12] =	wrdreg s8  }
0x1d: {  	s31 =	sadd.s32 s21, s2;
	s20 =	sadd.s32 s22, s2;
	[dreg:$0x13] =	wrdreg s11  }
0x1e: {  	s21 =	sshll.u32 s14, $0x4;
	s26 =	sshll.u32 s18, $0x7;
	[dreg:$0x14] =	wrdreg s12  }
0x1f: {  	s18 =	sshll.u32 s18, $0x4;
	s22 =	sshll.u32 s9, $0x7;
	[dreg:$0x15] =	wrdreg s21  }
0x20: {  	s7 =	sadd.s32 s7, s13;
	s23 =	sshll.u32 s15, $0x7;
	[dreg:$0x19] =	wrdreg s18  }
0x21: {  	s19 =	sshll.u32 s15, $0x4;
	s24 =	sshll.u32 s17, $0x7;
	[smem:$0x7F9] =	sst s30  }
0x22: {  	s17 =	sshll.u32 s17, $0x4;
	s15 =	sshll.u32 s1, $0x7;
	[smem:$0x7E8] =	sst s7  }
0x23: {  	s29 =	sadd.s32 s22, s2;
	s22 =	sshrl.u32 s4, $0x3;
	[dreg:$0x16] =	wrdreg s19  }
0x24: {  	s5 =	smul.u32 $0x14000, s25;
	s25 =	sadd.s32 s10, s22;
	[dreg:$0x17] =	wrdreg s17  }
0x25: {  	s14 =	sadd.s32 s24, s2;
	s7 =	sadd.s32 s16, s22;
	[dreg:$0x1e] =	wrdreg s25  }
0x26: {  	s24 =	sadd.s32 s26, s2;
	s22 =	sadd.s32 $0x50, s4;
	[dreg:$0x1f] =	wrdreg s7  }
0x27: {  	s26 =	sadd.s32 s15, s2;
	s15 =	sshll.u32 s1, $0x4;
	[smem:$0x7EA] =	sst s22  }
0x28: {  	s1 =	sshll.u32 s9, $0x4;
	s9 =	smov.u32 s14;
	[dreg:$0x1b] =	wrdreg s15  }
0x29: {  	s14 =	sadd.s32 $0x23200, s6;
	s7 =	sshrl.u32 s22, $0x3;
	[dreg:$0x1d] =	wrdreg s1  }
0x2a: {  	s6 =	smov.u32 s20;
	s20 =	smax.u32 s28, $0x1;
	[smem:$0x7EB] =	sst s7  }
0x2b: {  	[smem:$0x7EE] =	sst s20  }
0x2c: {  	[smem:$0x7F0] =	sst s14  }
0x2d: {  	s4 =	sadd.s32 $0xA0, s4;
	s25 =	sadd.s32 s5, s2;
	[smem:$0x7F2] =	sst s9  }
0x2e: {  	s4 =	sshrl.u32 s4, $0x3;
	s7 =	sadd.s32 s10, s7;
	[smem:$0x7F4] =	sst s6  }
0x2f: {  	s5 =	sshrl.u32 s5, $0x3;
	s10 =	sadd.s32 s4, s10;
	[smem:$0x7EC] =	sst s7  }
0x30: {  	s22 =	sadd.s32 s5, s14;
	s5 =	sadd.s32 s11, s13;
	[smem:$0x7ED] =	sst s10  }
0x31: {  	s11 =	smov.u32 s24;
	s24 =	sadd.s32 s19, s13;
	[smem:$0x7F1] =	sst s22  }
0x32: {  	s19 =	sadd.s32 s17, s13;
	s17 =	smov.u32 s29;
	[dreg:$0x18] =	wrdreg s11  }
0x33: {  	s20 =	sadd.s32 s21, s13;
	[dreg:$0x1c] =	wrdreg s17  }
0x34: {  	[smem:$0x7F6] =	sst s20  }
0x35: {  	[smem:$0x7F7] =	sst s5  }
0x36: {  	s23 =	sadd.s32 s23, s2;
	[smem:$0x7F8] =	sst s24  }
0x37: {  	s4 =	sadd.s32 s4, s16;
	s14 =	sadd.s32 s15, s13;
	[smem:$0x7FA] =	sst s19  }
0x38: {  	s28 =	simm.s32 $0xA0;
	s4 =	ssub.s32 $0xA, s4;
	[smem:$0x7FC] =	sst s14  }
0x39: {  	s7 =	sadd.s32 s12, s13;
	s12 =	smov.u32 s26;
	[smem:$0x7EF] =	sst s4  }
0x3a: {  	s10 =	sadd.s32 s8, s13;
	s8 =	smov.u32 s23;
	[dreg:$0x1a] =	wrdreg s12  }
0x3b: {  	s29 =	simm.s32 $0x7;
	s15 =	simm.s32 $0x7640;
	[smem:$0x7F3] =	sst s8  }
0x3c: {  	s21 =	simm.s32 $0x50;
	s23 =	sadd.s32 s18, s13;
	[smem:$0x7F5] =	sst s7  }
0x3d: {  	s22 =	sadd.s32 s1, s13;
	s26 =	simm.s32 $0x5140;
	[smem:$0x7FB] =	sst s23  }
0x3e: {  	s18 =	simm.s32 $0x7140;
	s4 =	simm.s32 $0x0;
	[smem:$0x7FD] =	sst s22  }
.LBB2_1:
0x3f: {  	[smem:$0x7E7] =	sst s4  }
0x40: {  	s1 =	rddreg [dreg:$0xf]  }
0x41: {  	[tilespmem:s26], [sflag:$0x7] =	stream.linear.gather [hbm4b:s1+s3], $0x2000, $0x38;
	[tilespmem:$0x1E240] =	vst v63  }
0x42: {  	_ =	swait.ge [sflag:s29], $0x2000  }
0x43: {  	[sflag:s29] =	ssyncset.done $0x0  }
0x44: {  	s1 =	rddreg [dreg:$0x10];
	[sflag:s29] =	ssyncadd.s32 $0xFFFFE000  }
0x45: {  	[tilespmem:s15], [sflag:$0x7] =	stream.linear.gather [hbm4b:s1+s3], $0x400, $0x38;
	[tilespmem:$0x1E240] =	vst v63  }
0x46: {  	_ =	swait.ge [sflag:s29], $0x400  }
0x47: {  	[sflag:s29] =	ssyncset.done $0x0  }
0x48: {  	s1 =	rddreg [dreg:$0x11];
	[sflag:s29] =	ssyncadd.s32 $0xFFFFFC00  }
0x49: {  	[tilespmem:s18], [sflag:$0x7] =	stream.linear.gather [hbm4b:s1+s3], $0x500, $0x38;
	[tilespmem:$0x1E240] =	vst v63  }
0x4a: {  	_ =	swait.ge [sflag:s29], $0x500  }
0x4b: {  	[sflag:s29] =	ssyncset.done $0x0  }
0x4c: {  	[sflag:s29] =	ssyncadd.s32 $0xFFFFFB00  }
0x4d: {  	[spmem:s25] =	stream.linear.scatter [tilespmem:s26], [sflag:$0x7], $0x2000, $0x38;
	[tilespmem:$0x1E240] =	vst v63  }
0x4e: {  	_ =	swait.ge [sflag:s29], $0x2000  }
0x4f: {  	s1 =	smov.u32 s25;
	s25 =	sld [smem:$0x7E8]  }
0x50: {  	[sflag:s29] =	ssyncset.done $0x0  }
0x51: {  	[sflag:s29] =	ssyncadd.s32 $0xFFFFE000  }
0x52: {  	[spmem:s25] =	stream.linear.scatter [tilespmem:s15], [sflag:$0x7], $0x400, $0x38;
	[tilespmem:$0x1E240] =	vst v63  }
0x53: {  	_ =	swait.ge [sflag:s29], $0x400  }
0x54: {  	s4 =	smov.u32 s10;
	s10 =	sld [smem:$0x7E9]  }
0x55: {  	[sflag:s29] =	ssyncset.done $0x0  }
0x56: {  	[sflag:s29] =	ssyncadd.s32 $0xFFFFFC00  }
0x57: {  	[spmem:s10] =	stream.linear.scatter [tilespmem:s26], [sflag:$0x7], $0x2000, $0x38;
	[tilespmem:$0x1E240] =	vst v63  }
0x58: {  	_ =	swait.ge [sflag:s29], $0x2000  }
0x59: {  	[sflag:s29] =	ssyncset.done $0x0  }
0x5a: {  	[sflag:s29] =	ssyncadd.s32 $0xFFFFE000  }
0x5b: {  	[spmem:s4] =	stream.linear.scatter [tilespmem:s15], [sflag:$0x7], $0x400, $0x38;
	[tilespmem:$0x1E240] =	vst v63  }
0x5c: {  	_ =	swait.ge [sflag:s29], $0x400  }
0x5d: {  	[sflag:s29] =	ssyncset.done $0x0  }
0x5e: {  	[sflag:s29] =	ssyncadd.s32 $0xFFFFFC00  }
0x5f: {  	[spmem:s30] =	stream.linear.scatter [tilespmem:s26], [sflag:$0x7], $0x2000, $0x38;
	[tilespmem:$0x1E240] =	vst v63  }
0x60: {  	_ =	swait.ge [sflag:s29], $0x2000  }
0x61: {  	s25 =	smov.u32 s22;
	[sflag:s29] =	ssyncset.done $0x0  }
0x62: {  	s22 =	smov.u32 s7;
	s7 =	smov.u32 s5;
	[sflag:s29] =	ssyncadd.s32 $0xFFFFE000  }
0x63: {  	[spmem:s7] =	stream.linear.scatter [tilespmem:s15], [sflag:$0x7], $0x400, $0x38;
	[tilespmem:$0x1E240] =	vst v63  }
0x64: {  	_ =	swait.ge [sflag:s29], $0x400  }
0x65: {  	[sflag:s29] =	ssyncset.done $0x0  }
0x66: {  	[sflag:s29] =	ssyncadd.s32 $0xFFFFFC00  }
0x67: {  	[spmem:s31] =	stream.linear.scatter [tilespmem:s26], [sflag:$0x7], $0x2000, $0x38;
	[tilespmem:$0x1E240] =	vst v63  }
0x68: {  	_ =	swait.ge [sflag:s29], $0x2000  }
0x69: {  	[sflag:s29] =	ssyncset.done $0x0  }
0x6a: {  	[sflag:s29] =	ssyncadd.s32 $0xFFFFE000  }
0x6b: {  	[spmem:s22] =	stream.linear.scatter [tilespmem:s15], [sflag:$0x7], $0x400, $0x38;
	[tilespmem:$0x1E240] =	vst v63  }
0x6c: {  	_ =	swait.ge [sflag:s29], $0x400  }
0x6d: {  	[sflag:s29] =	ssyncset.done $0x0  }
0x6e: {  	[sflag:s29] =	ssyncadd.s32 $0xFFFFFC00  }
0x6f: {  	[spmem:s6] =	stream.linear.scatter [tilespmem:s26], [sflag:$0x7], $0x2000, $0x38;
	[tilespmem:$0x1E240] =	vst v63  }
0x70: {  	_ =	swait.ge [sflag:s29], $0x2000  }
0x71: {  	[sflag:s29] =	ssyncset.done $0x0  }
0x72: {  	[sflag:s29] =	ssyncadd.s32 $0xFFFFE000  }
0x73: {  	[spmem:s20] =	stream.linear.scatter [tilespmem:s15], [sflag:$0x7], $0x400, $0x38;
	[tilespmem:$0x1E240] =	vst v63  }
0x74: {  	_ =	swait.ge [sflag:s29], $0x400  }
0x75: {  	[sflag:s29] =	ssyncset.done $0x0  }
0x76: {  	[sflag:s29] =	ssyncadd.s32 $0xFFFFFC00  }
0x77: {  	[spmem:s8] =	stream.linear.scatter [tilespmem:s26], [sflag:$0x7], $0x2000, $0x38;
	[tilespmem:$0x1E240] =	vst v63  }
0x78: {  	_ =	swait.ge [sflag:s29], $0x2000  }
0x79: {  	[sflag:s29] =	ssyncset.done $0x0  }
0x7a: {  	[sflag:s29] =	ssyncadd.s32 $0xFFFFE000  }
0x7b: {  	[spmem:s24] =	stream.linear.scatter [tilespmem:s15], [sflag:$0x7], $0x400, $0x38;
	[tilespmem:$0x1E240] =	vst v63  }
0x7c: {  	_ =	swait.ge [sflag:s29], $0x400  }
0x7d: {  	[sflag:s29] =	ssyncset.done $0x0  }
0x7e: {  	[sflag:s29] =	ssyncadd.s32 $0xFFFFFC00  }
0x7f: {  	[spmem:s9] =	stream.linear.scatter [tilespmem:s26], [sflag:$0x7], $0x2000, $0x38;
	[tilespmem:$0x1E240] =	vst v63  }
0x80: {  	_ =	swait.ge [sflag:s29], $0x2000  }
0x81: {  	[sflag:s29] =	ssyncset.done $0x0  }
0x82: {  	[sflag:s29] =	ssyncadd.s32 $0xFFFFE000  }
0x83: {  	[spmem:s19] =	stream.linear.scatter [tilespmem:s15], [sflag:$0x7], $0x400, $0x38;
	[tilespmem:$0x1E240] =	vst v63  }
0x84: {  	_ =	swait.ge [sflag:s29], $0x400  }
0x85: {  	[sflag:s29] =	ssyncset.done $0x0  }
0x86: {  	[sflag:s29] =	ssyncadd.s32 $0xFFFFFC00  }
0x87: {  	[spmem:s11] =	stream.linear.scatter [tilespmem:s26], [sflag:$0x7], $0x2000, $0x38;
	[tilespmem:$0x1E240] =	vst v63  }
0x88: {  	_ =	swait.ge [sflag:s29], $0x2000  }
0x89: {  	[sflag:s29] =	ssyncset.done $0x0  }
0x8a: {  	[sflag:s29] =	ssyncadd.s32 $0xFFFFE000  }
0x8b: {  	[spmem:s23] =	stream.linear.scatter [tilespmem:s15], [sflag:$0x7], $0x400, $0x38;
	[tilespmem:$0x1E240] =	vst v63  }
0x8c: {  	_ =	swait.ge [sflag:s29], $0x400  }
0x8d: {  	[sflag:s29] =	ssyncset.done $0x0  }
0x8e: {  	[sflag:s29] =	ssyncadd.s32 $0xFFFFFC00  }
0x8f: {  	[spmem:s12] =	stream.linear.scatter [tilespmem:s26], [sflag:$0x7], $0x2000, $0x38;
	[tilespmem:$0x1E240] =	vst v63  }
0x90: {  	_ =	swait.ge [sflag:s29], $0x2000  }
0x91: {  	[sflag:s29] =	ssyncset.done $0x0  }
0x92: {  	[sflag:s29] =	ssyncadd.s32 $0xFFFFE000  }
0x93: {  	[spmem:s14] =	stream.linear.scatter [tilespmem:s15], [sflag:$0x7], $0x400, $0x38;
	[tilespmem:$0x1E240] =	vst v63  }
0x94: {  	_ =	swait.ge [sflag:s29], $0x400  }
0x95: {  	[sflag:s29] =	ssyncset.done $0x0  }
0x96: {  	[sflag:s29] =	ssyncadd.s32 $0xFFFFFC00  }
0x97: {  	[spmem:s17] =	stream.linear.scatter [tilespmem:s26], [sflag:$0x7], $0x2000, $0x38;
	[tilespmem:$0x1E240] =	vst v63  }
0x98: {  	_ =	swait.ge [sflag:s29], $0x2000  }
0x99: {  	[sflag:s29] =	ssyncset.done $0x0  }
0x9a: {  	[sflag:s29] =	ssyncadd.s32 $0xFFFFE000  }
0x9b: {  	[spmem:s25] =	stream.linear.scatter [tilespmem:s15], [sflag:$0x7], $0x400, $0x38;
	[tilespmem:$0x1E240] =	vst v63  }
0x9c: {  	_ =	swait.ge [sflag:s29], $0x400  }
0x9d: {  	[sflag:s29] =	ssyncset.done $0x0  }
0x9e: {  	[sflag:s29] =	ssyncadd.s32 $0xFFFFFC00  }
0x9f: {  	[bflag:$0x0] =	sbarrier.arrive $0xFFFF  }
0xa0: {  	s12 =	rddreg [dreg:$0x1e]  }
0xa1: {  	[tilespmem:s3], [sflag:$0x7] =	stream.linear.gather [hbm4b:s12+s3], $0x50, $0x38;
	[tilespmem:$0x1E240] =	vst v63  }
0xa2: {  	s5 =	smov.u32 s10;
	_ =	swait.ge [sflag:s29], $0x50  }
0xa3: {  	s10 =	smov.u32 s4;
	s4 =	sand.u32 $0x1, s3;
	[sflag:s29] =	ssyncset.done $0x0  }
0xa4: {  	s7 =	smov.u32 s31;
	s14 =	rddreg [dreg:$0x1f];
	[sflag:s29] =	ssyncadd.s32 $0xFFFFFFB0  }
0xa5: {  	[tilespmem:s28], [sflag:$0x5] =	stream.linear.gather [hbm4b:s14+s3], $0x50, $0x38;
	[tilespmem:$0x1E240] =	vst v63  }
0xa6: {  	s20 =	sxor.u32 $0x1, s4;
	s17 =	simm.s32 $0x140;
	s19 =	sld [smem:$0x7EC]  }
0xa7: {  	[tilespmem:s17], [sflag:$0x1] =	stream.indirect.gather [hbm4b:s0+s21], $0x80, s3, s21, $0xb8;
	[tilespmem:$0x1E240] =	vst v63  }
0xa8: {  	s22 =	sadd.s32 $0x3, s20;
	s6 =	sadd.s32 $0x5, s20;
	s23 =	smul.u32 $0xA000, s20  }
0xa9: {  	[tilespmem:s21], [sflag:$0x4] =	stream.linear.gather [hbm4b:s19+s3], $0x50, $0x38;
	[tilespmem:$0x1E240] =	vst v63  }
0xaa: {  	s24 =	smul.u32 $0x50, s20;
	s11 =	sadd.s32 $0x1, s20;
	_ =	swait.ge [sflag:s22], $0x50  }
0xab: {  	s9 =	sshrl.u32 s23, $0x2;
	[sflag:s22] =	ssyncset.done $0x0;
	s25 =	sld [smem:$0x7EB]  }
0xac: {  	s9 =	sor.u32 $0x140, s9;
	s12 =	sadd.s32 $0xA0, s24;
	[sflag:s22] =	ssyncadd.s32 $0xFFFFFFB0  }
0xad: {  	[tilespmem:s9], [sflag:s11] =	stream.indirect.gather [hbm4b:s0+s21], $0x80, s24, s21, $0xb8;
	[tilespmem:$0x1E240] =	vst v63  }
0xae: {  	s14 =	smul.u32 $0x140, s4;
	s22 =	sld [smem:$0x7ED];
	s31 =	sadd.s32 s16, s25  }
0xaf: {  	[tilespmem:s12], [sflag:s6] =	stream.linear.gather [hbm4b:s31+s3], $0x50, $0x38;
	[tilespmem:$0x1E240] =	vst v63  }
0xb0: {  	s20 =	sadd.s32 $0x1, s4;
	s17 =	sshrl.u32 s14, $0x2;
	s19 =	sadd.s32 $0x3, s4  }
0xb1: {  	[tilespmem:s17], [sflag:s19] =	stream.linear.gather [hbm4b:s22+s3], $0x50, $0x38;
	[tilespmem:$0x1E240] =	vst v63  }
0xb2: {  	_ =	swait.ge [sflag:s20], $0x2800  }
0xb3: {  	s23 =	smul.u32 $0xA000, s4;
	[sflag:s20] =	ssyncset.done $0x0  }
0xb4: {  	s4 =	sadd.s32 $0x5, s4;
	[sflag:s20] =	ssyncadd.s32 $0xFFFFD800  }
0xb5: {  	s30 =	simm.s32 $0x2;
	s8 =	sshrl.u32 s23, $0x2;
	_ =	swait.ge [sflag:s4], $0x50  }
0xb6: {  	s8 =	sor.u32 $0x140, s8;
	s14 =	simm.s32 $0xA0;
	[sflag:s4] =	ssyncset.done $0x0  }
0xb7: {  	s24 =	simm.s32 $0x1;
	s6 =	sadd.s32 $0xA0, s17;
	[sflag:s4] =	ssyncadd.s32 $0xFFFFFFB0  }
0xb8: {  	[spmem:s2] =	stream.indirect.scatter.add.f32 [tilespmem:s8], [sflag:$0x7], $0x80, s6, s21, $0xb8;
	[tilespmem:$0x1E240] =	vst v63  }
0xb9: {  	s28 =	sadd.s32 $0xA, s22;
	s19 =	simm.s32 $0x140;
	_ =	swait.ge [sflag:s29], $0x2800  }
0xba: {  	s4 =	sand.u32 $0x1, s24;
	[sflag:s29] =	ssyncset.done $0x0;
	s31 =	sld [smem:$0x7EA]  }
0xbb: {  	s9 =	smul.u32 $0xA000, s4;
	s25 =	sld [smem:$0x7EF];
	[sflag:s29] =	ssyncadd.s32 $0xFFFFD800  }
0xbc: {  	[spmem:s13] =	stream.indirect.scatter.add.f32 [tilespmem:s18], [sflag:$0x7], $0x10, s6, s21, $0xb8;
	[tilespmem:$0x1E240] =	vst v63  }
0xbd: {  	s6 =	sxor.u32 $0x1, s4;
	s8 =	sadd.s32 $0x50, s31;
	_ =	swait.ge [sflag:s29], $0x500  }
0xbe: {  	s25 =	sadd.s32 $0xFFFFFFF6, s25;
	s17 =	sshrl.u32 s8, $0x3;
	[sflag:s29] =	ssyncset.done $0x0  }
.LBB2_2:
0xbf: {  	s22 =	sadd.s32 $0x3, s6  }
0xc0: {  	s11 =	smul.u32 $0xA000, s6;
	[sflag:s29] =	ssyncadd.s32 $0xFFFFFB00;
	s12 =	smov.u32 s30  }
0xc1: {  	s31 =	smul.u32 $0x50, s6;
	_ =	swait.ge [sflag:s22], $0x50;
	s9 =	sshrl.u32 s9, $0x2  }
0xc2: {  	s17 =	sadd.s32 s16, s17;
	[sflag:s22] =	ssyncset.done $0x0;
	s11 =	sshrl.u32 s11, $0x2  }
0xc3: {  	[sflag:s22] =	ssyncadd.s32 $0xFFFFFFB0;
	s11 =	sor.u32 $0x140, s11;
	s22 =	sadd.s32 $0x1, s6  }
0xc4: {  	[tilespmem:s11], [sflag:s22] =	stream.indirect.gather [hbm4b:s0+s21], $0x80, s31, s21, $0xb8;
	[tilespmem:$0x1E240] =	vst v63  }
0xc5: {  	s6 =	sadd.s32 $0x5, s6;
	s11 =	sadd.s32 $0xA0, s31;
	s22 =	smul.u32 $0x140, s4  }
0xc6: {  	[tilespmem:s11], [sflag:s6] =	stream.linear.gather [hbm4b:s17+s3], $0x50, $0x38;
	[tilespmem:$0x1E240] =	vst v63  }
0xc7: {  	s6 =	sshrl.u32 s22, $0x2;
	s11 =	sadd.s32 $0x3, s4;
	s17 =	sadd.s32 $0x1, s4  }
0xc8: {  	[tilespmem:s6], [sflag:s11] =	stream.linear.gather [hbm4b:s28+s3], $0x50, $0x38;
	[tilespmem:$0x1E240] =	vst v63  }
0xc9: {  	p0 =	sne.s32 s30, $0x7A;
	s30 =	sadd.s32 $0x1, s30;
	_ =	swait.ge [sflag:s17], $0x2800  }
0xca: {  	[sflag:s17] =	ssyncset.done $0x0  }
0xcb: {  	s4 =	sadd.s32 $0x5, s4;
	[sflag:s17] =	ssyncadd.s32 $0xFFFFD800  }
0xcc: {  	_ =	swait.ge [sflag:s4], $0x50  }
0xcd: {  	[sflag:s4] =	ssyncset.done $0x0  }
0xce: {  	s9 =	sor.u32 $0x140, s9;
	s6 =	sadd.s32 $0xA0, s6;
	[sflag:s4] =	ssyncadd.s32 $0xFFFFFFB0  }
0xcf: {  	[spmem:s2] =	stream.indirect.scatter.add.f32 [tilespmem:s9], [sflag:$0x7], $0x80, s6, s21, $0xb8;
	[tilespmem:$0x1E240] =	vst v63  }
0xd0: {  	_ =	swait.ge [sflag:s29], $0x2800  }
.Ltmp0:
0xd1: {  	s28 =	sadd.s32 $0xA, s28;
	[sflag:s29] =	ssyncset.done $0x0;
	(pc) =	sbr.rel @p0 .LBB2_2-.Ltmp0, $4  }
0xd2: {  	s25 =	sadd.s32 $0xFFFFFFF6, s25;
	s8 =	sadd.s32 $0x50, s8;
	[sflag:s29] =	ssyncadd.s32 $0xFFFFD800  }
0xd3: {  	[spmem:s13] =	stream.indirect.scatter.add.f32 [tilespmem:s18], [sflag:$0x7], $0x10, s6, s21, $0xb8;
	[tilespmem:$0x1E240] =	vst v63  }
0xd4: {  	s17 =	sshrl.u32 s8, $0x3;
	s4 =	sand.u32 $0x1, s12;
	_ =	swait.ge [sflag:s29], $0x500  }
0xd5: {  	s9 =	smul.u32 $0xA000, s4;
	s6 =	sxor.u32 $0x1, s4;
	[sflag:s29] =	ssyncset.done $0x0  }
0xd6: {  	s8 =	sadd.s32 $0x3, s6;
	s11 =	smul.u32 $0xA000, s6;
	[sflag:s29] =	ssyncadd.s32 $0xFFFFFB00  }
0xd7: {  	s12 =	smul.u32 $0x50, s6;
	_ =	swait.ge [sflag:s8], $0x50  }
0xd8: {  	s24 =	sadd.s32 $0x1, s6;
	[sflag:s8] =	ssyncset.done $0x0;
	s11 =	sshrl.u32 s11, $0x2  }
0xd9: {  	s20 =	sadd.s32 s16, s17;
	[sflag:s8] =	ssyncadd.s32 $0xFFFFFFB0;
	s23 =	sor.u32 $0x140, s11  }
0xda: {  	[tilespmem:s23], [sflag:s24] =	stream.indirect.gather [hbm4b:s0+s21], $0x80, s12, s21, $0xb8;
	[tilespmem:$0x1E240] =	vst v63  }
0xdb: {  	s22 =	sadd.s32 $0xA0, s12;
	s23 =	sadd.s32 $0x5, s6;
	s24 =	smul.u32 $0x140, s4  }
0xdc: {  	[tilespmem:s22], [sflag:s23] =	stream.linear.gather [hbm4b:s20+s3], $0x50, $0x38;
	[tilespmem:$0x1E240] =	vst v63  }
0xdd: {  	s17 =	sadd.s32 $0x3, s4;
	s12 =	sshrl.u32 s24, $0x2;
	s20 =	sadd.s32 $0x1, s4  }
0xde: {  	[tilespmem:s12], [sflag:s17] =	stream.linear.gather [hbm4b:s28+s3], $0x50, $0x38;
	[tilespmem:$0x1E240] =	vst v63  }
0xdf: {  	_ =	swait.ge [sflag:s20], $0x2800  }
0xe0: {  	[sflag:s20] =	ssyncset.done $0x0  }
0xe1: {  	s22 =	sadd.s32 $0x5, s4;
	[sflag:s20] =	ssyncadd.s32 $0xFFFFD800  }
0xe2: {  	_ =	swait.ge [sflag:s22], $0x50  }
0xe3: {  	s23 =	sshrl.u32 s9, $0x2;
	[sflag:s22] =	ssyncset.done $0x0  }
0xe4: {  	s24 =	sor.u32 $0x140, s23;
	s6 =	sadd.s32 $0xA0, s12;
	[sflag:s22] =	ssyncadd.s32 $0xFFFFFFB0  }
0xe5: {  	[spmem:s2] =	stream.indirect.scatter.add.f32 [tilespmem:s24], [sflag:$0x7], $0x80, s6, s21, $0xb8;
	[tilespmem:$0x1E240] =	vst v63  }
0xe6: {  	_ =	swait.ge [sflag:s29], $0x2800  }
0xe7: {  	[sflag:s29] =	ssyncset.done $0x0  }
0xe8: {  	[sflag:s29] =	ssyncadd.s32 $0xFFFFD800  }
0xe9: {  	[spmem:s13] =	stream.indirect.scatter.add.f32 [tilespmem:s18], [sflag:$0x7], $0x10, s6, s21, $0xb8;
	[tilespmem:$0x1E240] =	vst v63  }
0xea: {  	_ =	swait.ge [sflag:s29], $0x500  }
0xeb: {  	[sflag:s29] =	ssyncset.done $0x0  }
0xec: {  	s4 =	simm.s32 $0x3;
	[sflag:s29] =	ssyncadd.s32 $0xFFFFFB00  }
0xed: {  	_ =	swait.ge [sflag:s4], $0x50  }
0xee: {  	[sflag:s4] =	ssyncset.done $0x0  }
0xef: {  	s8 =	sadd.s32 $0xFFFFFFF6, s25;
	[sflag:s4] =	ssyncadd.s32 $0xFFFFFFB0  }
0xf0: {  	[tilespmem:s19], [sflag:$0x1] =	stream.indirect.gather [hbm4b:s0+s21], $0x80, s3, s21, $0xb8;
	[tilespmem:$0x1E240] =	vst v63  }
0xf1: {  	s9 =	simm.s32 $0x2;
	s4 =	ssub.s32 $0x0, s8  }
0xf2: {  	[tilespmem:s14], [sflag:$0x5] =	stream.linear.gather [hbm4b:s4+s3], $0x50, $0x38;
	[tilespmem:$0x1E240] =	vst v63  }
0xf3: {  	_ =	swait.ge [sflag:s9], $0x2800  }
0xf4: {  	[sflag:s9] =	ssyncset.done $0x0  }
0xf5: {  	s11 =	simm.s32 $0x6;
	[sflag:s9] =	ssyncadd.s32 $0xFFFFD800  }
0xf6: {  	_ =	swait.ge [sflag:s11], $0x50  }
0xf7: {  	[sflag:s11] =	ssyncset.done $0x0  }
0xf8: {  	s12 =	simm.s32 $0xF0;
	s17 =	simm.s32 $0x2940;
	[sflag:s11] =	ssyncadd.s32 $0xFFFFFFB0  }
0xf9: {  	[spmem:s2] =	stream.indirect.scatter.add.f32 [tilespmem:s17], [sflag:$0x7], $0x80, s12, s21, $0xb8;
	[tilespmem:$0x1E240] =	vst v63  }
0xfa: {  	_ =	swait.ge [sflag:s29], $0x2800  }
0xfb: {  	[sflag:s29] =	ssyncset.done $0x0  }
0xfc: {  	[sflag:s29] =	ssyncadd.s32 $0xFFFFD800  }
0xfd: {  	[spmem:s13] =	stream.indirect.scatter.add.f32 [tilespmem:s18], [sflag:$0x7], $0x10, s12, s21, $0xb8;
	[tilespmem:$0x1E240] =	vst v63  }
0xfe: {  	_ =	swait.ge [sflag:s29], $0x500  }
0xff: {  	[sflag:s29] =	ssyncset.done $0x0  }
0x100: {  	s20 =	simm.s32 $0x1;
	[sflag:s29] =	ssyncadd.s32 $0xFFFFFB00  }
0x101: {  	_ =	swait.ge [sflag:s20], $0x2800  }
0x102: {  	[sflag:s20] =	ssyncset.done $0x0  }
0x103: {  	s22 =	simm.s32 $0x5;
	[sflag:s20] =	ssyncadd.s32 $0xFFFFD800  }
0x104: {  	_ =	swait.ge [sflag:s22], $0x50  }
0x105: {  	[sflag:s22] =	ssyncset.done $0x0  }
0x106: {  	[sflag:s22] =	ssyncadd.s32 $0xFFFFFFB0  }
0x107: {  	[spmem:s2] =	stream.indirect.scatter.add.f32 [tilespmem:s19], [sflag:$0x7], $0x80, s14, s21, $0xb8;
	[tilespmem:$0x1E240] =	vst v63  }
0x108: {  	_ =	swait.ge [sflag:s29], $0x2800  }
0x109: {  	[sflag:s29] =	ssyncset.done $0x0  }
0x10a: {  	[sflag:s29] =	ssyncadd.s32 $0xFFFFD800  }
0x10b: {  	[spmem:s13] =	stream.indirect.scatter.add.f32 [tilespmem:s18], [sflag:$0x7], $0x10, s14, s21, $0xb8;
	[tilespmem:$0x1E240] =	vst v63  }
0x10c: {  	_ =	swait.ge [sflag:s29], $0x500  }
0x10d: {  	[sflag:s29] =	ssyncset.done $0x0  }
0x10e: {  	[sflag:s29] =	ssyncadd.s32 $0xFFFFFB00  }
0x10f: {  	[bflag:$0x0] =	sbarrier.arrive $0xFFFF  }
0x110: {  	[tilespmem:s26], [sflag:$0x7] =	stream.linear.gather [spmem:s1], $0x2000, $0x38;
	[tilespmem:$0x1E240] =	vst v63  }
0x111: {  	_ =	swait.ge [sflag:s29], $0x2000  }
0x112: {  	s23 =	sld [smem:$0x7F1]  }
0x113: {  	[sflag:s29] =	ssyncset.done $0x0  }
0x114: {  	[sflag:s29] =	ssyncadd.s32 $0xFFFFE000  }
0x115: {  	[hbm4b:s23+s3] =	stream.linear.scatter [tilespmem:s26], [sflag:$0x7], $0x2000, $0x38;
	[tilespmem:$0x1E240] =	vst v63  }
0x116: {  	_ =	swait.ge [sflag:s29], $0x2000  }
0x117: {  	s24 =	sld [smem:$0x7E8]  }
0x118: {  	[sflag:s29] =	ssyncset.done $0x0  }
0x119: {  	[sflag:s29] =	ssyncadd.s32 $0xFFFFE000  }
0x11a: {  	[tilespmem:s15], [sflag:$0x7] =	stream.linear.gather [spmem:s24], $0x400, $0x38;
	[tilespmem:$0x1E240] =	vst v63  }
0x11b: {  	_ =	swait.ge [sflag:s29], $0x400  }
0x11c: {  	[sflag:s29] =	ssyncset.done $0x0  }
0x11d: {  	s25 =	smov.u32 s1;
	s1 =	rddreg [dreg:$0x5];
	[sflag:s29] =	ssyncadd.s32 $0xFFFFFC00  }
0x11e: {  	[hbm4b:s1+s3] =	stream.linear.scatter [tilespmem:s15], [sflag:$0x7], $0x400, $0x38;
	[tilespmem:$0x1E240] =	vst v63  }
0x11f: {  	_ =	swait.ge [sflag:s29], $0x400  }
0x120: {  	[sflag:s29] =	ssyncset.done $0x0  }
0x121: {  	[sflag:s29] =	ssyncadd.s32 $0xFFFFFC00  }
0x122: {  	[tilespmem:s26], [sflag:$0x7] =	stream.linear.gather [spmem:s5], $0x2000, $0x38;
	[tilespmem:$0x1E240] =	vst v63  }
0x123: {  	_ =	swait.ge [sflag:s29], $0x2000  }
0x124: {  	s22 =	sld [smem:$0x7F0];
	_ =	sdelay $0x1  }
0x125: {  	[sflag:s29] =	ssyncset.done $0x0;
	s6 =	rddreg [dreg:$0x12]  }
0x126: {  	[sflag:s29] =	ssyncadd.s32 $0xFFFFE000;
	s8 =	sadd.s32 s6, s22  }
0x127: {  	[hbm4b:s8+s3] =	stream.linear.scatter [tilespmem:s26], [sflag:$0x7], $0x2000, $0x38;
	[tilespmem:$0x1E240] =	vst v63  }
0x128: {  	_ =	swait.ge [sflag:s29], $0x2000  }
0x129: {  	[sflag:s29] =	ssyncset.done $0x0  }
0x12a: {  	[sflag:s29] =	ssyncadd.s32 $0xFFFFE000  }
0x12b: {  	[tilespmem:s15], [sflag:$0x7] =	stream.linear.gather [spmem:s10], $0x400, $0x38;
	[tilespmem:$0x1E240] =	vst v63  }
0x12c: {  	_ =	swait.ge [sflag:s29], $0x400  }
0x12d: {  	[sflag:s29] =	ssyncset.done $0x0  }
0x12e: {  	s9 =	rddreg [dreg:$0x6];
	[sflag:s29] =	ssyncadd.s32 $0xFFFFFC00  }
0x12f: {  	[hbm4b:s9+s3] =	stream.linear.scatter [tilespmem:s15], [sflag:$0x7], $0x400, $0x38;
	[tilespmem:$0x1E240] =	vst v63  }
0x130: {  	_ =	swait.ge [sflag:s29], $0x400  }
0x131: {  	s30 =	sld [smem:$0x7F9]  }
0x132: {  	[sflag:s29] =	ssyncset.done $0x0  }
0x133: {  	[sflag:s29] =	ssyncadd.s32 $0xFFFFFC00  }
0x134: {  	[tilespmem:s26], [sflag:$0x7] =	stream.linear.gather [spmem:s30], $0x2000, $0x38;
	[tilespmem:$0x1E240] =	vst v63  }
0x135: {  	_ =	swait.ge [sflag:s29], $0x2000  }
0x136: {  	[sflag:s29] =	ssyncset.done $0x0;
	s11 =	rddreg [dreg:$0x13]  }
0x137: {  	[sflag:s29] =	ssyncadd.s32 $0xFFFFE000;
	s12 =	sadd.s32 s11, s22  }
0x138: {  	[hbm4b:s12+s3] =	stream.linear.scatter [tilespmem:s26], [sflag:$0x7], $0x2000, $0x38;
	[tilespmem:$0x1E240] =	vst v63  }
0x139: {  	_ =	swait.ge [sflag:s29], $0x2000  }
0x13a: {  	s5 =	sld [smem:$0x7F7]  }
0x13b: {  	[sflag:s29] =	ssyncset.done $0x0  }
0x13c: {  	[sflag:s29] =	ssyncadd.s32 $0xFFFFE000  }
0x13d: {  	[tilespmem:s15], [sflag:$0x7] =	stream.linear.gather [spmem:s5], $0x400, $0x38;
	[tilespmem:$0x1E240] =	vst v63  }
0x13e: {  	_ =	swait.ge [sflag:s29], $0x400  }
0x13f: {  	[sflag:s29] =	ssyncset.done $0x0  }
0x140: {  	s14 =	rddreg [dreg:$0x7];
	[sflag:s29] =	ssyncadd.s32 $0xFFFFFC00  }
0x141: {  	[hbm4b:s14+s3] =	stream.linear.scatter [tilespmem:s15], [sflag:$0x7], $0x400, $0x38;
	[tilespmem:$0x1E240] =	vst v63  }
0x142: {  	_ =	swait.ge [sflag:s29], $0x400  }
0x143: {  	[sflag:s29] =	ssyncset.done $0x0  }
0x144: {  	[sflag:s29] =	ssyncadd.s32 $0xFFFFFC00  }
0x145: {  	[tilespmem:s26], [sflag:$0x7] =	stream.linear.gather [spmem:s7], $0x2000, $0x38;
	[tilespmem:$0x1E240] =	vst v63  }
0x146: {  	_ =	swait.ge [sflag:s29], $0x2000  }
0x147: {  	[sflag:s29] =	ssyncset.done $0x0;
	s17 =	rddreg [dreg:$0x14]  }
0x148: {  	[sflag:s29] =	ssyncadd.s32 $0xFFFFE000;
	s19 =	sadd.s32 s17, s22  }
0x149: {  	[hbm4b:s19+s3] =	stream.linear.scatter [tilespmem:s26], [sflag:$0x7], $0x2000, $0x38;
	[tilespmem:$0x1E240] =	vst v63  }
0x14a: {  	_ =	swait.ge [sflag:s29], $0x2000  }
0x14b: {  	s31 =	smov.u32 s7;
	s7 =	sld [smem:$0x7F5]  }
0x14c: {  	[sflag:s29] =	ssyncset.done $0x0  }
0x14d: {  	[sflag:s29] =	ssyncadd.s32 $0xFFFFE000  }
0x14e: {  	[tilespmem:s15], [sflag:$0x7] =	stream.linear.gather [spmem:s7], $0x400, $0x38;
	[tilespmem:$0x1E240] =	vst v63  }
0x14f: {  	_ =	swait.ge [sflag:s29], $0x400  }
0x150: {  	[sflag:s29] =	ssyncset.done $0x0  }
0x151: {  	s20 =	rddreg [dreg:$0x8];
	[sflag:s29] =	ssyncadd.s32 $0xFFFFFC00  }
0x152: {  	[hbm4b:s20+s3] =	stream.linear.scatter [tilespmem:s15], [sflag:$0x7], $0x400, $0x38;
	[tilespmem:$0x1E240] =	vst v63  }
0x153: {  	_ =	swait.ge [sflag:s29], $0x400  }
0x154: {  	s6 =	sld [smem:$0x7F4]  }
0x155: {  	[sflag:s29] =	ssyncset.done $0x0  }
0x156: {  	[sflag:s29] =	ssyncadd.s32 $0xFFFFFC00  }
0x157: {  	[tilespmem:s26], [sflag:$0x7] =	stream.linear.gather [spmem:s6], $0x2000, $0x38;
	[tilespmem:$0x1E240] =	vst v63  }
0x158: {  	_ =	swait.ge [sflag:s29], $0x2000  }
0x159: {  	[sflag:s29] =	ssyncset.done $0x0;
	s23 =	rddreg [dreg:$0x15]  }
0x15a: {  	[sflag:s29] =	ssyncadd.s32 $0xFFFFE000;
	s24 =	sadd.s32 s23, s22  }
0x15b: {  	[hbm4b:s24+s3] =	stream.linear.scatter [tilespmem:s26], [sflag:$0x7], $0x2000, $0x38;
	[tilespmem:$0x1E240] =	vst v63  }
0x15c: {  	_ =	swait.ge [sflag:s29], $0x2000  }
0x15d: {  	s20 =	sld [smem:$0x7F6]  }
0x15e: {  	[sflag:s29] =	ssyncset.done $0x0  }
0x15f: {  	[sflag:s29] =	ssyncadd.s32 $0xFFFFE000  }
0x160: {  	[tilespmem:s15], [sflag:$0x7] =	stream.linear.gather [spmem:s20], $0x400, $0x38;
	[tilespmem:$0x1E240] =	vst v63  }
0x161: {  	_ =	swait.ge [sflag:s29], $0x400  }
0x162: {  	[sflag:s29] =	ssyncset.done $0x0  }
0x163: {  	s1 =	rddreg [dreg:$0x9];
	[sflag:s29] =	ssyncadd.s32 $0xFFFFFC00  }
0x164: {  	[hbm4b:s1+s3] =	stream.linear.scatter [tilespmem:s15], [sflag:$0x7], $0x400, $0x38;
	[tilespmem:$0x1E240] =	vst v63  }
0x165: {  	_ =	swait.ge [sflag:s29], $0x400  }
0x166: {  	s8 =	sld [smem:$0x7F3]  }
0x167: {  	[sflag:s29] =	ssyncset.done $0x0  }
0x168: {  	[sflag:s29] =	ssyncadd.s32 $0xFFFFFC00  }
0x169: {  	[tilespmem:s26], [sflag:$0x7] =	stream.linear.gather [spmem:s8], $0x2000, $0x38;
	[tilespmem:$0x1E240] =	vst v63  }
0x16a: {  	_ =	swait.ge [sflag:s29], $0x2000  }
0x16b: {  	[sflag:s29] =	ssyncset.done $0x0;
	s4 =	rddreg [dreg:$0x16]  }
0x16c: {  	[sflag:s29] =	ssyncadd.s32 $0xFFFFE000;
	s9 =	sadd.s32 s4, s22  }
0x16d: {  	[hbm4b:s9+s3] =	stream.linear.scatter [tilespmem:s26], [sflag:$0x7], $0x2000, $0x38;
	[tilespmem:$0x1E240] =	vst v63  }
0x16e: {  	_ =	swait.ge [sflag:s29], $0x2000  }
0x16f: {  	s24 =	sld [smem:$0x7F8]  }
0x170: {  	[sflag:s29] =	ssyncset.done $0x0  }
0x171: {  	[sflag:s29] =	ssyncadd.s32 $0xFFFFE000  }
0x172: {  	[tilespmem:s15], [sflag:$0x7] =	stream.linear.gather [spmem:s24], $0x400, $0x38;
	[tilespmem:$0x1E240] =	vst v63  }
0x173: {  	_ =	swait.ge [sflag:s29], $0x400  }
0x174: {  	[sflag:s29] =	ssyncset.done $0x0  }
0x175: {  	s11 =	rddreg [dreg:$0xa];
	[sflag:s29] =	ssyncadd.s32 $0xFFFFFC00  }
0x176: {  	[hbm4b:s11+s3] =	stream.linear.scatter [tilespmem:s15], [sflag:$0x7], $0x400, $0x38;
	[tilespmem:$0x1E240] =	vst v63  }
0x177: {  	_ =	swait.ge [sflag:s29], $0x400  }
0x178: {  	s9 =	sld [smem:$0x7F2]  }
0x179: {  	[sflag:s29] =	ssyncset.done $0x0  }
0x17a: {  	[sflag:s29] =	ssyncadd.s32 $0xFFFFFC00  }
0x17b: {  	[tilespmem:s26], [sflag:$0x7] =	stream.linear.gather [spmem:s9], $0x2000, $0x38;
	[tilespmem:$0x1E240] =	vst v63  }
0x17c: {  	_ =	swait.ge [sflag:s29], $0x2000  }
0x17d: {  	[sflag:s29] =	ssyncset.done $0x0;
	s12 =	rddreg [dreg:$0x17]  }
0x17e: {  	[sflag:s29] =	ssyncadd.s32 $0xFFFFE000;
	s14 =	sadd.s32 s12, s22  }
0x17f: {  	[hbm4b:s14+s3] =	stream.linear.scatter [tilespmem:s26], [sflag:$0x7], $0x2000, $0x38;
	[tilespmem:$0x1E240] =	vst v63  }
0x180: {  	_ =	swait.ge [sflag:s29], $0x2000  }
0x181: {  	s19 =	sld [smem:$0x7FA]  }
0x182: {  	[sflag:s29] =	ssyncset.done $0x0  }
0x183: {  	[sflag:s29] =	ssyncadd.s32 $0xFFFFE000  }
0x184: {  	[tilespmem:s15], [sflag:$0x7] =	stream.linear.gather [spmem:s19], $0x400, $0x38;
	[tilespmem:$0x1E240] =	vst v63  }
0x185: {  	_ =	swait.ge [sflag:s29], $0x400  }
0x186: {  	[sflag:s29] =	ssyncset.done $0x0  }
0x187: {  	s17 =	rddreg [dreg:$0xb];
	[sflag:s29] =	ssyncadd.s32 $0xFFFFFC00  }
0x188: {  	[hbm4b:s17+s3] =	stream.linear.scatter [tilespmem:s15], [sflag:$0x7], $0x400, $0x38;
	[tilespmem:$0x1E240] =	vst v63  }
0x189: {  	_ =	swait.ge [sflag:s29], $0x400  }
0x18a: {  	[sflag:s29] =	ssyncset.done $0x0  }
0x18b: {  	s11 =	rddreg [dreg:$0x18];
	[sflag:s29] =	ssyncadd.s32 $0xFFFFFC00  }
0x18c: {  	[tilespmem:s26], [sflag:$0x7] =	stream.linear.gather [spmem:s11], $0x2000, $0x38;
	[tilespmem:$0x1E240] =	vst v63  }
0x18d: {  	_ =	swait.ge [sflag:s29], $0x2000  }
0x18e: {  	[sflag:s29] =	ssyncset.done $0x0;
	s23 =	rddreg [dreg:$0x19]  }
0x18f: {  	[sflag:s29] =	ssyncadd.s32 $0xFFFFE000;
	s1 =	sadd.s32 s23, s22  }
0x190: {  	[hbm4b:s1+s3] =	stream.linear.scatter [tilespmem:s26], [sflag:$0x7], $0x2000, $0x38;
	[tilespmem:$0x1E240] =	vst v63  }
0x191: {  	_ =	swait.ge [sflag:s29], $0x2000  }
0x192: {  	s23 =	sld [smem:$0x7FB]  }
0x193: {  	[sflag:s29] =	ssyncset.done $0x0  }
0x194: {  	[sflag:s29] =	ssyncadd.s32 $0xFFFFE000  }
0x195: {  	[tilespmem:s15], [sflag:$0x7] =	stream.linear.gather [spmem:s23], $0x400, $0x38;
	[tilespmem:$0x1E240] =	vst v63  }
0x196: {  	_ =	swait.ge [sflag:s29], $0x400  }
0x197: {  	[sflag:s29] =	ssyncset.done $0x0  }
0x198: {  	s12 =	rddreg [dreg:$0xc];
	[sflag:s29] =	ssyncadd.s32 $0xFFFFFC00  }
0x199: {  	[hbm4b:s12+s3] =	stream.linear.scatter [tilespmem:s15], [sflag:$0x7], $0x400, $0x38;
	[tilespmem:$0x1E240] =	vst v63  }
0x19a: {  	_ =	swait.ge [sflag:s29], $0x400  }
0x19b: {  	[sflag:s29] =	ssyncset.done $0x0  }
0x19c: {  	s12 =	rddreg [dreg:$0x1a];
	[sflag:s29] =	ssyncadd.s32 $0xFFFFFC00  }
0x19d: {  	[tilespmem:s26], [sflag:$0x7] =	stream.linear.gather [spmem:s12], $0x2000, $0x38;
	[tilespmem:$0x1E240] =	vst v63  }
0x19e: {  	_ =	swait.ge [sflag:s29], $0x2000  }
0x19f: {  	[sflag:s29] =	ssyncset.done $0x0;
	s14 =	rddreg [dreg:$0x1b]  }
0x1a0: {  	[sflag:s29] =	ssyncadd.s32 $0xFFFFE000;
	s17 =	sadd.s32 s14, s22  }
0x1a1: {  	[hbm4b:s17+s3] =	stream.linear.scatter [tilespmem:s26], [sflag:$0x7], $0x2000, $0x38;
	[tilespmem:$0x1E240] =	vst v63  }
0x1a2: {  	_ =	swait.ge [sflag:s29], $0x2000  }
0x1a3: {  	s14 =	sld [smem:$0x7FC]  }
0x1a4: {  	[sflag:s29] =	ssyncset.done $0x0  }
0x1a5: {  	[sflag:s29] =	ssyncadd.s32 $0xFFFFE000  }
0x1a6: {  	[tilespmem:s15], [sflag:$0x7] =	stream.linear.gather [spmem:s14], $0x400, $0x38;
	[tilespmem:$0x1E240] =	vst v63  }
0x1a7: {  	_ =	swait.ge [sflag:s29], $0x400  }
0x1a8: {  	[sflag:s29] =	ssyncset.done $0x0  }
0x1a9: {  	s1 =	rddreg [dreg:$0xd];
	[sflag:s29] =	ssyncadd.s32 $0xFFFFFC00  }
0x1aa: {  	[hbm4b:s1+s3] =	stream.linear.scatter [tilespmem:s15], [sflag:$0x7], $0x400, $0x38;
	[tilespmem:$0x1E240] =	vst v63  }
0x1ab: {  	_ =	swait.ge [sflag:s29], $0x400  }
0x1ac: {  	[sflag:s29] =	ssyncset.done $0x0  }
0x1ad: {  	s17 =	rddreg [dreg:$0x1c];
	[sflag:s29] =	ssyncadd.s32 $0xFFFFFC00  }
0x1ae: {  	[tilespmem:s26], [sflag:$0x7] =	stream.linear.gather [spmem:s17], $0x2000, $0x38;
	[tilespmem:$0x1E240] =	vst v63  }
0x1af: {  	_ =	swait.ge [sflag:s29], $0x2000  }
0x1b0: {  	[sflag:s29] =	ssyncset.done $0x0;
	s4 =	rddreg [dreg:$0x1d]  }
0x1b1: {  	[sflag:s29] =	ssyncadd.s32 $0xFFFFE000;
	s22 =	sadd.s32 s4, s22  }
0x1b2: {  	[hbm4b:s22+s3] =	stream.linear.scatter [tilespmem:s26], [sflag:$0x7], $0x2000, $0x38;
	[tilespmem:$0x1E240] =	vst v63  }
0x1b3: {  	_ =	swait.ge [sflag:s29], $0x2000  }
0x1b4: {  	s22 =	sld [smem:$0x7FD]  }
0x1b5: {  	[sflag:s29] =	ssyncset.done $0x0  }
0x1b6: {  	[sflag:s29] =	ssyncadd.s32 $0xFFFFE000  }
0x1b7: {  	[tilespmem:s15], [sflag:$0x7] =	stream.linear.gather [spmem:s22], $0x400, $0x38;
	[tilespmem:$0x1E240] =	vst v63  }
0x1b8: {  	_ =	swait.ge [sflag:s29], $0x400  }
0x1b9: {  	[sflag:s29] =	ssyncset.done $0x0  }
0x1ba: {  	s1 =	rddreg [dreg:$0xe];
	[sflag:s29] =	ssyncadd.s32 $0xFFFFFC00  }
0x1bb: {  	[hbm4b:s1+s3] =	stream.linear.scatter [tilespmem:s15], [sflag:$0x7], $0x400, $0x38;
	[tilespmem:$0x1E240] =	vst v63  }
0x1bc: {  	_ =	swait.ge [sflag:s29], $0x400  }
0x1bd: {  	s1 =	sld [smem:$0x7E7];
	_ =	sdelay $0x2  }
0x1be: {  	s4 =	sadd.s32 $0x1, s1;
	s1 =	sld [smem:$0x7EE];
	_ =	sdelay $0x2  }
0x1bf: {  	p0 =	sne.s32 s4, s1  }
.Ltmp1:
0x1c0: {  	_ = 	snop;
	(pc) =	sbr.rel @p0 .LBB2_1-.Ltmp1, $3  }
0x1c1: {  	_ =	sdelay $0x1  }
0x1c2: {  	[sflag:s29] =	ssyncset.done $0x0  }
0x1c3: {  	s28 =	simm.s32 $0xA0;
	[sflag:s29] =	ssyncadd.s32 $0xFFFFFC00  }
0x1c4: {  	_ =	sfence.sel $0x180000  }
0x1c5: {  	[bflag:$0x0] =	sbarrier.arrive $0xFFFF  }
0x1c6: {  	_ =	strace $0x90000047  }
0x1c7: {  	s0 =	stileid.u32;
	[bflag:$0x2] =	sbarrier.arrive $0xFFFF  }
0x1c8: {  	p0 =	sne.s32 s0, $0x0;
	s0 =	rddreg [dreg:$0x4]  }
0x1c9: {  	s0 =	sadd.s32 @!p0 $0x100000, s0  }
0x1ca: {  	[sflag:s0] =	ssyncadd.tile.s32 @!p0 $0x1;
	_ =	shalt  }
.Lfunc_end2:
_tile_overlayer_lowered:
.L_overlay_start_2:
0x1cb: {  	(tag) =	ssettag $0x2  }
0x1cc: {  	s0 =	rddreg [dreg:$0x0];
	s2 =	stileid.u32  }
0x1cd: {  	s1 =	rddreg [dreg:$0x1];
	p0 =	sne.s32 s2, $0x0  }
0x1ce: {  	s3 =	rddreg [dreg:$0x2];
	[bflag:$0x3] =	sbarrier.arrive $0xFFFF;
	s2 =	simm.s32 @!p0 $0x1C07  }
0x1cf: {  	[timem:s3], [sflag:s2] =	dma.local @!p0 [hbm:s0], s1  }
0x1d0: {  	s0 =	simm.s32 @!p0 $0x7  }
0x1d1: {  	_ =	swait.ge @!p0 [sflag:s0], s1  }
0x1d2: {  	s1 =	ssub.s32 @!p0 $0x0, s1;
	[sflag:s0] =	ssyncset.done @!p0 $0x0  }
0x1d3: {  	[sflag:s0] =	ssyncadd.s32 @!p0 s1  }
0x1d4: {  	[bflag:$0x3] =	sbarrier.arrive $0xFFFF  }
0x1d5: {  	_ =	shalt  }

// kernel: kernel.13.cloned.1.call-start
scs
__scs_entry_jumppad:
0x0: {  	(pc) =	sbr.rel $0x88, $3  }
0x1: {  	(tag) =	ssettag $0x0;
	lr =	simm.s32 $0x1  }
0x2: {  	[smem:$0x3F90] =	sst lr;
	_ =	strace $0xD0000000  }
0x3: {  	_ = 	snop  }
0x4: {  	_ = 	snop  }
0x5: {  	_ = 	snop  }
0x6: {  	_ = 	snop  }
0x7: {  	_ = 	snop  }
__scs_overlays_trampoline_lowered:
0x8: {  	[smem:$0x3F9F] =	sst s0  }
0x9: {  	[smem:$0x3FA0] =	sst s1  }
0xa: {  	[smem:$0x3FA1] =	sst s2  }
0xb: {  	[smem:$0x3FA2] =	sst s3  }
0xc: {  	[smem:$0x3FA3] =	sst s4  }
0xd: {  	[smem:$0x3FA4] =	sst s5  }
0xe: {  	[smem:$0x3FA5] =	sst s6  }
0xf: {  	[smem:$0x3FA6] =	sst s7  }
0x10: {  	[smem:$0x3FA7] =	sst s8  }
0x11: {  	[smem:$0x3FA8] =	sst s9;
	s0 =	simm.s32 @!p0 $0x0  }
0x12: {  	s1 =	sld [smem:$0x3F8E];
	s0 =	simm.s32 @p0 $0x1  }
0x13: {  	[smem:$0x3FA9] =	sst s0;
	s0 =	simm.s32 @!p1 $0x0  }
0x14: {  	s2 =	sld [smem:$0x3F8D];
	s0 =	simm.s32 @p1 $0x1  }
0x15: {  	[smem:$0x3FAA] =	sst s0;
	s0 =	simm.s32 @!p2 $0x0  }
0x16: {  	s3 =	sld [smem:$0x3FDB];
	s0 =	simm.s32 @p2 $0x1  }
0x17: {  	s4 =	simm.s32 $0x1BF5;
	[smem:$0x3FAC] =	sst s0  }
0x18: {  	s0 =	sld [smem:$0x3F8F];
	_ =	swait.ge [sflag:s4], $0x0  }
0x19: {  	s7 =	sld [smem:$0x3F90]  }
0x1a: {  	s8 =	sadd.s32 $0xFFFFE003, lr  }
0x1b: {  	s9 =	sadd.s32 $0xFFFFFEF7, lr;
	s5 =	simm.s32 $0xFFFFFFFF;
	p2 =	slt.u32 s8, $0xFFFFF086  }
0x1c: {  	p1 =	slt.u32 s9, $0xF7A;
	s5 =	simm.s32 @!p2 $0x0  }
0x1d: {  	s5 =	simm.s32 @p1 $0x1;
	p0 =	seq.s32 s7, s2  }
0x1e: {  	s7 =	smul.u32 @!p0 $0xF7A, s2;
	p2 =	seq.s32 @!p0 s5, $0x0  }
0x1f: {  	s9 =	smul.u32 $0xF7A, s1;
	s8 =	simm.s32 @!p0 $0x1BF5;
	p2 =	por !p2, p0  }
0x20: {  	[sflag:s8] =	ssyncset.s32 @!p0 $0xFFFFF086;
	s6 =	sadd.s32 @!p0 s3, s7;
	s7 =	simm.s32 @!p0 $0x108  }
0x21: {  	s3 =	sadd.s32 s3, s9;
	s6 =	sadd.s32 @!p0 $0x88, s6;
	s7 =	simm.s32 @p2 $0x1082  }
0x22: {  	[simem:s7], [sflag:s8] =	dma.local @!p0 [hbm:s6], $0xF7A  }
0x23: {  	s9 =	sor.u32 $0xD0000000, s2;
	s6 =	simm.s32 $0x108;
	_ =	swait.ge @!p0 [sflag:s8], $0x0  }
0x24: {  	s3 =	sadd.s32 $0x88, s3;
	s6 =	simm.s32 @!p1 $0x1082;
	[sflag:s4] =	ssyncset.s32 $0xFFFFF086  }
0x25: {  	[simem:s6], [sflag:s4] =	dma.local [hbm:s3], $0xF7A  }
0x26: {  	[smem:$0x3F90] =	sst s1;
	(tag) =	ssettag s2;
	_ =	strace s9  }
0x27: {  	s1 =	sld [smem:$0x3FA0]  }
0x28: {  	s2 =	sld [smem:$0x3FA1]  }
0x29: {  	s4 =	sld [smem:$0x3FA3]  }
0x2a: {  	p0 =	seq.s32 s5, $0x0;
	s5 =	sld [smem:$0x3FA4]  }
0x2b: {  	s6 =	sld [smem:$0x3FA5]  }
0x2c: {  	s7 =	sld [smem:$0x3FA6]  }
0x2d: {  	s3 =	simm.s32 $0x108;
	s8 =	sld [smem:$0x3FA7]  }
0x2e: {  	s3 =	simm.s32 @!p0 $0x1082;
	s9 =	sld [smem:$0x3FA8]  }
0x2f: {  	lr =	sadd.s32 s0, s3;
	s0 =	sld [smem:$0x3F9F]  }
0x30: {  	s3 =	sld [smem:$0x3FA2]  }
0x31: {  	[smem:$0x3FAB] =	sst s10  }
0x32: {  	s10 =	sld [smem:$0x3FA9];
	_ =	sdelay $0x3  }
0x33: {  	p0 =	seq.s32 s10, $0x1;
	s10 =	sld [smem:$0x3FAB];
	_ =	sdelay $0x3  }
0x34: {  	[smem:$0x3FAB] =	sst s10  }
0x35: {  	s10 =	sld [smem:$0x3FAA];
	_ =	sdelay $0x3  }
0x36: {  	p1 =	seq.s32 s10, $0x1;
	s10 =	sld [smem:$0x3FAB];
	_ =	sdelay $0x3  }
0x37: {  	[smem:$0x3FAB] =	sst s10  }
0x38: {  	s10 =	sld [smem:$0x3FAC]  }
0x39: {  	_ = 	snop;
	(pc) =	sbr.ind lr, $3  }
0x3a: {  	_ = 	snop  }
0x3b: {  	_ = 	snop  }
0x3c: {  	p2 =	seq.s32 s10, $0x1;
	s10 =	sld [smem:$0x3FAB]  }
0x3d: {  	_ =	shalt  }
0x3e: {  	_ =	shalt  }
0x3f: {  	_ =	shalt  }
0x40: {  	_ =	shalt  }
0x41: {  	_ =	shalt  }
0x42: {  	_ =	shalt  }
0x43: {  	_ =	shalt  }
0x44: {  	_ =	shalt  }
0x45: {  	_ =	shalt  }
0x46: {  	_ =	shalt  }
0x47: {  	_ =	shalt  }
0x48: {  	_ =	shalt  }
0x49: {  	_ =	shalt  }
0x4a: {  	_ =	shalt  }
0x4b: {  	_ =	shalt  }
0x4c: {  	_ =	shalt  }
0x4d: {  	_ =	shalt  }
0x4e: {  	_ =	shalt  }
0x4f: {  	_ =	shalt  }
0x50: {  	_ =	shalt  }
0x51: {  	_ =	shalt  }
0x52: {  	_ =	shalt  }
0x53: {  	_ =	shalt  }
0x54: {  	_ =	shalt  }
0x55: {  	_ =	shalt  }
0x56: {  	_ =	shalt  }
0x57: {  	_ =	shalt  }
0x58: {  	_ =	shalt  }
0x59: {  	_ =	shalt  }
0x5a: {  	_ =	shalt  }
0x5b: {  	_ =	shalt  }
0x5c: {  	_ =	shalt  }
0x5d: {  	_ =	shalt  }
0x5e: {  	_ =	shalt  }
0x5f: {  	_ =	shalt  }
0x60: {  	_ =	shalt  }
0x61: {  	_ =	shalt  }
0x62: {  	_ =	shalt  }
0x63: {  	_ =	shalt  }
0x64: {  	_ =	shalt  }
0x65: {  	_ =	shalt  }
0x66: {  	_ =	shalt  }
0x67: {  	_ =	shalt  }
0x68: {  	_ =	shalt  }
0x69: {  	_ =	shalt  }
0x6a: {  	_ =	shalt  }
0x6b: {  	_ =	shalt  }
0x6c: {  	_ =	shalt  }
0x6d: {  	_ =	shalt  }
0x6e: {  	_ =	shalt  }
0x6f: {  	_ =	shalt  }
0x70: {  	_ =	shalt  }
0x71: {  	_ =	shalt  }
0x72: {  	_ =	shalt  }
0x73: {  	_ =	shalt  }
0x74: {  	_ =	shalt  }
0x75: {  	_ =	shalt  }
0x76: {  	_ =	shalt  }
0x77: {  	_ =	shalt  }
0x78: {  	_ =	shalt  }
0x79: {  	_ =	shalt  }
0x7a: {  	_ =	shalt  }
0x7b: {  	_ =	shalt  }
0x7c: {  	_ =	shalt  }
0x7d: {  	_ =	shalt  }
0x7e: {  	_ =	shalt  }
0x7f: {  	_ =	shalt  }
0x80: {  	_ =	shalt  }
0x81: {  	_ =	shalt  }
0x82: {  	_ =	shalt  }
0x83: {  	_ =	shalt  }
0x84: {  	_ =	shalt  }
0x85: {  	_ =	shalt  }
0x86: {  	_ =	shalt  }
0x87: {  	_ =	shalt  }
.Lfunc_end0:
.L_simem_size_0:
called_computation.1_lowered:
.L_overlay_start_0:
0x88: {  	s2 =	sld [smem:$0x3FD9]  }
0x89: {  	s3 =	sld [smem:$0x3FFE];
	_ =	sdelay $0x1  }
0x8a: {  	s1 =	srdreg.scid  }
0x8b: {  	s0 =	sand.u32 $0x1, s1  }
0x8c: {  	s16 =	sshll.u32 s0, $0xA;
	s2 =	sadd.s32 s3, s2  }
0x8d: {  	s2 =	sadd.s32 s2, s16  }
0x8e: {  	[smem:$0x3FB7] =	sst s2  }
0x8f: {  	_ = 	snop  }
0x90: {  	(tm) =	ssettm $0x1  }
0x91: {  	s17 =	sld [smem:$0x3FFB];
	_ =	sdelay $0x3  }
0x92: {  	_ =	strace s17  }
0x93: {  	s2 =	sld [smem:$0x3FFC];
	_ =	sdelay $0x3  }
0x94: {  	_ =	strace s2  }
0x95: {  	s2 =	sld [smem:$0x3FFD];
	_ =	sdelay $0x3  }
0x96: {  	_ =	strace s2  }
0x97: {  	_ =	strace $0x8FFFFFFF  }
0x98: {  	s18 =	sld [smem:$0x3FDB];
	_ =	sdelay $0x1  }
0x99: {  	s19 =	simm.s32 $_scs_section_size  }
0x9a: {  	s4 =	simm.s32 $_size__tile_overlayer_lowered;
	s5 =	simm.s32 $_tile_overlayer_lowered  }
0x9b: {  	s22 =	simm.s32 $0x1BFF;
	s21 =	sshll.u32 s5, $0x1;
	s2 =	sadd.s32 s19, s18  }
0x9c: {  	s6 =	simm.s32 $0x0;
	s20 =	sshll.u32 s4, $0x1;
	s4 =	sadd.s32 s21, s2  }
0x9d: {  	[timem:s6], [sflag:s22] =	dma.local [hbm:s4], s20  }
0x9e: {  	_ =	swait.ge [sflag:s22], s20  }
0x9f: {  	s3 =	ssub.s32 $0x0, s20;
	[sflag:s22] =	ssyncset.done $0x0  }
0xa0: {  	[sflag:s22] =	ssyncadd.s32 s3;
	_ =	sdelay $0x1  }
0xa1: {  	s23 =	simm.s32 $0x1B8B  }
0xa2: {  	_ =	swait.ge [sflag:s23], $0x1  }
0xa3: {  	[sflag:s23] =	ssyncset.done $0x0  }
0xa4: {  	s25 =	simm.s32 $0x1B8E;
	s24 =	sld [smem:$0x3FFE];
	[sflag:s23] =	ssyncadd.s32 $0xFFFFFFFF  }
0xa5: {  	s26 =	simm.s32 $execute0_lowered;
	[smem:$0x3FD2] =	sst s25  }
0xa6: {  	s4 =	sshll.u32 s26, $0x1;
	_ =	strace $0x80000049;
	[dreg:$0x1] =	wrdreg $0xFFFFFFFF  }
0xa7: {  	s28 =	simm.s32 $_size_execute0_lowered;
	s2 =	sadd.s32 s2, s4;
	[dreg:$0x0] =	wrdreg $0x0  }
0xa8: {  	s4 =	sshll.u32 s28, $0x1;
	[dreg:$0x2] =	wrdreg s2  }
0xa9: {  	[dreg:$0x3] =	wrdreg s4  }
0xaa: {  	[dreg:$0x4] =	wrdreg $0xC0  }
0xab: {  	_ =	task [dreg:s6], $0x5FFFF  }
0xac: {  	[dreg:$0x1] =	wrdreg $0xFFFFFFFF  }
0xad: {  	[dreg:$0x0] =	wrdreg $0x60  }
0xae: {  	[dreg:$0x2] =	wrdreg s24  }
0xaf: {  	[dreg:$0x3] =	wrdreg $0x71400  }
0xb0: {  	[dreg:$0x4] =	wrdreg $0x9  }
0xb1: {  	_ =	task.clear_ibuf [dreg:s6], $0x5FFFF;
	_ =	strace $0x90000049  }
0xb2: {  	s29 =	simm.s32 $0x9;
	_ =	strace $0x8000004B  }
0xb3: {  	_ =	swait.ge [sflag:s29], $0x1  }
0xb4: {  	[sflag:s29] =	ssyncadd.s32 $0xFFFFFFFF  }
0xb5: {  	_ =	strace $0x9000004B  }
0xb6: {  	_ =	sfence  }
0xb7: {  	s30 =	sld [smem:$0x0];
	_ =	sdelay $0x2  }
0xb8: {  	s31 =	sshll.u32 s1, $0xD;
	s1 =	sshrl.u32 s1, $0x2  }
0xb9: {  	s3 =	sand.u32 $0x4000, s31;
	s1 =	sadd.s32 s1, s30  }
0xba: {  	s0 =	sor.u32 s3, s0;
	s1 =	sshll.u32 s1, $0x11  }
0xbb: {  	s0 =	sor.u32 s1, s0  }
0xbc: {  	s0 =	sadd.s32 $0x8F2B, s0  }
0xbd: {  	[sflag:s0] =	ssyncadd.remote.s32 $0x1  }
0xbe: {  	_ =	sfence.sel $0xFFFF  }
0xbf: {  	[dreg:$0x0] =	wrdreg $0xFFFFFFFF;
	(pc) =	sbr.abs _section_cstart, $3  }
0xc0: {  	[dreg:$0x1] =	wrdreg $0xFFFFFFFF  }
0xc1: {  	_ =	task.clear_ibuf [dreg:s6], $0x2FFFF;
	_ =	strace $0x9FFFFFFF  }
0xc2: {  	(tm) =	ssettm $0x7FFFFFFF  }
0xc3: {  	_ =	shalt  }
tec
execute0_lowered:
.L_overlay_start_1:
0x0: {  	(tag) =	ssettag $0x1  }
0x1: {  	s0 =	rddreg [dreg:$0x0];
	s12 =	stileid.u32  }
0x2: {  	s2 =	srdreg.scid;
	s6 =	smul.u32 $0x14000, s12  }
0x3: {  	s1 =	rddreg [dreg:$0x1];
	s2 =	sand.u32 $0x1, s2;
	s12 =	smul.u32 $0x2710, s12  }
0x4: {  	s3 =	simm.s32 $0x0;
	s30 =	simm.s32 $0x0;
	s4 =	smul.u32 $0x28000, s2  }
0x5: {  	[smem:$0x7FF] =	sst s3;
	s5 =	ssub.s32 $0x2, s2;
	s2 =	smul.u32 $0x27100, s2  }
0x6: {  	s7 =	sshrl.u32 s5, $0x1;
	s22 =	sor.u32 $0x2000, s6;
	s8 =	sadd.s32 $0x4000, s6  }
0x7: {  	s9 =	sadd.s32 $0x6000, s6;
	s10 =	sadd.s32 $0x8000, s6;
	s11 =	sadd.s32 $0xA000, s6  }
0x8: {  	s13 =	sadd.s32 $0xC000, s6;
	s16 =	sadd.s32 $0xE000, s6;
	s25 =	sadd.s32 $0x10000, s6  }
0x9: {  	s26 =	sadd.s32 $0x12000, s6;
	s23 =	sshrl.u32 s6, $0x3;
	s4 =	sadd.s32 s4, s0  }
0xa: {  	s5 =	ssub.s32 s5, s7;
	s2 =	sadd.s32 s12, s2;
	s14 =	sshrl.u32 s22, $0x3  }
0xb: {  	s15 =	sshrl.u32 s8, $0x3;
	s17 =	sshrl.u32 s9, $0x3;
	s4 =	sadd.s32 $0xC3200, s4  }
0xc: {  	s18 =	sshrl.u32 s10, $0x3;
	s19 =	sshrl.u32 s11, $0x3;
	s12 =	sadd.s32 s23, s4  }
0xd: {  	s20 =	sshrl.u32 s13, $0x3;
	s24 =	sadd.s32 s14, s4;
	[dreg:$0x3] =	wrdreg s12  }
0xe: {  	s21 =	sshrl.u32 s16, $0x3;
	s29 =	sadd.s32 s15, s4;
	[dreg:$0x4] =	wrdreg s24  }
0xf: {  	s8 =	sadd.s32 s8, s1;
	s31 =	sadd.s32 s17, s4;
	[dreg:$0x5] =	wrdreg s29  }
0x10: {  	s10 =	sadd.s32 s10, s1;
	s14 =	sadd.s32 s18, s4;
	[dreg:$0x6] =	wrdreg s31  }
0x11: {  	s11 =	sadd.s32 s11, s1;
	s15 =	sadd.s32 s19, s4;
	[dreg:$0x7] =	wrdreg s14  }
0x12: {  	s28 =	sadd.s32 s26, s1;
	s17 =	sadd.s32 s20, s4;
	[dreg:$0x8] =	wrdreg s15  }
0x13: {  	s18 =	sadd.s32 s21, s4;
	s19 =	sshrl.u32 s25, $0x3;
	[dreg:$0x9] =	wrdreg s17  }
0x14: {  	s20 =	sshrl.u32 s26, $0x3;
	s21 =	sadd.s32 $0xEC00, s0;
	[dreg:$0xa] =	wrdreg s18  }
0x15: {  	s12 =	sadd.s32 s19, s4;
	s4 =	sadd.s32 s20, s4;
	s14 =	sadd.s32 $0x18E00, s0  }
0x16: {  	s15 =	sadd.s32 $0x4E00, s0;
	s0 =	sadd.s32 $0x18A00, s0;
	[dreg:$0xb] =	wrdreg s12  }
0x17: {  	s17 =	sadd.s32 s22, s1;
	s22 =	sshrl.u32 s2, $0x3;
	[dreg:$0xc] =	wrdreg s4  }
0x18: {  	s24 =	sadd.s32 s21, s22;
	_ =	strace $0x8000004A;
	[dreg:$0xd] =	wrdreg s0  }
0x19: {  	s23 =	sadd.s32 $0x50, s2;
	s19 =	sadd.s32 s25, s1;
	[dreg:$0x11] =	wrdreg s24  }
0x1a: {  	s2 =	sadd.s32 $0xA0, s2;
	s26 =	sshrl.u32 s23, $0x3;
	[dreg:$0x10] =	wrdreg s23  }
0x1b: {  	s25 =	sshrl.u32 s2, $0x3;
	s2 =	sadd.s32 s21, s26;
	[dreg:$0x13] =	wrdreg s26  }
0x1c: {  	s13 =	sadd.s32 s13, s1;
	s31 =	smax.u32 s5, $0x1;
	[dreg:$0x14] =	wrdreg s2  }
0x1d: {  	s16 =	sadd.s32 s16, s1;
	s7 =	simm.s32 $0x7;
	[dreg:$0x16] =	wrdreg s31  }
0x1e: {  	s18 =	sadd.s32 s9, s1;
	s9 =	simm.s32 $0x50;
	[dreg:$0xe] =	wrdreg s19  }
0x1f: {  	s5 =	simm.s32 $0x140;
	s0 =	sadd.s32 s15, s22;
	[dreg:$0xf] =	wrdreg s28  }
0x20: {  	s29 =	sadd.s32 s25, s21;
	[dreg:$0x12] =	wrdreg s0;
	s0 =	sadd.s32 s25, s15  }
0x21: {  	s12 =	sadd.s32 s6, s1;
	[dreg:$0x15] =	wrdreg s29;
	s0 =	ssub.s32 $0xA, s0  }
0x22: {  	s6 =	simm.s32 $0x5140;
	s4 =	simm.s32 $0xA0;
	[dreg:$0x17] =	wrdreg s0  }
.LBB2_1:
0x23: {  	s0 =	rddreg [dreg:$0xd]  }
0x24: {  	[tilespmem:s6], [sflag:$0x7] =	stream.linear.gather [hbm4b:s0+s3], $0x2000, $0x38;
	[tilespmem:$0x1B140] =	vst v63  }
0x25: {  	_ =	swait.ge [sflag:s7], $0x2000  }
0x26: {  	[sflag:s7] =	ssyncset.done $0x0  }
0x27: {  	[sflag:s7] =	ssyncadd.s32 $0xFFFFE000  }
0x28: {  	[spmem:s12] =	stream.linear.scatter [tilespmem:s6], [sflag:$0x7], $0x2000, $0x38;
	[tilespmem:$0x1B140] =	vst v63  }
0x29: {  	_ =	swait.ge [sflag:s7], $0x2000  }
0x2a: {  	[sflag:s7] =	ssyncset.done $0x0  }
0x2b: {  	[sflag:s7] =	ssyncadd.s32 $0xFFFFE000  }
0x2c: {  	[spmem:s17] =	stream.linear.scatter [tilespmem:s6], [sflag:$0x7], $0x2000, $0x38;
	[tilespmem:$0x1B140] =	vst v63  }
0x2d: {  	_ =	swait.ge [sflag:s7], $0x2000  }
0x2e: {  	[sflag:s7] =	ssyncset.done $0x0  }
0x2f: {  	[sflag:s7] =	ssyncadd.s32 $0xFFFFE000  }
0x30: {  	[spmem:s8] =	stream.linear.scatter [tilespmem:s6], [sflag:$0x7], $0x2000, $0x38;
	[tilespmem:$0x1B140] =	vst v63  }
0x31: {  	_ =	swait.ge [sflag:s7], $0x2000  }
0x32: {  	[sflag:s7] =	ssyncset.done $0x0  }
0x33: {  	[sflag:s7] =	ssyncadd.s32 $0xFFFFE000  }
0x34: {  	[spmem:s18] =	stream.linear.scatter [tilespmem:s6], [sflag:$0x7], $0x2000, $0x38;
	[tilespmem:$0x1B140] =	vst v63  }
0x35: {  	_ =	swait.ge [sflag:s7], $0x2000  }
0x36: {  	[sflag:s7] =	ssyncset.done $0x0  }
0x37: {  	[sflag:s7] =	ssyncadd.s32 $0xFFFFE000  }
0x38: {  	[spmem:s10] =	stream.linear.scatter [tilespmem:s6], [sflag:$0x7], $0x2000, $0x38;
	[tilespmem:$0x1B140] =	vst v63  }
0x39: {  	_ =	swait.ge [sflag:s7], $0x2000  }
0x3a: {  	[sflag:s7] =	ssyncset.done $0x0  }
0x3b: {  	[sflag:s7] =	ssyncadd.s32 $0xFFFFE000  }
0x3c: {  	[spmem:s11] =	stream.linear.scatter [tilespmem:s6], [sflag:$0x7], $0x2000, $0x38;
	[tilespmem:$0x1B140] =	vst v63  }
0x3d: {  	_ =	swait.ge [sflag:s7], $0x2000  }
0x3e: {  	[sflag:s7] =	ssyncset.done $0x0  }
0x3f: {  	[sflag:s7] =	ssyncadd.s32 $0xFFFFE000  }
0x40: {  	[spmem:s13] =	stream.linear.scatter [tilespmem:s6], [sflag:$0x7], $0x2000, $0x38;
	[tilespmem:$0x1B140] =	vst v63  }
0x41: {  	_ =	swait.ge [sflag:s7], $0x2000  }
0x42: {  	[sflag:s7] =	ssyncset.done $0x0  }
0x43: {  	[sflag:s7] =	ssyncadd.s32 $0xFFFFE000  }
0x44: {  	[spmem:s16] =	stream.linear.scatter [tilespmem:s6], [sflag:$0x7], $0x2000, $0x38;
	[tilespmem:$0x1B140] =	vst v63  }
0x45: {  	_ =	swait.ge [sflag:s7], $0x2000  }
0x46: {  	[sflag:s7] =	ssyncset.done $0x0  }
0x47: {  	[sflag:s7] =	ssyncadd.s32 $0xFFFFE000  }
0x48: {  	[spmem:s19] =	stream.linear.scatter [tilespmem:s6], [sflag:$0x7], $0x2000, $0x38;
	[tilespmem:$0x1B140] =	vst v63  }
0x49: {  	_ =	swait.ge [sflag:s7], $0x2000  }
0x4a: {  	[sflag:s7] =	ssyncset.done $0x0  }
0x4b: {  	[sflag:s7] =	ssyncadd.s32 $0xFFFFE000  }
0x4c: {  	[spmem:s28] =	stream.linear.scatter [tilespmem:s6], [sflag:$0x7], $0x2000, $0x38;
	[tilespmem:$0x1B140] =	vst v63  }
0x4d: {  	_ =	swait.ge [sflag:s7], $0x2000  }
0x4e: {  	[sflag:s7] =	ssyncset.done $0x0  }
0x4f: {  	[sflag:s7] =	ssyncadd.s32 $0xFFFFE000  }
0x50: {  	[bflag:$0x0] =	sbarrier.arrive $0xFFFF  }
0x51: {  	s20 =	smov.u32 s12;
	s25 =	smov.u32 s11;
	s11 =	rddreg [dreg:$0x11]  }
0x52: {  	[tilespmem:s3], [sflag:$0x7] =	stream.linear.gather [hbm4b:s11+s3], $0x50, $0x38;
	[tilespmem:$0x1B140] =	vst v63  }
0x53: {  	s21 =	smov.u32 s17;
	s22 =	smov.u32 s8;
	_ =	swait.ge [sflag:s7], $0x50  }
0x54: {  	s2 =	smov.u32 s16;
	s0 =	sand.u32 $0x1, s3;
	[sflag:s7] =	ssyncset.done $0x0  }
0x55: {  	s16 =	sxor.u32 $0x1, s0;
	s12 =	rddreg [dreg:$0x12];
	[sflag:s7] =	ssyncadd.s32 $0xFFFFFFB0  }
0x56: {  	[tilespmem:s4], [sflag:$0x5] =	stream.linear.gather [hbm4b:s12+s3], $0x50, $0x38;
	[tilespmem:$0x1B140] =	vst v63  }
0x57: {  	s23 =	smov.u32 s18;
	s26 =	smov.u32 s13;
	s17 =	sadd.s32 $0x3, s16  }
0x58: {  	[tilespmem:s5], [sflag:$0x1] =	stream.indirect.gather [hbm4b:s14+s9], $0x80, s3, s9, $0xb8;
	[tilespmem:$0x1B140] =	vst v63  }
0x59: {  	s18 =	smul.u32 $0xA000, s16;
	s31 =	sadd.s32 $0x1, s16;
	s13 =	rddreg [dreg:$0x14]  }
0x5a: {  	[tilespmem:s9], [sflag:$0x4] =	stream.linear.gather [hbm4b:s13+s3], $0x50, $0x38;
	[tilespmem:$0x1B140] =	vst v63  }
0x5b: {  	s8 =	sshrl.u32 s18, $0x2;
	s28 =	smul.u32 $0x50, s16;
	_ =	swait.ge [sflag:s17], $0x50  }
0x5c: {  	s19 =	smul.u32 $0x140, s0;
	s29 =	sor.u32 $0x140, s8;
	[sflag:s17] =	ssyncset.done $0x0  }
0x5d: {  	s11 =	sadd.s32 $0xA0, s28;
	s8 =	rddreg [dreg:$0x13];
	[sflag:s17] =	ssyncadd.s32 $0xFFFFFFB0  }
0x5e: {  	[tilespmem:s29], [sflag:s31] =	stream.indirect.gather [hbm4b:s14+s9], $0x80, s28, s9, $0xb8;
	[tilespmem:$0x1B140] =	vst v63  }
0x5f: {  	s4 =	sadd.s32 $0x5, s16;
	s12 =	sshrl.u32 s19, $0x2;
	s5 =	sadd.s32 s15, s8  }
0x60: {  	[tilespmem:s11], [sflag:s4] =	stream.linear.gather [hbm4b:s5+s3], $0x50, $0x38;
	[tilespmem:$0x1B140] =	vst v63  }
0x61: {  	s16 =	sadd.s32 $0x1, s0;
	s13 =	sadd.s32 $0x3, s0;
	s17 =	rddreg [dreg:$0x15]  }
0x62: {  	[tilespmem:s12], [sflag:s13] =	stream.linear.gather [hbm4b:s17+s3], $0x50, $0x38;
	[tilespmem:$0x1B140] =	vst v63  }
0x63: {  	s24 =	smov.u32 s10;
	_ =	swait.ge [sflag:s16], $0x2800  }
0x64: {  	s10 =	simm.s32 $0x2;
	s28 =	smul.u32 $0xA000, s0;
	[sflag:s16] =	ssyncset.done $0x0  }
0x65: {  	s18 =	simm.s32 $0x1;
	s0 =	sadd.s32 $0x5, s0;
	[sflag:s16] =	ssyncadd.s32 $0xFFFFD800  }
0x66: {  	s4 =	sadd.s32 $0xA, s17;
	s28 =	sshrl.u32 s28, $0x2;
	_ =	swait.ge [sflag:s0], $0x50  }
0x67: {  	s5 =	sadd.s32 $0xA0, s12;
	[sflag:s0] =	ssyncset.done $0x0;
	s19 =	rddreg [dreg:$0x10]  }
0x68: {  	s28 =	sor.u32 $0x140, s28;
	s29 =	rddreg [dreg:$0x17];
	[sflag:s0] =	ssyncadd.s32 $0xFFFFFFB0  }
0x69: {  	[spmem:s1] =	stream.indirect.scatter.add.f32 [tilespmem:s28], [sflag:$0x7], $0x80, s5, s9, $0xb8;
	[tilespmem:$0x1B140] =	vst v63  }
0x6a: {  	s0 =	sadd.s32 $0xFFFFFFF6, s29;
	s5 =	sadd.s32 $0x50, s19;
	s28 =	sand.u32 $0x1, s18  }
0x6b: {  	s8 =	sxor.u32 $0x1, s28;
	s31 =	smul.u32 $0x140, s28;
	_ =	swait.ge [sflag:s7], $0x2800  }
.LBB2_2:
0x6c: {  	s11 =	sadd.s32 $0x3, s8  }
0x6d: {  	s12 =	smul.u32 $0xA000, s28;
	[sflag:s7] =	ssyncset.done $0x0;
	s13 =	smov.u32 s10  }
0x6e: {  	s16 =	smul.u32 $0xA000, s8;
	s29 =	sshrl.u32 s5, $0x3;
	[sflag:s7] =	ssyncadd.s32 $0xFFFFD800  }
0x6f: {  	s17 =	smul.u32 $0x50, s8;
	s29 =	sadd.s32 s15, s29;
	_ =	swait.ge [sflag:s11], $0x50  }
0x70: {  	s18 =	sadd.s32 $0x1, s8;
	s16 =	sshrl.u32 s16, $0x2;
	[sflag:s11] =	ssyncset.done $0x0  }
0x71: {  	s19 =	sadd.s32 $0x1, s10;
	[sflag:s11] =	ssyncadd.s32 $0xFFFFFFB0;
	s11 =	sor.u32 $0x140, s16  }
0x72: {  	[tilespmem:s11], [sflag:s18] =	stream.indirect.gather [hbm4b:s14+s9], $0x80, s17, s9, $0xb8;
	[tilespmem:$0x1B140] =	vst v63  }
0x73: {  	p0 =	sne.s32 s10, $0x7A;
	s8 =	sadd.s32 $0x5, s8;
	s10 =	sadd.s32 $0xA0, s17  }
0x74: {  	[tilespmem:s10], [sflag:s8] =	stream.linear.gather [hbm4b:s29+s3], $0x50, $0x38;
	[tilespmem:$0x1B140] =	vst v63  }
0x75: {  	s11 =	sadd.s32 $0x1, s28;
	s8 =	sshrl.u32 s31, $0x2;
	s10 =	sadd.s32 $0x3, s28  }
0x76: {  	[tilespmem:s8], [sflag:s10] =	stream.linear.gather [hbm4b:s4+s3], $0x50, $0x38;
	[tilespmem:$0x1B140] =	vst v63  }
0x77: {  	_ =	swait.ge [sflag:s11], $0x2800  }
0x78: {  	s5 =	sadd.s32 $0x50, s5;
	s10 =	sadd.s32 $0x5, s28;
	[sflag:s11] =	ssyncset.done $0x0  }
0x79: {  	s4 =	sadd.s32 $0xA, s4;
	s8 =	sadd.s32 $0xA0, s8;
	[sflag:s11] =	ssyncadd.s32 $0xFFFFD800  }
.Ltmp0:
0x7a: {  	s11 =	sshrl.u32 s12, $0x2;
	_ =	swait.ge [sflag:s10], $0x50;
	(pc) =	sbr.rel @p0 .LBB2_2-.Ltmp0, $4  }
0x7b: {  	s28 =	sand.u32 $0x1, s13;
	s11 =	sor.u32 $0x140, s11;
	[sflag:s10] =	ssyncset.done $0x0  }
0x7c: {  	s0 =	sadd.s32 $0xFFFFFFF6, s0;
	s31 =	smul.u32 $0x140, s28;
	[sflag:s10] =	ssyncadd.s32 $0xFFFFFFB0  }
0x7d: {  	[spmem:s1] =	stream.indirect.scatter.add.f32 [tilespmem:s11], [sflag:$0x7], $0x80, s8, s9, $0xb8;
	[tilespmem:$0x1B140] =	vst v63  }
0x7e: {  	s10 =	smov.u32 s19;
	s8 =	sxor.u32 $0x1, s28;
	_ =	swait.ge [sflag:s7], $0x2800  }
0x7f: {  	[sflag:s7] =	ssyncset.done $0x0  }
0x80: {  	s10 =	sadd.s32 $0x3, s8;
	s11 =	smul.u32 $0xA000, s8;
	[sflag:s7] =	ssyncadd.s32 $0xFFFFD800  }
0x81: {  	s12 =	smul.u32 $0x50, s8;
	_ =	swait.ge [sflag:s10], $0x50  }
0x82: {  	s29 =	sadd.s32 $0x1, s8;
	s11 =	sshrl.u32 s11, $0x2;
	[sflag:s10] =	ssyncset.done $0x0  }
0x83: {  	s5 =	sshrl.u32 s5, $0x3;
	s11 =	sor.u32 $0x140, s11;
	[sflag:s10] =	ssyncadd.s32 $0xFFFFFFB0  }
0x84: {  	[tilespmem:s11], [sflag:s29] =	stream.indirect.gather [hbm4b:s14+s9], $0x80, s12, s9, $0xb8;
	[tilespmem:$0x1B140] =	vst v63  }
0x85: {  	s16 =	sadd.s32 $0x5, s8;
	s5 =	sadd.s32 s15, s5;
	s13 =	sadd.s32 $0xA0, s12  }
0x86: {  	[tilespmem:s13], [sflag:s16] =	stream.linear.gather [hbm4b:s5+s3], $0x50, $0x38;
	[tilespmem:$0x1B140] =	vst v63  }
0x87: {  	s17 =	sshrl.u32 s31, $0x2;
	s18 =	sadd.s32 $0x3, s28;
	s19 =	sadd.s32 $0x1, s28  }
0x88: {  	[tilespmem:s17], [sflag:s18] =	stream.linear.gather [hbm4b:s4+s3], $0x50, $0x38;
	[tilespmem:$0x1B140] =	vst v63  }
0x89: {  	_ =	swait.ge [sflag:s19], $0x2800  }
0x8a: {  	[sflag:s19] =	ssyncset.done $0x0  }
0x8b: {  	s31 =	sadd.s32 $0x5, s28;
	s29 =	smul.u32 $0xA000, s28;
	[sflag:s19] =	ssyncadd.s32 $0xFFFFD800  }
0x8c: {  	_ =	swait.ge [sflag:s31], $0x50  }
0x8d: {  	s4 =	sshrl.u32 s29, $0x2;
	[sflag:s31] =	ssyncset.done $0x0  }
0x8e: {  	s5 =	sadd.s32 $0xA0, s17;
	s4 =	sor.u32 $0x140, s4;
	[sflag:s31] =	ssyncadd.s32 $0xFFFFFFB0  }
0x8f: {  	[spmem:s1] =	stream.indirect.scatter.add.f32 [tilespmem:s4], [sflag:$0x7], $0x80, s5, s9, $0xb8;
	[tilespmem:$0x1B140] =	vst v63  }
0x90: {  	_ =	swait.ge [sflag:s7], $0x2800  }
0x91: {  	[sflag:s7] =	ssyncset.done $0x0  }
0x92: {  	s8 =	simm.s32 $0x3;
	[sflag:s7] =	ssyncadd.s32 $0xFFFFD800  }
0x93: {  	_ =	swait.ge [sflag:s8], $0x50  }
0x94: {  	[sflag:s8] =	ssyncset.done $0x0  }
0x95: {  	s0 =	sadd.s32 $0xFFFFFFF6, s0;
	s5 =	simm.s32 $0x140;
	[sflag:s8] =	ssyncadd.s32 $0xFFFFFFB0  }
0x96: {  	[tilespmem:s5], [sflag:$0x1] =	stream.indirect.gather [hbm4b:s14+s9], $0x80, s3, s9, $0xb8;
	[tilespmem:$0x1B140] =	vst v63  }
0x97: {  	s0 =	ssub.s32 $0x0, s0;
	s10 =	simm.s32 $0x2;
	s4 =	simm.s32 $0xA0  }
0x98: {  	[tilespmem:s4], [sflag:$0x5] =	stream.linear.gather [hbm4b:s0+s3], $0x50, $0x38;
	[tilespmem:$0x1B140] =	vst v63  }
0x99: {  	_ =	swait.ge [sflag:s10], $0x2800  }
0x9a: {  	[sflag:s10] =	ssyncset.done $0x0  }
0x9b: {  	s11 =	simm.s32 $0x6;
	[sflag:s10] =	ssyncadd.s32 $0xFFFFD800  }
0x9c: {  	_ =	swait.ge [sflag:s11], $0x50  }
0x9d: {  	[sflag:s11] =	ssyncset.done $0x0  }
0x9e: {  	s12 =	simm.s32 $0xF0;
	s13 =	simm.s32 $0x2940;
	[sflag:s11] =	ssyncadd.s32 $0xFFFFFFB0  }
0x9f: {  	[spmem:s1] =	stream.indirect.scatter.add.f32 [tilespmem:s13], [sflag:$0x7], $0x80, s12, s9, $0xb8;
	[tilespmem:$0x1B140] =	vst v63  }
0xa0: {  	_ =	swait.ge [sflag:s7], $0x2800  }
0xa1: {  	[sflag:s7] =	ssyncset.done $0x0  }
0xa2: {  	s16 =	simm.s32 $0x1;
	[sflag:s7] =	ssyncadd.s32 $0xFFFFD800  }
0xa3: {  	_ =	swait.ge [sflag:s16], $0x2800  }
0xa4: {  	[sflag:s16] =	ssyncset.done $0x0  }
0xa5: {  	s17 =	simm.s32 $0x5;
	[sflag:s16] =	ssyncadd.s32 $0xFFFFD800  }
0xa6: {  	_ =	swait.ge [sflag:s17], $0x50  }
0xa7: {  	[sflag:s17] =	ssyncset.done $0x0  }
0xa8: {  	[sflag:s17] =	ssyncadd.s32 $0xFFFFFFB0  }
0xa9: {  	[spmem:s1] =	stream.indirect.scatter.add.f32 [tilespmem:s5], [sflag:$0x7], $0x80, s4, s9, $0xb8;
	[tilespmem:$0x1B140] =	vst v63  }
0xaa: {  	_ =	swait.ge [sflag:s7], $0x2800  }
0xab: {  	[sflag:s7] =	ssyncset.done $0x0  }
0xac: {  	[sflag:s7] =	ssyncadd.s32 $0xFFFFD800  }
0xad: {  	[bflag:$0x0] =	sbarrier.arrive $0xFFFF  }
0xae: {  	[tilespmem:s6], [sflag:$0x7] =	stream.linear.gather [spmem:s20], $0x2000, $0x38;
	[tilespmem:$0x1B140] =	vst v63  }
0xaf: {  	_ =	swait.ge [sflag:s7], $0x2000  }
0xb0: {  	[sflag:s7] =	ssyncset.done $0x0  }
0xb1: {  	s18 =	rddreg [dreg:$0x3];
	[sflag:s7] =	ssyncadd.s32 $0xFFFFE000  }
0xb2: {  	[hbm4b:s18+s3] =	stream.linear.scatter [tilespmem:s6], [sflag:$0x7], $0x2000, $0x38;
	[tilespmem:$0x1B140] =	vst v63  }
0xb3: {  	_ =	swait.ge [sflag:s7], $0x2000  }
0xb4: {  	[sflag:s7] =	ssyncset.done $0x0  }
0xb5: {  	[sflag:s7] =	ssyncadd.s32 $0xFFFFE000  }
0xb6: {  	[tilespmem:s6], [sflag:$0x7] =	stream.linear.gather [spmem:s21], $0x2000, $0x38;
	[tilespmem:$0x1B140] =	vst v63  }
0xb7: {  	_ =	swait.ge [sflag:s7], $0x2000  }
0xb8: {  	[sflag:s7] =	ssyncset.done $0x0  }
0xb9: {  	s19 =	rddreg [dreg:$0x4];
	[sflag:s7] =	ssyncadd.s32 $0xFFFFE000  }
0xba: {  	[hbm4b:s19+s3] =	stream.linear.scatter [tilespmem:s6], [sflag:$0x7], $0x2000, $0x38;
	[tilespmem:$0x1B140] =	vst v63  }
0xbb: {  	_ =	swait.ge [sflag:s7], $0x2000  }
0xbc: {  	[sflag:s7] =	ssyncset.done $0x0  }
0xbd: {  	[sflag:s7] =	ssyncadd.s32 $0xFFFFE000  }
0xbe: {  	[tilespmem:s6], [sflag:$0x7] =	stream.linear.gather [spmem:s22], $0x2000, $0x38;
	[tilespmem:$0x1B140] =	vst v63  }
0xbf: {  	_ =	swait.ge [sflag:s7], $0x2000  }
0xc0: {  	[sflag:s7] =	ssyncset.done $0x0  }
0xc1: {  	s12 =	smov.u32 s20;
	s20 =	rddreg [dreg:$0x5];
	[sflag:s7] =	ssyncadd.s32 $0xFFFFE000  }
0xc2: {  	[hbm4b:s20+s3] =	stream.linear.scatter [tilespmem:s6], [sflag:$0x7], $0x2000, $0x38;
	[tilespmem:$0x1B140] =	vst v63  }
0xc3: {  	_ =	swait.ge [sflag:s7], $0x2000  }
0xc4: {  	[sflag:s7] =	ssyncset.done $0x0  }
0xc5: {  	[sflag:s7] =	ssyncadd.s32 $0xFFFFE000  }
0xc6: {  	[tilespmem:s6], [sflag:$0x7] =	stream.linear.gather [spmem:s23], $0x2000, $0x38;
	[tilespmem:$0x1B140] =	vst v63  }
0xc7: {  	_ =	swait.ge [sflag:s7], $0x2000  }
0xc8: {  	[sflag:s7] =	ssyncset.done $0x0  }
0xc9: {  	s17 =	smov.u32 s21;
	s21 =	rddreg [dreg:$0x6];
	[sflag:s7] =	ssyncadd.s32 $0xFFFFE000  }
0xca: {  	[hbm4b:s21+s3] =	stream.linear.scatter [tilespmem:s6], [sflag:$0x7], $0x2000, $0x38;
	[tilespmem:$0x1B140] =	vst v63  }
0xcb: {  	_ =	swait.ge [sflag:s7], $0x2000  }
0xcc: {  	[sflag:s7] =	ssyncset.done $0x0  }
0xcd: {  	[sflag:s7] =	ssyncadd.s32 $0xFFFFE000  }
0xce: {  	[tilespmem:s6], [sflag:$0x7] =	stream.linear.gather [spmem:s24], $0x2000, $0x38;
	[tilespmem:$0x1B140] =	vst v63  }
0xcf: {  	_ =	swait.ge [sflag:s7], $0x2000  }
0xd0: {  	[sflag:s7] =	ssyncset.done $0x0  }
0xd1: {  	s8 =	smov.u32 s22;
	s22 =	rddreg [dreg:$0x7];
	[sflag:s7] =	ssyncadd.s32 $0xFFFFE000  }
0xd2: {  	[hbm4b:s22+s3] =	stream.linear.scatter [tilespmem:s6], [sflag:$0x7], $0x2000, $0x38;
	[tilespmem:$0x1B140] =	vst v63  }
0xd3: {  	_ =	swait.ge [sflag:s7], $0x2000  }
0xd4: {  	[sflag:s7] =	ssyncset.done $0x0  }
0xd5: {  	[sflag:s7] =	ssyncadd.s32 $0xFFFFE000  }
0xd6: {  	[tilespmem:s6], [sflag:$0x7] =	stream.linear.gather [spmem:s25], $0x2000, $0x38;
	[tilespmem:$0x1B140] =	vst v63  }
0xd7: {  	_ =	swait.ge [sflag:s7], $0x2000  }
0xd8: {  	[sflag:s7] =	ssyncset.done $0x0  }
0xd9: {  	s18 =	smov.u32 s23;
	s23 =	rddreg [dreg:$0x8];
	[sflag:s7] =	ssyncadd.s32 $0xFFFFE000  }
0xda: {  	[hbm4b:s23+s3] =	stream.linear.scatter [tilespmem:s6], [sflag:$0x7], $0x2000, $0x38;
	[tilespmem:$0x1B140] =	vst v63  }
0xdb: {  	_ =	swait.ge [sflag:s7], $0x2000  }
0xdc: {  	[sflag:s7] =	ssyncset.done $0x0  }
0xdd: {  	[sflag:s7] =	ssyncadd.s32 $0xFFFFE000  }
0xde: {  	[tilespmem:s6], [sflag:$0x7] =	stream.linear.gather [spmem:s26], $0x2000, $0x38;
	[tilespmem:$0x1B140] =	vst v63  }
0xdf: {  	_ =	swait.ge [sflag:s7], $0x2000  }
0xe0: {  	[sflag:s7] =	ssyncset.done $0x0  }
0xe1: {  	s10 =	smov.u32 s24;
	s24 =	rddreg [dreg:$0x9];
	[sflag:s7] =	ssyncadd.s32 $0xFFFFE000  }
0xe2: {  	[hbm4b:s24+s3] =	stream.linear.scatter [tilespmem:s6], [sflag:$0x7], $0x2000, $0x38;
	[tilespmem:$0x1B140] =	vst v63  }
0xe3: {  	_ =	swait.ge [sflag:s7], $0x2000  }
0xe4: {  	[sflag:s7] =	ssyncset.done $0x0  }
0xe5: {  	[sflag:s7] =	ssyncadd.s32 $0xFFFFE000  }
0xe6: {  	[tilespmem:s6], [sflag:$0x7] =	stream.linear.gather [spmem:s2], $0x2000, $0x38;
	[tilespmem:$0x1B140] =	vst v63  }
0xe7: {  	_ =	swait.ge [sflag:s7], $0x2000  }
0xe8: {  	[sflag:s7] =	ssyncset.done $0x0  }
0xe9: {  	s11 =	smov.u32 s25;
	s25 =	rddreg [dreg:$0xa];
	[sflag:s7] =	ssyncadd.s32 $0xFFFFE000  }
0xea: {  	[hbm4b:s25+s3] =	stream.linear.scatter [tilespmem:s6], [sflag:$0x7], $0x2000, $0x38;
	[tilespmem:$0x1B140] =	vst v63  }
0xeb: {  	_ =	swait.ge [sflag:s7], $0x2000  }
0xec: {  	[sflag:s7] =	ssyncset.done $0x0  }
0xed: {  	s19 =	rddreg [dreg:$0xe];
	[sflag:s7] =	ssyncadd.s32 $0xFFFFE000  }
0xee: {  	[tilespmem:s6], [sflag:$0x7] =	stream.linear.gather [spmem:s19], $0x2000, $0x38;
	[tilespmem:$0x1B140] =	vst v63  }
0xef: {  	_ =	swait.ge [sflag:s7], $0x2000  }
0xf0: {  	[sflag:s7] =	ssyncset.done $0x0  }
0xf1: {  	s13 =	smov.u32 s26;
	s26 =	rddreg [dreg:$0xb];
	[sflag:s7] =	ssyncadd.s32 $0xFFFFE000  }
0xf2: {  	[hbm4b:s26+s3] =	stream.linear.scatter [tilespmem:s6], [sflag:$0x7], $0x2000, $0x38;
	[tilespmem:$0x1B140] =	vst v63  }
0xf3: {  	_ =	swait.ge [sflag:s7], $0x2000  }
0xf4: {  	[sflag:s7] =	ssyncset.done $0x0  }
0xf5: {  	s28 =	rddreg [dreg:$0xf];
	[sflag:s7] =	ssyncadd.s32 $0xFFFFE000  }
0xf6: {  	[tilespmem:s6], [sflag:$0x7] =	stream.linear.gather [spmem:s28], $0x2000, $0x38;
	[tilespmem:$0x1B140] =	vst v63  }
0xf7: {  	_ =	swait.ge [sflag:s7], $0x2000  }
0xf8: {  	[sflag:s7] =	ssyncset.done $0x0  }
0xf9: {  	s29 =	rddreg [dreg:$0xc];
	[sflag:s7] =	ssyncadd.s32 $0xFFFFE000  }
0xfa: {  	[hbm4b:s29+s3] =	stream.linear.scatter [tilespmem:s6], [sflag:$0x7], $0x2000, $0x38;
	[tilespmem:$0x1B140] =	vst v63  }
0xfb: {  	_ =	swait.ge [sflag:s7], $0x2000  }
0xfc: {  	s30 =	sadd.s32 $0x1, s30;
	s31 =	rddreg [dreg:$0x16]  }
0xfd: {  	p0 =	sne.s32 s30, s31  }
.Ltmp1:
0xfe: {  	_ = 	snop;
	(pc) =	sbr.rel @p0 .LBB2_1-.Ltmp1, $3  }
0xff: {  	_ =	sdelay $0x1  }
0x100: {  	[sflag:s7] =	ssyncset.done $0x0  }
0x101: {  	s16 =	smov.u32 s2;
	[sflag:s7] =	ssyncadd.s32 $0xFFFFE000  }
0x102: {  	_ =	sfence.sel $0x180000  }
0x103: {  	[bflag:$0x0] =	sbarrier.arrive $0xFFFF  }
0x104: {  	_ =	strace $0x9000004A  }
0x105: {  	s0 =	stileid.u32;
	[bflag:$0x2] =	sbarrier.arrive $0xFFFF  }
0x106: {  	p0 =	sne.s32 s0, $0x0;
	s0 =	rddreg [dreg:$0x2]  }
0x107: {  	s0 =	sadd.s32 @!p0 $0x100000, s0  }
0x108: {  	[sflag:s0] =	ssyncadd.tile.s32 @!p0 $0x1;
	_ =	shalt  }
.Lfunc_end2:
_tile_overlayer_lowered:
.L_overlay_start_2:
0x109: {  	(tag) =	ssettag $0x2  }
0x10a: {  	s0 =	rddreg [dreg:$0x0];
	s2 =	stileid.u32  }
0x10b: {  	s1 =	rddreg [dreg:$0x1];
	p0 =	sne.s32 s2, $0x0  }
0x10c: {  	s3 =	rddreg [dreg:$0x2];
	[bflag:$0x3] =	sbarrier.arrive $0xFFFF;
	s2 =	simm.s32 @!p0 $0x1C07  }
0x10d: {  	[timem:s3], [sflag:s2] =	dma.local @!p0 [hbm:s0], s1  }
0x10e: {  	s0 =	simm.s32 @!p0 $0x7  }
0x10f: {  	_ =	swait.ge @!p0 [sflag:s0], s1  }
0x110: {  	s1 =	ssub.s32 @!p0 $0x0, s1;
	[sflag:s0] =	ssyncset.done @!p0 $0x0  }
0x111: {  	[sflag:s0] =	ssyncadd.s32 @!p0 s1  }
0x112: {  	[bflag:$0x3] =	sbarrier.arrive $0xFFFF  }
0x113: {  	_ =	shalt  }

// kernel: kernel.16.cloned.1.call-start
scs
__scs_entry_jumppad:
0x0: {  	(pc) =	sbr.rel $0x88, $3  }
0x1: {  	(tag) =	ssettag $0x0;
	lr =	simm.s32 $0x1  }
0x2: {  	[smem:$0x3F90] =	sst lr;
	_ =	strace $0xD0000000  }
0x3: {  	_ = 	snop  }
0x4: {  	_ = 	snop  }
0x5: {  	_ = 	snop  }
0x6: {  	_ = 	snop  }
0x7: {  	_ = 	snop  }
__scs_overlays_trampoline_lowered:
0x8: {  	[smem:$0x3F9F] =	sst s0  }
0x9: {  	[smem:$0x3FA0] =	sst s1  }
0xa: {  	[smem:$0x3FA1] =	sst s2  }
0xb: {  	[smem:$0x3FA2] =	sst s3  }
0xc: {  	[smem:$0x3FA3] =	sst s4  }
0xd: {  	[smem:$0x3FA4] =	sst s5  }
0xe: {  	[smem:$0x3FA5] =	sst s6  }
0xf: {  	[smem:$0x3FA6] =	sst s7  }
0x10: {  	[smem:$0x3FA7] =	sst s8  }
0x11: {  	[smem:$0x3FA8] =	sst s9;
	s0 =	simm.s32 @!p0 $0x0  }
0x12: {  	s1 =	sld [smem:$0x3F8E];
	s0 =	simm.s32 @p0 $0x1  }
0x13: {  	[smem:$0x3FA9] =	sst s0;
	s0 =	simm.s32 @!p1 $0x0  }
0x14: {  	s2 =	sld [smem:$0x3F8D];
	s0 =	simm.s32 @p1 $0x1  }
0x15: {  	[smem:$0x3FAA] =	sst s0;
	s0 =	simm.s32 @!p2 $0x0  }
0x16: {  	s3 =	sld [smem:$0x3FDB];
	s0 =	simm.s32 @p2 $0x1  }
0x17: {  	s4 =	simm.s32 $0x1BF5;
	[smem:$0x3FAC] =	sst s0  }
0x18: {  	s0 =	sld [smem:$0x3F8F];
	_ =	swait.ge [sflag:s4], $0x0  }
0x19: {  	s7 =	sld [smem:$0x3F90]  }
0x1a: {  	s8 =	sadd.s32 $0xFFFFE003, lr  }
0x1b: {  	s9 =	sadd.s32 $0xFFFFFEF7, lr;
	s5 =	simm.s32 $0xFFFFFFFF;
	p2 =	slt.u32 s8, $0xFFFFF086  }
0x1c: {  	p1 =	slt.u32 s9, $0xF7A;
	s5 =	simm.s32 @!p2 $0x0  }
0x1d: {  	s5 =	simm.s32 @p1 $0x1;
	p0 =	seq.s32 s7, s2  }
0x1e: {  	s7 =	smul.u32 @!p0 $0xF7A, s2;
	p2 =	seq.s32 @!p0 s5, $0x0  }
0x1f: {  	s9 =	smul.u32 $0xF7A, s1;
	s8 =	simm.s32 @!p0 $0x1BF5;
	p2 =	por !p2, p0  }
0x20: {  	[sflag:s8] =	ssyncset.s32 @!p0 $0xFFFFF086;
	s6 =	sadd.s32 @!p0 s3, s7;
	s7 =	simm.s32 @!p0 $0x108  }
0x21: {  	s3 =	sadd.s32 s3, s9;
	s6 =	sadd.s32 @!p0 $0x88, s6;
	s7 =	simm.s32 @p2 $0x1082  }
0x22: {  	[simem:s7], [sflag:s8] =	dma.local @!p0 [hbm:s6], $0xF7A  }
0x23: {  	s9 =	sor.u32 $0xD0000000, s2;
	s6 =	simm.s32 $0x108;
	_ =	swait.ge @!p0 [sflag:s8], $0x0  }
0x24: {  	s3 =	sadd.s32 $0x88, s3;
	s6 =	simm.s32 @!p1 $0x1082;
	[sflag:s4] =	ssyncset.s32 $0xFFFFF086  }
0x25: {  	[simem:s6], [sflag:s4] =	dma.local [hbm:s3], $0xF7A  }
0x26: {  	[smem:$0x3F90] =	sst s1;
	(tag) =	ssettag s2;
	_ =	strace s9  }
0x27: {  	s1 =	sld [smem:$0x3FA0]  }
0x28: {  	s2 =	sld [smem:$0x3FA1]  }
0x29: {  	s4 =	sld [smem:$0x3FA3]  }
0x2a: {  	p0 =	seq.s32 s5, $0x0;
	s5 =	sld [smem:$0x3FA4]  }
0x2b: {  	s6 =	sld [smem:$0x3FA5]  }
0x2c: {  	s7 =	sld [smem:$0x3FA6]  }
0x2d: {  	s3 =	simm.s32 $0x108;
	s8 =	sld [smem:$0x3FA7]  }
0x2e: {  	s3 =	simm.s32 @!p0 $0x1082;
	s9 =	sld [smem:$0x3FA8]  }
0x2f: {  	lr =	sadd.s32 s0, s3;
	s0 =	sld [smem:$0x3F9F]  }
0x30: {  	s3 =	sld [smem:$0x3FA2]  }
0x31: {  	[smem:$0x3FAB] =	sst s10  }
0x32: {  	s10 =	sld [smem:$0x3FA9];
	_ =	sdelay $0x3  }
0x33: {  	p0 =	seq.s32 s10, $0x1;
	s10 =	sld [smem:$0x3FAB];
	_ =	sdelay $0x3  }
0x34: {  	[smem:$0x3FAB] =	sst s10  }
0x35: {  	s10 =	sld [smem:$0x3FAA];
	_ =	sdelay $0x3  }
0x36: {  	p1 =	seq.s32 s10, $0x1;
	s10 =	sld [smem:$0x3FAB];
	_ =	sdelay $0x3  }
0x37: {  	[smem:$0x3FAB] =	sst s10  }
0x38: {  	s10 =	sld [smem:$0x3FAC]  }
0x39: {  	_ = 	snop;
	(pc) =	sbr.ind lr, $3  }
0x3a: {  	_ = 	snop  }
0x3b: {  	_ = 	snop  }
0x3c: {  	p2 =	seq.s32 s10, $0x1;
	s10 =	sld [smem:$0x3FAB]  }
0x3d: {  	_ =	shalt  }
0x3e: {  	_ =	shalt  }
0x3f: {  	_ =	shalt  }
0x40: {  	_ =	shalt  }
0x41: {  	_ =	shalt  }
0x42: {  	_ =	shalt  }
0x43: {  	_ =	shalt  }
0x44: {  	_ =	shalt  }
0x45: {  	_ =	shalt  }
0x46: {  	_ =	shalt  }
0x47: {  	_ =	shalt  }
0x48: {  	_ =	shalt  }
0x49: {  	_ =	shalt  }
0x4a: {  	_ =	shalt  }
0x4b: {  	_ =	shalt  }
0x4c: {  	_ =	shalt  }
0x4d: {  	_ =	shalt  }
0x4e: {  	_ =	shalt  }
0x4f: {  	_ =	shalt  }
0x50: {  	_ =	shalt  }
0x51: {  	_ =	shalt  }
0x52: {  	_ =	shalt  }
0x53: {  	_ =	shalt  }
0x54: {  	_ =	shalt  }
0x55: {  	_ =	shalt  }
0x56: {  	_ =	shalt  }
0x57: {  	_ =	shalt  }
0x58: {  	_ =	shalt  }
0x59: {  	_ =	shalt  }
0x5a: {  	_ =	shalt  }
0x5b: {  	_ =	shalt  }
0x5c: {  	_ =	shalt  }
0x5d: {  	_ =	shalt  }
0x5e: {  	_ =	shalt  }
0x5f: {  	_ =	shalt  }
0x60: {  	_ =	shalt  }
0x61: {  	_ =	shalt  }
0x62: {  	_ =	shalt  }
0x63: {  	_ =	shalt  }
0x64: {  	_ =	shalt  }
0x65: {  	_ =	shalt  }
0x66: {  	_ =	shalt  }
0x67: {  	_ =	shalt  }
0x68: {  	_ =	shalt  }
0x69: {  	_ =	shalt  }
0x6a: {  	_ =	shalt  }
0x6b: {  	_ =	shalt  }
0x6c: {  	_ =	shalt  }
0x6d: {  	_ =	shalt  }
0x6e: {  	_ =	shalt  }
0x6f: {  	_ =	shalt  }
0x70: {  	_ =	shalt  }
0x71: {  	_ =	shalt  }
0x72: {  	_ =	shalt  }
0x73: {  	_ =	shalt  }
0x74: {  	_ =	shalt  }
0x75: {  	_ =	shalt  }
0x76: {  	_ =	shalt  }
0x77: {  	_ =	shalt  }
0x78: {  	_ =	shalt  }
0x79: {  	_ =	shalt  }
0x7a: {  	_ =	shalt  }
0x7b: {  	_ =	shalt  }
0x7c: {  	_ =	shalt  }
0x7d: {  	_ =	shalt  }
0x7e: {  	_ =	shalt  }
0x7f: {  	_ =	shalt  }
0x80: {  	_ =	shalt  }
0x81: {  	_ =	shalt  }
0x82: {  	_ =	shalt  }
0x83: {  	_ =	shalt  }
0x84: {  	_ =	shalt  }
0x85: {  	_ =	shalt  }
0x86: {  	_ =	shalt  }
0x87: {  	_ =	shalt  }
.Lfunc_end0:
.L_simem_size_0:
called_computation.2_lowered:
.L_overlay_start_0:
0x88: {  	s2 =	sld [smem:$0x3FD9]  }
0x89: {  	s3 =	sld [smem:$0x3FFE];
	_ =	sdelay $0x1  }
0x8a: {  	s1 =	srdreg.scid  }
0x8b: {  	s0 =	sand.u32 $0x1, s1  }
0x8c: {  	s16 =	sshll.u32 s0, $0xA;
	s2 =	sadd.s32 s3, s2  }
0x8d: {  	s2 =	sadd.s32 s2, s16  }
0x8e: {  	[smem:$0x3FB7] =	sst s2  }
0x8f: {  	_ = 	snop  }
0x90: {  	(tm) =	ssettm $0x1  }
0x91: {  	s17 =	sld [smem:$0x3FFB];
	_ =	sdelay $0x3  }
0x92: {  	_ =	strace s17  }
0x93: {  	s2 =	sld [smem:$0x3FFC];
	_ =	sdelay $0x3  }
0x94: {  	_ =	strace s2  }
0x95: {  	s2 =	sld [smem:$0x3FFD];
	_ =	sdelay $0x3  }
0x96: {  	_ =	strace s2  }
0x97: {  	_ =	strace $0x8FFFFFFF  }
0x98: {  	s18 =	sld [smem:$0x3FDB];
	_ =	sdelay $0x1  }
0x99: {  	s19 =	simm.s32 $_scs_section_size  }
0x9a: {  	s4 =	simm.s32 $_size__tile_overlayer_lowered;
	s5 =	simm.s32 $_tile_overlayer_lowered  }
0x9b: {  	s22 =	simm.s32 $0x1BFF;
	s21 =	sshll.u32 s5, $0x1;
	s2 =	sadd.s32 s19, s18  }
0x9c: {  	s6 =	simm.s32 $0x0;
	s20 =	sshll.u32 s4, $0x1;
	s4 =	sadd.s32 s21, s2  }
0x9d: {  	[timem:s6], [sflag:s22] =	dma.local [hbm:s4], s20  }
0x9e: {  	_ =	swait.ge [sflag:s22], s20  }
0x9f: {  	s3 =	ssub.s32 $0x0, s20;
	[sflag:s22] =	ssyncset.done $0x0  }
0xa0: {  	[sflag:s22] =	ssyncadd.s32 s3;
	_ =	sdelay $0x1  }
0xa1: {  	s23 =	simm.s32 $0x1B8B  }
0xa2: {  	_ =	swait.ge [sflag:s23], $0x1  }
0xa3: {  	[sflag:s23] =	ssyncset.done $0x0  }
0xa4: {  	s25 =	simm.s32 $0x1B8E;
	s24 =	sld [smem:$0x3FFE];
	[sflag:s23] =	ssyncadd.s32 $0xFFFFFFFF  }
0xa5: {  	s26 =	simm.s32 $execute0_lowered;
	[smem:$0x3FD2] =	sst s25  }
0xa6: {  	s4 =	sshll.u32 s26, $0x1;
	_ =	strace $0x8000004C;
	[dreg:$0x1] =	wrdreg $0xFFFFFFFF  }
0xa7: {  	s28 =	simm.s32 $_size_execute0_lowered;
	s2 =	sadd.s32 s2, s4;
	[dreg:$0x0] =	wrdreg $0x0  }
0xa8: {  	s4 =	sshll.u32 s28, $0x1;
	[dreg:$0x2] =	wrdreg s2  }
0xa9: {  	[dreg:$0x3] =	wrdreg s4  }
0xaa: {  	[dreg:$0x4] =	wrdreg $0xC0  }
0xab: {  	_ =	task [dreg:s6], $0x5FFFF  }
0xac: {  	[dreg:$0x1] =	wrdreg $0xFFFFFFFF  }
0xad: {  	[dreg:$0x0] =	wrdreg $0x60  }
0xae: {  	[dreg:$0x2] =	wrdreg s24  }
0xaf: {  	[dreg:$0x3] =	wrdreg $0x71400  }
0xb0: {  	[dreg:$0x4] =	wrdreg $0x9  }
0xb1: {  	_ =	task.clear_ibuf [dreg:s6], $0x5FFFF;
	_ =	strace $0x9000004C  }
0xb2: {  	s29 =	simm.s32 $0x9;
	_ =	strace $0x8000004E  }
0xb3: {  	_ =	swait.ge [sflag:s29], $0x1  }
0xb4: {  	[sflag:s29] =	ssyncadd.s32 $0xFFFFFFFF  }
0xb5: {  	_ =	strace $0x9000004E  }
0xb6: {  	_ =	sfence  }
0xb7: {  	s30 =	sld [smem:$0x0];
	_ =	sdelay $0x2  }
0xb8: {  	s31 =	sshll.u32 s1, $0xD;
	s1 =	sshrl.u32 s1, $0x2  }
0xb9: {  	s3 =	sand.u32 $0x4000, s31;
	s1 =	sadd.s32 s1, s30  }
0xba: {  	s0 =	sor.u32 s3, s0;
	s1 =	sshll.u32 s1, $0x11  }
0xbb: {  	s0 =	sor.u32 s1, s0  }
0xbc: {  	s0 =	sadd.s32 $0x8F2B, s0  }
0xbd: {  	[sflag:s0] =	ssyncadd.remote.s32 $0x1  }
0xbe: {  	_ =	sfence.sel $0xFFFF  }
0xbf: {  	[dreg:$0x0] =	wrdreg $0xFFFFFFFF;
	(pc) =	sbr.abs _section_cstart, $3  }
0xc0: {  	[dreg:$0x1] =	wrdreg $0xFFFFFFFF  }
0xc1: {  	_ =	task.clear_ibuf [dreg:s6], $0x2FFFF;
	_ =	strace $0x9FFFFFFF  }
0xc2: {  	(tm) =	ssettm $0x7FFFFFFF  }
0xc3: {  	_ =	shalt  }
tec
execute0_lowered:
.L_overlay_start_1:
0x0: {  	(tag) =	ssettag $0x1  }
0x1: {  	s0 =	rddreg [dreg:$0x0];
	s12 =	stileid.u32  }
0x2: {  	s2 =	srdreg.scid;
	s6 =	smul.u32 $0x14000, s12  }
0x3: {  	s1 =	rddreg [dreg:$0x1];
	s2 =	sand.u32 $0x1, s2;
	s12 =	smul.u32 $0x2710, s12  }
0x4: {  	s3 =	simm.s32 $0x0;
	s30 =	simm.s32 $0x0;
	s4 =	smul.u32 $0x28000, s2  }
0x5: {  	[smem:$0x7FF] =	sst s3;
	s5 =	ssub.s32 $0x2, s2;
	s2 =	smul.u32 $0x27100, s2  }
0x6: {  	s7 =	sshrl.u32 s5, $0x1;
	s22 =	sor.u32 $0x2000, s6;
	s8 =	sadd.s32 $0x4000, s6  }
0x7: {  	s9 =	sadd.s32 $0x6000, s6;
	s10 =	sadd.s32 $0x8000, s6;
	s11 =	sadd.s32 $0xA000, s6  }
0x8: {  	s13 =	sadd.s32 $0xC000, s6;
	s16 =	sadd.s32 $0xE000, s6;
	s25 =	sadd.s32 $0x10000, s6  }
0x9: {  	s26 =	sadd.s32 $0x12000, s6;
	s23 =	sshrl.u32 s6, $0x3;
	s4 =	sadd.s32 s4, s0  }
0xa: {  	s5 =	ssub.s32 s5, s7;
	s2 =	sadd.s32 s12, s2;
	s14 =	sshrl.u32 s22, $0x3  }
0xb: {  	s15 =	sshrl.u32 s8, $0x3;
	s17 =	sshrl.u32 s9, $0x3;
	s4 =	sadd.s32 $0xC3200, s4  }
0xc: {  	s18 =	sshrl.u32 s10, $0x3;
	s19 =	sshrl.u32 s11, $0x3;
	s12 =	sadd.s32 s23, s4  }
0xd: {  	s20 =	sshrl.u32 s13, $0x3;
	s24 =	sadd.s32 s14, s4;
	[dreg:$0x3] =	wrdreg s12  }
0xe: {  	s21 =	sshrl.u32 s16, $0x3;
	s29 =	sadd.s32 s15, s4;
	[dreg:$0x4] =	wrdreg s24  }
0xf: {  	s8 =	sadd.s32 s8, s1;
	s31 =	sadd.s32 s17, s4;
	[dreg:$0x5] =	wrdreg s29  }
0x10: {  	s10 =	sadd.s32 s10, s1;
	s14 =	sadd.s32 s18, s4;
	[dreg:$0x6] =	wrdreg s31  }
0x11: {  	s11 =	sadd.s32 s11, s1;
	s15 =	sadd.s32 s19, s4;
	[dreg:$0x7] =	wrdreg s14  }
0x12: {  	s28 =	sadd.s32 s26, s1;
	s17 =	sadd.s32 s20, s4;
	[dreg:$0x8] =	wrdreg s15  }
0x13: {  	s18 =	sadd.s32 s21, s4;
	s19 =	sshrl.u32 s25, $0x3;
	[dreg:$0x9] =	wrdreg s17  }
0x14: {  	s20 =	sshrl.u32 s26, $0x3;
	s21 =	sadd.s32 $0xEC00, s0;
	[dreg:$0xa] =	wrdreg s18  }
0x15: {  	s12 =	sadd.s32 s19, s4;
	s4 =	sadd.s32 s20, s4;
	s14 =	sadd.s32 $0x18E00, s0  }
0x16: {  	s15 =	sadd.s32 $0x4E00, s0;
	s0 =	sadd.s32 $0x18A00, s0;
	[dreg:$0xb] =	wrdreg s12  }
0x17: {  	s17 =	sadd.s32 s22, s1;
	s22 =	sshrl.u32 s2, $0x3;
	[dreg:$0xc] =	wrdreg s4  }
0x18: {  	s24 =	sadd.s32 s21, s22;
	_ =	strace $0x8000004D;
	[dreg:$0xd] =	wrdreg s0  }
0x19: {  	s23 =	sadd.s32 $0x50, s2;
	s19 =	sadd.s32 s25, s1;
	[dreg:$0x11] =	wrdreg s24  }
0x1a: {  	s2 =	sadd.s32 $0xA0, s2;
	s26 =	sshrl.u32 s23, $0x3;
	[dreg:$0x10] =	wrdreg s23  }
0x1b: {  	s25 =	sshrl.u32 s2, $0x3;
	s2 =	sadd.s32 s21, s26;
	[dreg:$0x13] =	wrdreg s26  }
0x1c: {  	s13 =	sadd.s32 s13, s1;
	s31 =	smax.u32 s5, $0x1;
	[dreg:$0x14] =	wrdreg s2  }
0x1d: {  	s16 =	sadd.s32 s16, s1;
	s7 =	simm.s32 $0x7;
	[dreg:$0x16] =	wrdreg s31  }
0x1e: {  	s18 =	sadd.s32 s9, s1;
	s9 =	simm.s32 $0x50;
	[dreg:$0xe] =	wrdreg s19  }
0x1f: {  	s5 =	simm.s32 $0x140;
	s0 =	sadd.s32 s15, s22;
	[dreg:$0xf] =	wrdreg s28  }
0x20: {  	s29 =	sadd.s32 s25, s21;
	[dreg:$0x12] =	wrdreg s0;
	s0 =	sadd.s32 s25, s15  }
0x21: {  	s12 =	sadd.s32 s6, s1;
	[dreg:$0x15] =	wrdreg s29;
	s0 =	ssub.s32 $0xA, s0  }
0x22: {  	s6 =	simm.s32 $0x5140;
	s4 =	simm.s32 $0xA0;
	[dreg:$0x17] =	wrdreg s0  }
.LBB2_1:
0x23: {  	s0 =	rddreg [dreg:$0xd]  }
0x24: {  	[tilespmem:s6], [sflag:$0x7] =	stream.linear.gather [hbm4b:s0+s3], $0x2000, $0x38;
	[tilespmem:$0x1B140] =	vst v63  }
0x25: {  	_ =	swait.ge [sflag:s7], $0x2000  }
0x26: {  	[sflag:s7] =	ssyncset.done $0x0  }
0x27: {  	[sflag:s7] =	ssyncadd.s32 $0xFFFFE000  }
0x28: {  	[spmem:s12] =	stream.linear.scatter [tilespmem:s6], [sflag:$0x7], $0x2000, $0x38;
	[tilespmem:$0x1B140] =	vst v63  }
0x29: {  	_ =	swait.ge [sflag:s7], $0x2000  }
0x2a: {  	[sflag:s7] =	ssyncset.done $0x0  }
0x2b: {  	[sflag:s7] =	ssyncadd.s32 $0xFFFFE000  }
0x2c: {  	[spmem:s17] =	stream.linear.scatter [tilespmem:s6], [sflag:$0x7], $0x2000, $0x38;
	[tilespmem:$0x1B140] =	vst v63  }
0x2d: {  	_ =	swait.ge [sflag:s7], $0x2000  }
0x2e: {  	[sflag:s7] =	ssyncset.done $0x0  }
0x2f: {  	[sflag:s7] =	ssyncadd.s32 $0xFFFFE000  }
0x30: {  	[spmem:s8] =	stream.linear.scatter [tilespmem:s6], [sflag:$0x7], $0x2000, $0x38;
	[tilespmem:$0x1B140] =	vst v63  }
0x31: {  	_ =	swait.ge [sflag:s7], $0x2000  }
0x32: {  	[sflag:s7] =	ssyncset.done $0x0  }
0x33: {  	[sflag:s7] =	ssyncadd.s32 $0xFFFFE000  }
0x34: {  	[spmem:s18] =	stream.linear.scatter [tilespmem:s6], [sflag:$0x7], $0x2000, $0x38;
	[tilespmem:$0x1B140] =	vst v63  }
0x35: {  	_ =	swait.ge [sflag:s7], $0x2000  }
0x36: {  	[sflag:s7] =	ssyncset.done $0x0  }
0x37: {  	[sflag:s7] =	ssyncadd.s32 $0xFFFFE000  }
0x38: {  	[spmem:s10] =	stream.linear.scatter [tilespmem:s6], [sflag:$0x7], $0x2000, $0x38;
	[tilespmem:$0x1B140] =	vst v63  }
0x39: {  	_ =	swait.ge [sflag:s7], $0x2000  }
0x3a: {  	[sflag:s7] =	ssyncset.done $0x0  }
0x3b: {  	[sflag:s7] =	ssyncadd.s32 $0xFFFFE000  }
0x3c: {  	[spmem:s11] =	stream.linear.scatter [tilespmem:s6], [sflag:$0x7], $0x2000, $0x38;
	[tilespmem:$0x1B140] =	vst v63  }
0x3d: {  	_ =	swait.ge [sflag:s7], $0x2000  }
0x3e: {  	[sflag:s7] =	ssyncset.done $0x0  }
0x3f: {  	[sflag:s7] =	ssyncadd.s32 $0xFFFFE000  }
0x40: {  	[spmem:s13] =	stream.linear.scatter [tilespmem:s6], [sflag:$0x7], $0x2000, $0x38;
	[tilespmem:$0x1B140] =	vst v63  }
0x41: {  	_ =	swait.ge [sflag:s7], $0x2000  }
0x42: {  	[sflag:s7] =	ssyncset.done $0x0  }
0x43: {  	[sflag:s7] =	ssyncadd.s32 $0xFFFFE000  }
0x44: {  	[spmem:s16] =	stream.linear.scatter [tilespmem:s6], [sflag:$0x7], $0x2000, $0x38;
	[tilespmem:$0x1B140] =	vst v63  }
0x45: {  	_ =	swait.ge [sflag:s7], $0x2000  }
0x46: {  	[sflag:s7] =	ssyncset.done $0x0  }
0x47: {  	[sflag:s7] =	ssyncadd.s32 $0xFFFFE000  }
0x48: {  	[spmem:s19] =	stream.linear.scatter [tilespmem:s6], [sflag:$0x7], $0x2000, $0x38;
	[tilespmem:$0x1B140] =	vst v63  }
0x49: {  	_ =	swait.ge [sflag:s7], $0x2000  }
0x4a: {  	[sflag:s7] =	ssyncset.done $0x0  }
0x4b: {  	[sflag:s7] =	ssyncadd.s32 $0xFFFFE000  }
0x4c: {  	[spmem:s28] =	stream.linear.scatter [tilespmem:s6], [sflag:$0x7], $0x2000, $0x38;
	[tilespmem:$0x1B140] =	vst v63  }
0x4d: {  	_ =	swait.ge [sflag:s7], $0x2000  }
0x4e: {  	[sflag:s7] =	ssyncset.done $0x0  }
0x4f: {  	[sflag:s7] =	ssyncadd.s32 $0xFFFFE000  }
0x50: {  	[bflag:$0x0] =	sbarrier.arrive $0xFFFF  }
0x51: {  	s20 =	smov.u32 s12;
	s25 =	smov.u32 s11;
	s11 =	rddreg [dreg:$0x11]  }
0x52: {  	[tilespmem:s3], [sflag:$0x7] =	stream.linear.gather [hbm4b:s11+s3], $0x50, $0x38;
	[tilespmem:$0x1B140] =	vst v63  }
0x53: {  	s21 =	smov.u32 s17;
	s22 =	smov.u32 s8;
	_ =	swait.ge [sflag:s7], $0x50  }
0x54: {  	s2 =	smov.u32 s16;
	s0 =	sand.u32 $0x1, s3;
	[sflag:s7] =	ssyncset.done $0x0  }
0x55: {  	s16 =	sxor.u32 $0x1, s0;
	s12 =	rddreg [dreg:$0x12];
	[sflag:s7] =	ssyncadd.s32 $0xFFFFFFB0  }
0x56: {  	[tilespmem:s4], [sflag:$0x5] =	stream.linear.gather [hbm4b:s12+s3], $0x50, $0x38;
	[tilespmem:$0x1B140] =	vst v63  }
0x57: {  	s23 =	smov.u32 s18;
	s26 =	smov.u32 s13;
	s17 =	sadd.s32 $0x3, s16  }
0x58: {  	[tilespmem:s5], [sflag:$0x1] =	stream.indirect.gather [hbm4b:s14+s9], $0x80, s3, s9, $0xb8;
	[tilespmem:$0x1B140] =	vst v63  }
0x59: {  	s18 =	smul.u32 $0xA000, s16;
	s31 =	sadd.s32 $0x1, s16;
	s13 =	rddreg [dreg:$0x14]  }
0x5a: {  	[tilespmem:s9], [sflag:$0x4] =	stream.linear.gather [hbm4b:s13+s3], $0x50, $0x38;
	[tilespmem:$0x1B140] =	vst v63  }
0x5b: {  	s8 =	sshrl.u32 s18, $0x2;
	s28 =	smul.u32 $0x50, s16;
	_ =	swait.ge [sflag:s17], $0x50  }
0x5c: {  	s19 =	smul.u32 $0x140, s0;
	s29 =	sor.u32 $0x140, s8;
	[sflag:s17] =	ssyncset.done $0x0  }
0x5d: {  	s11 =	sadd.s32 $0xA0, s28;
	s8 =	rddreg [dreg:$0x13];
	[sflag:s17] =	ssyncadd.s32 $0xFFFFFFB0  }
0x5e: {  	[tilespmem:s29], [sflag:s31] =	stream.indirect.gather [hbm4b:s14+s9], $0x80, s28, s9, $0xb8;
	[tilespmem:$0x1B140] =	vst v63  }
0x5f: {  	s4 =	sadd.s32 $0x5, s16;
	s12 =	sshrl.u32 s19, $0x2;
	s5 =	sadd.s32 s15, s8  }
0x60: {  	[tilespmem:s11], [sflag:s4] =	stream.linear.gather [hbm4b:s5+s3], $0x50, $0x38;
	[tilespmem:$0x1B140] =	vst v63  }
0x61: {  	s16 =	sadd.s32 $0x1, s0;
	s13 =	sadd.s32 $0x3, s0;
	s17 =	rddreg [dreg:$0x15]  }
0x62: {  	[tilespmem:s12], [sflag:s13] =	stream.linear.gather [hbm4b:s17+s3], $0x50, $0x38;
	[tilespmem:$0x1B140] =	vst v63  }
0x63: {  	s24 =	smov.u32 s10;
	_ =	swait.ge [sflag:s16], $0x2800  }
0x64: {  	s10 =	simm.s32 $0x2;
	s28 =	smul.u32 $0xA000, s0;
	[sflag:s16] =	ssyncset.done $0x0  }
0x65: {  	s18 =	simm.s32 $0x1;
	s0 =	sadd.s32 $0x5, s0;
	[sflag:s16] =	ssyncadd.s32 $0xFFFFD800  }
0x66: {  	s4 =	sadd.s32 $0xA, s17;
	s28 =	sshrl.u32 s28, $0x2;
	_ =	swait.ge [sflag:s0], $0x50  }
0x67: {  	s5 =	sadd.s32 $0xA0, s12;
	[sflag:s0] =	ssyncset.done $0x0;
	s19 =	rddreg [dreg:$0x10]  }
0x68: {  	s28 =	sor.u32 $0x140, s28;
	s29 =	rddreg [dreg:$0x17];
	[sflag:s0] =	ssyncadd.s32 $0xFFFFFFB0  }
0x69: {  	[spmem:s1] =	stream.indirect.scatter.add.f32 [tilespmem:s28], [sflag:$0x7], $0x80, s5, s9, $0xb8;
	[tilespmem:$0x1B140] =	vst v63  }
0x6a: {  	s0 =	sadd.s32 $0xFFFFFFF6, s29;
	s5 =	sadd.s32 $0x50, s19;
	s28 =	sand.u32 $0x1, s18  }
0x6b: {  	s8 =	sxor.u32 $0x1, s28;
	s31 =	smul.u32 $0x140, s28;
	_ =	swait.ge [sflag:s7], $0x2800  }
.LBB2_2:
0x6c: {  	s11 =	sadd.s32 $0x3, s8  }
0x6d: {  	s12 =	smul.u32 $0xA000, s28;
	[sflag:s7] =	ssyncset.done $0x0;
	s13 =	smov.u32 s10  }
0x6e: {  	s16 =	smul.u32 $0xA000, s8;
	s29 =	sshrl.u32 s5, $0x3;
	[sflag:s7] =	ssyncadd.s32 $0xFFFFD800  }
0x6f: {  	s17 =	smul.u32 $0x50, s8;
	s29 =	sadd.s32 s15, s29;
	_ =	swait.ge [sflag:s11], $0x50  }
0x70: {  	s18 =	sadd.s32 $0x1, s8;
	s16 =	sshrl.u32 s16, $0x2;
	[sflag:s11] =	ssyncset.done $0x0  }
0x71: {  	s19 =	sadd.s32 $0x1, s10;
	[sflag:s11] =	ssyncadd.s32 $0xFFFFFFB0;
	s11 =	sor.u32 $0x140, s16  }
0x72: {  	[tilespmem:s11], [sflag:s18] =	stream.indirect.gather [hbm4b:s14+s9], $0x80, s17, s9, $0xb8;
	[tilespmem:$0x1B140] =	vst v63  }
0x73: {  	p0 =	sne.s32 s10, $0x7A;
	s8 =	sadd.s32 $0x5, s8;
	s10 =	sadd.s32 $0xA0, s17  }
0x74: {  	[tilespmem:s10], [sflag:s8] =	stream.linear.gather [hbm4b:s29+s3], $0x50, $0x38;
	[tilespmem:$0x1B140] =	vst v63  }
0x75: {  	s11 =	sadd.s32 $0x1, s28;
	s8 =	sshrl.u32 s31, $0x2;
	s10 =	sadd.s32 $0x3, s28  }
0x76: {  	[tilespmem:s8], [sflag:s10] =	stream.linear.gather [hbm4b:s4+s3], $0x50, $0x38;
	[tilespmem:$0x1B140] =	vst v63  }
0x77: {  	_ =	swait.ge [sflag:s11], $0x2800  }
0x78: {  	s5 =	sadd.s32 $0x50, s5;
	s10 =	sadd.s32 $0x5, s28;
	[sflag:s11] =	ssyncset.done $0x0  }
0x79: {  	s4 =	sadd.s32 $0xA, s4;
	s8 =	sadd.s32 $0xA0, s8;
	[sflag:s11] =	ssyncadd.s32 $0xFFFFD800  }
.Ltmp0:
0x7a: {  	s11 =	sshrl.u32 s12, $0x2;
	_ =	swait.ge [sflag:s10], $0x50;
	(pc) =	sbr.rel @p0 .LBB2_2-.Ltmp0, $4  }
0x7b: {  	s28 =	sand.u32 $0x1, s13;
	s11 =	sor.u32 $0x140, s11;
	[sflag:s10] =	ssyncset.done $0x0  }
0x7c: {  	s0 =	sadd.s32 $0xFFFFFFF6, s0;
	s31 =	smul.u32 $0x140, s28;
	[sflag:s10] =	ssyncadd.s32 $0xFFFFFFB0  }
0x7d: {  	[spmem:s1] =	stream.indirect.scatter.add.f32 [tilespmem:s11], [sflag:$0x7], $0x80, s8, s9, $0xb8;
	[tilespmem:$0x1B140] =	vst v63  }
0x7e: {  	s10 =	smov.u32 s19;
	s8 =	sxor.u32 $0x1, s28;
	_ =	swait.ge [sflag:s7], $0x2800  }
0x7f: {  	[sflag:s7] =	ssyncset.done $0x0  }
0x80: {  	s10 =	sadd.s32 $0x3, s8;
	s11 =	smul.u32 $0xA000, s8;
	[sflag:s7] =	ssyncadd.s32 $0xFFFFD800  }
0x81: {  	s12 =	smul.u32 $0x50, s8;
	_ =	swait.ge [sflag:s10], $0x50  }
0x82: {  	s29 =	sadd.s32 $0x1, s8;
	s11 =	sshrl.u32 s11, $0x2;
	[sflag:s10] =	ssyncset.done $0x0  }
0x83: {  	s5 =	sshrl.u32 s5, $0x3;
	s11 =	sor.u32 $0x140, s11;
	[sflag:s10] =	ssyncadd.s32 $0xFFFFFFB0  }
0x84: {  	[tilespmem:s11], [sflag:s29] =	stream.indirect.gather [hbm4b:s14+s9], $0x80, s12, s9, $0xb8;
	[tilespmem:$0x1B140] =	vst v63  }
0x85: {  	s16 =	sadd.s32 $0x5, s8;
	s5 =	sadd.s32 s15, s5;
	s13 =	sadd.s32 $0xA0, s12  }
0x86: {  	[tilespmem:s13], [sflag:s16] =	stream.linear.gather [hbm4b:s5+s3], $0x50, $0x38;
	[tilespmem:$0x1B140] =	vst v63  }
0x87: {  	s17 =	sshrl.u32 s31, $0x2;
	s18 =	sadd.s32 $0x3, s28;
	s19 =	sadd.s32 $0x1, s28  }
0x88: {  	[tilespmem:s17], [sflag:s18] =	stream.linear.gather [hbm4b:s4+s3], $0x50, $0x38;
	[tilespmem:$0x1B140] =	vst v63  }
0x89: {  	_ =	swait.ge [sflag:s19], $0x2800  }
0x8a: {  	[sflag:s19] =	ssyncset.done $0x0  }
0x8b: {  	s31 =	sadd.s32 $0x5, s28;
	s29 =	smul.u32 $0xA000, s28;
	[sflag:s19] =	ssyncadd.s32 $0xFFFFD800  }
0x8c: {  	_ =	swait.ge [sflag:s31], $0x50  }
0x8d: {  	s4 =	sshrl.u32 s29, $0x2;
	[sflag:s31] =	ssyncset.done $0x0  }
0x8e: {  	s5 =	sadd.s32 $0xA0, s17;
	s4 =	sor.u32 $0x140, s4;
	[sflag:s31] =	ssyncadd.s32 $0xFFFFFFB0  }
0x8f: {  	[spmem:s1] =	stream.indirect.scatter.add.f32 [tilespmem:s4], [sflag:$0x7], $0x80, s5, s9, $0xb8;
	[tilespmem:$0x1B140] =	vst v63  }
0x90: {  	_ =	swait.ge [sflag:s7], $0x2800  }
0x91: {  	[sflag:s7] =	ssyncset.done $0x0  }
0x92: {  	s8 =	simm.s32 $0x3;
	[sflag:s7] =	ssyncadd.s32 $0xFFFFD800  }
0x93: {  	_ =	swait.ge [sflag:s8], $0x50  }
0x94: {  	[sflag:s8] =	ssyncset.done $0x0  }
0x95: {  	s0 =	sadd.s32 $0xFFFFFFF6, s0;
	s5 =	simm.s32 $0x140;
	[sflag:s8] =	ssyncadd.s32 $0xFFFFFFB0  }
0x96: {  	[tilespmem:s5], [sflag:$0x1] =	stream.indirect.gather [hbm4b:s14+s9], $0x80, s3, s9, $0xb8;
	[tilespmem:$0x1B140] =	vst v63  }
0x97: {  	s0 =	ssub.s32 $0x0, s0;
	s10 =	simm.s32 $0x2;
	s4 =	simm.s32 $0xA0  }
0x98: {  	[tilespmem:s4], [sflag:$0x5] =	stream.linear.gather [hbm4b:s0+s3], $0x50, $0x38;
	[tilespmem:$0x1B140] =	vst v63  }
0x99: {  	_ =	swait.ge [sflag:s10], $0x2800  }
0x9a: {  	[sflag:s10] =	ssyncset.done $0x0  }
0x9b: {  	s11 =	simm.s32 $0x6;
	[sflag:s10] =	ssyncadd.s32 $0xFFFFD800  }
0x9c: {  	_ =	swait.ge [sflag:s11], $0x50  }
0x9d: {  	[sflag:s11] =	ssyncset.done $0x0  }
0x9e: {  	s12 =	simm.s32 $0xF0;
	s13 =	simm.s32 $0x2940;
	[sflag:s11] =	ssyncadd.s32 $0xFFFFFFB0  }
0x9f: {  	[spmem:s1] =	stream.indirect.scatter.add.f32 [tilespmem:s13], [sflag:$0x7], $0x80, s12, s9, $0xb8;
	[tilespmem:$0x1B140] =	vst v63  }
0xa0: {  	_ =	swait.ge [sflag:s7], $0x2800  }
0xa1: {  	[sflag:s7] =	ssyncset.done $0x0  }
0xa2: {  	s16 =	simm.s32 $0x1;
	[sflag:s7] =	ssyncadd.s32 $0xFFFFD800  }
0xa3: {  	_ =	swait.ge [sflag:s16], $0x2800  }
0xa4: {  	[sflag:s16] =	ssyncset.done $0x0  }
0xa5: {  	s17 =	simm.s32 $0x5;
	[sflag:s16] =	ssyncadd.s32 $0xFFFFD800  }
0xa6: {  	_ =	swait.ge [sflag:s17], $0x50  }
0xa7: {  	[sflag:s17] =	ssyncset.done $0x0  }
0xa8: {  	[sflag:s17] =	ssyncadd.s32 $0xFFFFFFB0  }
0xa9: {  	[spmem:s1] =	stream.indirect.scatter.add.f32 [tilespmem:s5], [sflag:$0x7], $0x80, s4, s9, $0xb8;
	[tilespmem:$0x1B140] =	vst v63  }
0xaa: {  	_ =	swait.ge [sflag:s7], $0x2800  }
0xab: {  	[sflag:s7] =	ssyncset.done $0x0  }
0xac: {  	[sflag:s7] =	ssyncadd.s32 $0xFFFFD800  }
0xad: {  	[bflag:$0x0] =	sbarrier.arrive $0xFFFF  }
0xae: {  	[tilespmem:s6], [sflag:$0x7] =	stream.linear.gather [spmem:s20], $0x2000, $0x38;
	[tilespmem:$0x1B140] =	vst v63  }
0xaf: {  	_ =	swait.ge [sflag:s7], $0x2000  }
0xb0: {  	[sflag:s7] =	ssyncset.done $0x0  }
0xb1: {  	s18 =	rddreg [dreg:$0x3];
	[sflag:s7] =	ssyncadd.s32 $0xFFFFE000  }
0xb2: {  	[hbm4b:s18+s3] =	stream.linear.scatter [tilespmem:s6], [sflag:$0x7], $0x2000, $0x38;
	[tilespmem:$0x1B140] =	vst v63  }
0xb3: {  	_ =	swait.ge [sflag:s7], $0x2000  }
0xb4: {  	[sflag:s7] =	ssyncset.done $0x0  }
0xb5: {  	[sflag:s7] =	ssyncadd.s32 $0xFFFFE000  }
0xb6: {  	[tilespmem:s6], [sflag:$0x7] =	stream.linear.gather [spmem:s21], $0x2000, $0x38;
	[tilespmem:$0x1B140] =	vst v63  }
0xb7: {  	_ =	swait.ge [sflag:s7], $0x2000  }
0xb8: {  	[sflag:s7] =	ssyncset.done $0x0  }
0xb9: {  	s19 =	rddreg [dreg:$0x4];
	[sflag:s7] =	ssyncadd.s32 $0xFFFFE000  }
0xba: {  	[hbm4b:s19+s3] =	stream.linear.scatter [tilespmem:s6], [sflag:$0x7], $0x2000, $0x38;
	[tilespmem:$0x1B140] =	vst v63  }
0xbb: {  	_ =	swait.ge [sflag:s7], $0x2000  }
0xbc: {  	[sflag:s7] =	ssyncset.done $0x0  }
0xbd: {  	[sflag:s7] =	ssyncadd.s32 $0xFFFFE000  }
0xbe: {  	[tilespmem:s6], [sflag:$0x7] =	stream.linear.gather [spmem:s22], $0x2000, $0x38;
	[tilespmem:$0x1B140] =	vst v63  }
0xbf: {  	_ =	swait.ge [sflag:s7], $0x2000  }
0xc0: {  	[sflag:s7] =	ssyncset.done $0x0  }
0xc1: {  	s12 =	smov.u32 s20;
	s20 =	rddreg [dreg:$0x5];
	[sflag:s7] =	ssyncadd.s32 $0xFFFFE000  }
0xc2: {  	[hbm4b:s20+s3] =	stream.linear.scatter [tilespmem:s6], [sflag:$0x7], $0x2000, $0x38;
	[tilespmem:$0x1B140] =	vst v63  }
0xc3: {  	_ =	swait.ge [sflag:s7], $0x2000  }
0xc4: {  	[sflag:s7] =	ssyncset.done $0x0  }
0xc5: {  	[sflag:s7] =	ssyncadd.s32 $0xFFFFE000  }
0xc6: {  	[tilespmem:s6], [sflag:$0x7] =	stream.linear.gather [spmem:s23], $0x2000, $0x38;
	[tilespmem:$0x1B140] =	vst v63  }
0xc7: {  	_ =	swait.ge [sflag:s7], $0x2000  }
0xc8: {  	[sflag:s7] =	ssyncset.done $0x0  }
0xc9: {  	s17 =	smov.u32 s21;
	s21 =	rddreg [dreg:$0x6];
	[sflag:s7] =	ssyncadd.s32 $0xFFFFE000  }
0xca: {  	[hbm4b:s21+s3] =	stream.linear.scatter [tilespmem:s6], [sflag:$0x7], $0x2000, $0x38;
	[tilespmem:$0x1B140] =	vst v63  }
0xcb: {  	_ =	swait.ge [sflag:s7], $0x2000  }
0xcc: {  	[sflag:s7] =	ssyncset.done $0x0  }
0xcd: {  	[sflag:s7] =	ssyncadd.s32 $0xFFFFE000  }
0xce: {  	[tilespmem:s6], [sflag:$0x7] =	stream.linear.gather [spmem:s24], $0x2000, $0x38;
	[tilespmem:$0x1B140] =	vst v63  }
0xcf: {  	_ =	swait.ge [sflag:s7], $0x2000  }
0xd0: {  	[sflag:s7] =	ssyncset.done $0x0  }
0xd1: {  	s8 =	smov.u32 s22;
	s22 =	rddreg [dreg:$0x7];
	[sflag:s7] =	ssyncadd.s32 $0xFFFFE000  }
0xd2: {  	[hbm4b:s22+s3] =	stream.linear.scatter [tilespmem:s6], [sflag:$0x7], $0x2000, $0x38;
	[tilespmem:$0x1B140] =	vst v63  }
0xd3: {  	_ =	swait.ge [sflag:s7], $0x2000  }
0xd4: {  	[sflag:s7] =	ssyncset.done $0x0  }
0xd5: {  	[sflag:s7] =	ssyncadd.s32 $0xFFFFE000  }
0xd6: {  	[tilespmem:s6], [sflag:$0x7] =	stream.linear.gather [spmem:s25], $0x2000, $0x38;
	[tilespmem:$0x1B140] =	vst v63  }
0xd7: {  	_ =	swait.ge [sflag:s7], $0x2000  }
0xd8: {  	[sflag:s7] =	ssyncset.done $0x0  }
0xd9: {  	s18 =	smov.u32 s23;
	s23 =	rddreg [dreg:$0x8];
	[sflag:s7] =	ssyncadd.s32 $0xFFFFE000  }
0xda: {  	[hbm4b:s23+s3] =	stream.linear.scatter [tilespmem:s6], [sflag:$0x7], $0x2000, $0x38;
	[tilespmem:$0x1B140] =	vst v63  }
0xdb: {  	_ =	swait.ge [sflag:s7], $0x2000  }
0xdc: {  	[sflag:s7] =	ssyncset.done $0x0  }
0xdd: {  	[sflag:s7] =	ssyncadd.s32 $0xFFFFE000  }
0xde: {  	[tilespmem:s6], [sflag:$0x7] =	stream.linear.gather [spmem:s26], $0x2000, $0x38;
	[tilespmem:$0x1B140] =	vst v63  }
0xdf: {  	_ =	swait.ge [sflag:s7], $0x2000  }
0xe0: {  	[sflag:s7] =	ssyncset.done $0x0  }
0xe1: {  	s10 =	smov.u32 s24;
	s24 =	rddreg [dreg:$0x9];
	[sflag:s7] =	ssyncadd.s32 $0xFFFFE000  }
0xe2: {  	[hbm4b:s24+s3] =	stream.linear.scatter [tilespmem:s6], [sflag:$0x7], $0x2000, $0x38;
	[tilespmem:$0x1B140] =	vst v63  }
0xe3: {  	_ =	swait.ge [sflag:s7], $0x2000  }
0xe4: {  	[sflag:s7] =	ssyncset.done $0x0  }
0xe5: {  	[sflag:s7] =	ssyncadd.s32 $0xFFFFE000  }
0xe6: {  	[tilespmem:s6], [sflag:$0x7] =	stream.linear.gather [spmem:s2], $0x2000, $0x38;
	[tilespmem:$0x1B140] =	vst v63  }
0xe7: {  	_ =	swait.ge [sflag:s7], $0x2000  }
0xe8: {  	[sflag:s7] =	ssyncset.done $0x0  }
0xe9: {  	s11 =	smov.u32 s25;
	s25 =	rddreg [dreg:$0xa];
	[sflag:s7] =	ssyncadd.s32 $0xFFFFE000  }
0xea: {  	[hbm4b:s25+s3] =	stream.linear.scatter [tilespmem:s6], [sflag:$0x7], $0x2000, $0x38;
	[tilespmem:$0x1B140] =	vst v63  }
0xeb: {  	_ =	swait.ge [sflag:s7], $0x2000  }
0xec: {  	[sflag:s7] =	ssyncset.done $0x0  }
0xed: {  	s19 =	rddreg [dreg:$0xe];
	[sflag:s7] =	ssyncadd.s32 $0xFFFFE000  }
0xee: {  	[tilespmem:s6], [sflag:$0x7] =	stream.linear.gather [spmem:s19], $0x2000, $0x38;
	[tilespmem:$0x1B140] =	vst v63  }
0xef: {  	_ =	swait.ge [sflag:s7], $0x2000  }
0xf0: {  	[sflag:s7] =	ssyncset.done $0x0  }
0xf1: {  	s13 =	smov.u32 s26;
	s26 =	rddreg [dreg:$0xb];
	[sflag:s7] =	ssyncadd.s32 $0xFFFFE000  }
0xf2: {  	[hbm4b:s26+s3] =	stream.linear.scatter [tilespmem:s6], [sflag:$0x7], $0x2000, $0x38;
	[tilespmem:$0x1B140] =	vst v63  }
0xf3: {  	_ =	swait.ge [sflag:s7], $0x2000  }
0xf4: {  	[sflag:s7] =	ssyncset.done $0x0  }
0xf5: {  	s28 =	rddreg [dreg:$0xf];
	[sflag:s7] =	ssyncadd.s32 $0xFFFFE000  }
0xf6: {  	[tilespmem:s6], [sflag:$0x7] =	stream.linear.gather [spmem:s28], $0x2000, $0x38;
	[tilespmem:$0x1B140] =	vst v63  }
0xf7: {  	_ =	swait.ge [sflag:s7], $0x2000  }
0xf8: {  	[sflag:s7] =	ssyncset.done $0x0  }
0xf9: {  	s29 =	rddreg [dreg:$0xc];
	[sflag:s7] =	ssyncadd.s32 $0xFFFFE000  }
0xfa: {  	[hbm4b:s29+s3] =	stream.linear.scatter [tilespmem:s6], [sflag:$0x7], $0x2000, $0x38;
	[tilespmem:$0x1B140] =	vst v63  }
0xfb: {  	_ =	swait.ge [sflag:s7], $0x2000  }
0xfc: {  	s30 =	sadd.s32 $0x1, s30;
	s31 =	rddreg [dreg:$0x16]  }
0xfd: {  	p0 =	sne.s32 s30, s31  }
.Ltmp1:
0xfe: {  	_ = 	snop;
	(pc) =	sbr.rel @p0 .LBB2_1-.Ltmp1, $3  }
0xff: {  	_ =	sdelay $0x1  }
0x100: {  	[sflag:s7] =	ssyncset.done $0x0  }
0x101: {  	s16 =	smov.u32 s2;
	[sflag:s7] =	ssyncadd.s32 $0xFFFFE000  }
0x102: {  	_ =	sfence.sel $0x180000  }
0x103: {  	[bflag:$0x0] =	sbarrier.arrive $0xFFFF  }
0x104: {  	_ =	strace $0x9000004D  }
0x105: {  	s0 =	stileid.u32;
	[bflag:$0x2] =	sbarrier.arrive $0xFFFF  }
0x106: {  	p0 =	sne.s32 s0, $0x0;
	s0 =	rddreg [dreg:$0x2]  }
0x107: {  	s0 =	sadd.s32 @!p0 $0x100000, s0  }
0x108: {  	[sflag:s0] =	ssyncadd.tile.s32 @!p0 $0x1;
	_ =	shalt  }
.Lfunc_end2:
_tile_overlayer_lowered:
.L_overlay_start_2:
0x109: {  	(tag) =	ssettag $0x2  }
0x10a: {  	s0 =	rddreg [dreg:$0x0];
	s2 =	stileid.u32  }
0x10b: {  	s1 =	rddreg [dreg:$0x1];
	p0 =	sne.s32 s2, $0x0  }
0x10c: {  	s3 =	rddreg [dreg:$0x2];
	[bflag:$0x3] =	sbarrier.arrive $0xFFFF;
	s2 =	simm.s32 @!p0 $0x1C07  }
0x10d: {  	[timem:s3], [sflag:s2] =	dma.local @!p0 [hbm:s0], s1  }
0x10e: {  	s0 =	simm.s32 @!p0 $0x7  }
0x10f: {  	_ =	swait.ge @!p0 [sflag:s0], s1  }
0x110: {  	s1 =	ssub.s32 @!p0 $0x0, s1;
	[sflag:s0] =	ssyncset.done @!p0 $0x0  }
0x111: {  	[sflag:s0] =	ssyncadd.s32 @!p0 s1  }
0x112: {  	[bflag:$0x3] =	sbarrier.arrive $0xFFFF  }
0x113: {  	_ =	shalt  }

</sc_bundles>
